<compile_context>
chip_gen: v7x
topology: tpu7x:2x2x1
jax: 0.10.2.dev20260603
libtpu: 0.0.44.dev20260713+nightly
codegen_flags: <defaults>
</compile_context>

<pallas_src>
import functools

import jax
import jax.numpy as jnp
from jax import lax
from jax.experimental import pallas as pl
from jax.experimental.pallas import tpu as pltpu
from jax.experimental.pallas import tpu_sc as plsc

N = 8192
K = 16
C2 = 256
F1 = 64
D = 256
NB = N * K
EPS = 1e-5

QB = 128
MB = 128
RB = 2048



def _knn_body(p1_ref, p2t_ref, idx_ref):
    q = p1_ref[...]
    keys = p2t_ref[...]
    qn = jnp.sum(q * q, axis=1, keepdims=True)
    kn = jnp.sum(keys * keys, axis=0, keepdims=True)
    dot = lax.dot_general(q, keys, (((1,), (0,)), ((), ())),
                          preferred_element_type=jnp.float32)
    s = 2.0 * dot - qn - kn
    iota = lax.broadcasted_iota(jnp.int32, (QB, N), 1)
    cols = []
    for _ in range(K):
        m = jnp.max(s, axis=1, keepdims=True)
        ij = jnp.min(jnp.where(s >= m, iota, N), axis=1)
        cols.append(ij.reshape(QB, 1))
        s = jnp.where(iota == ij[:, None], -jnp.inf, s)
    idx_ref[...] = jnp.concatenate(cols, axis=1)


def _knn(pos1p, pos2t):
    return pl.pallas_call(
        _knn_body,
        grid=(N // QB,),
        in_specs=[
            pl.BlockSpec((QB, 8), lambda i: (i, 0)),
            pl.BlockSpec((8, N), lambda i: (0, 0)),
        ],
        out_specs=pl.BlockSpec((QB, K), lambda i: (i, 0)),
        out_shape=jax.ShapeDtypeStruct((N, K), jnp.int32),
    )(pos1p, pos2t)




def _pre_body(p1_ref, p2_ref, f2_ref, w0c_ref, w0f2_ref, g_ref, p_ref):
    w0c = w0c_ref[...]
    g_ref[...] = (
        lax.dot_general(p2_ref[...], w0c, (((1,), (0,)), ((), ())),
                        preferred_element_type=jnp.float32)
        + lax.dot_general(f2_ref[...], w0f2_ref[...], (((1,), (0,)), ((), ())),
                          preferred_element_type=jnp.float32))
    p_ref[...] = lax.dot_general(p1_ref[...], w0c, (((1,), (0,)), ((), ())),
                                 preferred_element_type=jnp.float32)


def _pre(pos1p, pos2p, feat2, w0cp, w0f2):
    nb = N // 1024
    return pl.pallas_call(
        _pre_body,
        grid=(nb,),
        in_specs=[
            pl.BlockSpec((1024, 8), lambda i: (i, 0)),
            pl.BlockSpec((1024, 8), lambda i: (i, 0)),
            pl.BlockSpec((1024, C2), lambda i: (i, 0)),
            pl.BlockSpec((8, D), lambda i: (0, 0)),
            pl.BlockSpec((C2, D), lambda i: (0, 0)),
        ],
        out_specs=[
            pl.BlockSpec((1024, D), lambda i: (i, 0)),
            pl.BlockSpec((1024, D), lambda i: (i, 0)),
        ],
        out_shape=[
            jax.ShapeDtypeStruct((N, D), jnp.float32),
            jax.ShapeDtypeStruct((N, D), jnp.float32),
        ],
    )(pos1p, pos2p, feat2, w0cp, w0f2)



_SC_NC = 2
_SC_NS = 16
_NW = _SC_NC * _SC_NS
_BPW = NB // _NW
_CH = 256
_NCH = _BPW // _CH


def _sc_gather(table, idx3):
    mesh = plsc.VectorSubcoreMesh(core_axis_name="c", subcore_axis_name="s")

    @functools.partial(
        pl.kernel,
        mesh=mesh,
        out_type=jax.ShapeDtypeStruct((NB, D), jnp.float32),
        scratch_types=[
            pltpu.VMEM((_CH,), jnp.int32),
            pltpu.VMEM((_CH, D), jnp.float32),
            pltpu.SemaphoreType.DMA,
        ],
    )
    def run(table_hbm, idx_hbm, out_hbm, idx_v, rows_v, sem):
        wid = lax.axis_index("s") * _SC_NC + lax.axis_index("c")
        base = wid * _BPW
        for c in range(_NCH):
            pltpu.sync_copy(idx_hbm.at[wid, c], idx_v)
            pltpu.async_copy(table_hbm.at[idx_v], rows_v, sem).wait()
            pltpu.sync_copy(rows_v, out_hbm.at[pl.ds(base + c * _CH, _CH)])

    return run(table, idx3)




def _mlp0_body(hg_ref, f1_ref, p_ref, w_ref, hout_ref, ssum_ref, ssq_ref):
    i = pl.program_id(0)
    f = lax.dot_general(f1_ref[...].reshape(MB * K, F1), w_ref[...],
                        (((1,), (0,)), ((), ())),
                        preferred_element_type=jnp.float32)
    h = hg_ref[...] + f.reshape(MB, K, D) - p_ref[...]
    hout_ref[...] = h.astype(jnp.bfloat16)
    h2 = h.reshape(MB * K, D)

    @pl.when(i == 0)
    def _init():
        ssum_ref[...] = jnp.zeros_like(ssum_ref)
        ssq_ref[...] = jnp.zeros_like(ssq_ref)

    ssum_ref[...] += jnp.sum(h2, axis=0, keepdims=True)
    ssq_ref[...] += jnp.sum(h2 * h2, axis=0, keepdims=True)


def _mlp0(hg, f1r, p3, w0f1):
    return pl.pallas_call(
        _mlp0_body,
        grid=(N // MB,),
        in_specs=[
            pl.BlockSpec((MB, K, D), lambda i: (i, 0, 0)),
            pl.BlockSpec((MB, K, F1), lambda i: (i, 0, 0)),
            pl.BlockSpec((MB, 1, D), lambda i: (i, 0, 0)),
            pl.BlockSpec((F1, D), lambda i: (0, 0)),
        ],
        out_specs=[
            pl.BlockSpec((MB, K, D), lambda i: (i, 0, 0)),
            pl.BlockSpec((1, D), lambda i: (0, 0)),
            pl.BlockSpec((1, D), lambda i: (0, 0)),
        ],
        out_shape=[
            jax.ShapeDtypeStruct((N, K, D), jnp.bfloat16),
            jax.ShapeDtypeStruct((1, D), jnp.float32),
            jax.ShapeDtypeStruct((1, D), jnp.float32),
        ],
    )(hg, f1r, p3, w0f1)


def _bn_scale_shift(ssum, ssq, g, b):
    mu = ssum * (1.0 / NB)
    var = ssq * (1.0 / NB) - mu * mu
    inv = lax.rsqrt(var + EPS)
    scale = g * inv
    shift = b - mu * scale
    return scale, shift


def _mlpn_body(h_ref, ssum_in, ssq_in, g_ref, b_ref, w_ref,
               hout_ref, ssum_ref, ssq_ref):
    i = pl.program_id(0)
    scale, shift = _bn_scale_shift(ssum_in[...], ssq_in[...],
                                   g_ref[...], b_ref[...])
    h = h_ref[...].astype(jnp.float32) * scale + shift
    a = jnp.where(h >= 0, h, 0.01 * h)
    hn = lax.dot_general(a, w_ref[...], (((1,), (0,)), ((), ())),
                         preferred_element_type=jnp.float32)
    hout_ref[...] = hn.astype(jnp.bfloat16)

    @pl.when(i == 0)
    def _init():
        ssum_ref[...] = jnp.zeros_like(ssum_ref)
        ssq_ref[...] = jnp.zeros_like(ssq_ref)

    ssum_ref[...] += jnp.sum(hn, axis=0, keepdims=True)
    ssq_ref[...] += jnp.sum(hn * hn, axis=0, keepdims=True)


def _mlpn(h, ssum, ssq, g, b, w):
    return pl.pallas_call(
        _mlpn_body,
        grid=(NB // RB,),
        in_specs=[
            pl.BlockSpec((RB, D), lambda i: (i, 0)),
            pl.BlockSpec((1, D), lambda i: (0, 0)),
            pl.BlockSpec((1, D), lambda i: (0, 0)),
            pl.BlockSpec((1, D), lambda i: (0, 0)),
            pl.BlockSpec((1, D), lambda i: (0, 0)),
            pl.BlockSpec((D, D), lambda i: (0, 0)),
        ],
        out_specs=[
            pl.BlockSpec((RB, D), lambda i: (i, 0)),
            pl.BlockSpec((1, D), lambda i: (0, 0)),
            pl.BlockSpec((1, D), lambda i: (0, 0)),
        ],
        out_shape=[
            jax.ShapeDtypeStruct((NB, D), jnp.bfloat16),
            jax.ShapeDtypeStruct((1, D), jnp.float32),
            jax.ShapeDtypeStruct((1, D), jnp.float32),
        ],
    )(h, ssum, ssq, g, b, w)


def _final_body(h_ref, ssum_in, ssq_in, g_ref, b_ref, out_ref):
    scale, shift = _bn_scale_shift(ssum_in[...], ssq_in[...],
                                   g_ref[...], b_ref[...])
    h = h_ref[...].astype(jnp.float32) * scale + shift
    a = jnp.where(h >= 0, h, 0.01 * h)
    out_ref[...] = jnp.max(a, axis=1)


def _final(h3, ssum, ssq, g, b):
    return pl.pallas_call(
        _final_body,
        grid=(N // MB,),
        in_specs=[
            pl.BlockSpec((MB, K, D), lambda i: (i, 0, 0)),
            pl.BlockSpec((1, D), lambda i: (0, 0)),
            pl.BlockSpec((1, D), lambda i: (0, 0)),
            pl.BlockSpec((1, D), lambda i: (0, 0)),
            pl.BlockSpec((1, D), lambda i: (0, 0)),
        ],
        out_specs=pl.BlockSpec((MB, D), lambda i: (i, 0)),
        out_shape=jax.ShapeDtypeStruct((N, D), jnp.float32),
    )(h3, ssum, ssq, g, b)




def kernel(pos1, pos2, feat1, feat2, W0, g0, b0, W1, g1, b1, W2, g2, b2):
    pos1p = jnp.zeros((N, 8), jnp.float32).at[:, :3].set(pos1)
    pos2p = jnp.zeros((N, 8), jnp.float32).at[:, :3].set(pos2)
    idx = _knn(pos1p, pos2p.T)

    w0cp = jnp.zeros((8, D), jnp.float32).at[:3].set(W0[:3])
    G, P = _pre(pos1p, pos2p, feat2, w0cp, W0[3:3 + C2])

    idx3 = idx.reshape(_NW, _NCH, _CH)
    hg = _sc_gather(G, idx3)

    h0, s0, q0 = _mlp0(hg.reshape(N, K, D), feat1.reshape(N, K, F1),
                       P.reshape(N, 1, D), W0[3 + C2:])
    h1, s1, q1 = _mlpn(h0.reshape(NB, D), s0, q0,
                       g0.reshape(1, D), b0.reshape(1, D), W1)
    h2, s2, q2 = _mlpn(h1, s1, q1, g1.reshape(1, D), b1.reshape(1, D), W2)
    out = _final(h2.reshape(N, K, D), s2, q2,
                 g2.reshape(1, D), b2.reshape(1, D))
    return out

# --- scband reference (transcript-rebuilt; emitter-appended) ---
"""Pipeline reference for scband-point-transformer-lo-49185965474181 (READ-ONLY COPY).

The authoritative reference and input builder live on the scoring server;
editing this copy changes nothing except your own understanding.
"""

import jax, jax.numpy as jnp
import numpy as np

N = 8192
K = 16
C2 = 256
F1 = 64
CIN = 3 + C2 + F1
MLP = [256, 256, 256]
EPS = 1e-5


def setup_inputs(seed: int = 0) -> dict:
    key = jax.random.key(seed)
    ks = jax.random.split(key, 8)
    pos1 = jax.random.uniform(ks[0], (N, 3), dtype=jnp.float32) * 20.0
    pos2 = jax.random.uniform(ks[1], (N, 3), dtype=jnp.float32) * 20.0
    feat1 = jax.random.normal(ks[2], (N, K * F1), dtype=jnp.float32)
    feat2 = jax.random.normal(ks[3], (N, C2), dtype=jnp.float32)
    inp = {"pos1": pos1, "pos2": pos2, "feat1": feat1, "feat2": feat2}
    last = CIN
    wk = ks[4]
    for li, out in enumerate(MLP):
        wk, sub = jax.random.split(wk)
        inp[f"W{li}"] = jax.random.normal(sub, (last, out), dtype=jnp.float32) * (1.0 / np.sqrt(last))
        inp[f"g{li}"] = jnp.ones((out,), dtype=jnp.float32)
        inp[f"b{li}"] = jnp.zeros((out,), dtype=jnp.float32)
        last = out
    return inp


def reference(pos1, pos2, feat1, feat2, W0, g0, b0, W1, g1, b1, W2, g2, b2):
    # brute-force kNN query (pointops.knn_query): pairwise squared distances + top-k
    d2 = (jnp.sum(pos1 * pos1, axis=1, keepdims=True)
          - 2.0 * pos1 @ pos2.T
          + jnp.sum(pos2 * pos2, axis=1)[None, :])
    _, idx = jax.lax.top_k(-d2, K)  # (N, K) nearest-neighbor indices
    # grouping with_xyz=True, coor=True: relative coords + gathered features
    pos_grouped = jnp.take(pos2, idx, axis=0)          # (N, K, 3)
    pos_diff = pos_grouped - pos1[:, None, :]          # (N, K, 3)
    feat2_grouped = jnp.take(feat2, idx, axis=0)       # (N, K, C2)
    feat1_r = feat1.reshape(N, K, F1)                  # (N, K, F1)
    h = jnp.concatenate([pos_diff, feat2_grouped, feat1_r], axis=-1)  # (N, K, 323)
    # Conv1d(k=1) + BatchNorm1d (training-mode batch stats) + leaky_relu
    for W, g, b in ((W0, g0, b0), (W1, g1, b1), (W2, g2, b2)):
        h = h @ W
        mu = jnp.mean(h, axis=(0, 1))
        var = jnp.var(h, axis=(0, 1))
        h = (h - mu) / jnp.sqrt(var + EPS) * g + b
        h = jnp.where(h >= 0, h, 0.01 * h)
    new_feat = jnp.max(h, axis=1)  # max-pool over neighbors -> (N, 256)
    return new_feat

if __name__ == "__main__":
    import jax
    _d = setup_inputs()
    print(jax.jit(kernel)(*tuple(_d.values())))

</pallas_src>

<mosaic_0001>
#map = affine_map<(d0, d1) -> (0, 0)>
#map1 = affine_map<(d0, d1) -> (0, 0, 0)>
module attributes {stable_mosaic.version = 14 : i64} {
  func.func @run(%arg0: i32, %arg1: i32, %arg2: memref<8192x256xf32, #tpu.memory_space<hbm>>, %arg3: memref<32x16x256xi32, #tpu.memory_space<hbm>>, %arg4: memref<131072x256xf32, #tpu.memory_space<hbm>>, %arg5: memref<256xi32, #tpu.memory_space<vmem>>, %arg6: memref<256x256xf32, #tpu.memory_space<vmem>>, %arg7: memref<!tpu.dma_semaphore, #tpu.memory_space<semaphore_mem>>) attributes {dimension_semantics = [#tpu.dimension_semantics<core_parallel>, #tpu.dimension_semantics<subcore_parallel>], iteration_bounds = array<i64: 2, 16>, scalar_prefetch = 0 : i64, scratch_operands = 3 : i64, tpu.core_type = #tpu.core_type<sc_vector_subcore>, window_params = [{transform_indices = #map}, {transform_indices = #map1}, {transform_indices = #map}]} {
    %mul3A = arith.constant 2 : i32
    %mul3A_0 = arith.muli %arg1, %mul3A : i32
    %add3A = arith.addi %mul3A_0, %arg0 : i32
    %mul3A_1 = arith.constant 4096 : i32
    %mul3A_2 = arith.muli %add3A, %mul3A_1 : i32
    %run_scoped3A = arith.constant 0 : i32
    "tpu.region"() ({
      %run_scoped3A_144 = tpu.sem_alloc : memref<!tpu.dma_semaphore, #tpu.memory_space<semaphore_mem>>
      %dma_start3A_145 = arith.constant 0 : i32
      %dma_start3A_146 = tpu.memref_slice %arg3[%add3A, %run_scoped3A, %dma_start3A_145] : memref<32x16x256xi32, #tpu.memory_space<hbm>> -> memref<1x1x256xi32, #tpu.memory_space<hbm>>
      %dma_start3A_147 = tpu.memref_squeeze %dma_start3A_146 : memref<1x1x256xi32, #tpu.memory_space<hbm>> -> memref<256xi32, #tpu.memory_space<hbm>>
      %dma_start3A_148 = arith.constant 0 : i32
      %dma_start3A_149 = tpu.memref_slice %arg3[%add3A, %run_scoped3A, %dma_start3A_148] : memref<32x16x256xi32, #tpu.memory_space<hbm>> -> memref<1x1x256xi32, #tpu.memory_space<hbm>>
      %dma_start3A_150 = tpu.memref_squeeze %dma_start3A_149 : memref<1x1x256xi32, #tpu.memory_space<hbm>> -> memref<256xi32, #tpu.memory_space<hbm>>
      tpu.enqueue_dma source(%dma_start3A_150 : memref<256xi32, #tpu.memory_space<hbm>>) target(%arg5 : memref<256xi32, #tpu.memory_space<vmem>>) target_semaphore(%run_scoped3A_144 : memref<!tpu.dma_semaphore, #tpu.memory_space<semaphore_mem>>)
      %dma_wait3A_151 = arith.constant 0 : i32
      %dma_wait3A_152 = tpu.memref_slice %arg3[%add3A, %run_scoped3A, %dma_wait3A_151] : memref<32x16x256xi32, #tpu.memory_space<hbm>> -> memref<1x1x256xi32, #tpu.memory_space<hbm>>
      %dma_wait3A_153 = tpu.memref_squeeze %dma_wait3A_152 : memref<1x1x256xi32, #tpu.memory_space<hbm>> -> memref<256xi32, #tpu.memory_space<hbm>>
      %dma_wait3A_154 = arith.constant 0 : i32
      %dma_wait3A_155 = tpu.memref_slice %arg3[%add3A, %run_scoped3A, %dma_wait3A_154] : memref<32x16x256xi32, #tpu.memory_space<hbm>> -> memref<1x1x256xi32, #tpu.memory_space<hbm>>
      %dma_wait3A_156 = tpu.memref_squeeze %dma_wait3A_155 : memref<1x1x256xi32, #tpu.memory_space<hbm>> -> memref<256xi32, #tpu.memory_space<hbm>>
      tpu.wait_dma2 semaphore(%run_scoped3A_144 : memref<!tpu.dma_semaphore, #tpu.memory_space<semaphore_mem>>) src(%dma_wait3A_156 : memref<256xi32, #tpu.memory_space<hbm>>) dst(%arg5 : memref<256xi32, #tpu.memory_space<vmem>>)
      tpu.yield
    }) : () -> ()
    %dma_start3A = arith.constant 0 : i32
    %dma_start3A_3 = arith.constant 0 : i32
    %dma_start3A_4 = tpu.memref_slice %arg2[%dma_start3A, %dma_start3A_3] : memref<8192x256xf32, #tpu.memory_space<hbm>> -> memref<8192x256xf32, #tpu.memory_space<hbm>>
    tpu.enqueue_indirect_dma source(%dma_start3A_4 : memref<8192x256xf32, #tpu.memory_space<hbm>>) target(%arg6 : memref<256x256xf32, #tpu.memory_space<vmem>>) offsets(%arg5 : memref<256xi32, #tpu.memory_space<vmem>>) semaphore(%arg7 : memref<!tpu.dma_semaphore, #tpu.memory_space<semaphore_mem>>)
    %dma_wait3A = arith.constant 0 : i32
    %dma_wait3A_5 = arith.constant 0 : i32
    %dma_wait3A_6 = tpu.memref_slice %arg2[%dma_wait3A, %dma_wait3A_5] : memref<8192x256xf32, #tpu.memory_space<hbm>> -> memref<8192x256xf32, #tpu.memory_space<hbm>>
    tpu.wait_indirect_dma semaphore(%arg7 : memref<!tpu.dma_semaphore, #tpu.memory_space<semaphore_mem>>) src(%dma_wait3A_6 : memref<8192x256xf32, #tpu.memory_space<hbm>>) dst(%arg6 : memref<256x256xf32, #tpu.memory_space<vmem>>)
    %add3A_7 = arith.constant 0 : i32
    %add3A_8 = arith.addi %mul3A_2, %add3A_7 : i32
    "tpu.region"() ({
      %run_scoped3A_144 = tpu.sem_alloc : memref<!tpu.dma_semaphore, #tpu.memory_space<semaphore_mem>>
      %dma_start3A_145 = arith.constant 0 : i32
      %dma_start3A_146 = tpu.memref_slice %arg4[%add3A_8, %dma_start3A_145] : memref<131072x256xf32, #tpu.memory_space<hbm>> -> memref<256x256xf32, #tpu.memory_space<hbm>>
      %dma_start3A_147 = arith.constant 0 : i32
      %dma_start3A_148 = tpu.memref_slice %arg4[%add3A_8, %dma_start3A_147] : memref<131072x256xf32, #tpu.memory_space<hbm>> -> memref<256x256xf32, #tpu.memory_space<hbm>>
      tpu.enqueue_dma source(%arg6 : memref<256x256xf32, #tpu.memory_space<vmem>>) target(%dma_start3A_148 : memref<256x256xf32, #tpu.memory_space<hbm>>) target_semaphore(%run_scoped3A_144 : memref<!tpu.dma_semaphore, #tpu.memory_space<semaphore_mem>>)
      %dma_wait3A_149 = arith.constant 0 : i32
      %dma_wait3A_150 = tpu.memref_slice %arg4[%add3A_8, %dma_wait3A_149] : memref<131072x256xf32, #tpu.memory_space<hbm>> -> memref<256x256xf32, #tpu.memory_space<hbm>>
      %dma_wait3A_151 = arith.constant 0 : i32
      %dma_wait3A_152 = tpu.memref_slice %arg4[%add3A_8, %dma_wait3A_151] : memref<131072x256xf32, #tpu.memory_space<hbm>> -> memref<256x256xf32, #tpu.memory_space<hbm>>
      tpu.wait_dma2 semaphore(%run_scoped3A_144 : memref<!tpu.dma_semaphore, #tpu.memory_space<semaphore_mem>>) src(%arg6 : memref<256x256xf32, #tpu.memory_space<vmem>>) dst(%dma_wait3A_152 : memref<256x256xf32, #tpu.memory_space<hbm>>)
      tpu.yield
    }) : () -> ()
    %run_scoped3A_9 = arith.constant 1 : i32
    "tpu.region"() ({
      %run_scoped3A_144 = tpu.sem_alloc : memref<!tpu.dma_semaphore, #tpu.memory_space<semaphore_mem>>
      %dma_start3A_145 = arith.constant 0 : i32
      %dma_start3A_146 = tpu.memref_slice %arg3[%add3A, %run_scoped3A_9, %dma_start3A_145] : memref<32x16x256xi32, #tpu.memory_space<hbm>> -> memref<1x1x256xi32, #tpu.memory_space<hbm>>
      %dma_start3A_147 = tpu.memref_squeeze %dma_start3A_146 : memref<1x1x256xi32, #tpu.memory_space<hbm>> -> memref<256xi32, #tpu.memory_space<hbm>>
      %dma_start3A_148 = arith.constant 0 : i32
      %dma_start3A_149 = tpu.memref_slice %arg3[%add3A, %run_scoped3A_9, %dma_start3A_148] : memref<32x16x256xi32, #tpu.memory_space<hbm>> -> memref<1x1x256xi32, #tpu.memory_space<hbm>>
      %dma_start3A_150 = tpu.memref_squeeze %dma_start3A_149 : memref<1x1x256xi32, #tpu.memory_space<hbm>> -> memref<256xi32, #tpu.memory_space<hbm>>
      tpu.enqueue_dma source(%dma_start3A_150 : memref<256xi32, #tpu.memory_space<hbm>>) target(%arg5 : memref<256xi32, #tpu.memory_space<vmem>>) target_semaphore(%run_scoped3A_144 : memref<!tpu.dma_semaphore, #tpu.memory_space<semaphore_mem>>)
      %dma_wait3A_151 = arith.constant 0 : i32
      %dma_wait3A_152 = tpu.memref_slice %arg3[%add3A, %run_scoped3A_9, %dma_wait3A_151] : memref<32x16x256xi32, #tpu.memory_space<hbm>> -> memref<1x1x256xi32, #tpu.memory_space<hbm>>
      %dma_wait3A_153 = tpu.memref_squeeze %dma_wait3A_152 : memref<1x1x256xi32, #tpu.memory_space<hbm>> -> memref<256xi32, #tpu.memory_space<hbm>>
      %dma_wait3A_154 = arith.constant 0 : i32
      %dma_wait3A_155 = tpu.memref_slice %arg3[%add3A, %run_scoped3A_9, %dma_wait3A_154] : memref<32x16x256xi32, #tpu.memory_space<hbm>> -> memref<1x1x256xi32, #tpu.memory_space<hbm>>
      %dma_wait3A_156 = tpu.memref_squeeze %dma_wait3A_155 : memref<1x1x256xi32, #tpu.memory_space<hbm>> -> memref<256xi32, #tpu.memory_space<hbm>>
      tpu.wait_dma2 semaphore(%run_scoped3A_144 : memref<!tpu.dma_semaphore, #tpu.memory_space<semaphore_mem>>) src(%dma_wait3A_156 : memref<256xi32, #tpu.memory_space<hbm>>) dst(%arg5 : memref<256xi32, #tpu.memory_space<vmem>>)
      tpu.yield
    }) : () -> ()
    %dma_start3A_10 = arith.constant 0 : i32
    %dma_start3A_11 = arith.constant 0 : i32
    %dma_start3A_12 = tpu.memref_slice %arg2[%dma_start3A_10, %dma_start3A_11] : memref<8192x256xf32, #tpu.memory_space<hbm>> -> memref<8192x256xf32, #tpu.memory_space<hbm>>
    tpu.enqueue_indirect_dma source(%dma_start3A_12 : memref<8192x256xf32, #tpu.memory_space<hbm>>) target(%arg6 : memref<256x256xf32, #tpu.memory_space<vmem>>) offsets(%arg5 : memref<256xi32, #tpu.memory_space<vmem>>) semaphore(%arg7 : memref<!tpu.dma_semaphore, #tpu.memory_space<semaphore_mem>>)
    %dma_wait3A_13 = arith.constant 0 : i32
    %dma_wait3A_14 = arith.constant 0 : i32
    %dma_wait3A_15 = tpu.memref_slice %arg2[%dma_wait3A_13, %dma_wait3A_14] : memref<8192x256xf32, #tpu.memory_space<hbm>> -> memref<8192x256xf32, #tpu.memory_space<hbm>>
    tpu.wait_indirect_dma semaphore(%arg7 : memref<!tpu.dma_semaphore, #tpu.memory_space<semaphore_mem>>) src(%dma_wait3A_15 : memref<8192x256xf32, #tpu.memory_space<hbm>>) dst(%arg6 : memref<256x256xf32, #tpu.memory_space<vmem>>)
    %add3A_16 = arith.constant 256 : i32
    %add3A_17 = arith.addi %mul3A_2, %add3A_16 : i32
    "tpu.region"() ({
      %run_scoped3A_144 = tpu.sem_alloc : memref<!tpu.dma_semaphore, #tpu.memory_space<semaphore_mem>>
      %dma_start3A_145 = arith.constant 0 : i32
      %dma_start3A_146 = tpu.memref_slice %arg4[%add3A_17, %dma_start3A_145] : memref<131072x256xf32, #tpu.memory_space<hbm>> -> memref<256x256xf32, #tpu.memory_space<hbm>>
      %dma_start3A_147 = arith.constant 0 : i32
      %dma_start3A_148 = tpu.memref_slice %arg4[%add3A_17, %dma_start3A_147] : memref<131072x256xf32, #tpu.memory_space<hbm>> -> memref<256x256xf32, #tpu.memory_space<hbm>>
      tpu.enqueue_dma source(%arg6 : memref<256x256xf32, #tpu.memory_space<vmem>>) target(%dma_start3A_148 : memref<256x256xf32, #tpu.memory_space<hbm>>) target_semaphore(%run_scoped3A_144 : memref<!tpu.dma_semaphore, #tpu.memory_space<semaphore_mem>>)
      %dma_wait3A_149 = arith.constant 0 : i32
      %dma_wait3A_150 = tpu.memref_slice %arg4[%add3A_17, %dma_wait3A_149] : memref<131072x256xf32, #tpu.memory_space<hbm>> -> memref<256x256xf32, #tpu.memory_space<hbm>>
      %dma_wait3A_151 = arith.constant 0 : i32
      %dma_wait3A_152 = tpu.memref_slice %arg4[%add3A_17, %dma_wait3A_151] : memref<131072x256xf32, #tpu.memory_space<hbm>> -> memref<256x256xf32, #tpu.memory_space<hbm>>
      tpu.wait_dma2 semaphore(%run_scoped3A_144 : memref<!tpu.dma_semaphore, #tpu.memory_space<semaphore_mem>>) src(%arg6 : memref<256x256xf32, #tpu.memory_space<vmem>>) dst(%dma_wait3A_152 : memref<256x256xf32, #tpu.memory_space<hbm>>)
      tpu.yield
    }) : () -> ()
    %run_scoped3A_18 = arith.constant 2 : i32
    "tpu.region"() ({
      %run_scoped3A_144 = tpu.sem_alloc : memref<!tpu.dma_semaphore, #tpu.memory_space<semaphore_mem>>
      %dma_start3A_145 = arith.constant 0 : i32
      %dma_start3A_146 = tpu.memref_slice %arg3[%add3A, %run_scoped3A_18, %dma_start3A_145] : memref<32x16x256xi32, #tpu.memory_space<hbm>> -> memref<1x1x256xi32, #tpu.memory_space<hbm>>
      %dma_start3A_147 = tpu.memref_squeeze %dma_start3A_146 : memref<1x1x256xi32, #tpu.memory_space<hbm>> -> memref<256xi32, #tpu.memory_space<hbm>>
      %dma_start3A_148 = arith.constant 0 : i32
      %dma_start3A_149 = tpu.memref_slice %arg3[%add3A, %run_scoped3A_18, %dma_start3A_148] : memref<32x16x256xi32, #tpu.memory_space<hbm>> -> memref<1x1x256xi32, #tpu.memory_space<hbm>>
      %dma_start3A_150 = tpu.memref_squeeze %dma_start3A_149 : memref<1x1x256xi32, #tpu.memory_space<hbm>> -> memref<256xi32, #tpu.memory_space<hbm>>
      tpu.enqueue_dma source(%dma_start3A_150 : memref<256xi32, #tpu.memory_space<hbm>>) target(%arg5 : memref<256xi32, #tpu.memory_space<vmem>>) target_semaphore(%run_scoped3A_144 : memref<!tpu.dma_semaphore, #tpu.memory_space<semaphore_mem>>)
      %dma_wait3A_151 = arith.constant 0 : i32
      %dma_wait3A_152 = tpu.memref_slice %arg3[%add3A, %run_scoped3A_18, %dma_wait3A_151] : memref<32x16x256xi32, #tpu.memory_space<hbm>> -> memref<1x1x256xi32, #tpu.memory_space<hbm>>
      %dma_wait3A_153 = tpu.memref_squeeze %dma_wait3A_152 : memref<1x1x256xi32, #tpu.memory_space<hbm>> -> memref<256xi32, #tpu.memory_space<hbm>>
      %dma_wait3A_154 = arith.constant 0 : i32
      %dma_wait3A_155 = tpu.memref_slice %arg3[%add3A, %run_scoped3A_18, %dma_wait3A_154] : memref<32x16x256xi32, #tpu.memory_space<hbm>> -> memref<1x1x256xi32, #tpu.memory_space<hbm>>
      %dma_wait3A_156 = tpu.memref_squeeze %dma_wait3A_155 : memref<1x1x256xi32, #tpu.memory_space<hbm>> -> memref<256xi32, #tpu.memory_space<hbm>>
      tpu.wait_dma2 semaphore(%run_scoped3A_144 : memref<!tpu.dma_semaphore, #tpu.memory_space<semaphore_mem>>) src(%dma_wait3A_156 : memref<256xi32, #tpu.memory_space<hbm>>) dst(%arg5 : memref<256xi32, #tpu.memory_space<vmem>>)
      tpu.yield
    }) : () -> ()
    %dma_start3A_19 = arith.constant 0 : i32
    %dma_start3A_20 = arith.constant 0 : i32
    %dma_start3A_21 = tpu.memref_slice %arg2[%dma_start3A_19, %dma_start3A_20] : memref<8192x256xf32, #tpu.memory_space<hbm>> -> memref<8192x256xf32, #tpu.memory_space<hbm>>
    tpu.enqueue_indirect_dma source(%dma_start3A_21 : memref<8192x256xf32, #tpu.memory_space<hbm>>) target(%arg6 : memref<256x256xf32, #tpu.memory_space<vmem>>) offsets(%arg5 : memref<256xi32, #tpu.memory_space<vmem>>) semaphore(%arg7 : memref<!tpu.dma_semaphore, #tpu.memory_space<semaphore_mem>>)
    %dma_wait3A_22 = arith.constant 0 : i32
    %dma_wait3A_23 = arith.constant 0 : i32
    %dma_wait3A_24 = tpu.memref_slice %arg2[%dma_wait3A_22, %dma_wait3A_23] : memref<8192x256xf32, #tpu.memory_space<hbm>> -> memref<8192x256xf32, #tpu.memory_space<hbm>>
    tpu.wait_indirect_dma semaphore(%arg7 : memref<!tpu.dma_semaphore, #tpu.memory_space<semaphore_mem>>) src(%dma_wait3A_24 : memref<8192x256xf32, #tpu.memory_space<hbm>>) dst(%arg6 : memref<256x256xf32, #tpu.memory_space<vmem>>)
    %add3A_25 = arith.constant 512 : i32
    %add3A_26 = arith.addi %mul3A_2, %add3A_25 : i32
    "tpu.region"() ({
      %run_scoped3A_144 = tpu.sem_alloc : memref<!tpu.dma_semaphore, #tpu.memory_space<semaphore_mem>>
      %dma_start3A_145 = arith.constant 0 : i32
      %dma_start3A_146 = tpu.memref_slice %arg4[%add3A_26, %dma_start3A_145] : memref<131072x256xf32, #tpu.memory_space<hbm>> -> memref<256x256xf32, #tpu.memory_space<hbm>>
      %dma_start3A_147 = arith.constant 0 : i32
      %dma_start3A_148 = tpu.memref_slice %arg4[%add3A_26, %dma_start3A_147] : memref<131072x256xf32, #tpu.memory_space<hbm>> -> memref<256x256xf32, #tpu.memory_space<hbm>>
      tpu.enqueue_dma source(%arg6 : memref<256x256xf32, #tpu.memory_space<vmem>>) target(%dma_start3A_148 : memref<256x256xf32, #tpu.memory_space<hbm>>) target_semaphore(%run_scoped3A_144 : memref<!tpu.dma_semaphore, #tpu.memory_space<semaphore_mem>>)
      %dma_wait3A_149 = arith.constant 0 : i32
      %dma_wait3A_150 = tpu.memref_slice %arg4[%add3A_26, %dma_wait3A_149] : memref<131072x256xf32, #tpu.memory_space<hbm>> -> memref<256x256xf32, #tpu.memory_space<hbm>>
      %dma_wait3A_151 = arith.constant 0 : i32
      %dma_wait3A_152 = tpu.memref_slice %arg4[%add3A_26, %dma_wait3A_151] : memref<131072x256xf32, #tpu.memory_space<hbm>> -> memref<256x256xf32, #tpu.memory_space<hbm>>
      tpu.wait_dma2 semaphore(%run_scoped3A_144 : memref<!tpu.dma_semaphore, #tpu.memory_space<semaphore_mem>>) src(%arg6 : memref<256x256xf32, #tpu.memory_space<vmem>>) dst(%dma_wait3A_152 : memref<256x256xf32, #tpu.memory_space<hbm>>)
      tpu.yield
    }) : () -> ()
    %run_scoped3A_27 = arith.constant 3 : i32
    "tpu.region"() ({
      %run_scoped3A_144 = tpu.sem_alloc : memref<!tpu.dma_semaphore, #tpu.memory_space<semaphore_mem>>
      %dma_start3A_145 = arith.constant 0 : i32
      %dma_start3A_146 = tpu.memref_slice %arg3[%add3A, %run_scoped3A_27, %dma_start3A_145] : memref<32x16x256xi32, #tpu.memory_space<hbm>> -> memref<1x1x256xi32, #tpu.memory_space<hbm>>
      %dma_start3A_147 = tpu.memref_squeeze %dma_start3A_146 : memref<1x1x256xi32, #tpu.memory_space<hbm>> -> memref<256xi32, #tpu.memory_space<hbm>>
      %dma_start3A_148 = arith.constant 0 : i32
      %dma_start3A_149 = tpu.memref_slice %arg3[%add3A, %run_scoped3A_27, %dma_start3A_148] : memref<32x16x256xi32, #tpu.memory_space<hbm>> -> memref<1x1x256xi32, #tpu.memory_space<hbm>>
      %dma_start3A_150 = tpu.memref_squeeze %dma_start3A_149 : memref<1x1x256xi32, #tpu.memory_space<hbm>> -> memref<256xi32, #tpu.memory_space<hbm>>
      tpu.enqueue_dma source(%dma_start3A_150 : memref<256xi32, #tpu.memory_space<hbm>>) target(%arg5 : memref<256xi32, #tpu.memory_space<vmem>>) target_semaphore(%run_scoped3A_144 : memref<!tpu.dma_semaphore, #tpu.memory_space<semaphore_mem>>)
      %dma_wait3A_151 = arith.constant 0 : i32
      %dma_wait3A_152 = tpu.memref_slice %arg3[%add3A, %run_scoped3A_27, %dma_wait3A_151] : memref<32x16x256xi32, #tpu.memory_space<hbm>> -> memref<1x1x256xi32, #tpu.memory_space<hbm>>
      %dma_wait3A_153 = tpu.memref_squeeze %dma_wait3A_152 : memref<1x1x256xi32, #tpu.memory_space<hbm>> -> memref<256xi32, #tpu.memory_space<hbm>>
      %dma_wait3A_154 = arith.constant 0 : i32
      %dma_wait3A_155 = tpu.memref_slice %arg3[%add3A, %run_scoped3A_27, %dma_wait3A_154] : memref<32x16x256xi32, #tpu.memory_space<hbm>> -> memref<1x1x256xi32, #tpu.memory_space<hbm>>
      %dma_wait3A_156 = tpu.memref_squeeze %dma_wait3A_155 : memref<1x1x256xi32, #tpu.memory_space<hbm>> -> memref<256xi32, #tpu.memory_space<hbm>>
      tpu.wait_dma2 semaphore(%run_scoped3A_144 : memref<!tpu.dma_semaphore, #tpu.memory_space<semaphore_mem>>) src(%dma_wait3A_156 : memref<256xi32, #tpu.memory_space<hbm>>) dst(%arg5 : memref<256xi32, #tpu.memory_space<vmem>>)
      tpu.yield
    }) : () -> ()
    %dma_start3A_28 = arith.constant 0 : i32
    %dma_start3A_29 = arith.constant 0 : i32
    %dma_start3A_30 = tpu.memref_slice %arg2[%dma_start3A_28, %dma_start3A_29] : memref<8192x256xf32, #tpu.memory_space<hbm>> -> memref<8192x256xf32, #tpu.memory_space<hbm>>
    tpu.enqueue_indirect_dma source(%dma_start3A_30 : memref<8192x256xf32, #tpu.memory_space<hbm>>) target(%arg6 : memref<256x256xf32, #tpu.memory_space<vmem>>) offsets(%arg5 : memref<256xi32, #tpu.memory_space<vmem>>) semaphore(%arg7 : memref<!tpu.dma_semaphore, #tpu.memory_space<semaphore_mem>>)
    %dma_wait3A_31 = arith.constant 0 : i32
    %dma_wait3A_32 = arith.constant 0 : i32
    %dma_wait3A_33 = tpu.memref_slice %arg2[%dma_wait3A_31, %dma_wait3A_32] : memref<8192x256xf32, #tpu.memory_space<hbm>> -> memref<8192x256xf32, #tpu.memory_space<hbm>>
    tpu.wait_indirect_dma semaphore(%arg7 : memref<!tpu.dma_semaphore, #tpu.memory_space<semaphore_mem>>) src(%dma_wait3A_33 : memref<8192x256xf32, #tpu.memory_space<hbm>>) dst(%arg6 : memref<256x256xf32, #tpu.memory_space<vmem>>)
    %add3A_34 = arith.constant 768 : i32
    %add3A_35 = arith.addi %mul3A_2, %add3A_34 : i32
    "tpu.region"() ({
      %run_scoped3A_144 = tpu.sem_alloc : memref<!tpu.dma_semaphore, #tpu.memory_space<semaphore_mem>>
      %dma_start3A_145 = arith.constant 0 : i32
      %dma_start3A_146 = tpu.memref_slice %arg4[%add3A_35, %dma_start3A_145] : memref<131072x256xf32, #tpu.memory_space<hbm>> -> memref<256x256xf32, #tpu.memory_space<hbm>>
      %dma_start3A_147 = arith.constant 0 : i32
      %dma_start3A_148 = tpu.memref_slice %arg4[%add3A_35, %dma_start3A_147] : memref<131072x256xf32, #tpu.memory_space<hbm>> -> memref<256x256xf32, #tpu.memory_space<hbm>>
      tpu.enqueue_dma source(%arg6 : memref<256x256xf32, #tpu.memory_space<vmem>>) target(%dma_start3A_148 : memref<256x256xf32, #tpu.memory_space<hbm>>) target_semaphore(%run_scoped3A_144 : memref<!tpu.dma_semaphore, #tpu.memory_space<semaphore_mem>>)
      %dma_wait3A_149 = arith.constant 0 : i32
      %dma_wait3A_150 = tpu.memref_slice %arg4[%add3A_35, %dma_wait3A_149] : memref<131072x256xf32, #tpu.memory_space<hbm>> -> memref<256x256xf32, #tpu.memory_space<hbm>>
      %dma_wait3A_151 = arith.constant 0 : i32
      %dma_wait3A_152 = tpu.memref_slice %arg4[%add3A_35, %dma_wait3A_151] : memref<131072x256xf32, #tpu.memory_space<hbm>> -> memref<256x256xf32, #tpu.memory_space<hbm>>
      tpu.wait_dma2 semaphore(%run_scoped3A_144 : memref<!tpu.dma_semaphore, #tpu.memory_space<semaphore_mem>>) src(%arg6 : memref<256x256xf32, #tpu.memory_space<vmem>>) dst(%dma_wait3A_152 : memref<256x256xf32, #tpu.memory_space<hbm>>)
      tpu.yield
    }) : () -> ()
    %run_scoped3A_36 = arith.constant 4 : i32
    "tpu.region"() ({
      %run_scoped3A_144 = tpu.sem_alloc : memref<!tpu.dma_semaphore, #tpu.memory_space<semaphore_mem>>
      %dma_start3A_145 = arith.constant 0 : i32
      %dma_start3A_146 = tpu.memref_slice %arg3[%add3A, %run_scoped3A_36, %dma_start3A_145] : memref<32x16x256xi32, #tpu.memory_space<hbm>> -> memref<1x1x256xi32, #tpu.memory_space<hbm>>
      %dma_start3A_147 = tpu.memref_squeeze %dma_start3A_146 : memref<1x1x256xi32, #tpu.memory_space<hbm>> -> memref<256xi32, #tpu.memory_space<hbm>>
      %dma_start3A_148 = arith.constant 0 : i32
      %dma_start3A_149 = tpu.memref_slice %arg3[%add3A, %run_scoped3A_36, %dma_start3A_148] : memref<32x16x256xi32, #tpu.memory_space<hbm>> -> memref<1x1x256xi32, #tpu.memory_space<hbm>>
      %dma_start3A_150 = tpu.memref_squeeze %dma_start3A_149 : memref<1x1x256xi32, #tpu.memory_space<hbm>> -> memref<256xi32, #tpu.memory_space<hbm>>
      tpu.enqueue_dma source(%dma_start3A_150 : memref<256xi32, #tpu.memory_space<hbm>>) target(%arg5 : memref<256xi32, #tpu.memory_space<vmem>>) target_semaphore(%run_scoped3A_144 : memref<!tpu.dma_semaphore, #tpu.memory_space<semaphore_mem>>)
      %dma_wait3A_151 = arith.constant 0 : i32
      %dma_wait3A_152 = tpu.memref_slice %arg3[%add3A, %run_scoped3A_36, %dma_wait3A_151] : memref<32x16x256xi32, #tpu.memory_space<hbm>> -> memref<1x1x256xi32, #tpu.memory_space<hbm>>
      %dma_wait3A_153 = tpu.memref_squeeze %dma_wait3A_152 : memref<1x1x256xi32, #tpu.memory_space<hbm>> -> memref<256xi32, #tpu.memory_space<hbm>>
      %dma_wait3A_154 = arith.constant 0 : i32
      %dma_wait3A_155 = tpu.memref_slice %arg3[%add3A, %run_scoped3A_36, %dma_wait3A_154] : memref<32x16x256xi32, #tpu.memory_space<hbm>> -> memref<1x1x256xi32, #tpu.memory_space<hbm>>
      %dma_wait3A_156 = tpu.memref_squeeze %dma_wait3A_155 : memref<1x1x256xi32, #tpu.memory_space<hbm>> -> memref<256xi32, #tpu.memory_space<hbm>>
      tpu.wait_dma2 semaphore(%run_scoped3A_144 : memref<!tpu.dma_semaphore, #tpu.memory_space<semaphore_mem>>) src(%dma_wait3A_156 : memref<256xi32, #tpu.memory_space<hbm>>) dst(%arg5 : memref<256xi32, #tpu.memory_space<vmem>>)
      tpu.yield
    }) : () -> ()
    %dma_start3A_37 = arith.constant 0 : i32
    %dma_start3A_38 = arith.constant 0 : i32
    %dma_start3A_39 = tpu.memref_slice %arg2[%dma_start3A_37, %dma_start3A_38] : memref<8192x256xf32, #tpu.memory_space<hbm>> -> memref<8192x256xf32, #tpu.memory_space<hbm>>
    tpu.enqueue_indirect_dma source(%dma_start3A_39 : memref<8192x256xf32, #tpu.memory_space<hbm>>) target(%arg6 : memref<256x256xf32, #tpu.memory_space<vmem>>) offsets(%arg5 : memref<256xi32, #tpu.memory_space<vmem>>) semaphore(%arg7 : memref<!tpu.dma_semaphore, #tpu.memory_space<semaphore_mem>>)
    %dma_wait3A_40 = arith.constant 0 : i32
    %dma_wait3A_41 = arith.constant 0 : i32
    %dma_wait3A_42 = tpu.memref_slice %arg2[%dma_wait3A_40, %dma_wait3A_41] : memref<8192x256xf32, #tpu.memory_space<hbm>> -> memref<8192x256xf32, #tpu.memory_space<hbm>>
    tpu.wait_indirect_dma semaphore(%arg7 : memref<!tpu.dma_semaphore, #tpu.memory_space<semaphore_mem>>) src(%dma_wait3A_42 : memref<8192x256xf32, #tpu.memory_space<hbm>>) dst(%arg6 : memref<256x256xf32, #tpu.memory_space<vmem>>)
    %add3A_43 = arith.constant 1024 : i32
    %add3A_44 = arith.addi %mul3A_2, %add3A_43 : i32
    "tpu.region"() ({
      %run_scoped3A_144 = tpu.sem_alloc : memref<!tpu.dma_semaphore, #tpu.memory_space<semaphore_mem>>
      %dma_start3A_145 = arith.constant 0 : i32
      %dma_start3A_146 = tpu.memref_slice %arg4[%add3A_44, %dma_start3A_145] : memref<131072x256xf32, #tpu.memory_space<hbm>> -> memref<256x256xf32, #tpu.memory_space<hbm>>
      %dma_start3A_147 = arith.constant 0 : i32
      %dma_start3A_148 = tpu.memref_slice %arg4[%add3A_44, %dma_start3A_147] : memref<131072x256xf32, #tpu.memory_space<hbm>> -> memref<256x256xf32, #tpu.memory_space<hbm>>
      tpu.enqueue_dma source(%arg6 : memref<256x256xf32, #tpu.memory_space<vmem>>) target(%dma_start3A_148 : memref<256x256xf32, #tpu.memory_space<hbm>>) target_semaphore(%run_scoped3A_144 : memref<!tpu.dma_semaphore, #tpu.memory_space<semaphore_mem>>)
      %dma_wait3A_149 = arith.constant 0 : i32
      %dma_wait3A_150 = tpu.memref_slice %arg4[%add3A_44, %dma_wait3A_149] : memref<131072x256xf32, #tpu.memory_space<hbm>> -> memref<256x256xf32, #tpu.memory_space<hbm>>
      %dma_wait3A_151 = arith.constant 0 : i32
      %dma_wait3A_152 = tpu.memref_slice %arg4[%add3A_44, %dma_wait3A_151] : memref<131072x256xf32, #tpu.memory_space<hbm>> -> memref<256x256xf32, #tpu.memory_space<hbm>>
      tpu.wait_dma2 semaphore(%run_scoped3A_144 : memref<!tpu.dma_semaphore, #tpu.memory_space<semaphore_mem>>) src(%arg6 : memref<256x256xf32, #tpu.memory_space<vmem>>) dst(%dma_wait3A_152 : memref<256x256xf32, #tpu.memory_space<hbm>>)
      tpu.yield
    }) : () -> ()
    %run_scoped3A_45 = arith.constant 5 : i32
    "tpu.region"() ({
      %run_scoped3A_144 = tpu.sem_alloc : memref<!tpu.dma_semaphore, #tpu.memory_space<semaphore_mem>>
      %dma_start3A_145 = arith.constant 0 : i32
      %dma_start3A_146 = tpu.memref_slice %arg3[%add3A, %run_scoped3A_45, %dma_start3A_145] : memref<32x16x256xi32, #tpu.memory_space<hbm>> -> memref<1x1x256xi32, #tpu.memory_space<hbm>>
      %dma_start3A_147 = tpu.memref_squeeze %dma_start3A_146 : memref<1x1x256xi32, #tpu.memory_space<hbm>> -> memref<256xi32, #tpu.memory_space<hbm>>
      %dma_start3A_148 = arith.constant 0 : i32
      %dma_start3A_149 = tpu.memref_slice %arg3[%add3A, %run_scoped3A_45, %dma_start3A_148] : memref<32x16x256xi32, #tpu.memory_space<hbm>> -> memref<1x1x256xi32, #tpu.memory_space<hbm>>
      %dma_start3A_150 = tpu.memref_squeeze %dma_start3A_149 : memref<1x1x256xi32, #tpu.memory_space<hbm>> -> memref<256xi32, #tpu.memory_space<hbm>>
      tpu.enqueue_dma source(%dma_start3A_150 : memref<256xi32, #tpu.memory_space<hbm>>) target(%arg5 : memref<256xi32, #tpu.memory_space<vmem>>) target_semaphore(%run_scoped3A_144 : memref<!tpu.dma_semaphore, #tpu.memory_space<semaphore_mem>>)
      %dma_wait3A_151 = arith.constant 0 : i32
      %dma_wait3A_152 = tpu.memref_slice %arg3[%add3A, %run_scoped3A_45, %dma_wait3A_151] : memref<32x16x256xi32, #tpu.memory_space<hbm>> -> memref<1x1x256xi32, #tpu.memory_space<hbm>>
      %dma_wait3A_153 = tpu.memref_squeeze %dma_wait3A_152 : memref<1x1x256xi32, #tpu.memory_space<hbm>> -> memref<256xi32, #tpu.memory_space<hbm>>
      %dma_wait3A_154 = arith.constant 0 : i32
      %dma_wait3A_155 = tpu.memref_slice %arg3[%add3A, %run_scoped3A_45, %dma_wait3A_154] : memref<32x16x256xi32, #tpu.memory_space<hbm>> -> memref<1x1x256xi32, #tpu.memory_space<hbm>>
      %dma_wait3A_156 = tpu.memref_squeeze %dma_wait3A_155 : memref<1x1x256xi32, #tpu.memory_space<hbm>> -> memref<256xi32, #tpu.memory_space<hbm>>
      tpu.wait_dma2 semaphore(%run_scoped3A_144 : memref<!tpu.dma_semaphore, #tpu.memory_space<semaphore_mem>>) src(%dma_wait3A_156 : memref<256xi32, #tpu.memory_space<hbm>>) dst(%arg5 : memref<256xi32, #tpu.memory_space<vmem>>)
      tpu.yield
    }) : () -> ()
    %dma_start3A_46 = arith.constant 0 : i32
    %dma_start3A_47 = arith.constant 0 : i32
    %dma_start3A_48 = tpu.memref_slice %arg2[%dma_start3A_46, %dma_start3A_47] : memref<8192x256xf32, #tpu.memory_space<hbm>> -> memref<8192x256xf32, #tpu.memory_space<hbm>>
    tpu.enqueue_indirect_dma source(%dma_start3A_48 : memref<8192x256xf32, #tpu.memory_space<hbm>>) target(%arg6 : memref<256x256xf32, #tpu.memory_space<vmem>>) offsets(%arg5 : memref<256xi32, #tpu.memory_space<vmem>>) semaphore(%arg7 : memref<!tpu.dma_semaphore, #tpu.memory_space<semaphore_mem>>)
    %dma_wait3A_49 = arith.constant 0 : i32
    %dma_wait3A_50 = arith.constant 0 : i32
    %dma_wait3A_51 = tpu.memref_slice %arg2[%dma_wait3A_49, %dma_wait3A_50] : memref<8192x256xf32, #tpu.memory_space<hbm>> -> memref<8192x256xf32, #tpu.memory_space<hbm>>
    tpu.wait_indirect_dma semaphore(%arg7 : memref<!tpu.dma_semaphore, #tpu.memory_space<semaphore_mem>>) src(%dma_wait3A_51 : memref<8192x256xf32, #tpu.memory_space<hbm>>) dst(%arg6 : memref<256x256xf32, #tpu.memory_space<vmem>>)
    %add3A_52 = arith.constant 1280 : i32
    %add3A_53 = arith.addi %mul3A_2, %add3A_52 : i32
    "tpu.region"() ({
      %run_scoped3A_144 = tpu.sem_alloc : memref<!tpu.dma_semaphore, #tpu.memory_space<semaphore_mem>>
      %dma_start3A_145 = arith.constant 0 : i32
      %dma_start3A_146 = tpu.memref_slice %arg4[%add3A_53, %dma_start3A_145] : memref<131072x256xf32, #tpu.memory_space<hbm>> -> memref<256x256xf32, #tpu.memory_space<hbm>>
      %dma_start3A_147 = arith.constant 0 : i32
      %dma_start3A_148 = tpu.memref_slice %arg4[%add3A_53, %dma_start3A_147] : memref<131072x256xf32, #tpu.memory_space<hbm>> -> memref<256x256xf32, #tpu.memory_space<hbm>>
      tpu.enqueue_dma source(%arg6 : memref<256x256xf32, #tpu.memory_space<vmem>>) target(%dma_start3A_148 : memref<256x256xf32, #tpu.memory_space<hbm>>) target_semaphore(%run_scoped3A_144 : memref<!tpu.dma_semaphore, #tpu.memory_space<semaphore_mem>>)
      %dma_wait3A_149 = arith.constant 0 : i32
      %dma_wait3A_150 = tpu.memref_slice %arg4[%add3A_53, %dma_wait3A_149] : memref<131072x256xf32, #tpu.memory_space<hbm>> -> memref<256x256xf32, #tpu.memory_space<hbm>>
      %dma_wait3A_151 = arith.constant 0 : i32
      %dma_wait3A_152 = tpu.memref_slice %arg4[%add3A_53, %dma_wait3A_151] : memref<131072x256xf32, #tpu.memory_space<hbm>> -> memref<256x256xf32, #tpu.memory_space<hbm>>
      tpu.wait_dma2 semaphore(%run_scoped3A_144 : memref<!tpu.dma_semaphore, #tpu.memory_space<semaphore_mem>>) src(%arg6 : memref<256x256xf32, #tpu.memory_space<vmem>>) dst(%dma_wait3A_152 : memref<256x256xf32, #tpu.memory_space<hbm>>)
      tpu.yield
    }) : () -> ()
    %run_scoped3A_54 = arith.constant 6 : i32
    "tpu.region"() ({
      %run_scoped3A_144 = tpu.sem_alloc : memref<!tpu.dma_semaphore, #tpu.memory_space<semaphore_mem>>
      %dma_start3A_145 = arith.constant 0 : i32
      %dma_start3A_146 = tpu.memref_slice %arg3[%add3A, %run_scoped3A_54, %dma_start3A_145] : memref<32x16x256xi32, #tpu.memory_space<hbm>> -> memref<1x1x256xi32, #tpu.memory_space<hbm>>
      %dma_start3A_147 = tpu.memref_squeeze %dma_start3A_146 : memref<1x1x256xi32, #tpu.memory_space<hbm>> -> memref<256xi32, #tpu.memory_space<hbm>>
      %dma_start3A_148 = arith.constant 0 : i32
      %dma_start3A_149 = tpu.memref_slice %arg3[%add3A, %run_scoped3A_54, %dma_start3A_148] : memref<32x16x256xi32, #tpu.memory_space<hbm>> -> memref<1x1x256xi32, #tpu.memory_space<hbm>>
      %dma_start3A_150 = tpu.memref_squeeze %dma_start3A_149 : memref<1x1x256xi32, #tpu.memory_space<hbm>> -> memref<256xi32, #tpu.memory_space<hbm>>
      tpu.enqueue_dma source(%dma_start3A_150 : memref<256xi32, #tpu.memory_space<hbm>>) target(%arg5 : memref<256xi32, #tpu.memory_space<vmem>>) target_semaphore(%run_scoped3A_144 : memref<!tpu.dma_semaphore, #tpu.memory_space<semaphore_mem>>)
      %dma_wait3A_151 = arith.constant 0 : i32
      %dma_wait3A_152 = tpu.memref_slice %arg3[%add3A, %run_scoped3A_54, %dma_wait3A_151] : memref<32x16x256xi32, #tpu.memory_space<hbm>> -> memref<1x1x256xi32, #tpu.memory_space<hbm>>
      %dma_wait3A_153 = tpu.memref_squeeze %dma_wait3A_152 : memref<1x1x256xi32, #tpu.memory_space<hbm>> -> memref<256xi32, #tpu.memory_space<hbm>>
      %dma_wait3A_154 = arith.constant 0 : i32
      %dma_wait3A_155 = tpu.memref_slice %arg3[%add3A, %run_scoped3A_54, %dma_wait3A_154] : memref<32x16x256xi32, #tpu.memory_space<hbm>> -> memref<1x1x256xi32, #tpu.memory_space<hbm>>
      %dma_wait3A_156 = tpu.memref_squeeze %dma_wait3A_155 : memref<1x1x256xi32, #tpu.memory_space<hbm>> -> memref<256xi32, #tpu.memory_space<hbm>>
      tpu.wait_dma2 semaphore(%run_scoped3A_144 : memref<!tpu.dma_semaphore, #tpu.memory_space<semaphore_mem>>) src(%dma_wait3A_156 : memref<256xi32, #tpu.memory_space<hbm>>) dst(%arg5 : memref<256xi32, #tpu.memory_space<vmem>>)
      tpu.yield
    }) : () -> ()
    %dma_start3A_55 = arith.constant 0 : i32
    %dma_start3A_56 = arith.constant 0 : i32
    %dma_start3A_57 = tpu.memref_slice %arg2[%dma_start3A_55, %dma_start3A_56] : memref<8192x256xf32, #tpu.memory_space<hbm>> -> memref<8192x256xf32, #tpu.memory_space<hbm>>
    tpu.enqueue_indirect_dma source(%dma_start3A_57 : memref<8192x256xf32, #tpu.memory_space<hbm>>) target(%arg6 : memref<256x256xf32, #tpu.memory_space<vmem>>) offsets(%arg5 : memref<256xi32, #tpu.memory_space<vmem>>) semaphore(%arg7 : memref<!tpu.dma_semaphore, #tpu.memory_space<semaphore_mem>>)
    %dma_wait3A_58 = arith.constant 0 : i32
    %dma_wait3A_59 = arith.constant 0 : i32
    %dma_wait3A_60 = tpu.memref_slice %arg2[%dma_wait3A_58, %dma_wait3A_59] : memref<8192x256xf32, #tpu.memory_space<hbm>> -> memref<8192x256xf32, #tpu.memory_space<hbm>>
    tpu.wait_indirect_dma semaphore(%arg7 : memref<!tpu.dma_semaphore, #tpu.memory_space<semaphore_mem>>) src(%dma_wait3A_60 : memref<8192x256xf32, #tpu.memory_space<hbm>>) dst(%arg6 : memref<256x256xf32, #tpu.memory_space<vmem>>)
    %add3A_61 = arith.constant 1536 : i32
    %add3A_62 = arith.addi %mul3A_2, %add3A_61 : i32
    "tpu.region"() ({
      %run_scoped3A_144 = tpu.sem_alloc : memref<!tpu.dma_semaphore, #tpu.memory_space<semaphore_mem>>
      %dma_start3A_145 = arith.constant 0 : i32
      %dma_start3A_146 = tpu.memref_slice %arg4[%add3A_62, %dma_start3A_145] : memref<131072x256xf32, #tpu.memory_space<hbm>> -> memref<256x256xf32, #tpu.memory_space<hbm>>
      %dma_start3A_147 = arith.constant 0 : i32
      %dma_start3A_148 = tpu.memref_slice %arg4[%add3A_62, %dma_start3A_147] : memref<131072x256xf32, #tpu.memory_space<hbm>> -> memref<256x256xf32, #tpu.memory_space<hbm>>
      tpu.enqueue_dma source(%arg6 : memref<256x256xf32, #tpu.memory_space<vmem>>) target(%dma_start3A_148 : memref<256x256xf32, #tpu.memory_space<hbm>>) target_semaphore(%run_scoped3A_144 : memref<!tpu.dma_semaphore, #tpu.memory_space<semaphore_mem>>)
      %dma_wait3A_149 = arith.constant 0 : i32
      %dma_wait3A_150 = tpu.memref_slice %arg4[%add3A_62, %dma_wait3A_149] : memref<131072x256xf32, #tpu.memory_space<hbm>> -> memref<256x256xf32, #tpu.memory_space<hbm>>
      %dma_wait3A_151 = arith.constant 0 : i32
      %dma_wait3A_152 = tpu.memref_slice %arg4[%add3A_62, %dma_wait3A_151] : memref<131072x256xf32, #tpu.memory_space<hbm>> -> memref<256x256xf32, #tpu.memory_space<hbm>>
      tpu.wait_dma2 semaphore(%run_scoped3A_144 : memref<!tpu.dma_semaphore, #tpu.memory_space<semaphore_mem>>) src(%arg6 : memref<256x256xf32, #tpu.memory_space<vmem>>) dst(%dma_wait3A_152 : memref<256x256xf32, #tpu.memory_space<hbm>>)
      tpu.yield
    }) : () -> ()
    %run_scoped3A_63 = arith.constant 7 : i32
    "tpu.region"() ({
      %run_scoped3A_144 = tpu.sem_alloc : memref<!tpu.dma_semaphore, #tpu.memory_space<semaphore_mem>>
      %dma_start3A_145 = arith.constant 0 : i32
      %dma_start3A_146 = tpu.memref_slice %arg3[%add3A, %run_scoped3A_63, %dma_start3A_145] : memref<32x16x256xi32, #tpu.memory_space<hbm>> -> memref<1x1x256xi32, #tpu.memory_space<hbm>>
      %dma_start3A_147 = tpu.memref_squeeze %dma_start3A_146 : memref<1x1x256xi32, #tpu.memory_space<hbm>> -> memref<256xi32, #tpu.memory_space<hbm>>
      %dma_start3A_148 = arith.constant 0 : i32
      %dma_start3A_149 = tpu.memref_slice %arg3[%add3A, %run_scoped3A_63, %dma_start3A_148] : memref<32x16x256xi32, #tpu.memory_space<hbm>> -> memref<1x1x256xi32, #tpu.memory_space<hbm>>
      %dma_start3A_150 = tpu.memref_squeeze %dma_start3A_149 : memref<1x1x256xi32, #tpu.memory_space<hbm>> -> memref<256xi32, #tpu.memory_space<hbm>>
      tpu.enqueue_dma source(%dma_start3A_150 : memref<256xi32, #tpu.memory_space<hbm>>) target(%arg5 : memref<256xi32, #tpu.memory_space<vmem>>) target_semaphore(%run_scoped3A_144 : memref<!tpu.dma_semaphore, #tpu.memory_space<semaphore_mem>>)
      %dma_wait3A_151 = arith.constant 0 : i32
      %dma_wait3A_152 = tpu.memref_slice %arg3[%add3A, %run_scoped3A_63, %dma_wait3A_151] : memref<32x16x256xi32, #tpu.memory_space<hbm>> -> memref<1x1x256xi32, #tpu.memory_space<hbm>>
      %dma_wait3A_153 = tpu.memref_squeeze %dma_wait3A_152 : memref<1x1x256xi32, #tpu.memory_space<hbm>> -> memref<256xi32, #tpu.memory_space<hbm>>
      %dma_wait3A_154 = arith.constant 0 : i32
      %dma_wait3A_155 = tpu.memref_slice %arg3[%add3A, %run_scoped3A_63, %dma_wait3A_154] : memref<32x16x256xi32, #tpu.memory_space<hbm>> -> memref<1x1x256xi32, #tpu.memory_space<hbm>>
      %dma_wait3A_156 = tpu.memref_squeeze %dma_wait3A_155 : memref<1x1x256xi32, #tpu.memory_space<hbm>> -> memref<256xi32, #tpu.memory_space<hbm>>
      tpu.wait_dma2 semaphore(%run_scoped3A_144 : memref<!tpu.dma_semaphore, #tpu.memory_space<semaphore_mem>>) src(%dma_wait3A_156 : memref<256xi32, #tpu.memory_space<hbm>>) dst(%arg5 : memref<256xi32, #tpu.memory_space<vmem>>)
      tpu.yield
    }) : () -> ()
    %dma_start3A_64 = arith.constant 0 : i32
    %dma_start3A_65 = arith.constant 0 : i32
    %dma_start3A_66 = tpu.memref_slice %arg2[%dma_start3A_64, %dma_start3A_65] : memref<8192x256xf32, #tpu.memory_space<hbm>> -> memref<8192x256xf32, #tpu.memory_space<hbm>>
    tpu.enqueue_indirect_dma source(%dma_start3A_66 : memref<8192x256xf32, #tpu.memory_space<hbm>>) target(%arg6 : memref<256x256xf32, #tpu.memory_space<vmem>>) offsets(%arg5 : memref<256xi32, #tpu.memory_space<vmem>>) semaphore(%arg7 : memref<!tpu.dma_semaphore, #tpu.memory_space<semaphore_mem>>)
    %dma_wait3A_67 = arith.constant 0 : i32
    %dma_wait3A_68 = arith.constant 0 : i32
    %dma_wait3A_69 = tpu.memref_slice %arg2[%dma_wait3A_67, %dma_wait3A_68] : memref<8192x256xf32, #tpu.memory_space<hbm>> -> memref<8192x256xf32, #tpu.memory_space<hbm>>
    tpu.wait_indirect_dma semaphore(%arg7 : memref<!tpu.dma_semaphore, #tpu.memory_space<semaphore_mem>>) src(%dma_wait3A_69 : memref<8192x256xf32, #tpu.memory_space<hbm>>) dst(%arg6 : memref<256x256xf32, #tpu.memory_space<vmem>>)
    %add3A_70 = arith.constant 1792 : i32
    %add3A_71 = arith.addi %mul3A_2, %add3A_70 : i32
    "tpu.region"() ({
      %run_scoped3A_144 = tpu.sem_alloc : memref<!tpu.dma_semaphore, #tpu.memory_space<semaphore_mem>>
      %dma_start3A_145 = arith.constant 0 : i32
      %dma_start3A_146 = tpu.memref_slice %arg4[%add3A_71, %dma_start3A_145] : memref<131072x256xf32, #tpu.memory_space<hbm>> -> memref<256x256xf32, #tpu.memory_space<hbm>>
      %dma_start3A_147 = arith.constant 0 : i32
      %dma_start3A_148 = tpu.memref_slice %arg4[%add3A_71, %dma_start3A_147] : memref<131072x256xf32, #tpu.memory_space<hbm>> -> memref<256x256xf32, #tpu.memory_space<hbm>>
      tpu.enqueue_dma source(%arg6 : memref<256x256xf32, #tpu.memory_space<vmem>>) target(%dma_start3A_148 : memref<256x256xf32, #tpu.memory_space<hbm>>) target_semaphore(%run_scoped3A_144 : memref<!tpu.dma_semaphore, #tpu.memory_space<semaphore_mem>>)
      %dma_wait3A_149 = arith.constant 0 : i32
      %dma_wait3A_150 = tpu.memref_slice %arg4[%add3A_71, %dma_wait3A_149] : memref<131072x256xf32, #tpu.memory_space<hbm>> -> memref<256x256xf32, #tpu.memory_space<hbm>>
      %dma_wait3A_151 = arith.constant 0 : i32
      %dma_wait3A_152 = tpu.memref_slice %arg4[%add3A_71, %dma_wait3A_151] : memref<131072x256xf32, #tpu.memory_space<hbm>> -> memref<256x256xf32, #tpu.memory_space<hbm>>
      tpu.wait_dma2 semaphore(%run_scoped3A_144 : memref<!tpu.dma_semaphore, #tpu.memory_space<semaphore_mem>>) src(%arg6 : memref<256x256xf32, #tpu.memory_space<vmem>>) dst(%dma_wait3A_152 : memref<256x256xf32, #tpu.memory_space<hbm>>)
      tpu.yield
    }) : () -> ()
    %run_scoped3A_72 = arith.constant 8 : i32
    "tpu.region"() ({
      %run_scoped3A_144 = tpu.sem_alloc : memref<!tpu.dma_semaphore, #tpu.memory_space<semaphore_mem>>
      %dma_start3A_145 = arith.constant 0 : i32
      %dma_start3A_146 = tpu.memref_slice %arg3[%add3A, %run_scoped3A_72, %dma_start3A_145] : memref<32x16x256xi32, #tpu.memory_space<hbm>> -> memref<1x1x256xi32, #tpu.memory_space<hbm>>
      %dma_start3A_147 = tpu.memref_squeeze %dma_start3A_146 : memref<1x1x256xi32, #tpu.memory_space<hbm>> -> memref<256xi32, #tpu.memory_space<hbm>>
      %dma_start3A_148 = arith.constant 0 : i32
      %dma_start3A_149 = tpu.memref_slice %arg3[%add3A, %run_scoped3A_72, %dma_start3A_148] : memref<32x16x256xi32, #tpu.memory_space<hbm>> -> memref<1x1x256xi32, #tpu.memory_space<hbm>>
      %dma_start3A_150 = tpu.memref_squeeze %dma_start3A_149 : memref<1x1x256xi32, #tpu.memory_space<hbm>> -> memref<256xi32, #tpu.memory_space<hbm>>
      tpu.enqueue_dma source(%dma_start3A_150 : memref<256xi32, #tpu.memory_space<hbm>>) target(%arg5 : memref<256xi32, #tpu.memory_space<vmem>>) target_semaphore(%run_scoped3A_144 : memref<!tpu.dma_semaphore, #tpu.memory_space<semaphore_mem>>)
      %dma_wait3A_151 = arith.constant 0 : i32
      %dma_wait3A_152 = tpu.memref_slice %arg3[%add3A, %run_scoped3A_72, %dma_wait3A_151] : memref<32x16x256xi32, #tpu.memory_space<hbm>> -> memref<1x1x256xi32, #tpu.memory_space<hbm>>
      %dma_wait3A_153 = tpu.memref_squeeze %dma_wait3A_152 : memref<1x1x256xi32, #tpu.memory_space<hbm>> -> memref<256xi32, #tpu.memory_space<hbm>>
      %dma_wait3A_154 = arith.constant 0 : i32
      %dma_wait3A_155 = tpu.memref_slice %arg3[%add3A, %run_scoped3A_72, %dma_wait3A_154] : memref<32x16x256xi32, #tpu.memory_space<hbm>> -> memref<1x1x256xi32, #tpu.memory_space<hbm>>
      %dma_wait3A_156 = tpu.memref_squeeze %dma_wait3A_155 : memref<1x1x256xi32, #tpu.memory_space<hbm>> -> memref<256xi32, #tpu.memory_space<hbm>>
      tpu.wait_dma2 semaphore(%run_scoped3A_144 : memref<!tpu.dma_semaphore, #tpu.memory_space<semaphore_mem>>) src(%dma_wait3A_156 : memref<256xi32, #tpu.memory_space<hbm>>) dst(%arg5 : memref<256xi32, #tpu.memory_space<vmem>>)
      tpu.yield
    }) : () -> ()
    %dma_start3A_73 = arith.constant 0 : i32
    %dma_start3A_74 = arith.constant 0 : i32
    %dma_start3A_75 = tpu.memref_slice %arg2[%dma_start3A_73, %dma_start3A_74] : memref<8192x256xf32, #tpu.memory_space<hbm>> -> memref<8192x256xf32, #tpu.memory_space<hbm>>
    tpu.enqueue_indirect_dma source(%dma_start3A_75 : memref<8192x256xf32, #tpu.memory_space<hbm>>) target(%arg6 : memref<256x256xf32, #tpu.memory_space<vmem>>) offsets(%arg5 : memref<256xi32, #tpu.memory_space<vmem>>) semaphore(%arg7 : memref<!tpu.dma_semaphore, #tpu.memory_space<semaphore_mem>>)
    %dma_wait3A_76 = arith.constant 0 : i32
    %dma_wait3A_77 = arith.constant 0 : i32
    %dma_wait3A_78 = tpu.memref_slice %arg2[%dma_wait3A_76, %dma_wait3A_77] : memref<8192x256xf32, #tpu.memory_space<hbm>> -> memref<8192x256xf32, #tpu.memory_space<hbm>>
    tpu.wait_indirect_dma semaphore(%arg7 : memref<!tpu.dma_semaphore, #tpu.memory_space<semaphore_mem>>) src(%dma_wait3A_78 : memref<8192x256xf32, #tpu.memory_space<hbm>>) dst(%arg6 : memref<256x256xf32, #tpu.memory_space<vmem>>)
    %add3A_79 = arith.constant 2048 : i32
    %add3A_80 = arith.addi %mul3A_2, %add3A_79 : i32
    "tpu.region"() ({
      %run_scoped3A_144 = tpu.sem_alloc : memref<!tpu.dma_semaphore, #tpu.memory_space<semaphore_mem>>
      %dma_start3A_145 = arith.constant 0 : i32
      %dma_start3A_146 = tpu.memref_slice %arg4[%add3A_80, %dma_start3A_145] : memref<131072x256xf32, #tpu.memory_space<hbm>> -> memref<256x256xf32, #tpu.memory_space<hbm>>
      %dma_start3A_147 = arith.constant 0 : i32
      %dma_start3A_148 = tpu.memref_slice %arg4[%add3A_80, %dma_start3A_147] : memref<131072x256xf32, #tpu.memory_space<hbm>> -> memref<256x256xf32, #tpu.memory_space<hbm>>
      tpu.enqueue_dma source(%arg6 : memref<256x256xf32, #tpu.memory_space<vmem>>) target(%dma_start3A_148 : memref<256x256xf32, #tpu.memory_space<hbm>>) target_semaphore(%run_scoped3A_144 : memref<!tpu.dma_semaphore, #tpu.memory_space<semaphore_mem>>)
      %dma_wait3A_149 = arith.constant 0 : i32
      %dma_wait3A_150 = tpu.memref_slice %arg4[%add3A_80, %dma_wait3A_149] : memref<131072x256xf32, #tpu.memory_space<hbm>> -> memref<256x256xf32, #tpu.memory_space<hbm>>
      %dma_wait3A_151 = arith.constant 0 : i32
      %dma_wait3A_152 = tpu.memref_slice %arg4[%add3A_80, %dma_wait3A_151] : memref<131072x256xf32, #tpu.memory_space<hbm>> -> memref<256x256xf32, #tpu.memory_space<hbm>>
      tpu.wait_dma2 semaphore(%run_scoped3A_144 : memref<!tpu.dma_semaphore, #tpu.memory_space<semaphore_mem>>) src(%arg6 : memref<256x256xf32, #tpu.memory_space<vmem>>) dst(%dma_wait3A_152 : memref<256x256xf32, #tpu.memory_space<hbm>>)
      tpu.yield
    }) : () -> ()
    %run_scoped3A_81 = arith.constant 9 : i32
    "tpu.region"() ({
      %run_scoped3A_144 = tpu.sem_alloc : memref<!tpu.dma_semaphore, #tpu.memory_space<semaphore_mem>>
      %dma_start3A_145 = arith.constant 0 : i32
      %dma_start3A_146 = tpu.memref_slice %arg3[%add3A, %run_scoped3A_81, %dma_start3A_145] : memref<32x16x256xi32, #tpu.memory_space<hbm>> -> memref<1x1x256xi32, #tpu.memory_space<hbm>>
      %dma_start3A_147 = tpu.memref_squeeze %dma_start3A_146 : memref<1x1x256xi32, #tpu.memory_space<hbm>> -> memref<256xi32, #tpu.memory_space<hbm>>
      %dma_start3A_148 = arith.constant 0 : i32
      %dma_start3A_149 = tpu.memref_slice %arg3[%add3A, %run_scoped3A_81, %dma_start3A_148] : memref<32x16x256xi32, #tpu.memory_space<hbm>> -> memref<1x1x256xi32, #tpu.memory_space<hbm>>
      %dma_start3A_150 = tpu.memref_squeeze %dma_start3A_149 : memref<1x1x256xi32, #tpu.memory_space<hbm>> -> memref<256xi32, #tpu.memory_space<hbm>>
      tpu.enqueue_dma source(%dma_start3A_150 : memref<256xi32, #tpu.memory_space<hbm>>) target(%arg5 : memref<256xi32, #tpu.memory_space<vmem>>) target_semaphore(%run_scoped3A_144 : memref<!tpu.dma_semaphore, #tpu.memory_space<semaphore_mem>>)
      %dma_wait3A_151 = arith.constant 0 : i32
      %dma_wait3A_152 = tpu.memref_slice %arg3[%add3A, %run_scoped3A_81, %dma_wait3A_151] : memref<32x16x256xi32, #tpu.memory_space<hbm>> -> memref<1x1x256xi32, #tpu.memory_space<hbm>>
      %dma_wait3A_153 = tpu.memref_squeeze %dma_wait3A_152 : memref<1x1x256xi32, #tpu.memory_space<hbm>> -> memref<256xi32, #tpu.memory_space<hbm>>
      %dma_wait3A_154 = arith.constant 0 : i32
      %dma_wait3A_155 = tpu.memref_slice %arg3[%add3A, %run_scoped3A_81, %dma_wait3A_154] : memref<32x16x256xi32, #tpu.memory_space<hbm>> -> memref<1x1x256xi32, #tpu.memory_space<hbm>>
      %dma_wait3A_156 = tpu.memref_squeeze %dma_wait3A_155 : memref<1x1x256xi32, #tpu.memory_space<hbm>> -> memref<256xi32, #tpu.memory_space<hbm>>
      tpu.wait_dma2 semaphore(%run_scoped3A_144 : memref<!tpu.dma_semaphore, #tpu.memory_space<semaphore_mem>>) src(%dma_wait3A_156 : memref<256xi32, #tpu.memory_space<hbm>>) dst(%arg5 : memref<256xi32, #tpu.memory_space<vmem>>)
      tpu.yield
    }) : () -> ()
    %dma_start3A_82 = arith.constant 0 : i32
    %dma_start3A_83 = arith.constant 0 : i32
    %dma_start3A_84 = tpu.memref_slice %arg2[%dma_start3A_82, %dma_start3A_83] : memref<8192x256xf32, #tpu.memory_space<hbm>> -> memref<8192x256xf32, #tpu.memory_space<hbm>>
    tpu.enqueue_indirect_dma source(%dma_start3A_84 : memref<8192x256xf32, #tpu.memory_space<hbm>>) target(%arg6 : memref<256x256xf32, #tpu.memory_space<vmem>>) offsets(%arg5 : memref<256xi32, #tpu.memory_space<vmem>>) semaphore(%arg7 : memref<!tpu.dma_semaphore, #tpu.memory_space<semaphore_mem>>)
    %dma_wait3A_85 = arith.constant 0 : i32
    %dma_wait3A_86 = arith.constant 0 : i32
    %dma_wait3A_87 = tpu.memref_slice %arg2[%dma_wait3A_85, %dma_wait3A_86] : memref<8192x256xf32, #tpu.memory_space<hbm>> -> memref<8192x256xf32, #tpu.memory_space<hbm>>
    tpu.wait_indirect_dma semaphore(%arg7 : memref<!tpu.dma_semaphore, #tpu.memory_space<semaphore_mem>>) src(%dma_wait3A_87 : memref<8192x256xf32, #tpu.memory_space<hbm>>) dst(%arg6 : memref<256x256xf32, #tpu.memory_space<vmem>>)
    %add3A_88 = arith.constant 2304 : i32
    %add3A_89 = arith.addi %mul3A_2, %add3A_88 : i32
    "tpu.region"() ({
      %run_scoped3A_144 = tpu.sem_alloc : memref<!tpu.dma_semaphore, #tpu.memory_space<semaphore_mem>>
      %dma_start3A_145 = arith.constant 0 : i32
      %dma_start3A_146 = tpu.memref_slice %arg4[%add3A_89, %dma_start3A_145] : memref<131072x256xf32, #tpu.memory_space<hbm>> -> memref<256x256xf32, #tpu.memory_space<hbm>>
      %dma_start3A_147 = arith.constant 0 : i32
      %dma_start3A_148 = tpu.memref_slice %arg4[%add3A_89, %dma_start3A_147] : memref<131072x256xf32, #tpu.memory_space<hbm>> -> memref<256x256xf32, #tpu.memory_space<hbm>>
      tpu.enqueue_dma source(%arg6 : memref<256x256xf32, #tpu.memory_space<vmem>>) target(%dma_start3A_148 : memref<256x256xf32, #tpu.memory_space<hbm>>) target_semaphore(%run_scoped3A_144 : memref<!tpu.dma_semaphore, #tpu.memory_space<semaphore_mem>>)
      %dma_wait3A_149 = arith.constant 0 : i32
      %dma_wait3A_150 = tpu.memref_slice %arg4[%add3A_89, %dma_wait3A_149] : memref<131072x256xf32, #tpu.memory_space<hbm>> -> memref<256x256xf32, #tpu.memory_space<hbm>>
      %dma_wait3A_151 = arith.constant 0 : i32
      %dma_wait3A_152 = tpu.memref_slice %arg4[%add3A_89, %dma_wait3A_151] : memref<131072x256xf32, #tpu.memory_space<hbm>> -> memref<256x256xf32, #tpu.memory_space<hbm>>
      tpu.wait_dma2 semaphore(%run_scoped3A_144 : memref<!tpu.dma_semaphore, #tpu.memory_space<semaphore_mem>>) src(%arg6 : memref<256x256xf32, #tpu.memory_space<vmem>>) dst(%dma_wait3A_152 : memref<256x256xf32, #tpu.memory_space<hbm>>)
      tpu.yield
    }) : () -> ()
    %run_scoped3A_90 = arith.constant 10 : i32
    "tpu.region"() ({
      %run_scoped3A_144 = tpu.sem_alloc : memref<!tpu.dma_semaphore, #tpu.memory_space<semaphore_mem>>
      %dma_start3A_145 = arith.constant 0 : i32
      %dma_start3A_146 = tpu.memref_slice %arg3[%add3A, %run_scoped3A_90, %dma_start3A_145] : memref<32x16x256xi32, #tpu.memory_space<hbm>> -> memref<1x1x256xi32, #tpu.memory_space<hbm>>
      %dma_start3A_147 = tpu.memref_squeeze %dma_start3A_146 : memref<1x1x256xi32, #tpu.memory_space<hbm>> -> memref<256xi32, #tpu.memory_space<hbm>>
      %dma_start3A_148 = arith.constant 0 : i32
      %dma_start3A_149 = tpu.memref_slice %arg3[%add3A, %run_scoped3A_90, %dma_start3A_148] : memref<32x16x256xi32, #tpu.memory_space<hbm>> -> memref<1x1x256xi32, #tpu.memory_space<hbm>>
      %dma_start3A_150 = tpu.memref_squeeze %dma_start3A_149 : memref<1x1x256xi32, #tpu.memory_space<hbm>> -> memref<256xi32, #tpu.memory_space<hbm>>
      tpu.enqueue_dma source(%dma_start3A_150 : memref<256xi32, #tpu.memory_space<hbm>>) target(%arg5 : memref<256xi32, #tpu.memory_space<vmem>>) target_semaphore(%run_scoped3A_144 : memref<!tpu.dma_semaphore, #tpu.memory_space<semaphore_mem>>)
      %dma_wait3A_151 = arith.constant 0 : i32
      %dma_wait3A_152 = tpu.memref_slice %arg3[%add3A, %run_scoped3A_90, %dma_wait3A_151] : memref<32x16x256xi32, #tpu.memory_space<hbm>> -> memref<1x1x256xi32, #tpu.memory_space<hbm>>
      %dma_wait3A_153 = tpu.memref_squeeze %dma_wait3A_152 : memref<1x1x256xi32, #tpu.memory_space<hbm>> -> memref<256xi32, #tpu.memory_space<hbm>>
      %dma_wait3A_154 = arith.constant 0 : i32
      %dma_wait3A_155 = tpu.memref_slice %arg3[%add3A, %run_scoped3A_90, %dma_wait3A_154] : memref<32x16x256xi32, #tpu.memory_space<hbm>> -> memref<1x1x256xi32, #tpu.memory_space<hbm>>
      %dma_wait3A_156 = tpu.memref_squeeze %dma_wait3A_155 : memref<1x1x256xi32, #tpu.memory_space<hbm>> -> memref<256xi32, #tpu.memory_space<hbm>>
      tpu.wait_dma2 semaphore(%run_scoped3A_144 : memref<!tpu.dma_semaphore, #tpu.memory_space<semaphore_mem>>) src(%dma_wait3A_156 : memref<256xi32, #tpu.memory_space<hbm>>) dst(%arg5 : memref<256xi32, #tpu.memory_space<vmem>>)
      tpu.yield
    }) : () -> ()
    %dma_start3A_91 = arith.constant 0 : i32
    %dma_start3A_92 = arith.constant 0 : i32
    %dma_start3A_93 = tpu.memref_slice %arg2[%dma_start3A_91, %dma_start3A_92] : memref<8192x256xf32, #tpu.memory_space<hbm>> -> memref<8192x256xf32, #tpu.memory_space<hbm>>
    tpu.enqueue_indirect_dma source(%dma_start3A_93 : memref<8192x256xf32, #tpu.memory_space<hbm>>) target(%arg6 : memref<256x256xf32, #tpu.memory_space<vmem>>) offsets(%arg5 : memref<256xi32, #tpu.memory_space<vmem>>) semaphore(%arg7 : memref<!tpu.dma_semaphore, #tpu.memory_space<semaphore_mem>>)
    %dma_wait3A_94 = arith.constant 0 : i32
    %dma_wait3A_95 = arith.constant 0 : i32
    %dma_wait3A_96 = tpu.memref_slice %arg2[%dma_wait3A_94, %dma_wait3A_95] : memref<8192x256xf32, #tpu.memory_space<hbm>> -> memref<8192x256xf32, #tpu.memory_space<hbm>>
    tpu.wait_indirect_dma semaphore(%arg7 : memref<!tpu.dma_semaphore, #tpu.memory_space<semaphore_mem>>) src(%dma_wait3A_96 : memref<8192x256xf32, #tpu.memory_space<hbm>>) dst(%arg6 : memref<256x256xf32, #tpu.memory_space<vmem>>)
    %add3A_97 = arith.constant 2560 : i32
    %add3A_98 = arith.addi %mul3A_2, %add3A_97 : i32
    "tpu.region"() ({
      %run_scoped3A_144 = tpu.sem_alloc : memref<!tpu.dma_semaphore, #tpu.memory_space<semaphore_mem>>
      %dma_start3A_145 = arith.constant 0 : i32
      %dma_start3A_146 = tpu.memref_slice %arg4[%add3A_98, %dma_start3A_145] : memref<131072x256xf32, #tpu.memory_space<hbm>> -> memref<256x256xf32, #tpu.memory_space<hbm>>
      %dma_start3A_147 = arith.constant 0 : i32
      %dma_start3A_148 = tpu.memref_slice %arg4[%add3A_98, %dma_start3A_147] : memref<131072x256xf32, #tpu.memory_space<hbm>> -> memref<256x256xf32, #tpu.memory_space<hbm>>
      tpu.enqueue_dma source(%arg6 : memref<256x256xf32, #tpu.memory_space<vmem>>) target(%dma_start3A_148 : memref<256x256xf32, #tpu.memory_space<hbm>>) target_semaphore(%run_scoped3A_144 : memref<!tpu.dma_semaphore, #tpu.memory_space<semaphore_mem>>)
      %dma_wait3A_149 = arith.constant 0 : i32
      %dma_wait3A_150 = tpu.memref_slice %arg4[%add3A_98, %dma_wait3A_149] : memref<131072x256xf32, #tpu.memory_space<hbm>> -> memref<256x256xf32, #tpu.memory_space<hbm>>
      %dma_wait3A_151 = arith.constant 0 : i32
      %dma_wait3A_152 = tpu.memref_slice %arg4[%add3A_98, %dma_wait3A_151] : memref<131072x256xf32, #tpu.memory_space<hbm>> -> memref<256x256xf32, #tpu.memory_space<hbm>>
      tpu.wait_dma2 semaphore(%run_scoped3A_144 : memref<!tpu.dma_semaphore, #tpu.memory_space<semaphore_mem>>) src(%arg6 : memref<256x256xf32, #tpu.memory_space<vmem>>) dst(%dma_wait3A_152 : memref<256x256xf32, #tpu.memory_space<hbm>>)
      tpu.yield
    }) : () -> ()
    %run_scoped3A_99 = arith.constant 11 : i32
    "tpu.region"() ({
      %run_scoped3A_144 = tpu.sem_alloc : memref<!tpu.dma_semaphore, #tpu.memory_space<semaphore_mem>>
      %dma_start3A_145 = arith.constant 0 : i32
      %dma_start3A_146 = tpu.memref_slice %arg3[%add3A, %run_scoped3A_99, %dma_start3A_145] : memref<32x16x256xi32, #tpu.memory_space<hbm>> -> memref<1x1x256xi32, #tpu.memory_space<hbm>>
      %dma_start3A_147 = tpu.memref_squeeze %dma_start3A_146 : memref<1x1x256xi32, #tpu.memory_space<hbm>> -> memref<256xi32, #tpu.memory_space<hbm>>
      %dma_start3A_148 = arith.constant 0 : i32
      %dma_start3A_149 = tpu.memref_slice %arg3[%add3A, %run_scoped3A_99, %dma_start3A_148] : memref<32x16x256xi32, #tpu.memory_space<hbm>> -> memref<1x1x256xi32, #tpu.memory_space<hbm>>
      %dma_start3A_150 = tpu.memref_squeeze %dma_start3A_149 : memref<1x1x256xi32, #tpu.memory_space<hbm>> -> memref<256xi32, #tpu.memory_space<hbm>>
      tpu.enqueue_dma source(%dma_start3A_150 : memref<256xi32, #tpu.memory_space<hbm>>) target(%arg5 : memref<256xi32, #tpu.memory_space<vmem>>) target_semaphore(%run_scoped3A_144 : memref<!tpu.dma_semaphore, #tpu.memory_space<semaphore_mem>>)
      %dma_wait3A_151 = arith.constant 0 : i32
      %dma_wait3A_152 = tpu.memref_slice %arg3[%add3A, %run_scoped3A_99, %dma_wait3A_151] : memref<32x16x256xi32, #tpu.memory_space<hbm>> -> memref<1x1x256xi32, #tpu.memory_space<hbm>>
      %dma_wait3A_153 = tpu.memref_squeeze %dma_wait3A_152 : memref<1x1x256xi32, #tpu.memory_space<hbm>> -> memref<256xi32, #tpu.memory_space<hbm>>
      %dma_wait3A_154 = arith.constant 0 : i32
      %dma_wait3A_155 = tpu.memref_slice %arg3[%add3A, %run_scoped3A_99, %dma_wait3A_154] : memref<32x16x256xi32, #tpu.memory_space<hbm>> -> memref<1x1x256xi32, #tpu.memory_space<hbm>>
      %dma_wait3A_156 = tpu.memref_squeeze %dma_wait3A_155 : memref<1x1x256xi32, #tpu.memory_space<hbm>> -> memref<256xi32, #tpu.memory_space<hbm>>
      tpu.wait_dma2 semaphore(%run_scoped3A_144 : memref<!tpu.dma_semaphore, #tpu.memory_space<semaphore_mem>>) src(%dma_wait3A_156 : memref<256xi32, #tpu.memory_space<hbm>>) dst(%arg5 : memref<256xi32, #tpu.memory_space<vmem>>)
      tpu.yield
    }) : () -> ()
    %dma_start3A_100 = arith.constant 0 : i32
    %dma_start3A_101 = arith.constant 0 : i32
    %dma_start3A_102 = tpu.memref_slice %arg2[%dma_start3A_100, %dma_start3A_101] : memref<8192x256xf32, #tpu.memory_space<hbm>> -> memref<8192x256xf32, #tpu.memory_space<hbm>>
    tpu.enqueue_indirect_dma source(%dma_start3A_102 : memref<8192x256xf32, #tpu.memory_space<hbm>>) target(%arg6 : memref<256x256xf32, #tpu.memory_space<vmem>>) offsets(%arg5 : memref<256xi32, #tpu.memory_space<vmem>>) semaphore(%arg7 : memref<!tpu.dma_semaphore, #tpu.memory_space<semaphore_mem>>)
    %dma_wait3A_103 = arith.constant 0 : i32
    %dma_wait3A_104 = arith.constant 0 : i32
    %dma_wait3A_105 = tpu.memref_slice %arg2[%dma_wait3A_103, %dma_wait3A_104] : memref<8192x256xf32, #tpu.memory_space<hbm>> -> memref<8192x256xf32, #tpu.memory_space<hbm>>
    tpu.wait_indirect_dma semaphore(%arg7 : memref<!tpu.dma_semaphore, #tpu.memory_space<semaphore_mem>>) src(%dma_wait3A_105 : memref<8192x256xf32, #tpu.memory_space<hbm>>) dst(%arg6 : memref<256x256xf32, #tpu.memory_space<vmem>>)
    %add3A_106 = arith.constant 2816 : i32
    %add3A_107 = arith.addi %mul3A_2, %add3A_106 : i32
    "tpu.region"() ({
      %run_scoped3A_144 = tpu.sem_alloc : memref<!tpu.dma_semaphore, #tpu.memory_space<semaphore_mem>>
      %dma_start3A_145 = arith.constant 0 : i32
      %dma_start3A_146 = tpu.memref_slice %arg4[%add3A_107, %dma_start3A_145] : memref<131072x256xf32, #tpu.memory_space<hbm>> -> memref<256x256xf32, #tpu.memory_space<hbm>>
      %dma_start3A_147 = arith.constant 0 : i32
      %dma_start3A_148 = tpu.memref_slice %arg4[%add3A_107, %dma_start3A_147] : memref<131072x256xf32, #tpu.memory_space<hbm>> -> memref<256x256xf32, #tpu.memory_space<hbm>>
      tpu.enqueue_dma source(%arg6 : memref<256x256xf32, #tpu.memory_space<vmem>>) target(%dma_start3A_148 : memref<256x256xf32, #tpu.memory_space<hbm>>) target_semaphore(%run_scoped3A_144 : memref<!tpu.dma_semaphore, #tpu.memory_space<semaphore_mem>>)
      %dma_wait3A_149 = arith.constant 0 : i32
      %dma_wait3A_150 = tpu.memref_slice %arg4[%add3A_107, %dma_wait3A_149] : memref<131072x256xf32, #tpu.memory_space<hbm>> -> memref<256x256xf32, #tpu.memory_space<hbm>>
      %dma_wait3A_151 = arith.constant 0 : i32
      %dma_wait3A_152 = tpu.memref_slice %arg4[%add3A_107, %dma_wait3A_151] : memref<131072x256xf32, #tpu.memory_space<hbm>> -> memref<256x256xf32, #tpu.memory_space<hbm>>
      tpu.wait_dma2 semaphore(%run_scoped3A_144 : memref<!tpu.dma_semaphore, #tpu.memory_space<semaphore_mem>>) src(%arg6 : memref<256x256xf32, #tpu.memory_space<vmem>>) dst(%dma_wait3A_152 : memref<256x256xf32, #tpu.memory_space<hbm>>)
      tpu.yield
    }) : () -> ()
    %run_scoped3A_108 = arith.constant 12 : i32
    "tpu.region"() ({
      %run_scoped3A_144 = tpu.sem_alloc : memref<!tpu.dma_semaphore, #tpu.memory_space<semaphore_mem>>
      %dma_start3A_145 = arith.constant 0 : i32
      %dma_start3A_146 = tpu.memref_slice %arg3[%add3A, %run_scoped3A_108, %dma_start3A_145] : memref<32x16x256xi32, #tpu.memory_space<hbm>> -> memref<1x1x256xi32, #tpu.memory_space<hbm>>
      %dma_start3A_147 = tpu.memref_squeeze %dma_start3A_146 : memref<1x1x256xi32, #tpu.memory_space<hbm>> -> memref<256xi32, #tpu.memory_space<hbm>>
      %dma_start3A_148 = arith.constant 0 : i32
      %dma_start3A_149 = tpu.memref_slice %arg3[%add3A, %run_scoped3A_108, %dma_start3A_148] : memref<32x16x256xi32, #tpu.memory_space<hbm>> -> memref<1x1x256xi32, #tpu.memory_space<hbm>>
      %dma_start3A_150 = tpu.memref_squeeze %dma_start3A_149 : memref<1x1x256xi32, #tpu.memory_space<hbm>> -> memref<256xi32, #tpu.memory_space<hbm>>
      tpu.enqueue_dma source(%dma_start3A_150 : memref<256xi32, #tpu.memory_space<hbm>>) target(%arg5 : memref<256xi32, #tpu.memory_space<vmem>>) target_semaphore(%run_scoped3A_144 : memref<!tpu.dma_semaphore, #tpu.memory_space<semaphore_mem>>)
      %dma_wait3A_151 = arith.constant 0 : i32
      %dma_wait3A_152 = tpu.memref_slice %arg3[%add3A, %run_scoped3A_108, %dma_wait3A_151] : memref<32x16x256xi32, #tpu.memory_space<hbm>> -> memref<1x1x256xi32, #tpu.memory_space<hbm>>
      %dma_wait3A_153 = tpu.memref_squeeze %dma_wait3A_152 : memref<1x1x256xi32, #tpu.memory_space<hbm>> -> memref<256xi32, #tpu.memory_space<hbm>>
      %dma_wait3A_154 = arith.constant 0 : i32
      %dma_wait3A_155 = tpu.memref_slice %arg3[%add3A, %run_scoped3A_108, %dma_wait3A_154] : memref<32x16x256xi32, #tpu.memory_space<hbm>> -> memref<1x1x256xi32, #tpu.memory_space<hbm>>
      %dma_wait3A_156 = tpu.memref_squeeze %dma_wait3A_155 : memref<1x1x256xi32, #tpu.memory_space<hbm>> -> memref<256xi32, #tpu.memory_space<hbm>>
      tpu.wait_dma2 semaphore(%run_scoped3A_144 : memref<!tpu.dma_semaphore, #tpu.memory_space<semaphore_mem>>) src(%dma_wait3A_156 : memref<256xi32, #tpu.memory_space<hbm>>) dst(%arg5 : memref<256xi32, #tpu.memory_space<vmem>>)
      tpu.yield
    }) : () -> ()
    %dma_start3A_109 = arith.constant 0 : i32
    %dma_start3A_110 = arith.constant 0 : i32
    %dma_start3A_111 = tpu.memref_slice %arg2[%dma_start3A_109, %dma_start3A_110] : memref<8192x256xf32, #tpu.memory_space<hbm>> -> memref<8192x256xf32, #tpu.memory_space<hbm>>
    tpu.enqueue_indirect_dma source(%dma_start3A_111 : memref<8192x256xf32, #tpu.memory_space<hbm>>) target(%arg6 : memref<256x256xf32, #tpu.memory_space<vmem>>) offsets(%arg5 : memref<256xi32, #tpu.memory_space<vmem>>) semaphore(%arg7 : memref<!tpu.dma_semaphore, #tpu.memory_space<semaphore_mem>>)
    %dma_wait3A_112 = arith.constant 0 : i32
    %dma_wait3A_113 = arith.constant 0 : i32
    %dma_wait3A_114 = tpu.memref_slice %arg2[%dma_wait3A_112, %dma_wait3A_113] : memref<8192x256xf32, #tpu.memory_space<hbm>> -> memref<8192x256xf32, #tpu.memory_space<hbm>>
    tpu.wait_indirect_dma semaphore(%arg7 : memref<!tpu.dma_semaphore, #tpu.memory_space<semaphore_mem>>) src(%dma_wait3A_114 : memref<8192x256xf32, #tpu.memory_space<hbm>>) dst(%arg6 : memref<256x256xf32, #tpu.memory_space<vmem>>)
    %add3A_115 = arith.constant 3072 : i32
    %add3A_116 = arith.addi %mul3A_2, %add3A_115 : i32
    "tpu.region"() ({
      %run_scoped3A_144 = tpu.sem_alloc : memref<!tpu.dma_semaphore, #tpu.memory_space<semaphore_mem>>
      %dma_start3A_145 = arith.constant 0 : i32
      %dma_start3A_146 = tpu.memref_slice %arg4[%add3A_116, %dma_start3A_145] : memref<131072x256xf32, #tpu.memory_space<hbm>> -> memref<256x256xf32, #tpu.memory_space<hbm>>
      %dma_start3A_147 = arith.constant 0 : i32
      %dma_start3A_148 = tpu.memref_slice %arg4[%add3A_116, %dma_start3A_147] : memref<131072x256xf32, #tpu.memory_space<hbm>> -> memref<256x256xf32, #tpu.memory_space<hbm>>
      tpu.enqueue_dma source(%arg6 : memref<256x256xf32, #tpu.memory_space<vmem>>) target(%dma_start3A_148 : memref<256x256xf32, #tpu.memory_space<hbm>>) target_semaphore(%run_scoped3A_144 : memref<!tpu.dma_semaphore, #tpu.memory_space<semaphore_mem>>)
      %dma_wait3A_149 = arith.constant 0 : i32
      %dma_wait3A_150 = tpu.memref_slice %arg4[%add3A_116, %dma_wait3A_149] : memref<131072x256xf32, #tpu.memory_space<hbm>> -> memref<256x256xf32, #tpu.memory_space<hbm>>
      %dma_wait3A_151 = arith.constant 0 : i32
      %dma_wait3A_152 = tpu.memref_slice %arg4[%add3A_116, %dma_wait3A_151] : memref<131072x256xf32, #tpu.memory_space<hbm>> -> memref<256x256xf32, #tpu.memory_space<hbm>>
      tpu.wait_dma2 semaphore(%run_scoped3A_144 : memref<!tpu.dma_semaphore, #tpu.memory_space<semaphore_mem>>) src(%arg6 : memref<256x256xf32, #tpu.memory_space<vmem>>) dst(%dma_wait3A_152 : memref<256x256xf32, #tpu.memory_space<hbm>>)
      tpu.yield
    }) : () -> ()
    %run_scoped3A_117 = arith.constant 13 : i32
    "tpu.region"() ({
      %run_scoped3A_144 = tpu.sem_alloc : memref<!tpu.dma_semaphore, #tpu.memory_space<semaphore_mem>>
      %dma_start3A_145 = arith.constant 0 : i32
      %dma_start3A_146 = tpu.memref_slice %arg3[%add3A, %run_scoped3A_117, %dma_start3A_145] : memref<32x16x256xi32, #tpu.memory_space<hbm>> -> memref<1x1x256xi32, #tpu.memory_space<hbm>>
      %dma_start3A_147 = tpu.memref_squeeze %dma_start3A_146 : memref<1x1x256xi32, #tpu.memory_space<hbm>> -> memref<256xi32, #tpu.memory_space<hbm>>
      %dma_start3A_148 = arith.constant 0 : i32
      %dma_start3A_149 = tpu.memref_slice %arg3[%add3A, %run_scoped3A_117, %dma_start3A_148] : memref<32x16x256xi32, #tpu.memory_space<hbm>> -> memref<1x1x256xi32, #tpu.memory_space<hbm>>
      %dma_start3A_150 = tpu.memref_squeeze %dma_start3A_149 : memref<1x1x256xi32, #tpu.memory_space<hbm>> -> memref<256xi32, #tpu.memory_space<hbm>>
      tpu.enqueue_dma source(%dma_start3A_150 : memref<256xi32, #tpu.memory_space<hbm>>) target(%arg5 : memref<256xi32, #tpu.memory_space<vmem>>) target_semaphore(%run_scoped3A_144 : memref<!tpu.dma_semaphore, #tpu.memory_space<semaphore_mem>>)
      %dma_wait3A_151 = arith.constant 0 : i32
      %dma_wait3A_152 = tpu.memref_slice %arg3[%add3A, %run_scoped3A_117, %dma_wait3A_151] : memref<32x16x256xi32, #tpu.memory_space<hbm>> -> memref<1x1x256xi32, #tpu.memory_space<hbm>>
      %dma_wait3A_153 = tpu.memref_squeeze %dma_wait3A_152 : memref<1x1x256xi32, #tpu.memory_space<hbm>> -> memref<256xi32, #tpu.memory_space<hbm>>
      %dma_wait3A_154 = arith.constant 0 : i32
      %dma_wait3A_155 = tpu.memref_slice %arg3[%add3A, %run_scoped3A_117, %dma_wait3A_154] : memref<32x16x256xi32, #tpu.memory_space<hbm>> -> memref<1x1x256xi32, #tpu.memory_space<hbm>>
      %dma_wait3A_156 = tpu.memref_squeeze %dma_wait3A_155 : memref<1x1x256xi32, #tpu.memory_space<hbm>> -> memref<256xi32, #tpu.memory_space<hbm>>
      tpu.wait_dma2 semaphore(%run_scoped3A_144 : memref<!tpu.dma_semaphore, #tpu.memory_space<semaphore_mem>>) src(%dma_wait3A_156 : memref<256xi32, #tpu.memory_space<hbm>>) dst(%arg5 : memref<256xi32, #tpu.memory_space<vmem>>)
      tpu.yield
    }) : () -> ()
    %dma_start3A_118 = arith.constant 0 : i32
    %dma_start3A_119 = arith.constant 0 : i32
    %dma_start3A_120 = tpu.memref_slice %arg2[%dma_start3A_118, %dma_start3A_119] : memref<8192x256xf32, #tpu.memory_space<hbm>> -> memref<8192x256xf32, #tpu.memory_space<hbm>>
    tpu.enqueue_indirect_dma source(%dma_start3A_120 : memref<8192x256xf32, #tpu.memory_space<hbm>>) target(%arg6 : memref<256x256xf32, #tpu.memory_space<vmem>>) offsets(%arg5 : memref<256xi32, #tpu.memory_space<vmem>>) semaphore(%arg7 : memref<!tpu.dma_semaphore, #tpu.memory_space<semaphore_mem>>)
    %dma_wait3A_121 = arith.constant 0 : i32
    %dma_wait3A_122 = arith.constant 0 : i32
    %dma_wait3A_123 = tpu.memref_slice %arg2[%dma_wait3A_121, %dma_wait3A_122] : memref<8192x256xf32, #tpu.memory_space<hbm>> -> memref<8192x256xf32, #tpu.memory_space<hbm>>
    tpu.wait_indirect_dma semaphore(%arg7 : memref<!tpu.dma_semaphore, #tpu.memory_space<semaphore_mem>>) src(%dma_wait3A_123 : memref<8192x256xf32, #tpu.memory_space<hbm>>) dst(%arg6 : memref<256x256xf32, #tpu.memory_space<vmem>>)
    %add3A_124 = arith.constant 3328 : i32
    %add3A_125 = arith.addi %mul3A_2, %add3A_124 : i32
    "tpu.region"() ({
      %run_scoped3A_144 = tpu.sem_alloc : memref<!tpu.dma_semaphore, #tpu.memory_space<semaphore_mem>>
      %dma_start3A_145 = arith.constant 0 : i32
      %dma_start3A_146 = tpu.memref_slice %arg4[%add3A_125, %dma_start3A_145] : memref<131072x256xf32, #tpu.memory_space<hbm>> -> memref<256x256xf32, #tpu.memory_space<hbm>>
      %dma_start3A_147 = arith.constant 0 : i32
      %dma_start3A_148 = tpu.memref_slice %arg4[%add3A_125, %dma_start3A_147] : memref<131072x256xf32, #tpu.memory_space<hbm>> -> memref<256x256xf32, #tpu.memory_space<hbm>>
      tpu.enqueue_dma source(%arg6 : memref<256x256xf32, #tpu.memory_space<vmem>>) target(%dma_start3A_148 : memref<256x256xf32, #tpu.memory_space<hbm>>) target_semaphore(%run_scoped3A_144 : memref<!tpu.dma_semaphore, #tpu.memory_space<semaphore_mem>>)
      %dma_wait3A_149 = arith.constant 0 : i32
      %dma_wait3A_150 = tpu.memref_slice %arg4[%add3A_125, %dma_wait3A_149] : memref<131072x256xf32, #tpu.memory_space<hbm>> -> memref<256x256xf32, #tpu.memory_space<hbm>>
      %dma_wait3A_151 = arith.constant 0 : i32
      %dma_wait3A_152 = tpu.memref_slice %arg4[%add3A_125, %dma_wait3A_151] : memref<131072x256xf32, #tpu.memory_space<hbm>> -> memref<256x256xf32, #tpu.memory_space<hbm>>
      tpu.wait_dma2 semaphore(%run_scoped3A_144 : memref<!tpu.dma_semaphore, #tpu.memory_space<semaphore_mem>>) src(%arg6 : memref<256x256xf32, #tpu.memory_space<vmem>>) dst(%dma_wait3A_152 : memref<256x256xf32, #tpu.memory_space<hbm>>)
      tpu.yield
    }) : () -> ()
    %run_scoped3A_126 = arith.constant 14 : i32
    "tpu.region"() ({
      %run_scoped3A_144 = tpu.sem_alloc : memref<!tpu.dma_semaphore, #tpu.memory_space<semaphore_mem>>
      %dma_start3A_145 = arith.constant 0 : i32
      %dma_start3A_146 = tpu.memref_slice %arg3[%add3A, %run_scoped3A_126, %dma_start3A_145] : memref<32x16x256xi32, #tpu.memory_space<hbm>> -> memref<1x1x256xi32, #tpu.memory_space<hbm>>
      %dma_start3A_147 = tpu.memref_squeeze %dma_start3A_146 : memref<1x1x256xi32, #tpu.memory_space<hbm>> -> memref<256xi32, #tpu.memory_space<hbm>>
      %dma_start3A_148 = arith.constant 0 : i32
      %dma_start3A_149 = tpu.memref_slice %arg3[%add3A, %run_scoped3A_126, %dma_start3A_148] : memref<32x16x256xi32, #tpu.memory_space<hbm>> -> memref<1x1x256xi32, #tpu.memory_space<hbm>>
      %dma_start3A_150 = tpu.memref_squeeze %dma_start3A_149 : memref<1x1x256xi32, #tpu.memory_space<hbm>> -> memref<256xi32, #tpu.memory_space<hbm>>
      tpu.enqueue_dma source(%dma_start3A_150 : memref<256xi32, #tpu.memory_space<hbm>>) target(%arg5 : memref<256xi32, #tpu.memory_space<vmem>>) target_semaphore(%run_scoped3A_144 : memref<!tpu.dma_semaphore, #tpu.memory_space<semaphore_mem>>)
      %dma_wait3A_151 = arith.constant 0 : i32
      %dma_wait3A_152 = tpu.memref_slice %arg3[%add3A, %run_scoped3A_126, %dma_wait3A_151] : memref<32x16x256xi32, #tpu.memory_space<hbm>> -> memref<1x1x256xi32, #tpu.memory_space<hbm>>
      %dma_wait3A_153 = tpu.memref_squeeze %dma_wait3A_152 : memref<1x1x256xi32, #tpu.memory_space<hbm>> -> memref<256xi32, #tpu.memory_space<hbm>>
      %dma_wait3A_154 = arith.constant 0 : i32
      %dma_wait3A_155 = tpu.memref_slice %arg3[%add3A, %run_scoped3A_126, %dma_wait3A_154] : memref<32x16x256xi32, #tpu.memory_space<hbm>> -> memref<1x1x256xi32, #tpu.memory_space<hbm>>
      %dma_wait3A_156 = tpu.memref_squeeze %dma_wait3A_155 : memref<1x1x256xi32, #tpu.memory_space<hbm>> -> memref<256xi32, #tpu.memory_space<hbm>>
      tpu.wait_dma2 semaphore(%run_scoped3A_144 : memref<!tpu.dma_semaphore, #tpu.memory_space<semaphore_mem>>) src(%dma_wait3A_156 : memref<256xi32, #tpu.memory_space<hbm>>) dst(%arg5 : memref<256xi32, #tpu.memory_space<vmem>>)
      tpu.yield
    }) : () -> ()
    %dma_start3A_127 = arith.constant 0 : i32
    %dma_start3A_128 = arith.constant 0 : i32
    %dma_start3A_129 = tpu.memref_slice %arg2[%dma_start3A_127, %dma_start3A_128] : memref<8192x256xf32, #tpu.memory_space<hbm>> -> memref<8192x256xf32, #tpu.memory_space<hbm>>
    tpu.enqueue_indirect_dma source(%dma_start3A_129 : memref<8192x256xf32, #tpu.memory_space<hbm>>) target(%arg6 : memref<256x256xf32, #tpu.memory_space<vmem>>) offsets(%arg5 : memref<256xi32, #tpu.memory_space<vmem>>) semaphore(%arg7 : memref<!tpu.dma_semaphore, #tpu.memory_space<semaphore_mem>>)
    %dma_wait3A_130 = arith.constant 0 : i32
    %dma_wait3A_131 = arith.constant 0 : i32
    %dma_wait3A_132 = tpu.memref_slice %arg2[%dma_wait3A_130, %dma_wait3A_131] : memref<8192x256xf32, #tpu.memory_space<hbm>> -> memref<8192x256xf32, #tpu.memory_space<hbm>>
    tpu.wait_indirect_dma semaphore(%arg7 : memref<!tpu.dma_semaphore, #tpu.memory_space<semaphore_mem>>) src(%dma_wait3A_132 : memref<8192x256xf32, #tpu.memory_space<hbm>>) dst(%arg6 : memref<256x256xf32, #tpu.memory_space<vmem>>)
    %add3A_133 = arith.constant 3584 : i32
    %add3A_134 = arith.addi %mul3A_2, %add3A_133 : i32
    "tpu.region"() ({
      %run_scoped3A_144 = tpu.sem_alloc : memref<!tpu.dma_semaphore, #tpu.memory_space<semaphore_mem>>
      %dma_start3A_145 = arith.constant 0 : i32
      %dma_start3A_146 = tpu.memref_slice %arg4[%add3A_134, %dma_start3A_145] : memref<131072x256xf32, #tpu.memory_space<hbm>> -> memref<256x256xf32, #tpu.memory_space<hbm>>
      %dma_start3A_147 = arith.constant 0 : i32
      %dma_start3A_148 = tpu.memref_slice %arg4[%add3A_134, %dma_start3A_147] : memref<131072x256xf32, #tpu.memory_space<hbm>> -> memref<256x256xf32, #tpu.memory_space<hbm>>
      tpu.enqueue_dma source(%arg6 : memref<256x256xf32, #tpu.memory_space<vmem>>) target(%dma_start3A_148 : memref<256x256xf32, #tpu.memory_space<hbm>>) target_semaphore(%run_scoped3A_144 : memref<!tpu.dma_semaphore, #tpu.memory_space<semaphore_mem>>)
      %dma_wait3A_149 = arith.constant 0 : i32
      %dma_wait3A_150 = tpu.memref_slice %arg4[%add3A_134, %dma_wait3A_149] : memref<131072x256xf32, #tpu.memory_space<hbm>> -> memref<256x256xf32, #tpu.memory_space<hbm>>
      %dma_wait3A_151 = arith.constant 0 : i32
      %dma_wait3A_152 = tpu.memref_slice %arg4[%add3A_134, %dma_wait3A_151] : memref<131072x256xf32, #tpu.memory_space<hbm>> -> memref<256x256xf32, #tpu.memory_space<hbm>>
      tpu.wait_dma2 semaphore(%run_scoped3A_144 : memref<!tpu.dma_semaphore, #tpu.memory_space<semaphore_mem>>) src(%arg6 : memref<256x256xf32, #tpu.memory_space<vmem>>) dst(%dma_wait3A_152 : memref<256x256xf32, #tpu.memory_space<hbm>>)
      tpu.yield
    }) : () -> ()
    %run_scoped3A_135 = arith.constant 15 : i32
    "tpu.region"() ({
      %run_scoped3A_144 = tpu.sem_alloc : memref<!tpu.dma_semaphore, #tpu.memory_space<semaphore_mem>>
      %dma_start3A_145 = arith.constant 0 : i32
      %dma_start3A_146 = tpu.memref_slice %arg3[%add3A, %run_scoped3A_135, %dma_start3A_145] : memref<32x16x256xi32, #tpu.memory_space<hbm>> -> memref<1x1x256xi32, #tpu.memory_space<hbm>>
      %dma_start3A_147 = tpu.memref_squeeze %dma_start3A_146 : memref<1x1x256xi32, #tpu.memory_space<hbm>> -> memref<256xi32, #tpu.memory_space<hbm>>
      %dma_start3A_148 = arith.constant 0 : i32
      %dma_start3A_149 = tpu.memref_slice %arg3[%add3A, %run_scoped3A_135, %dma_start3A_148] : memref<32x16x256xi32, #tpu.memory_space<hbm>> -> memref<1x1x256xi32, #tpu.memory_space<hbm>>
      %dma_start3A_150 = tpu.memref_squeeze %dma_start3A_149 : memref<1x1x256xi32, #tpu.memory_space<hbm>> -> memref<256xi32, #tpu.memory_space<hbm>>
      tpu.enqueue_dma source(%dma_start3A_150 : memref<256xi32, #tpu.memory_space<hbm>>) target(%arg5 : memref<256xi32, #tpu.memory_space<vmem>>) target_semaphore(%run_scoped3A_144 : memref<!tpu.dma_semaphore, #tpu.memory_space<semaphore_mem>>)
      %dma_wait3A_151 = arith.constant 0 : i32
      %dma_wait3A_152 = tpu.memref_slice %arg3[%add3A, %run_scoped3A_135, %dma_wait3A_151] : memref<32x16x256xi32, #tpu.memory_space<hbm>> -> memref<1x1x256xi32, #tpu.memory_space<hbm>>
      %dma_wait3A_153 = tpu.memref_squeeze %dma_wait3A_152 : memref<1x1x256xi32, #tpu.memory_space<hbm>> -> memref<256xi32, #tpu.memory_space<hbm>>
      %dma_wait3A_154 = arith.constant 0 : i32
      %dma_wait3A_155 = tpu.memref_slice %arg3[%add3A, %run_scoped3A_135, %dma_wait3A_154] : memref<32x16x256xi32, #tpu.memory_space<hbm>> -> memref<1x1x256xi32, #tpu.memory_space<hbm>>
      %dma_wait3A_156 = tpu.memref_squeeze %dma_wait3A_155 : memref<1x1x256xi32, #tpu.memory_space<hbm>> -> memref<256xi32, #tpu.memory_space<hbm>>
      tpu.wait_dma2 semaphore(%run_scoped3A_144 : memref<!tpu.dma_semaphore, #tpu.memory_space<semaphore_mem>>) src(%dma_wait3A_156 : memref<256xi32, #tpu.memory_space<hbm>>) dst(%arg5 : memref<256xi32, #tpu.memory_space<vmem>>)
      tpu.yield
    }) : () -> ()
    %dma_start3A_136 = arith.constant 0 : i32
    %dma_start3A_137 = arith.constant 0 : i32
    %dma_start3A_138 = tpu.memref_slice %arg2[%dma_start3A_136, %dma_start3A_137] : memref<8192x256xf32, #tpu.memory_space<hbm>> -> memref<8192x256xf32, #tpu.memory_space<hbm>>
    tpu.enqueue_indirect_dma source(%dma_start3A_138 : memref<8192x256xf32, #tpu.memory_space<hbm>>) target(%arg6 : memref<256x256xf32, #tpu.memory_space<vmem>>) offsets(%arg5 : memref<256xi32, #tpu.memory_space<vmem>>) semaphore(%arg7 : memref<!tpu.dma_semaphore, #tpu.memory_space<semaphore_mem>>)
    %dma_wait3A_139 = arith.constant 0 : i32
    %dma_wait3A_140 = arith.constant 0 : i32
    %dma_wait3A_141 = tpu.memref_slice %arg2[%dma_wait3A_139, %dma_wait3A_140] : memref<8192x256xf32, #tpu.memory_space<hbm>> -> memref<8192x256xf32, #tpu.memory_space<hbm>>
    tpu.wait_indirect_dma semaphore(%arg7 : memref<!tpu.dma_semaphore, #tpu.memory_space<semaphore_mem>>) src(%dma_wait3A_141 : memref<8192x256xf32, #tpu.memory_space<hbm>>) dst(%arg6 : memref<256x256xf32, #tpu.memory_space<vmem>>)
    %add3A_142 = arith.constant 3840 : i32
    %add3A_143 = arith.addi %mul3A_2, %add3A_142 : i32
    "tpu.region"() ({
      %run_scoped3A_144 = tpu.sem_alloc : memref<!tpu.dma_semaphore, #tpu.memory_space<semaphore_mem>>
      %dma_start3A_145 = arith.constant 0 : i32
      %dma_start3A_146 = tpu.memref_slice %arg4[%add3A_143, %dma_start3A_145] : memref<131072x256xf32, #tpu.memory_space<hbm>> -> memref<256x256xf32, #tpu.memory_space<hbm>>
      %dma_start3A_147 = arith.constant 0 : i32
      %dma_start3A_148 = tpu.memref_slice %arg4[%add3A_143, %dma_start3A_147] : memref<131072x256xf32, #tpu.memory_space<hbm>> -> memref<256x256xf32, #tpu.memory_space<hbm>>
      tpu.enqueue_dma source(%arg6 : memref<256x256xf32, #tpu.memory_space<vmem>>) target(%dma_start3A_148 : memref<256x256xf32, #tpu.memory_space<hbm>>) target_semaphore(%run_scoped3A_144 : memref<!tpu.dma_semaphore, #tpu.memory_space<semaphore_mem>>)
      %dma_wait3A_149 = arith.constant 0 : i32
      %dma_wait3A_150 = tpu.memref_slice %arg4[%add3A_143, %dma_wait3A_149] : memref<131072x256xf32, #tpu.memory_space<hbm>> -> memref<256x256xf32, #tpu.memory_space<hbm>>
      %dma_wait3A_151 = arith.constant 0 : i32
      %dma_wait3A_152 = tpu.memref_slice %arg4[%add3A_143, %dma_wait3A_151] : memref<131072x256xf32, #tpu.memory_space<hbm>> -> memref<256x256xf32, #tpu.memory_space<hbm>>
      tpu.wait_dma2 semaphore(%run_scoped3A_144 : memref<!tpu.dma_semaphore, #tpu.memory_space<semaphore_mem>>) src(%arg6 : memref<256x256xf32, #tpu.memory_space<vmem>>) dst(%dma_wait3A_152 : memref<256x256xf32, #tpu.memory_space<hbm>>)
      tpu.yield
    }) : () -> ()
    return
  }
}

module attributes {stable_mosaic.version = 14 : i64} {
  func.func @_knn_body(%arg0: i32, %arg1: memref<128x8xf32, #tpu.memory_space<vmem>>, %arg2: memref<8x8192xf32, #tpu.memory_space<vmem>>, %arg3: memref<128x16xi32, #tpu.memory_space<vmem>>) attributes {dimension_semantics = [#tpu.dimension_semantics<arbitrary>], iteration_bounds = array<i64: 64>, scalar_prefetch = 0 : i64, scratch_operands = 0 : i64, tpu.core_type = #tpu.core_type<tc>, window_params = [{transform_indices = @transform_0, window_bounds = array<i64: 128, 8>}, {pipeline_mode = #tpu.pipeline_mode<synchronous>, transform_indices = @transform_1, window_bounds = array<i64: 8, 8192>}, {transform_indices = @transform_2, window_bounds = array<i64: 128, 16>}]} {
    %get3A = arith.constant 0 : index
    %get3A_0 = arith.constant 0 : index
    %get3A_1 = vector.load %arg1[%get3A, %get3A_0] : memref<128x8xf32, #tpu.memory_space<vmem>>, vector<128x8xf32>
    %get3A_2 = arith.constant 0 : index
    %get3A_3 = arith.constant 0 : index
    %get3A_4 = vector.load %arg2[%get3A_2, %get3A_3] : memref<8x8192xf32, #tpu.memory_space<vmem>>, vector<8x8192xf32>
    %mul3A = arith.mulf %get3A_1, %get3A_1 : vector<128x8xf32>
    %reduce_sum3A = arith.constant dense<0.000000e+00> : vector<128xf32>
    %reduce_sum3A_5 = vector.multi_reduction <add>, %mul3A, %reduce_sum3A [1] : vector<128x8xf32> to vector<128xf32>
    %broadcast_in_dim3A = vector.shape_cast %reduce_sum3A_5 : vector<128xf32> to vector<128x1xf32>
    %mul3A_6 = arith.mulf %get3A_4, %get3A_4 : vector<8x8192xf32>
    %reduce_sum3A_7 = arith.constant dense<0.000000e+00> : vector<8192xf32>
    %reduce_sum3A_8 = vector.multi_reduction <add>, %mul3A_6, %reduce_sum3A_7 [0] : vector<8x8192xf32> to vector<8192xf32>
    %broadcast_in_dim3A_9 = vector.shape_cast %reduce_sum3A_8 : vector<8192xf32> to vector<1x8192xf32>
    %dot_general3A = arith.constant dense<0.000000e+00> : vector<128x8192xf32>
    %dot_general3A_10 = tpu.matmul %get3A_1, %get3A_4, %dot_general3A {dimension_numbers = #tpu.dot_dimension_numbers<[1], [0], [0], [1], [0, 0, 1, 1], [], []>, transpose_lhs_hint = false} : vector<128x8xf32>, vector<8x8192xf32>, vector<128x8192xf32> -> vector<128x8192xf32>
    %mul3A_11 = arith.constant 2.000000e+00 : f32
    %mul3A_12 = vector.broadcast %mul3A_11 : f32 to vector<128x8192xf32>
    %mul3A_13 = arith.mulf %mul3A_12, %dot_general3A_10 : vector<128x8192xf32>
    %sub3A = vector.broadcast %broadcast_in_dim3A : vector<128x1xf32> to vector<128x8192xf32>
    %sub3A_14 = arith.subf %mul3A_13, %sub3A : vector<128x8192xf32>
    %sub3A_15 = vector.broadcast %broadcast_in_dim3A_9 : vector<1x8192xf32> to vector<128x8192xf32>
    %sub3A_16 = arith.subf %sub3A_14, %sub3A_15 : vector<128x8192xf32>
    %iota3A = tpu.iota {dimensions = array<i32: 1>} : vector<128x8192xi32>
    %reduce_max3A = arith.constant dense<0xFF800000> : vector<128xf32>
    %reduce_max3A_17 = vector.multi_reduction <maximumf>, %sub3A_16, %reduce_max3A [1] : vector<128x8192xf32> to vector<128xf32>
    %broadcast_in_dim3A_18 = vector.shape_cast %reduce_max3A_17 : vector<128xf32> to vector<128x1xf32>
    %ge3A = vector.broadcast %broadcast_in_dim3A_18 : vector<128x1xf32> to vector<128x8192xf32>
    %ge3A_19 = arith.cmpf oge, %sub3A_16, %ge3A : vector<128x8192xf32>
    %jit3A = arith.constant 8192 : i32
    %broadcast_in_dim3A_20 = vector.broadcast %jit3A : i32 to vector<128x8192xi32>
    %select_n3A = arith.select %ge3A_19, %iota3A, %broadcast_in_dim3A_20 : vector<128x8192xi1>, vector<128x8192xi32>
    %reduce_min3A = arith.constant dense<2147483647> : vector<128xi32>
    %reduce_min3A_21 = vector.multi_reduction <minsi>, %select_n3A, %reduce_min3A [1] : vector<128x8192xi32> to vector<128xi32>
    %reshape3A = vector.shape_cast %reduce_min3A_21 : vector<128xi32> to vector<128x1xi32>
    %broadcast_in_dim3A_22 = vector.shape_cast %reduce_min3A_21 : vector<128xi32> to vector<128x1xi32>
    %eq3A = vector.broadcast %broadcast_in_dim3A_22 : vector<128x1xi32> to vector<128x8192xi32>
    %eq3A_23 = arith.cmpi eq, %iota3A, %eq3A : vector<128x8192xi32>
    %jit3A_24 = arith.constant 0xFF800000 : f32
    %broadcast_in_dim3A_25 = vector.broadcast %jit3A_24 : f32 to vector<128x8192xf32>
    %select_n3A_26 = arith.select %eq3A_23, %broadcast_in_dim3A_25, %sub3A_16 : vector<128x8192xi1>, vector<128x8192xf32>
    %reduce_max3A_27 = arith.constant dense<0xFF800000> : vector<128xf32>
    %reduce_max3A_28 = vector.multi_reduction <maximumf>, %select_n3A_26, %reduce_max3A_27 [1] : vector<128x8192xf32> to vector<128xf32>
    %broadcast_in_dim3A_29 = vector.shape_cast %reduce_max3A_28 : vector<128xf32> to vector<128x1xf32>
    %ge3A_30 = vector.broadcast %broadcast_in_dim3A_29 : vector<128x1xf32> to vector<128x8192xf32>
    %ge3A_31 = arith.cmpf oge, %select_n3A_26, %ge3A_30 : vector<128x8192xf32>
    %jit3A_32 = arith.constant 8192 : i32
    %broadcast_in_dim3A_33 = vector.broadcast %jit3A_32 : i32 to vector<128x8192xi32>
    %select_n3A_34 = arith.select %ge3A_31, %iota3A, %broadcast_in_dim3A_33 : vector<128x8192xi1>, vector<128x8192xi32>
    %reduce_min3A_35 = arith.constant dense<2147483647> : vector<128xi32>
    %reduce_min3A_36 = vector.multi_reduction <minsi>, %select_n3A_34, %reduce_min3A_35 [1] : vector<128x8192xi32> to vector<128xi32>
    %reshape3A_37 = vector.shape_cast %reduce_min3A_36 : vector<128xi32> to vector<128x1xi32>
    %broadcast_in_dim3A_38 = vector.shape_cast %reduce_min3A_36 : vector<128xi32> to vector<128x1xi32>
    %eq3A_39 = vector.broadcast %broadcast_in_dim3A_38 : vector<128x1xi32> to vector<128x8192xi32>
    %eq3A_40 = arith.cmpi eq, %iota3A, %eq3A_39 : vector<128x8192xi32>
    %jit3A_41 = arith.constant 0xFF800000 : f32
    %broadcast_in_dim3A_42 = vector.broadcast %jit3A_41 : f32 to vector<128x8192xf32>
    %select_n3A_43 = arith.select %eq3A_40, %broadcast_in_dim3A_42, %select_n3A_26 : vector<128x8192xi1>, vector<128x8192xf32>
    %reduce_max3A_44 = arith.constant dense<0xFF800000> : vector<128xf32>
    %reduce_max3A_45 = vector.multi_reduction <maximumf>, %select_n3A_43, %reduce_max3A_44 [1] : vector<128x8192xf32> to vector<128xf32>
    %broadcast_in_dim3A_46 = vector.shape_cast %reduce_max3A_45 : vector<128xf32> to vector<128x1xf32>
    %ge3A_47 = vector.broadcast %broadcast_in_dim3A_46 : vector<128x1xf32> to vector<128x8192xf32>
    %ge3A_48 = arith.cmpf oge, %select_n3A_43, %ge3A_47 : vector<128x8192xf32>
    %jit3A_49 = arith.constant 8192 : i32
    %broadcast_in_dim3A_50 = vector.broadcast %jit3A_49 : i32 to vector<128x8192xi32>
    %select_n3A_51 = arith.select %ge3A_48, %iota3A, %broadcast_in_dim3A_50 : vector<128x8192xi1>, vector<128x8192xi32>
    %reduce_min3A_52 = arith.constant dense<2147483647> : vector<128xi32>
    %reduce_min3A_53 = vector.multi_reduction <minsi>, %select_n3A_51, %reduce_min3A_52 [1] : vector<128x8192xi32> to vector<128xi32>
    %reshape3A_54 = vector.shape_cast %reduce_min3A_53 : vector<128xi32> to vector<128x1xi32>
    %broadcast_in_dim3A_55 = vector.shape_cast %reduce_min3A_53 : vector<128xi32> to vector<128x1xi32>
    %eq3A_56 = vector.broadcast %broadcast_in_dim3A_55 : vector<128x1xi32> to vector<128x8192xi32>
    %eq3A_57 = arith.cmpi eq, %iota3A, %eq3A_56 : vector<128x8192xi32>
    %jit3A_58 = arith.constant 0xFF800000 : f32
    %broadcast_in_dim3A_59 = vector.broadcast %jit3A_58 : f32 to vector<128x8192xf32>
    %select_n3A_60 = arith.select %eq3A_57, %broadcast_in_dim3A_59, %select_n3A_43 : vector<128x8192xi1>, vector<128x8192xf32>
    %reduce_max3A_61 = arith.constant dense<0xFF800000> : vector<128xf32>
    %reduce_max3A_62 = vector.multi_reduction <maximumf>, %select_n3A_60, %reduce_max3A_61 [1] : vector<128x8192xf32> to vector<128xf32>
    %broadcast_in_dim3A_63 = vector.shape_cast %reduce_max3A_62 : vector<128xf32> to vector<128x1xf32>
    %ge3A_64 = vector.broadcast %broadcast_in_dim3A_63 : vector<128x1xf32> to vector<128x8192xf32>
    %ge3A_65 = arith.cmpf oge, %select_n3A_60, %ge3A_64 : vector<128x8192xf32>
    %jit3A_66 = arith.constant 8192 : i32
    %broadcast_in_dim3A_67 = vector.broadcast %jit3A_66 : i32 to vector<128x8192xi32>
    %select_n3A_68 = arith.select %ge3A_65, %iota3A, %broadcast_in_dim3A_67 : vector<128x8192xi1>, vector<128x8192xi32>
    %reduce_min3A_69 = arith.constant dense<2147483647> : vector<128xi32>
    %reduce_min3A_70 = vector.multi_reduction <minsi>, %select_n3A_68, %reduce_min3A_69 [1] : vector<128x8192xi32> to vector<128xi32>
    %reshape3A_71 = vector.shape_cast %reduce_min3A_70 : vector<128xi32> to vector<128x1xi32>
    %broadcast_in_dim3A_72 = vector.shape_cast %reduce_min3A_70 : vector<128xi32> to vector<128x1xi32>
    %eq3A_73 = vector.broadcast %broadcast_in_dim3A_72 : vector<128x1xi32> to vector<128x8192xi32>
    %eq3A_74 = arith.cmpi eq, %iota3A, %eq3A_73 : vector<128x8192xi32>
    %jit3A_75 = arith.constant 0xFF800000 : f32
    %broadcast_in_dim3A_76 = vector.broadcast %jit3A_75 : f32 to vector<128x8192xf32>
    %select_n3A_77 = arith.select %eq3A_74, %broadcast_in_dim3A_76, %select_n3A_60 : vector<128x8192xi1>, vector<128x8192xf32>
    %reduce_max3A_78 = arith.constant dense<0xFF800000> : vector<128xf32>
    %reduce_max3A_79 = vector.multi_reduction <maximumf>, %select_n3A_77, %reduce_max3A_78 [1] : vector<128x8192xf32> to vector<128xf32>
    %broadcast_in_dim3A_80 = vector.shape_cast %reduce_max3A_79 : vector<128xf32> to vector<128x1xf32>
    %ge3A_81 = vector.broadcast %broadcast_in_dim3A_80 : vector<128x1xf32> to vector<128x8192xf32>
    %ge3A_82 = arith.cmpf oge, %select_n3A_77, %ge3A_81 : vector<128x8192xf32>
    %jit3A_83 = arith.constant 8192 : i32
    %broadcast_in_dim3A_84 = vector.broadcast %jit3A_83 : i32 to vector<128x8192xi32>
    %select_n3A_85 = arith.select %ge3A_82, %iota3A, %broadcast_in_dim3A_84 : vector<128x8192xi1>, vector<128x8192xi32>
    %reduce_min3A_86 = arith.constant dense<2147483647> : vector<128xi32>
    %reduce_min3A_87 = vector.multi_reduction <minsi>, %select_n3A_85, %reduce_min3A_86 [1] : vector<128x8192xi32> to vector<128xi32>
    %reshape3A_88 = vector.shape_cast %reduce_min3A_87 : vector<128xi32> to vector<128x1xi32>
    %broadcast_in_dim3A_89 = vector.shape_cast %reduce_min3A_87 : vector<128xi32> to vector<128x1xi32>
    %eq3A_90 = vector.broadcast %broadcast_in_dim3A_89 : vector<128x1xi32> to vector<128x8192xi32>
    %eq3A_91 = arith.cmpi eq, %iota3A, %eq3A_90 : vector<128x8192xi32>
    %jit3A_92 = arith.constant 0xFF800000 : f32
    %broadcast_in_dim3A_93 = vector.broadcast %jit3A_92 : f32 to vector<128x8192xf32>
    %select_n3A_94 = arith.select %eq3A_91, %broadcast_in_dim3A_93, %select_n3A_77 : vector<128x8192xi1>, vector<128x8192xf32>
    %reduce_max3A_95 = arith.constant dense<0xFF800000> : vector<128xf32>
    %reduce_max3A_96 = vector.multi_reduction <maximumf>, %select_n3A_94, %reduce_max3A_95 [1] : vector<128x8192xf32> to vector<128xf32>
    %broadcast_in_dim3A_97 = vector.shape_cast %reduce_max3A_96 : vector<128xf32> to vector<128x1xf32>
    %ge3A_98 = vector.broadcast %broadcast_in_dim3A_97 : vector<128x1xf32> to vector<128x8192xf32>
    %ge3A_99 = arith.cmpf oge, %select_n3A_94, %ge3A_98 : vector<128x8192xf32>
    %jit3A_100 = arith.constant 8192 : i32
    %broadcast_in_dim3A_101 = vector.broadcast %jit3A_100 : i32 to vector<128x8192xi32>
    %select_n3A_102 = arith.select %ge3A_99, %iota3A, %broadcast_in_dim3A_101 : vector<128x8192xi1>, vector<128x8192xi32>
    %reduce_min3A_103 = arith.constant dense<2147483647> : vector<128xi32>
    %reduce_min3A_104 = vector.multi_reduction <minsi>, %select_n3A_102, %reduce_min3A_103 [1] : vector<128x8192xi32> to vector<128xi32>
    %reshape3A_105 = vector.shape_cast %reduce_min3A_104 : vector<128xi32> to vector<128x1xi32>
    %broadcast_in_dim3A_106 = vector.shape_cast %reduce_min3A_104 : vector<128xi32> to vector<128x1xi32>
    %eq3A_107 = vector.broadcast %broadcast_in_dim3A_106 : vector<128x1xi32> to vector<128x8192xi32>
    %eq3A_108 = arith.cmpi eq, %iota3A, %eq3A_107 : vector<128x8192xi32>
    %jit3A_109 = arith.constant 0xFF800000 : f32
    %broadcast_in_dim3A_110 = vector.broadcast %jit3A_109 : f32 to vector<128x8192xf32>
    %select_n3A_111 = arith.select %eq3A_108, %broadcast_in_dim3A_110, %select_n3A_94 : vector<128x8192xi1>, vector<128x8192xf32>
    %reduce_max3A_112 = arith.constant dense<0xFF800000> : vector<128xf32>
    %reduce_max3A_113 = vector.multi_reduction <maximumf>, %select_n3A_111, %reduce_max3A_112 [1] : vector<128x8192xf32> to vector<128xf32>
    %broadcast_in_dim3A_114 = vector.shape_cast %reduce_max3A_113 : vector<128xf32> to vector<128x1xf32>
    %ge3A_115 = vector.broadcast %broadcast_in_dim3A_114 : vector<128x1xf32> to vector<128x8192xf32>
    %ge3A_116 = arith.cmpf oge, %select_n3A_111, %ge3A_115 : vector<128x8192xf32>
    %jit3A_117 = arith.constant 8192 : i32
    %broadcast_in_dim3A_118 = vector.broadcast %jit3A_117 : i32 to vector<128x8192xi32>
    %select_n3A_119 = arith.select %ge3A_116, %iota3A, %broadcast_in_dim3A_118 : vector<128x8192xi1>, vector<128x8192xi32>
    %reduce_min3A_120 = arith.constant dense<2147483647> : vector<128xi32>
    %reduce_min3A_121 = vector.multi_reduction <minsi>, %select_n3A_119, %reduce_min3A_120 [1] : vector<128x8192xi32> to vector<128xi32>
    %reshape3A_122 = vector.shape_cast %reduce_min3A_121 : vector<128xi32> to vector<128x1xi32>
    %broadcast_in_dim3A_123 = vector.shape_cast %reduce_min3A_121 : vector<128xi32> to vector<128x1xi32>
    %eq3A_124 = vector.broadcast %broadcast_in_dim3A_123 : vector<128x1xi32> to vector<128x8192xi32>
    %eq3A_125 = arith.cmpi eq, %iota3A, %eq3A_124 : vector<128x8192xi32>
    %jit3A_126 = arith.constant 0xFF800000 : f32
    %broadcast_in_dim3A_127 = vector.broadcast %jit3A_126 : f32 to vector<128x8192xf32>
    %select_n3A_128 = arith.select %eq3A_125, %broadcast_in_dim3A_127, %select_n3A_111 : vector<128x8192xi1>, vector<128x8192xf32>
    %reduce_max3A_129 = arith.constant dense<0xFF800000> : vector<128xf32>
    %reduce_max3A_130 = vector.multi_reduction <maximumf>, %select_n3A_128, %reduce_max3A_129 [1] : vector<128x8192xf32> to vector<128xf32>
    %broadcast_in_dim3A_131 = vector.shape_cast %reduce_max3A_130 : vector<128xf32> to vector<128x1xf32>
    %ge3A_132 = vector.broadcast %broadcast_in_dim3A_131 : vector<128x1xf32> to vector<128x8192xf32>
    %ge3A_133 = arith.cmpf oge, %select_n3A_128, %ge3A_132 : vector<128x8192xf32>
    %jit3A_134 = arith.constant 8192 : i32
    %broadcast_in_dim3A_135 = vector.broadcast %jit3A_134 : i32 to vector<128x8192xi32>
    %select_n3A_136 = arith.select %ge3A_133, %iota3A, %broadcast_in_dim3A_135 : vector<128x8192xi1>, vector<128x8192xi32>
    %reduce_min3A_137 = arith.constant dense<2147483647> : vector<128xi32>
    %reduce_min3A_138 = vector.multi_reduction <minsi>, %select_n3A_136, %reduce_min3A_137 [1] : vector<128x8192xi32> to vector<128xi32>
    %reshape3A_139 = vector.shape_cast %reduce_min3A_138 : vector<128xi32> to vector<128x1xi32>
    %broadcast_in_dim3A_140 = vector.shape_cast %reduce_min3A_138 : vector<128xi32> to vector<128x1xi32>
    %eq3A_141 = vector.broadcast %broadcast_in_dim3A_140 : vector<128x1xi32> to vector<128x8192xi32>
    %eq3A_142 = arith.cmpi eq, %iota3A, %eq3A_141 : vector<128x8192xi32>
    %jit3A_143 = arith.constant 0xFF800000 : f32
    %broadcast_in_dim3A_144 = vector.broadcast %jit3A_143 : f32 to vector<128x8192xf32>
    %select_n3A_145 = arith.select %eq3A_142, %broadcast_in_dim3A_144, %select_n3A_128 : vector<128x8192xi1>, vector<128x8192xf32>
    %reduce_max3A_146 = arith.constant dense<0xFF800000> : vector<128xf32>
    %reduce_max3A_147 = vector.multi_reduction <maximumf>, %select_n3A_145, %reduce_max3A_146 [1] : vector<128x8192xf32> to vector<128xf32>
    %broadcast_in_dim3A_148 = vector.shape_cast %reduce_max3A_147 : vector<128xf32> to vector<128x1xf32>
    %ge3A_149 = vector.broadcast %broadcast_in_dim3A_148 : vector<128x1xf32> to vector<128x8192xf32>
    %ge3A_150 = arith.cmpf oge, %select_n3A_145, %ge3A_149 : vector<128x8192xf32>
    %jit3A_151 = arith.constant 8192 : i32
    %broadcast_in_dim3A_152 = vector.broadcast %jit3A_151 : i32 to vector<128x8192xi32>
    %select_n3A_153 = arith.select %ge3A_150, %iota3A, %broadcast_in_dim3A_152 : vector<128x8192xi1>, vector<128x8192xi32>
    %reduce_min3A_154 = arith.constant dense<2147483647> : vector<128xi32>
    %reduce_min3A_155 = vector.multi_reduction <minsi>, %select_n3A_153, %reduce_min3A_154 [1] : vector<128x8192xi32> to vector<128xi32>
    %reshape3A_156 = vector.shape_cast %reduce_min3A_155 : vector<128xi32> to vector<128x1xi32>
    %broadcast_in_dim3A_157 = vector.shape_cast %reduce_min3A_155 : vector<128xi32> to vector<128x1xi32>
    %eq3A_158 = vector.broadcast %broadcast_in_dim3A_157 : vector<128x1xi32> to vector<128x8192xi32>
    %eq3A_159 = arith.cmpi eq, %iota3A, %eq3A_158 : vector<128x8192xi32>
    %jit3A_160 = arith.constant 0xFF800000 : f32
    %broadcast_in_dim3A_161 = vector.broadcast %jit3A_160 : f32 to vector<128x8192xf32>
    %select_n3A_162 = arith.select %eq3A_159, %broadcast_in_dim3A_161, %select_n3A_145 : vector<128x8192xi1>, vector<128x8192xf32>
    %reduce_max3A_163 = arith.constant dense<0xFF800000> : vector<128xf32>
    %reduce_max3A_164 = vector.multi_reduction <maximumf>, %select_n3A_162, %reduce_max3A_163 [1] : vector<128x8192xf32> to vector<128xf32>
    %broadcast_in_dim3A_165 = vector.shape_cast %reduce_max3A_164 : vector<128xf32> to vector<128x1xf32>
    %ge3A_166 = vector.broadcast %broadcast_in_dim3A_165 : vector<128x1xf32> to vector<128x8192xf32>
    %ge3A_167 = arith.cmpf oge, %select_n3A_162, %ge3A_166 : vector<128x8192xf32>
    %jit3A_168 = arith.constant 8192 : i32
    %broadcast_in_dim3A_169 = vector.broadcast %jit3A_168 : i32 to vector<128x8192xi32>
    %select_n3A_170 = arith.select %ge3A_167, %iota3A, %broadcast_in_dim3A_169 : vector<128x8192xi1>, vector<128x8192xi32>
    %reduce_min3A_171 = arith.constant dense<2147483647> : vector<128xi32>
    %reduce_min3A_172 = vector.multi_reduction <minsi>, %select_n3A_170, %reduce_min3A_171 [1] : vector<128x8192xi32> to vector<128xi32>
    %reshape3A_173 = vector.shape_cast %reduce_min3A_172 : vector<128xi32> to vector<128x1xi32>
    %broadcast_in_dim3A_174 = vector.shape_cast %reduce_min3A_172 : vector<128xi32> to vector<128x1xi32>
    %eq3A_175 = vector.broadcast %broadcast_in_dim3A_174 : vector<128x1xi32> to vector<128x8192xi32>
    %eq3A_176 = arith.cmpi eq, %iota3A, %eq3A_175 : vector<128x8192xi32>
    %jit3A_177 = arith.constant 0xFF800000 : f32
    %broadcast_in_dim3A_178 = vector.broadcast %jit3A_177 : f32 to vector<128x8192xf32>
    %select_n3A_179 = arith.select %eq3A_176, %broadcast_in_dim3A_178, %select_n3A_162 : vector<128x8192xi1>, vector<128x8192xf32>
    %reduce_max3A_180 = arith.constant dense<0xFF800000> : vector<128xf32>
    %reduce_max3A_181 = vector.multi_reduction <maximumf>, %select_n3A_179, %reduce_max3A_180 [1] : vector<128x8192xf32> to vector<128xf32>
    %broadcast_in_dim3A_182 = vector.shape_cast %reduce_max3A_181 : vector<128xf32> to vector<128x1xf32>
    %ge3A_183 = vector.broadcast %broadcast_in_dim3A_182 : vector<128x1xf32> to vector<128x8192xf32>
    %ge3A_184 = arith.cmpf oge, %select_n3A_179, %ge3A_183 : vector<128x8192xf32>
    %jit3A_185 = arith.constant 8192 : i32
    %broadcast_in_dim3A_186 = vector.broadcast %jit3A_185 : i32 to vector<128x8192xi32>
    %select_n3A_187 = arith.select %ge3A_184, %iota3A, %broadcast_in_dim3A_186 : vector<128x8192xi1>, vector<128x8192xi32>
    %reduce_min3A_188 = arith.constant dense<2147483647> : vector<128xi32>
    %reduce_min3A_189 = vector.multi_reduction <minsi>, %select_n3A_187, %reduce_min3A_188 [1] : vector<128x8192xi32> to vector<128xi32>
    %reshape3A_190 = vector.shape_cast %reduce_min3A_189 : vector<128xi32> to vector<128x1xi32>
    %broadcast_in_dim3A_191 = vector.shape_cast %reduce_min3A_189 : vector<128xi32> to vector<128x1xi32>
    %eq3A_192 = vector.broadcast %broadcast_in_dim3A_191 : vector<128x1xi32> to vector<128x8192xi32>
    %eq3A_193 = arith.cmpi eq, %iota3A, %eq3A_192 : vector<128x8192xi32>
    %jit3A_194 = arith.constant 0xFF800000 : f32
    %broadcast_in_dim3A_195 = vector.broadcast %jit3A_194 : f32 to vector<128x8192xf32>
    %select_n3A_196 = arith.select %eq3A_193, %broadcast_in_dim3A_195, %select_n3A_179 : vector<128x8192xi1>, vector<128x8192xf32>
    %reduce_max3A_197 = arith.constant dense<0xFF800000> : vector<128xf32>
    %reduce_max3A_198 = vector.multi_reduction <maximumf>, %select_n3A_196, %reduce_max3A_197 [1] : vector<128x8192xf32> to vector<128xf32>
    %broadcast_in_dim3A_199 = vector.shape_cast %reduce_max3A_198 : vector<128xf32> to vector<128x1xf32>
    %ge3A_200 = vector.broadcast %broadcast_in_dim3A_199 : vector<128x1xf32> to vector<128x8192xf32>
    %ge3A_201 = arith.cmpf oge, %select_n3A_196, %ge3A_200 : vector<128x8192xf32>
    %jit3A_202 = arith.constant 8192 : i32
    %broadcast_in_dim3A_203 = vector.broadcast %jit3A_202 : i32 to vector<128x8192xi32>
    %select_n3A_204 = arith.select %ge3A_201, %iota3A, %broadcast_in_dim3A_203 : vector<128x8192xi1>, vector<128x8192xi32>
    %reduce_min3A_205 = arith.constant dense<2147483647> : vector<128xi32>
    %reduce_min3A_206 = vector.multi_reduction <minsi>, %select_n3A_204, %reduce_min3A_205 [1] : vector<128x8192xi32> to vector<128xi32>
    %reshape3A_207 = vector.shape_cast %reduce_min3A_206 : vector<128xi32> to vector<128x1xi32>
    %broadcast_in_dim3A_208 = vector.shape_cast %reduce_min3A_206 : vector<128xi32> to vector<128x1xi32>
    %eq3A_209 = vector.broadcast %broadcast_in_dim3A_208 : vector<128x1xi32> to vector<128x8192xi32>
    %eq3A_210 = arith.cmpi eq, %iota3A, %eq3A_209 : vector<128x8192xi32>
    %jit3A_211 = arith.constant 0xFF800000 : f32
    %broadcast_in_dim3A_212 = vector.broadcast %jit3A_211 : f32 to vector<128x8192xf32>
    %select_n3A_213 = arith.select %eq3A_210, %broadcast_in_dim3A_212, %select_n3A_196 : vector<128x8192xi1>, vector<128x8192xf32>
    %reduce_max3A_214 = arith.constant dense<0xFF800000> : vector<128xf32>
    %reduce_max3A_215 = vector.multi_reduction <maximumf>, %select_n3A_213, %reduce_max3A_214 [1] : vector<128x8192xf32> to vector<128xf32>
    %broadcast_in_dim3A_216 = vector.shape_cast %reduce_max3A_215 : vector<128xf32> to vector<128x1xf32>
    %ge3A_217 = vector.broadcast %broadcast_in_dim3A_216 : vector<128x1xf32> to vector<128x8192xf32>
    %ge3A_218 = arith.cmpf oge, %select_n3A_213, %ge3A_217 : vector<128x8192xf32>
    %jit3A_219 = arith.constant 8192 : i32
    %broadcast_in_dim3A_220 = vector.broadcast %jit3A_219 : i32 to vector<128x8192xi32>
    %select_n3A_221 = arith.select %ge3A_218, %iota3A, %broadcast_in_dim3A_220 : vector<128x8192xi1>, vector<128x8192xi32>
    %reduce_min3A_222 = arith.constant dense<2147483647> : vector<128xi32>
    %reduce_min3A_223 = vector.multi_reduction <minsi>, %select_n3A_221, %reduce_min3A_222 [1] : vector<128x8192xi32> to vector<128xi32>
    %reshape3A_224 = vector.shape_cast %reduce_min3A_223 : vector<128xi32> to vector<128x1xi32>
    %broadcast_in_dim3A_225 = vector.shape_cast %reduce_min3A_223 : vector<128xi32> to vector<128x1xi32>
    %eq3A_226 = vector.broadcast %broadcast_in_dim3A_225 : vector<128x1xi32> to vector<128x8192xi32>
    %eq3A_227 = arith.cmpi eq, %iota3A, %eq3A_226 : vector<128x8192xi32>
    %jit3A_228 = arith.constant 0xFF800000 : f32
    %broadcast_in_dim3A_229 = vector.broadcast %jit3A_228 : f32 to vector<128x8192xf32>
    %select_n3A_230 = arith.select %eq3A_227, %broadcast_in_dim3A_229, %select_n3A_213 : vector<128x8192xi1>, vector<128x8192xf32>
    %reduce_max3A_231 = arith.constant dense<0xFF800000> : vector<128xf32>
    %reduce_max3A_232 = vector.multi_reduction <maximumf>, %select_n3A_230, %reduce_max3A_231 [1] : vector<128x8192xf32> to vector<128xf32>
    %broadcast_in_dim3A_233 = vector.shape_cast %reduce_max3A_232 : vector<128xf32> to vector<128x1xf32>
    %ge3A_234 = vector.broadcast %broadcast_in_dim3A_233 : vector<128x1xf32> to vector<128x8192xf32>
    %ge3A_235 = arith.cmpf oge, %select_n3A_230, %ge3A_234 : vector<128x8192xf32>
    %jit3A_236 = arith.constant 8192 : i32
    %broadcast_in_dim3A_237 = vector.broadcast %jit3A_236 : i32 to vector<128x8192xi32>
    %select_n3A_238 = arith.select %ge3A_235, %iota3A, %broadcast_in_dim3A_237 : vector<128x8192xi1>, vector<128x8192xi32>
    %reduce_min3A_239 = arith.constant dense<2147483647> : vector<128xi32>
    %reduce_min3A_240 = vector.multi_reduction <minsi>, %select_n3A_238, %reduce_min3A_239 [1] : vector<128x8192xi32> to vector<128xi32>
    %reshape3A_241 = vector.shape_cast %reduce_min3A_240 : vector<128xi32> to vector<128x1xi32>
    %broadcast_in_dim3A_242 = vector.shape_cast %reduce_min3A_240 : vector<128xi32> to vector<128x1xi32>
    %eq3A_243 = vector.broadcast %broadcast_in_dim3A_242 : vector<128x1xi32> to vector<128x8192xi32>
    %eq3A_244 = arith.cmpi eq, %iota3A, %eq3A_243 : vector<128x8192xi32>
    %jit3A_245 = arith.constant 0xFF800000 : f32
    %broadcast_in_dim3A_246 = vector.broadcast %jit3A_245 : f32 to vector<128x8192xf32>
    %select_n3A_247 = arith.select %eq3A_244, %broadcast_in_dim3A_246, %select_n3A_230 : vector<128x8192xi1>, vector<128x8192xf32>
    %reduce_max3A_248 = arith.constant dense<0xFF800000> : vector<128xf32>
    %reduce_max3A_249 = vector.multi_reduction <maximumf>, %select_n3A_247, %reduce_max3A_248 [1] : vector<128x8192xf32> to vector<128xf32>
    %broadcast_in_dim3A_250 = vector.shape_cast %reduce_max3A_249 : vector<128xf32> to vector<128x1xf32>
    %ge3A_251 = vector.broadcast %broadcast_in_dim3A_250 : vector<128x1xf32> to vector<128x8192xf32>
    %ge3A_252 = arith.cmpf oge, %select_n3A_247, %ge3A_251 : vector<128x8192xf32>
    %jit3A_253 = arith.constant 8192 : i32
    %broadcast_in_dim3A_254 = vector.broadcast %jit3A_253 : i32 to vector<128x8192xi32>
    %select_n3A_255 = arith.select %ge3A_252, %iota3A, %broadcast_in_dim3A_254 : vector<128x8192xi1>, vector<128x8192xi32>
    %reduce_min3A_256 = arith.constant dense<2147483647> : vector<128xi32>
    %reduce_min3A_257 = vector.multi_reduction <minsi>, %select_n3A_255, %reduce_min3A_256 [1] : vector<128x8192xi32> to vector<128xi32>
    %reshape3A_258 = vector.shape_cast %reduce_min3A_257 : vector<128xi32> to vector<128x1xi32>
    %broadcast_in_dim3A_259 = vector.shape_cast %reduce_min3A_257 : vector<128xi32> to vector<128x1xi32>
    %eq3A_260 = vector.broadcast %broadcast_in_dim3A_259 : vector<128x1xi32> to vector<128x8192xi32>
    %eq3A_261 = arith.cmpi eq, %iota3A, %eq3A_260 : vector<128x8192xi32>
    %jit3A_262 = arith.constant 0xFF800000 : f32
    %broadcast_in_dim3A_263 = vector.broadcast %jit3A_262 : f32 to vector<128x8192xf32>
    %select_n3A_264 = arith.select %eq3A_261, %broadcast_in_dim3A_263, %select_n3A_247 : vector<128x8192xi1>, vector<128x8192xf32>
    %reduce_max3A_265 = arith.constant dense<0xFF800000> : vector<128xf32>
    %reduce_max3A_266 = vector.multi_reduction <maximumf>, %select_n3A_264, %reduce_max3A_265 [1] : vector<128x8192xf32> to vector<128xf32>
    %broadcast_in_dim3A_267 = vector.shape_cast %reduce_max3A_266 : vector<128xf32> to vector<128x1xf32>
    %ge3A_268 = vector.broadcast %broadcast_in_dim3A_267 : vector<128x1xf32> to vector<128x8192xf32>
    %ge3A_269 = arith.cmpf oge, %select_n3A_264, %ge3A_268 : vector<128x8192xf32>
    %jit3A_270 = arith.constant 8192 : i32
    %broadcast_in_dim3A_271 = vector.broadcast %jit3A_270 : i32 to vector<128x8192xi32>
    %select_n3A_272 = arith.select %ge3A_269, %iota3A, %broadcast_in_dim3A_271 : vector<128x8192xi1>, vector<128x8192xi32>
    %reduce_min3A_273 = arith.constant dense<2147483647> : vector<128xi32>
    %reduce_min3A_274 = vector.multi_reduction <minsi>, %select_n3A_272, %reduce_min3A_273 [1] : vector<128x8192xi32> to vector<128xi32>
    %reshape3A_275 = vector.shape_cast %reduce_min3A_274 : vector<128xi32> to vector<128x1xi32>
    %concatenate3A = tpu.concatenate %reshape3A, %reshape3A_37, %reshape3A_54, %reshape3A_71, %reshape3A_88, %reshape3A_105, %reshape3A_122, %reshape3A_139, %reshape3A_156, %reshape3A_173, %reshape3A_190, %reshape3A_207, %reshape3A_224, %reshape3A_241, %reshape3A_258, %reshape3A_275 in 1 : vector<128x1xi32>, vector<128x1xi32>, vector<128x1xi32>, vector<128x1xi32>, vector<128x1xi32>, vector<128x1xi32>, vector<128x1xi32>, vector<128x1xi32>, vector<128x1xi32>, vector<128x1xi32>, vector<128x1xi32>, vector<128x1xi32>, vector<128x1xi32>, vector<128x1xi32>, vector<128x1xi32>, vector<128x1xi32> -> vector<128x16xi32>
    %swap3A = arith.constant 0 : index
    %swap3A_276 = arith.constant 0 : index
    %swap3A_277 = vector.load %arg3[%swap3A, %swap3A_276] : memref<128x16xi32, #tpu.memory_space<vmem>>, vector<128x16xi32>
    tpu.vector_store %arg3[%swap3A, %swap3A_276], %concatenate3A {strides = array<i32>} : memref<128x16xi32, #tpu.memory_space<vmem>>, vector<128x16xi32>,
    return
  }
  func.func @transform_0(%arg0: i32) -> (i32, i32) {
    %c0_i32 = arith.constant 0 : i32
    %c0_i32_0 = arith.constant 0 : i32
    return %arg0, %c0_i32 : i32, i32
  }
  func.func @transform_1(%arg0: i32) -> (i32, i32) {
    %c0_i32 = arith.constant 0 : i32
    %c0_i32_0 = arith.constant 0 : i32
    %c0_i32_1 = arith.constant 0 : i32
    return %c0_i32, %c0_i32_0 : i32, i32
  }
  func.func @transform_2(%arg0: i32) -> (i32, i32) {
    %c0_i32 = arith.constant 0 : i32
    %c0_i32_0 = arith.constant 0 : i32
    return %arg0, %c0_i32 : i32, i32
  }
}

module attributes {stable_mosaic.version = 14 : i64} {
  func.func @_pre_body(%arg0: i32, %arg1: memref<1024x8xf32, #tpu.memory_space<vmem>>, %arg2: memref<1024x8xf32, #tpu.memory_space<vmem>>, %arg3: memref<1024x256xf32, #tpu.memory_space<vmem>>, %arg4: memref<8x256xf32, #tpu.memory_space<vmem>>, %arg5: memref<256x256xf32, #tpu.memory_space<vmem>>, %arg6: memref<1024x256xf32, #tpu.memory_space<vmem>>, %arg7: memref<1024x256xf32, #tpu.memory_space<vmem>>) attributes {dimension_semantics = [#tpu.dimension_semantics<arbitrary>], iteration_bounds = array<i64: 8>, scalar_prefetch = 0 : i64, scratch_operands = 0 : i64, tpu.core_type = #tpu.core_type<tc>, window_params = [{transform_indices = @transform_0, window_bounds = array<i64: 1024, 8>}, {transform_indices = @transform_1, window_bounds = array<i64: 1024, 8>}, {transform_indices = @transform_2, window_bounds = array<i64: 1024, 256>}, {pipeline_mode = #tpu.pipeline_mode<synchronous>, transform_indices = @transform_3, window_bounds = array<i64: 8, 256>}, {pipeline_mode = #tpu.pipeline_mode<synchronous>, transform_indices = @transform_4, window_bounds = array<i64: 256, 256>}, {transform_indices = @transform_5, window_bounds = array<i64: 1024, 256>}, {transform_indices = @transform_6, window_bounds = array<i64: 1024, 256>}]} {
    %get3A = arith.constant 0 : index
    %get3A_0 = arith.constant 0 : index
    %get3A_1 = vector.load %arg4[%get3A, %get3A_0] : memref<8x256xf32, #tpu.memory_space<vmem>>, vector<8x256xf32>
    %get3A_2 = arith.constant 0 : index
    %get3A_3 = arith.constant 0 : index
    %get3A_4 = vector.load %arg2[%get3A_2, %get3A_3] : memref<1024x8xf32, #tpu.memory_space<vmem>>, vector<1024x8xf32>
    %dot_general3A = arith.constant dense<0.000000e+00> : vector<1024x256xf32>
    %dot_general3A_5 = tpu.matmul %get3A_4, %get3A_1, %dot_general3A {dimension_numbers = #tpu.dot_dimension_numbers<[1], [0], [0], [1], [0, 0, 1, 1], [], []>, transpose_lhs_hint = false} : vector<1024x8xf32>, vector<8x256xf32>, vector<1024x256xf32> -> vector<1024x256xf32>
    %get3A_6 = arith.constant 0 : index
    %get3A_7 = arith.constant 0 : index
    %get3A_8 = vector.load %arg3[%get3A_6, %get3A_7] : memref<1024x256xf32, #tpu.memory_space<vmem>>, vector<1024x256xf32>
    %get3A_9 = arith.constant 0 : index
    %get3A_10 = arith.constant 0 : index
    %get3A_11 = vector.load %arg5[%get3A_9, %get3A_10] : memref<256x256xf32, #tpu.memory_space<vmem>>, vector<256x256xf32>
    %dot_general3A_12 = arith.constant dense<0.000000e+00> : vector<1024x256xf32>
    %dot_general3A_13 = tpu.matmul %get3A_8, %get3A_11, %dot_general3A_12 {dimension_numbers = #tpu.dot_dimension_numbers<[1], [0], [0], [1], [0, 0, 1, 1], [], []>, transpose_lhs_hint = false} : vector<1024x256xf32>, vector<256x256xf32>, vector<1024x256xf32> -> vector<1024x256xf32>
    %add3A = arith.addf %dot_general3A_5, %dot_general3A_13 : vector<1024x256xf32>
    %swap3A = arith.constant 0 : index
    %swap3A_14 = arith.constant 0 : index
    %swap3A_15 = vector.load %arg6[%swap3A, %swap3A_14] : memref<1024x256xf32, #tpu.memory_space<vmem>>, vector<1024x256xf32>
    tpu.vector_store %arg6[%swap3A, %swap3A_14], %add3A {strides = array<i32>} : memref<1024x256xf32, #tpu.memory_space<vmem>>, vector<1024x256xf32>,
    %get3A_16 = arith.constant 0 : index
    %get3A_17 = arith.constant 0 : index
    %get3A_18 = vector.load %arg1[%get3A_16, %get3A_17] : memref<1024x8xf32, #tpu.memory_space<vmem>>, vector<1024x8xf32>
    %dot_general3A_19 = arith.constant dense<0.000000e+00> : vector<1024x256xf32>
    %dot_general3A_20 = tpu.matmul %get3A_18, %get3A_1, %dot_general3A_19 {dimension_numbers = #tpu.dot_dimension_numbers<[1], [0], [0], [1], [0, 0, 1, 1], [], []>, transpose_lhs_hint = false} : vector<1024x8xf32>, vector<8x256xf32>, vector<1024x256xf32> -> vector<1024x256xf32>
    %swap3A_21 = arith.constant 0 : index
    %swap3A_22 = arith.constant 0 : index
    %swap3A_23 = vector.load %arg7[%swap3A_21, %swap3A_22] : memref<1024x256xf32, #tpu.memory_space<vmem>>, vector<1024x256xf32>
    tpu.vector_store %arg7[%swap3A_21, %swap3A_22], %dot_general3A_20 {strides = array<i32>} : memref<1024x256xf32, #tpu.memory_space<vmem>>, vector<1024x256xf32>,
    return
  }
  func.func @transform_0(%arg0: i32) -> (i32, i32) {
    %c0_i32 = arith.constant 0 : i32
    %c0_i32_0 = arith.constant 0 : i32
    return %arg0, %c0_i32 : i32, i32
  }
  func.func @transform_1(%arg0: i32) -> (i32, i32) {
    %c0_i32 = arith.constant 0 : i32
    %c0_i32_0 = arith.constant 0 : i32
    return %arg0, %c0_i32 : i32, i32
  }
  func.func @transform_2(%arg0: i32) -> (i32, i32) {
    %c0_i32 = arith.constant 0 : i32
    %c0_i32_0 = arith.constant 0 : i32
    return %arg0, %c0_i32 : i32, i32
  }
  func.func @transform_3(%arg0: i32) -> (i32, i32) {
    %c0_i32 = arith.constant 0 : i32
    %c0_i32_0 = arith.constant 0 : i32
    %c0_i32_1 = arith.constant 0 : i32
    return %c0_i32, %c0_i32_0 : i32, i32
  }
  func.func @transform_4(%arg0: i32) -> (i32, i32) {
    %c0_i32 = arith.constant 0 : i32
    %c0_i32_0 = arith.constant 0 : i32
    %c0_i32_1 = arith.constant 0 : i32
    return %c0_i32, %c0_i32_0 : i32, i32
  }
  func.func @transform_5(%arg0: i32) -> (i32, i32) {
    %c0_i32 = arith.constant 0 : i32
    %c0_i32_0 = arith.constant 0 : i32
    return %arg0, %c0_i32 : i32, i32
  }
  func.func @transform_6(%arg0: i32) -> (i32, i32) {
    %c0_i32 = arith.constant 0 : i32
    %c0_i32_0 = arith.constant 0 : i32
    return %arg0, %c0_i32 : i32, i32
  }
}

module attributes {stable_mosaic.version = 14 : i64} {
  func.func @_mlp0_body(%arg0: i32, %arg1: memref<128x16x256xf32, #tpu.memory_space<vmem>>, %arg2: memref<128x16x64xf32, #tpu.memory_space<vmem>>, %arg3: memref<128x1x256xf32, #tpu.memory_space<vmem>>, %arg4: memref<64x256xf32, #tpu.memory_space<vmem>>, %arg5: memref<128x16x256xbf16, #tpu.memory_space<vmem>>, %arg6: memref<1x256xf32, #tpu.memory_space<vmem>>, %arg7: memref<1x256xf32, #tpu.memory_space<vmem>>) attributes {dimension_semantics = [#tpu.dimension_semantics<arbitrary>], iteration_bounds = array<i64: 64>, scalar_prefetch = 0 : i64, scratch_operands = 0 : i64, tpu.core_type = #tpu.core_type<tc>, window_params = [{transform_indices = @transform_0, window_bounds = array<i64: 128, 16, 256>}, {transform_indices = @transform_1, window_bounds = array<i64: 128, 16, 64>}, {transform_indices = @transform_2, window_bounds = array<i64: 128, 1, 256>}, {pipeline_mode = #tpu.pipeline_mode<synchronous>, transform_indices = @transform_3, window_bounds = array<i64: 64, 256>}, {transform_indices = @transform_4, window_bounds = array<i64: 128, 16, 256>}, {pipeline_mode = #tpu.pipeline_mode<synchronous>, transform_indices = @transform_5, window_bounds = array<i64: 1, 256>}, {pipeline_mode = #tpu.pipeline_mode<synchronous>, transform_indices = @transform_6, window_bounds = array<i64: 1, 256>}]} {
    %get3A = arith.constant 0 : index
    %get3A_0 = arith.constant 0 : index
    %get3A_1 = arith.constant 0 : index
    %get3A_2 = vector.load %arg2[%get3A, %get3A_0, %get3A_1] : memref<128x16x64xf32, #tpu.memory_space<vmem>>, vector<128x16x64xf32>
    %reshape3A = vector.shape_cast %get3A_2 : vector<128x16x64xf32> to vector<2048x64xf32>
    %get3A_3 = arith.constant 0 : index
    %get3A_4 = arith.constant 0 : index
    %get3A_5 = vector.load %arg4[%get3A_3, %get3A_4] : memref<64x256xf32, #tpu.memory_space<vmem>>, vector<64x256xf32>
    %dot_general3A = arith.constant dense<0.000000e+00> : vector<2048x256xf32>
    %dot_general3A_6 = tpu.matmul %reshape3A, %get3A_5, %dot_general3A {dimension_numbers = #tpu.dot_dimension_numbers<[1], [0], [0], [1], [0, 0, 1, 1], [], []>, transpose_lhs_hint = false} : vector<2048x64xf32>, vector<64x256xf32>, vector<2048x256xf32> -> vector<2048x256xf32>
    %get3A_7 = arith.constant 0 : index
    %get3A_8 = arith.constant 0 : index
    %get3A_9 = arith.constant 0 : index
    %get3A_10 = vector.load %arg1[%get3A_7, %get3A_8, %get3A_9] : memref<128x16x256xf32, #tpu.memory_space<vmem>>, vector<128x16x256xf32>
    %reshape3A_11 = vector.shape_cast %dot_general3A_6 : vector<2048x256xf32> to vector<128x16x256xf32>
    %add3A = arith.addf %get3A_10, %reshape3A_11 : vector<128x16x256xf32>
    %get3A_12 = arith.constant 0 : index
    %get3A_13 = arith.constant 0 : index
    %get3A_14 = arith.constant 0 : index
    %get3A_15 = vector.load %arg3[%get3A_12, %get3A_13, %get3A_14] : memref<128x1x256xf32, #tpu.memory_space<vmem>>, vector<128x1x256xf32>
    %sub3A = vector.broadcast %get3A_15 : vector<128x1x256xf32> to vector<128x16x256xf32>
    %sub3A_16 = arith.subf %add3A, %sub3A : vector<128x16x256xf32>
    %convert_element_type3A = arith.truncf %sub3A_16 : vector<128x16x256xf32> to vector<128x16x256xbf16>
    %swap3A = arith.constant 0 : index
    %swap3A_17 = arith.constant 0 : index
    %swap3A_18 = arith.constant 0 : index
    %swap3A_19 = vector.load %arg5[%swap3A, %swap3A_17, %swap3A_18] : memref<128x16x256xbf16, #tpu.memory_space<vmem>>, vector<128x16x256xbf16>
    tpu.vector_store %arg5[%swap3A, %swap3A_17, %swap3A_18], %convert_element_type3A {strides = array<i32>} : memref<128x16x256xbf16, #tpu.memory_space<vmem>>, vector<128x16x256xbf16>,
    %reshape3A_20 = vector.shape_cast %sub3A_16 : vector<128x16x256xf32> to vector<2048x256xf32>
    %eq3A = arith.constant 0 : i32
    %eq3A_21 = arith.cmpi eq, %arg0, %eq3A : i32
    %convert_element_type3A_22 = arith.extui %eq3A_21 : i1 to i32
    %cond3A = arith.constant 0 : i32
    %cond3A_23 = arith.cmpi ne, %convert_element_type3A_22, %cond3A : i32
    scf.if %cond3A_23 {
      %broadcast_in_dim3A_42 = arith.constant 0.000000e+00 : f32
      %broadcast_in_dim3A_43 = vector.broadcast %broadcast_in_dim3A_42 : f32 to vector<1x256xf32>
      %swap3A_44 = arith.constant 0 : index
      %swap3A_45 = arith.constant 0 : index
      %swap3A_46 = vector.load %arg6[%swap3A_44, %swap3A_45] : memref<1x256xf32, #tpu.memory_space<vmem>>, vector<1x256xf32>
      tpu.vector_store %arg6[%swap3A_44, %swap3A_45], %broadcast_in_dim3A_43 {strides = array<i32>} : memref<1x256xf32, #tpu.memory_space<vmem>>, vector<1x256xf32>,
      %broadcast_in_dim3A_47 = arith.constant 0.000000e+00 : f32
      %broadcast_in_dim3A_48 = vector.broadcast %broadcast_in_dim3A_47 : f32 to vector<1x256xf32>
      %swap3A_49 = arith.constant 0 : index
      %swap3A_50 = arith.constant 0 : index
      %swap3A_51 = vector.load %arg7[%swap3A_49, %swap3A_50] : memref<1x256xf32, #tpu.memory_space<vmem>>, vector<1x256xf32>
      tpu.vector_store %arg7[%swap3A_49, %swap3A_50], %broadcast_in_dim3A_48 {strides = array<i32>} : memref<1x256xf32, #tpu.memory_space<vmem>>, vector<1x256xf32>,
    } else {
    }
    %get3A_24 = arith.constant 0 : index
    %get3A_25 = arith.constant 0 : index
    %get3A_26 = vector.load %arg6[%get3A_24, %get3A_25] : memref<1x256xf32, #tpu.memory_space<vmem>>, vector<1x256xf32>
    %reduce_sum3A = arith.constant dense<0.000000e+00> : vector<256xf32>
    %reduce_sum3A_27 = vector.multi_reduction <add>, %reshape3A_20, %reduce_sum3A [0] : vector<2048x256xf32> to vector<256xf32>
    %broadcast_in_dim3A = vector.shape_cast %reduce_sum3A_27 : vector<256xf32> to vector<1x256xf32>
    %add3A_28 = arith.addf %get3A_26, %broadcast_in_dim3A : vector<1x256xf32>
    %swap3A_29 = arith.constant 0 : index
    %swap3A_30 = arith.constant 0 : index
    %swap3A_31 = vector.load %arg6[%swap3A_29, %swap3A_30] : memref<1x256xf32, #tpu.memory_space<vmem>>, vector<1x256xf32>
    tpu.vector_store %arg6[%swap3A_29, %swap3A_30], %add3A_28 {strides = array<i32>} : memref<1x256xf32, #tpu.memory_space<vmem>>, vector<1x256xf32>,
    %get3A_32 = arith.constant 0 : index
    %get3A_33 = arith.constant 0 : index
    %get3A_34 = vector.load %arg7[%get3A_32, %get3A_33] : memref<1x256xf32, #tpu.memory_space<vmem>>, vector<1x256xf32>
    %mul3A = arith.mulf %reshape3A_20, %reshape3A_20 : vector<2048x256xf32>
    %reduce_sum3A_35 = arith.constant dense<0.000000e+00> : vector<256xf32>
    %reduce_sum3A_36 = vector.multi_reduction <add>, %mul3A, %reduce_sum3A_35 [0] : vector<2048x256xf32> to vector<256xf32>
    %broadcast_in_dim3A_37 = vector.shape_cast %reduce_sum3A_36 : vector<256xf32> to vector<1x256xf32>
    %add3A_38 = arith.addf %get3A_34, %broadcast_in_dim3A_37 : vector<1x256xf32>
    %swap3A_39 = arith.constant 0 : index
    %swap3A_40 = arith.constant 0 : index
    %swap3A_41 = vector.load %arg7[%swap3A_39, %swap3A_40] : memref<1x256xf32, #tpu.memory_space<vmem>>, vector<1x256xf32>
    tpu.vector_store %arg7[%swap3A_39, %swap3A_40], %add3A_38 {strides = array<i32>} : memref<1x256xf32, #tpu.memory_space<vmem>>, vector<1x256xf32>,
    return
  }
  func.func @transform_0(%arg0: i32) -> (i32, i32, i32) {
    %c0_i32 = arith.constant 0 : i32
    %c0_i32_0 = arith.constant 0 : i32
    %c0_i32_1 = arith.constant 0 : i32
    return %arg0, %c0_i32, %c0_i32_0 : i32, i32, i32
  }
  func.func @transform_1(%arg0: i32) -> (i32, i32, i32) {
    %c0_i32 = arith.constant 0 : i32
    %c0_i32_0 = arith.constant 0 : i32
    %c0_i32_1 = arith.constant 0 : i32
    return %arg0, %c0_i32, %c0_i32_0 : i32, i32, i32
  }
  func.func @transform_2(%arg0: i32) -> (i32, i32, i32) {
    %c0_i32 = arith.constant 0 : i32
    %c0_i32_0 = arith.constant 0 : i32
    %c0_i32_1 = arith.constant 0 : i32
    return %arg0, %c0_i32, %c0_i32_0 : i32, i32, i32
  }
  func.func @transform_3(%arg0: i32) -> (i32, i32) {
    %c0_i32 = arith.constant 0 : i32
    %c0_i32_0 = arith.constant 0 : i32
    %c0_i32_1 = arith.constant 0 : i32
    return %c0_i32, %c0_i32_0 : i32, i32
  }
  func.func @transform_4(%arg0: i32) -> (i32, i32, i32) {
    %c0_i32 = arith.constant 0 : i32
    %c0_i32_0 = arith.constant 0 : i32
    %c0_i32_1 = arith.constant 0 : i32
    return %arg0, %c0_i32, %c0_i32_0 : i32, i32, i32
  }
  func.func @transform_5(%arg0: i32) -> (i32, i32) {
    %c0_i32 = arith.constant 0 : i32
    %c0_i32_0 = arith.constant 0 : i32
    %c0_i32_1 = arith.constant 0 : i32
    return %c0_i32, %c0_i32_0 : i32, i32
  }
  func.func @transform_6(%arg0: i32) -> (i32, i32) {
    %c0_i32 = arith.constant 0 : i32
    %c0_i32_0 = arith.constant 0 : i32
    %c0_i32_1 = arith.constant 0 : i32
    return %c0_i32, %c0_i32_0 : i32, i32
  }
}

module attributes {stable_mosaic.version = 14 : i64} {
  func.func @_final_body(%arg0: i32, %arg1: memref<128x16x256xbf16, #tpu.memory_space<vmem>>, %arg2: memref<1x256xf32, #tpu.memory_space<vmem>>, %arg3: memref<1x256xf32, #tpu.memory_space<vmem>>, %arg4: memref<1x256xf32, #tpu.memory_space<vmem>>, %arg5: memref<1x256xf32, #tpu.memory_space<vmem>>, %arg6: memref<128x256xf32, #tpu.memory_space<vmem>>) attributes {dimension_semantics = [#tpu.dimension_semantics<arbitrary>], iteration_bounds = array<i64: 64>, scalar_prefetch = 0 : i64, scratch_operands = 0 : i64, tpu.core_type = #tpu.core_type<tc>, window_params = [{transform_indices = @transform_0, window_bounds = array<i64: 128, 16, 256>}, {pipeline_mode = #tpu.pipeline_mode<synchronous>, transform_indices = @transform_1, window_bounds = array<i64: 1, 256>}, {pipeline_mode = #tpu.pipeline_mode<synchronous>, transform_indices = @transform_2, window_bounds = array<i64: 1, 256>}, {pipeline_mode = #tpu.pipeline_mode<synchronous>, transform_indices = @transform_3, window_bounds = array<i64: 1, 256>}, {pipeline_mode = #tpu.pipeline_mode<synchronous>, transform_indices = @transform_4, window_bounds = array<i64: 1, 256>}, {transform_indices = @transform_5, window_bounds = array<i64: 128, 256>}]} {
    %get3A = arith.constant 0 : index
    %get3A_0 = arith.constant 0 : index
    %get3A_1 = vector.load %arg2[%get3A, %get3A_0] : memref<1x256xf32, #tpu.memory_space<vmem>>, vector<1x256xf32>
    %get3A_2 = arith.constant 0 : index
    %get3A_3 = arith.constant 0 : index
    %get3A_4 = vector.load %arg3[%get3A_2, %get3A_3] : memref<1x256xf32, #tpu.memory_space<vmem>>, vector<1x256xf32>
    %get3A_5 = arith.constant 0 : index
    %get3A_6 = arith.constant 0 : index
    %get3A_7 = vector.load %arg4[%get3A_5, %get3A_6] : memref<1x256xf32, #tpu.memory_space<vmem>>, vector<1x256xf32>
    %get3A_8 = arith.constant 0 : index
    %get3A_9 = arith.constant 0 : index
    %get3A_10 = vector.load %arg5[%get3A_8, %get3A_9] : memref<1x256xf32, #tpu.memory_space<vmem>>, vector<1x256xf32>
    %mul3A = arith.constant 7.62939453E-6 : f32
    %mul3A_11 = vector.broadcast %mul3A : f32 to vector<1x256xf32>
    %mul3A_12 = arith.mulf %get3A_1, %mul3A_11 : vector<1x256xf32>
    %mul3A_13 = arith.constant 7.62939453E-6 : f32
    %mul3A_14 = vector.broadcast %mul3A_13 : f32 to vector<1x256xf32>
    %mul3A_15 = arith.mulf %get3A_4, %mul3A_14 : vector<1x256xf32>
    %mul3A_16 = arith.mulf %mul3A_12, %mul3A_12 : vector<1x256xf32>
    %sub3A = arith.subf %mul3A_15, %mul3A_16 : vector<1x256xf32>
    %add3A = arith.constant 9.99999974E-6 : f32
    %add3A_17 = vector.broadcast %add3A : f32 to vector<1x256xf32>
    %add3A_18 = arith.addf %sub3A, %add3A_17 : vector<1x256xf32>
    %rsqrt3A = math.rsqrt %add3A_18 : vector<1x256xf32>
    %mul3A_19 = arith.mulf %get3A_7, %rsqrt3A : vector<1x256xf32>
    %mul3A_20 = arith.mulf %mul3A_12, %mul3A_19 : vector<1x256xf32>
    %sub3A_21 = arith.subf %get3A_10, %mul3A_20 : vector<1x256xf32>
    %get3A_22 = arith.constant 0 : index
    %get3A_23 = arith.constant 0 : index
    %get3A_24 = arith.constant 0 : index
    %get3A_25 = vector.load %arg1[%get3A_22, %get3A_23, %get3A_24] : memref<128x16x256xbf16, #tpu.memory_space<vmem>>, vector<128x16x256xbf16>
    %convert_element_type3A = arith.extf %get3A_25 : vector<128x16x256xbf16> to vector<128x16x256xf32>
    %broadcast_in_dim3A = vector.shape_cast %mul3A_19 : vector<1x256xf32> to vector<1x1x256xf32>
    %mul3A_26 = vector.broadcast %broadcast_in_dim3A : vector<1x1x256xf32> to vector<128x16x256xf32>
    %mul3A_27 = arith.mulf %convert_element_type3A, %mul3A_26 : vector<128x16x256xf32>
    %broadcast_in_dim3A_28 = vector.shape_cast %sub3A_21 : vector<1x256xf32> to vector<1x1x256xf32>
    %add3A_29 = vector.broadcast %broadcast_in_dim3A_28 : vector<1x1x256xf32> to vector<128x16x256xf32>
    %add3A_30 = arith.addf %mul3A_27, %add3A_29 : vector<128x16x256xf32>
    %ge3A = arith.constant 0.000000e+00 : f32
    %ge3A_31 = vector.broadcast %ge3A : f32 to vector<128x16x256xf32>
    %ge3A_32 = arith.cmpf oge, %add3A_30, %ge3A_31 : vector<128x16x256xf32>
    %mul3A_33 = arith.constant 0.00999999977 : f32
    %mul3A_34 = vector.broadcast %mul3A_33 : f32 to vector<128x16x256xf32>
    %mul3A_35 = arith.mulf %mul3A_34, %add3A_30 : vector<128x16x256xf32>
    %select_n3A = arith.select %ge3A_32, %add3A_30, %mul3A_35 : vector<128x16x256xi1>, vector<128x16x256xf32>
    %reduce_max3A = arith.constant dense<0xFF800000> : vector<128x256xf32>
    %reduce_max3A_36 = vector.multi_reduction <maximumf>, %select_n3A, %reduce_max3A [1] : vector<128x16x256xf32> to vector<128x256xf32>
    %swap3A = arith.constant 0 : index
    %swap3A_37 = arith.constant 0 : index
    %swap3A_38 = vector.load %arg6[%swap3A, %swap3A_37] : memref<128x256xf32, #tpu.memory_space<vmem>>, vector<128x256xf32>
    tpu.vector_store %arg6[%swap3A, %swap3A_37], %reduce_max3A_36 {strides = array<i32>} : memref<128x256xf32, #tpu.memory_space<vmem>>, vector<128x256xf32>,
    return
  }
  func.func @transform_0(%arg0: i32) -> (i32, i32, i32) {
    %c0_i32 = arith.constant 0 : i32
    %c0_i32_0 = arith.constant 0 : i32
    %c0_i32_1 = arith.constant 0 : i32
    return %arg0, %c0_i32, %c0_i32_0 : i32, i32, i32
  }
  func.func @transform_1(%arg0: i32) -> (i32, i32) {
    %c0_i32 = arith.constant 0 : i32
    %c0_i32_0 = arith.constant 0 : i32
    %c0_i32_1 = arith.constant 0 : i32
    return %c0_i32, %c0_i32_0 : i32, i32
  }
  func.func @transform_2(%arg0: i32) -> (i32, i32) {
    %c0_i32 = arith.constant 0 : i32
    %c0_i32_0 = arith.constant 0 : i32
    %c0_i32_1 = arith.constant 0 : i32
    return %c0_i32, %c0_i32_0 : i32, i32
  }
  func.func @transform_3(%arg0: i32) -> (i32, i32) {
    %c0_i32 = arith.constant 0 : i32
    %c0_i32_0 = arith.constant 0 : i32
    %c0_i32_1 = arith.constant 0 : i32
    return %c0_i32, %c0_i32_0 : i32, i32
  }
  func.func @transform_4(%arg0: i32) -> (i32, i32) {
    %c0_i32 = arith.constant 0 : i32
    %c0_i32_0 = arith.constant 0 : i32
    %c0_i32_1 = arith.constant 0 : i32
    return %c0_i32, %c0_i32_0 : i32, i32
  }
  func.func @transform_5(%arg0: i32) -> (i32, i32) {
    %c0_i32 = arith.constant 0 : i32
    %c0_i32_0 = arith.constant 0 : i32
    return %arg0, %c0_i32 : i32, i32
  }
}

module attributes {stable_mosaic.version = 14 : i64} {
  func.func @_mlpn_body(%arg0: i32, %arg1: memref<2048x256xbf16, #tpu.memory_space<vmem>>, %arg2: memref<1x256xf32, #tpu.memory_space<vmem>>, %arg3: memref<1x256xf32, #tpu.memory_space<vmem>>, %arg4: memref<1x256xf32, #tpu.memory_space<vmem>>, %arg5: memref<1x256xf32, #tpu.memory_space<vmem>>, %arg6: memref<256x256xf32, #tpu.memory_space<vmem>>, %arg7: memref<2048x256xbf16, #tpu.memory_space<vmem>>, %arg8: memref<1x256xf32, #tpu.memory_space<vmem>>, %arg9: memref<1x256xf32, #tpu.memory_space<vmem>>) attributes {dimension_semantics = [#tpu.dimension_semantics<arbitrary>], iteration_bounds = array<i64: 64>, scalar_prefetch = 0 : i64, scratch_operands = 0 : i64, tpu.core_type = #tpu.core_type<tc>, window_params = [{transform_indices = @transform_0, window_bounds = array<i64: 2048, 256>}, {pipeline_mode = #tpu.pipeline_mode<synchronous>, transform_indices = @transform_1, window_bounds = array<i64: 1, 256>}, {pipeline_mode = #tpu.pipeline_mode<synchronous>, transform_indices = @transform_2, window_bounds = array<i64: 1, 256>}, {pipeline_mode = #tpu.pipeline_mode<synchronous>, transform_indices = @transform_3, window_bounds = array<i64: 1, 256>}, {pipeline_mode = #tpu.pipeline_mode<synchronous>, transform_indices = @transform_4, window_bounds = array<i64: 1, 256>}, {pipeline_mode = #tpu.pipeline_mode<synchronous>, transform_indices = @transform_5, window_bounds = array<i64: 256, 256>}, {transform_indices = @transform_6, window_bounds = array<i64: 2048, 256>}, {pipeline_mode = #tpu.pipeline_mode<synchronous>, transform_indices = @transform_7, window_bounds = array<i64: 1, 256>}, {pipeline_mode = #tpu.pipeline_mode<synchronous>, transform_indices = @transform_8, window_bounds = array<i64: 1, 256>}]} {
    %get3A = arith.constant 0 : index
    %get3A_0 = arith.constant 0 : index
    %get3A_1 = vector.load %arg2[%get3A, %get3A_0] : memref<1x256xf32, #tpu.memory_space<vmem>>, vector<1x256xf32>
    %get3A_2 = arith.constant 0 : index
    %get3A_3 = arith.constant 0 : index
    %get3A_4 = vector.load %arg3[%get3A_2, %get3A_3] : memref<1x256xf32, #tpu.memory_space<vmem>>, vector<1x256xf32>
    %get3A_5 = arith.constant 0 : index
    %get3A_6 = arith.constant 0 : index
    %get3A_7 = vector.load %arg4[%get3A_5, %get3A_6] : memref<1x256xf32, #tpu.memory_space<vmem>>, vector<1x256xf32>
    %get3A_8 = arith.constant 0 : index
    %get3A_9 = arith.constant 0 : index
    %get3A_10 = vector.load %arg5[%get3A_8, %get3A_9] : memref<1x256xf32, #tpu.memory_space<vmem>>, vector<1x256xf32>
    %mul3A = arith.constant 7.62939453E-6 : f32
    %mul3A_11 = vector.broadcast %mul3A : f32 to vector<1x256xf32>
    %mul3A_12 = arith.mulf %get3A_1, %mul3A_11 : vector<1x256xf32>
    %mul3A_13 = arith.constant 7.62939453E-6 : f32
    %mul3A_14 = vector.broadcast %mul3A_13 : f32 to vector<1x256xf32>
    %mul3A_15 = arith.mulf %get3A_4, %mul3A_14 : vector<1x256xf32>
    %mul3A_16 = arith.mulf %mul3A_12, %mul3A_12 : vector<1x256xf32>
    %sub3A = arith.subf %mul3A_15, %mul3A_16 : vector<1x256xf32>
    %add3A = arith.constant 9.99999974E-6 : f32
    %add3A_17 = vector.broadcast %add3A : f32 to vector<1x256xf32>
    %add3A_18 = arith.addf %sub3A, %add3A_17 : vector<1x256xf32>
    %rsqrt3A = math.rsqrt %add3A_18 : vector<1x256xf32>
    %mul3A_19 = arith.mulf %get3A_7, %rsqrt3A : vector<1x256xf32>
    %mul3A_20 = arith.mulf %mul3A_12, %mul3A_19 : vector<1x256xf32>
    %sub3A_21 = arith.subf %get3A_10, %mul3A_20 : vector<1x256xf32>
    %get3A_22 = arith.constant 0 : index
    %get3A_23 = arith.constant 0 : index
    %get3A_24 = vector.load %arg1[%get3A_22, %get3A_23] : memref<2048x256xbf16, #tpu.memory_space<vmem>>, vector<2048x256xbf16>
    %convert_element_type3A = arith.extf %get3A_24 : vector<2048x256xbf16> to vector<2048x256xf32>
    %mul3A_25 = vector.broadcast %mul3A_19 : vector<1x256xf32> to vector<2048x256xf32>
    %mul3A_26 = arith.mulf %convert_element_type3A, %mul3A_25 : vector<2048x256xf32>
    %add3A_27 = vector.broadcast %sub3A_21 : vector<1x256xf32> to vector<2048x256xf32>
    %add3A_28 = arith.addf %mul3A_26, %add3A_27 : vector<2048x256xf32>
    %ge3A = arith.constant 0.000000e+00 : f32
    %ge3A_29 = vector.broadcast %ge3A : f32 to vector<2048x256xf32>
    %ge3A_30 = arith.cmpf oge, %add3A_28, %ge3A_29 : vector<2048x256xf32>
    %mul3A_31 = arith.constant 0.00999999977 : f32
    %mul3A_32 = vector.broadcast %mul3A_31 : f32 to vector<2048x256xf32>
    %mul3A_33 = arith.mulf %mul3A_32, %add3A_28 : vector<2048x256xf32>
    %select_n3A = arith.select %ge3A_30, %add3A_28, %mul3A_33 : vector<2048x256xi1>, vector<2048x256xf32>
    %get3A_34 = arith.constant 0 : index
    %get3A_35 = arith.constant 0 : index
    %get3A_36 = vector.load %arg6[%get3A_34, %get3A_35] : memref<256x256xf32, #tpu.memory_space<vmem>>, vector<256x256xf32>
    %dot_general3A = arith.constant dense<0.000000e+00> : vector<2048x256xf32>
    %dot_general3A_37 = tpu.matmul %select_n3A, %get3A_36, %dot_general3A {dimension_numbers = #tpu.dot_dimension_numbers<[1], [0], [0], [1], [0, 0, 1, 1], [], []>, transpose_lhs_hint = false} : vector<2048x256xf32>, vector<256x256xf32>, vector<2048x256xf32> -> vector<2048x256xf32>
    %convert_element_type3A_38 = arith.truncf %dot_general3A_37 : vector<2048x256xf32> to vector<2048x256xbf16>
    %swap3A = arith.constant 0 : index
    %swap3A_39 = arith.constant 0 : index
    %swap3A_40 = vector.load %arg7[%swap3A, %swap3A_39] : memref<2048x256xbf16, #tpu.memory_space<vmem>>, vector<2048x256xbf16>
    tpu.vector_store %arg7[%swap3A, %swap3A_39], %convert_element_type3A_38 {strides = array<i32>} : memref<2048x256xbf16, #tpu.memory_space<vmem>>, vector<2048x256xbf16>,
    %eq3A = arith.constant 0 : i32
    %eq3A_41 = arith.cmpi eq, %arg0, %eq3A : i32
    %convert_element_type3A_42 = arith.extui %eq3A_41 : i1 to i32
    %cond3A = arith.constant 0 : i32
    %cond3A_43 = arith.cmpi ne, %convert_element_type3A_42, %cond3A : i32
    scf.if %cond3A_43 {
      %broadcast_in_dim3A_63 = arith.constant 0.000000e+00 : f32
      %broadcast_in_dim3A_64 = vector.broadcast %broadcast_in_dim3A_63 : f32 to vector<1x256xf32>
      %swap3A_65 = arith.constant 0 : index
      %swap3A_66 = arith.constant 0 : index
      %swap3A_67 = vector.load %arg8[%swap3A_65, %swap3A_66] : memref<1x256xf32, #tpu.memory_space<vmem>>, vector<1x256xf32>
      tpu.vector_store %arg8[%swap3A_65, %swap3A_66], %broadcast_in_dim3A_64 {strides = array<i32>} : memref<1x256xf32, #tpu.memory_space<vmem>>, vector<1x256xf32>,
      %broadcast_in_dim3A_68 = arith.constant 0.000000e+00 : f32
      %broadcast_in_dim3A_69 = vector.broadcast %broadcast_in_dim3A_68 : f32 to vector<1x256xf32>
      %swap3A_70 = arith.constant 0 : index
      %swap3A_71 = arith.constant 0 : index
      %swap3A_72 = vector.load %arg9[%swap3A_70, %swap3A_71] : memref<1x256xf32, #tpu.memory_space<vmem>>, vector<1x256xf32>
      tpu.vector_store %arg9[%swap3A_70, %swap3A_71], %broadcast_in_dim3A_69 {strides = array<i32>} : memref<1x256xf32, #tpu.memory_space<vmem>>, vector<1x256xf32>,
    } else {
    }
    %get3A_44 = arith.constant 0 : index
    %get3A_45 = arith.constant 0 : index
    %get3A_46 = vector.load %arg8[%get3A_44, %get3A_45] : memref<1x256xf32, #tpu.memory_space<vmem>>, vector<1x256xf32>
    %reduce_sum3A = arith.constant dense<0.000000e+00> : vector<256xf32>
    %reduce_sum3A_47 = vector.multi_reduction <add>, %dot_general3A_37, %reduce_sum3A [0] : vector<2048x256xf32> to vector<256xf32>
    %broadcast_in_dim3A = vector.shape_cast %reduce_sum3A_47 : vector<256xf32> to vector<1x256xf32>
    %add3A_48 = arith.addf %get3A_46, %broadcast_in_dim3A : vector<1x256xf32>
    %swap3A_49 = arith.constant 0 : index
    %swap3A_50 = arith.constant 0 : index
    %swap3A_51 = vector.load %arg8[%swap3A_49, %swap3A_50] : memref<1x256xf32, #tpu.memory_space<vmem>>, vector<1x256xf32>
    tpu.vector_store %arg8[%swap3A_49, %swap3A_50], %add3A_48 {strides = array<i32>} : memref<1x256xf32, #tpu.memory_space<vmem>>, vector<1x256xf32>,
    %get3A_52 = arith.constant 0 : index
    %get3A_53 = arith.constant 0 : index
    %get3A_54 = vector.load %arg9[%get3A_52, %get3A_53] : memref<1x256xf32, #tpu.memory_space<vmem>>, vector<1x256xf32>
    %mul3A_55 = arith.mulf %dot_general3A_37, %dot_general3A_37 : vector<2048x256xf32>
    %reduce_sum3A_56 = arith.constant dense<0.000000e+00> : vector<256xf32>
    %reduce_sum3A_57 = vector.multi_reduction <add>, %mul3A_55, %reduce_sum3A_56 [0] : vector<2048x256xf32> to vector<256xf32>
    %broadcast_in_dim3A_58 = vector.shape_cast %reduce_sum3A_57 : vector<256xf32> to vector<1x256xf32>
    %add3A_59 = arith.addf %get3A_54, %broadcast_in_dim3A_58 : vector<1x256xf32>
    %swap3A_60 = arith.constant 0 : index
    %swap3A_61 = arith.constant 0 : index
    %swap3A_62 = vector.load %arg9[%swap3A_60, %swap3A_61] : memref<1x256xf32, #tpu.memory_space<vmem>>, vector<1x256xf32>
    tpu.vector_store %arg9[%swap3A_60, %swap3A_61], %add3A_59 {strides = array<i32>} : memref<1x256xf32, #tpu.memory_space<vmem>>, vector<1x256xf32>,
    return
  }
  func.func @transform_0(%arg0: i32) -> (i32, i32) {
    %c0_i32 = arith.constant 0 : i32
    %c0_i32_0 = arith.constant 0 : i32
    return %arg0, %c0_i32 : i32, i32
  }
  func.func @transform_1(%arg0: i32) -> (i32, i32) {
    %c0_i32 = arith.constant 0 : i32
    %c0_i32_0 = arith.constant 0 : i32
    %c0_i32_1 = arith.constant 0 : i32
    return %c0_i32, %c0_i32_0 : i32, i32
  }
  func.func @transform_2(%arg0: i32) -> (i32, i32) {
    %c0_i32 = arith.constant 0 : i32
    %c0_i32_0 = arith.constant 0 : i32
    %c0_i32_1 = arith.constant 0 : i32
    return %c0_i32, %c0_i32_0 : i32, i32
  }
  func.func @transform_3(%arg0: i32) -> (i32, i32) {
    %c0_i32 = arith.constant 0 : i32
    %c0_i32_0 = arith.constant 0 : i32
    %c0_i32_1 = arith.constant 0 : i32
    return %c0_i32, %c0_i32_0 : i32, i32
  }
  func.func @transform_4(%arg0: i32) -> (i32, i32) {
    %c0_i32 = arith.constant 0 : i32
    %c0_i32_0 = arith.constant 0 : i32
    %c0_i32_1 = arith.constant 0 : i32
    return %c0_i32, %c0_i32_0 : i32, i32
  }
  func.func @transform_5(%arg0: i32) -> (i32, i32) {
    %c0_i32 = arith.constant 0 : i32
    %c0_i32_0 = arith.constant 0 : i32
    %c0_i32_1 = arith.constant 0 : i32
    return %c0_i32, %c0_i32_0 : i32, i32
  }
  func.func @transform_6(%arg0: i32) -> (i32, i32) {
    %c0_i32 = arith.constant 0 : i32
    %c0_i32_0 = arith.constant 0 : i32
    return %arg0, %c0_i32 : i32, i32
  }
  func.func @transform_7(%arg0: i32) -> (i32, i32) {
    %c0_i32 = arith.constant 0 : i32
    %c0_i32_0 = arith.constant 0 : i32
    %c0_i32_1 = arith.constant 0 : i32
    return %c0_i32, %c0_i32_0 : i32, i32
  }
  func.func @transform_8(%arg0: i32) -> (i32, i32) {
    %c0_i32 = arith.constant 0 : i32
    %c0_i32_0 = arith.constant 0 : i32
    %c0_i32_1 = arith.constant 0 : i32
    return %c0_i32, %c0_i32_0 : i32, i32
  }
}

</mosaic_0001>

<sc_bundles>
// kernel: kernel.9.cloned.1.call-start
scs
__scs_entry_jumppad:
0x0: {  	(pc) =	sbr.rel $0x88, $3  }
0x1: {  	(tag) =	ssettag $0x0;
	lr =	simm.s32 $0x1  }
0x2: {  	[smem:$0x3F94] =	sst lr;
	_ =	strace $0xD0000000  }
0x3: {  	_ = 	snop  }
0x4: {  	_ = 	snop  }
0x5: {  	_ = 	snop  }
0x6: {  	_ = 	snop  }
0x7: {  	_ = 	snop  }
__scs_overlays_trampoline_lowered:
0x8: {  	[smem:$0x3FA3] =	sst s0  }
0x9: {  	[smem:$0x3FA4] =	sst s1  }
0xa: {  	[smem:$0x3FA5] =	sst s2  }
0xb: {  	[smem:$0x3FA6] =	sst s3  }
0xc: {  	[smem:$0x3FA7] =	sst s4  }
0xd: {  	[smem:$0x3FA8] =	sst s5  }
0xe: {  	[smem:$0x3FA9] =	sst s6  }
0xf: {  	[smem:$0x3FAA] =	sst s7  }
0x10: {  	[smem:$0x3FAB] =	sst s8  }
0x11: {  	[smem:$0x3FAC] =	sst s9;
	s0 =	simm.s32 @!p0 $0x0  }
0x12: {  	s1 =	sld [smem:$0x3F92];
	s0 =	simm.s32 @p0 $0x1  }
0x13: {  	[smem:$0x3FAD] =	sst s0;
	s0 =	simm.s32 @!p1 $0x0  }
0x14: {  	s2 =	sld [smem:$0x3F91];
	s0 =	simm.s32 @p1 $0x1  }
0x15: {  	[smem:$0x3FAE] =	sst s0;
	s0 =	simm.s32 @!p2 $0x0  }
0x16: {  	s3 =	sld [smem:$0x3FDB];
	s0 =	simm.s32 @p2 $0x1  }
0x17: {  	s4 =	simm.s32 $0x1BF5;
	[smem:$0x3FB0] =	sst s0  }
0x18: {  	s0 =	sld [smem:$0x3F93];
	_ =	swait.ge [sflag:s4], $0x0  }
0x19: {  	s7 =	sld [smem:$0x3F94]  }
0x1a: {  	s8 =	sadd.s32 $0xFFFFE003, lr  }
0x1b: {  	s9 =	sadd.s32 $0xFFFFFEF7, lr;
	s5 =	simm.s32 $0xFFFFFFFF;
	p2 =	slt.u32 s8, $0xFFFFF086  }
0x1c: {  	p1 =	slt.u32 s9, $0xF7A;
	s5 =	simm.s32 @!p2 $0x0  }
0x1d: {  	s5 =	simm.s32 @p1 $0x1;
	p0 =	seq.s32 s7, s2  }
0x1e: {  	s7 =	smul.u32 @!p0 $0xF7A, s2;
	p2 =	seq.s32 @!p0 s5, $0x0  }
0x1f: {  	s9 =	smul.u32 $0xF7A, s1;
	s8 =	simm.s32 @!p0 $0x1BF5;
	p2 =	por !p2, p0  }
0x20: {  	[sflag:s8] =	ssyncset.s32 @!p0 $0xFFFFF086;
	s6 =	sadd.s32 @!p0 s3, s7;
	s7 =	simm.s32 @!p0 $0x108  }
0x21: {  	s3 =	sadd.s32 s3, s9;
	s6 =	sadd.s32 @!p0 $0x88, s6;
	s7 =	simm.s32 @p2 $0x1082  }
0x22: {  	[simem:s7], [sflag:s8] =	dma.local @!p0 [hbm:s6], $0xF7A  }
0x23: {  	s9 =	sor.u32 $0xD0000000, s2;
	s6 =	simm.s32 $0x108;
	_ =	swait.ge @!p0 [sflag:s8], $0x0  }
0x24: {  	s3 =	sadd.s32 $0x88, s3;
	s6 =	simm.s32 @!p1 $0x1082;
	[sflag:s4] =	ssyncset.s32 $0xFFFFF086  }
0x25: {  	[simem:s6], [sflag:s4] =	dma.local [hbm:s3], $0xF7A  }
0x26: {  	[smem:$0x3F94] =	sst s1;
	(tag) =	ssettag s2;
	_ =	strace s9  }
0x27: {  	s1 =	sld [smem:$0x3FA4]  }
0x28: {  	s2 =	sld [smem:$0x3FA5]  }
0x29: {  	s4 =	sld [smem:$0x3FA7]  }
0x2a: {  	p0 =	seq.s32 s5, $0x0;
	s5 =	sld [smem:$0x3FA8]  }
0x2b: {  	s6 =	sld [smem:$0x3FA9]  }
0x2c: {  	s7 =	sld [smem:$0x3FAA]  }
0x2d: {  	s3 =	simm.s32 $0x108;
	s8 =	sld [smem:$0x3FAB]  }
0x2e: {  	s3 =	simm.s32 @!p0 $0x1082;
	s9 =	sld [smem:$0x3FAC]  }
0x2f: {  	lr =	sadd.s32 s0, s3;
	s0 =	sld [smem:$0x3FA3]  }
0x30: {  	s3 =	sld [smem:$0x3FA6]  }
0x31: {  	[smem:$0x3FAF] =	sst s10  }
0x32: {  	s10 =	sld [smem:$0x3FAD];
	_ =	sdelay $0x3  }
0x33: {  	p0 =	seq.s32 s10, $0x1;
	s10 =	sld [smem:$0x3FAF];
	_ =	sdelay $0x3  }
0x34: {  	[smem:$0x3FAF] =	sst s10  }
0x35: {  	s10 =	sld [smem:$0x3FAE];
	_ =	sdelay $0x3  }
0x36: {  	p1 =	seq.s32 s10, $0x1;
	s10 =	sld [smem:$0x3FAF];
	_ =	sdelay $0x3  }
0x37: {  	[smem:$0x3FAF] =	sst s10  }
0x38: {  	s10 =	sld [smem:$0x3FB0]  }
0x39: {  	_ = 	snop;
	(pc) =	sbr.ind lr, $3  }
0x3a: {  	_ = 	snop  }
0x3b: {  	_ = 	snop  }
0x3c: {  	p2 =	seq.s32 s10, $0x1;
	s10 =	sld [smem:$0x3FAF]  }
0x3d: {  	_ =	shalt  }
0x3e: {  	_ =	shalt  }
0x3f: {  	_ =	shalt  }
0x40: {  	_ =	shalt  }
0x41: {  	_ =	shalt  }
0x42: {  	_ =	shalt  }
0x43: {  	_ =	shalt  }
0x44: {  	_ =	shalt  }
0x45: {  	_ =	shalt  }
0x46: {  	_ =	shalt  }
0x47: {  	_ =	shalt  }
0x48: {  	_ =	shalt  }
0x49: {  	_ =	shalt  }
0x4a: {  	_ =	shalt  }
0x4b: {  	_ =	shalt  }
0x4c: {  	_ =	shalt  }
0x4d: {  	_ =	shalt  }
0x4e: {  	_ =	shalt  }
0x4f: {  	_ =	shalt  }
0x50: {  	_ =	shalt  }
0x51: {  	_ =	shalt  }
0x52: {  	_ =	shalt  }
0x53: {  	_ =	shalt  }
0x54: {  	_ =	shalt  }
0x55: {  	_ =	shalt  }
0x56: {  	_ =	shalt  }
0x57: {  	_ =	shalt  }
0x58: {  	_ =	shalt  }
0x59: {  	_ =	shalt  }
0x5a: {  	_ =	shalt  }
0x5b: {  	_ =	shalt  }
0x5c: {  	_ =	shalt  }
0x5d: {  	_ =	shalt  }
0x5e: {  	_ =	shalt  }
0x5f: {  	_ =	shalt  }
0x60: {  	_ =	shalt  }
0x61: {  	_ =	shalt  }
0x62: {  	_ =	shalt  }
0x63: {  	_ =	shalt  }
0x64: {  	_ =	shalt  }
0x65: {  	_ =	shalt  }
0x66: {  	_ =	shalt  }
0x67: {  	_ =	shalt  }
0x68: {  	_ =	shalt  }
0x69: {  	_ =	shalt  }
0x6a: {  	_ =	shalt  }
0x6b: {  	_ =	shalt  }
0x6c: {  	_ =	shalt  }
0x6d: {  	_ =	shalt  }
0x6e: {  	_ =	shalt  }
0x6f: {  	_ =	shalt  }
0x70: {  	_ =	shalt  }
0x71: {  	_ =	shalt  }
0x72: {  	_ =	shalt  }
0x73: {  	_ =	shalt  }
0x74: {  	_ =	shalt  }
0x75: {  	_ =	shalt  }
0x76: {  	_ =	shalt  }
0x77: {  	_ =	shalt  }
0x78: {  	_ =	shalt  }
0x79: {  	_ =	shalt  }
0x7a: {  	_ =	shalt  }
0x7b: {  	_ =	shalt  }
0x7c: {  	_ =	shalt  }
0x7d: {  	_ =	shalt  }
0x7e: {  	_ =	shalt  }
0x7f: {  	_ =	shalt  }
0x80: {  	_ =	shalt  }
0x81: {  	_ =	shalt  }
0x82: {  	_ =	shalt  }
0x83: {  	_ =	shalt  }
0x84: {  	_ =	shalt  }
0x85: {  	_ =	shalt  }
0x86: {  	_ =	shalt  }
0x87: {  	_ =	shalt  }
.Lfunc_end0:
.L_simem_size_0:
called_computation_lowered:
.L_overlay_start_0:
0x88: {  	s2 =	sld [smem:$0x3FD9]  }
0x89: {  	s3 =	sld [smem:$0x3FFE];
	_ =	sdelay $0x1  }
0x8a: {  	s1 =	srdreg.scid  }
0x8b: {  	s0 =	sand.u32 $0x1, s1  }
0x8c: {  	s16 =	sshll.u32 s0, $0xA;
	s2 =	sadd.s32 s3, s2  }
0x8d: {  	s2 =	sadd.s32 s2, s16  }
0x8e: {  	[smem:$0x3FBB] =	sst s2  }
0x8f: {  	_ = 	snop  }
0x90: {  	(tm) =	ssettm $0x1  }
0x91: {  	s17 =	sld [smem:$0x3FFB];
	_ =	sdelay $0x3  }
0x92: {  	_ =	strace s17  }
0x93: {  	s2 =	sld [smem:$0x3FFC];
	_ =	sdelay $0x3  }
0x94: {  	_ =	strace s2  }
0x95: {  	s2 =	sld [smem:$0x3FFD];
	_ =	sdelay $0x3  }
0x96: {  	_ =	strace s2  }
0x97: {  	_ =	strace $0x8FFFFFFF  }
0x98: {  	s18 =	sld [smem:$0x3FDB];
	_ =	sdelay $0x1  }
0x99: {  	s19 =	simm.s32 $_scs_section_size  }
0x9a: {  	s4 =	simm.s32 $_size__tile_overlayer_lowered;
	s5 =	simm.s32 $_tile_overlayer_lowered  }
0x9b: {  	s22 =	simm.s32 $0x1BFF;
	s21 =	sshll.u32 s5, $0x1;
	s2 =	sadd.s32 s19, s18  }
0x9c: {  	s6 =	simm.s32 $0x0;
	s20 =	sshll.u32 s4, $0x1;
	s4 =	sadd.s32 s21, s2  }
0x9d: {  	[timem:s6], [sflag:s22] =	dma.local [hbm:s4], s20  }
0x9e: {  	_ =	swait.ge [sflag:s22], s20  }
0x9f: {  	s3 =	ssub.s32 $0x0, s20;
	[sflag:s22] =	ssyncset.done $0x0  }
0xa0: {  	[sflag:s22] =	ssyncadd.s32 s3;
	_ =	sdelay $0x1  }
0xa1: {  	s23 =	simm.s32 $0x1B8B  }
0xa2: {  	_ =	swait.ge [sflag:s23], $0x1  }
0xa3: {  	[sflag:s23] =	ssyncset.done $0x0  }
0xa4: {  	s25 =	simm.s32 $0x1B8E;
	s24 =	sld [smem:$0x3FFE];
	[sflag:s23] =	ssyncadd.s32 $0xFFFFFFFF  }
0xa5: {  	s26 =	simm.s32 $execute0_lowered;
	[smem:$0x3FD2] =	sst s25  }
0xa6: {  	s4 =	sshll.u32 s26, $0x1;
	_ =	strace $0x80000046;
	[dreg:$0x1] =	wrdreg $0xFFFFFFFF  }
0xa7: {  	s28 =	simm.s32 $_size_execute0_lowered;
	s2 =	sadd.s32 s2, s4;
	[dreg:$0x0] =	wrdreg $0x0  }
0xa8: {  	s4 =	sshll.u32 s28, $0x1;
	[dreg:$0x2] =	wrdreg s2  }
0xa9: {  	[dreg:$0x3] =	wrdreg s4  }
0xaa: {  	[dreg:$0x4] =	wrdreg $0xC0  }
0xab: {  	_ =	task [dreg:s6], $0x5FFFF  }
0xac: {  	[dreg:$0x1] =	wrdreg $0xFFFFFFFF  }
0xad: {  	[dreg:$0x0] =	wrdreg $0x60  }
0xae: {  	[dreg:$0x2] =	wrdreg s24  }
0xaf: {  	[dreg:$0x3] =	wrdreg $0x9  }
0xb0: {  	_ =	task.clear_ibuf [dreg:s6], $0x4FFFF;
	_ =	strace $0x90000046  }
0xb1: {  	s29 =	simm.s32 $0x9;
	_ =	strace $0x80000048  }
0xb2: {  	_ =	swait.ge [sflag:s29], $0x1  }
0xb3: {  	[sflag:s29] =	ssyncadd.s32 $0xFFFFFFFF  }
0xb4: {  	_ =	strace $0x90000048  }
0xb5: {  	_ =	sfence  }
0xb6: {  	s30 =	sld [smem:$0x0];
	_ =	sdelay $0x2  }
0xb7: {  	s31 =	sshll.u32 s1, $0xD;
	s1 =	sshrl.u32 s1, $0x2  }
0xb8: {  	s3 =	sand.u32 $0x4000, s31;
	s1 =	sadd.s32 s1, s30  }
0xb9: {  	s0 =	sor.u32 s3, s0;
	s1 =	sshll.u32 s1, $0x11  }
0xba: {  	s0 =	sor.u32 s1, s0  }
0xbb: {  	s0 =	sadd.s32 $0x8F2B, s0  }
0xbc: {  	[sflag:s0] =	ssyncadd.remote.s32 $0x1  }
0xbd: {  	_ =	sfence.sel $0xFFFF  }
0xbe: {  	[dreg:$0x0] =	wrdreg $0xFFFFFFFF;
	(pc) =	sbr.abs _section_cstart, $3  }
0xbf: {  	[dreg:$0x1] =	wrdreg $0xFFFFFFFF  }
0xc0: {  	_ =	task.clear_ibuf [dreg:s6], $0x2FFFF;
	_ =	strace $0x9FFFFFFF  }
0xc1: {  	(tm) =	ssettm $0x7FFFFFFF  }
tec
execute0_lowered:
.L_overlay_start_1:
0x0: {  	(tag) =	ssettag $0x1  }
0x1: {  	s0 =	srdreg.scid  }
0x2: {  	s2 =	stileid.u32;
	s1 =	sand.u32 $0x1, s0  }
0x3: {  	s0 =	rddreg [dreg:$0x0];
	s3 =	sshll.u32 s2, $0xD;
	s2 =	simm.s32 $0x0  }
0x4: {  	s4 =	sshll.u32 s1, $0xC;
	[smem:$0x7FF] =	sst s2  }
0x5: {  	s4 =	sor.u32 s4, s3;
	s3 =	sadd.s32 $0x1E00, s0;
	_ =	strace $0x80000047  }
0x6: {  	s5 =	sshrl.u32 s4, $0x3;
	s7 =	sor.u32 $0x100, s4;
	s9 =	sor.u32 $0x200, s4  }
0x7: {  	s11 =	sadd.s32 s3, s5;
	s5 =	sadd.s32 $0x45E00, s0;
	s14 =	sshll.u32 s7, $0x5  }
0x8: {  	s7 =	sshrl.u32 s7, $0x3;
	s6 =	sadd.s32 $0x10, s11;
	[smem:$0x7FC] =	sst s11  }
0x9: {  	s16 =	sshll.u32 s9, $0x5;
	s15 =	sadd.s32 s3, s7;
	[dreg:$0x2] =	wrdreg s6  }
0xa: {  	s18 =	sor.u32 $0x300, s4;
	s17 =	sadd.s32 s5, s16;
	[dreg:$0x4] =	wrdreg s15  }
0xb: {  	s10 =	sshll.u32 s18, $0x5;
	s19 =	sadd.s32 $0x30, s11;
	[dreg:$0x5] =	wrdreg s17  }
0xc: {  	s9 =	sshrl.u32 s9, $0x3;
	s20 =	sadd.s32 s5, s10;
	[dreg:$0x6] =	wrdreg s19  }
0xd: {  	s21 =	sadd.s32 s3, s9;
	[dreg:$0x7] =	wrdreg s20  }
0xe: {  	s29 =	sor.u32 $0x800, s4;
	s23 =	sadd.s32 $0x50, s11;
	[dreg:$0x8] =	wrdreg s21  }
0xf: {  	s31 =	sshrl.u32 s29, $0x3;
	s28 =	sadd.s32 $0x70, s11;
	[dreg:$0xa] =	wrdreg s23  }
0x10: {  	s9 =	sadd.s32 s3, s31;
	[dreg:$0xe] =	wrdreg s28  }
0x11: {  	s8 =	sshll.u32 s4, $0x5;
	s13 =	sadd.s32 $0x110, s11;
	[dreg:$0x10] =	wrdreg s9  }
0x12: {  	s10 =	sadd.s32 s5, s8;
	[dreg:$0x12] =	wrdreg s13  }
0x13: {  	s6 =	sadd.s32 s5, s14;
	[smem:$0x7FD] =	sst s10  }
0x14: {  	s22 =	sadd.s32 $0x8000, s10;
	[dreg:$0x3] =	wrdreg s6  }
0x15: {  	s7 =	sshrl.u32 s18, $0x3;
	s24 =	sadd.s32 $0xA000, s10;
	[dreg:$0x9] =	wrdreg s22  }
0x16: {  	s25 =	sadd.s32 s3, s7;
	[dreg:$0xb] =	wrdreg s24  }
0x17: {  	s1 =	ssub.s32 $0x2, s1;
	s26 =	sadd.s32 $0xC000, s10;
	[dreg:$0xc] =	wrdreg s25  }
0x18: {  	s16 =	sor.u32 $0xA00, s4;
	s30 =	sadd.s32 $0xE000, s10;
	[dreg:$0xd] =	wrdreg s26  }
0x19: {  	s7 =	sshll.u32 s29, $0x5;
	s20 =	sadd.s32 $0x130, s11;
	[dreg:$0xf] =	wrdreg s30  }
0x1a: {  	s14 =	sor.u32 $0x900, s4;
	s28 =	sadd.s32 $0x1C000, s10;
	[dreg:$0x16] =	wrdreg s20  }
0x1b: {  	s18 =	sshll.u32 s16, $0x5;
	s31 =	sadd.s32 $0x1E000, s10;
	[dreg:$0x1d] =	wrdreg s28  }
0x1c: {  	s4 =	sor.u32 $0xB00, s4;
	s12 =	sadd.s32 s5, s7;
	[dreg:$0x1f] =	wrdreg s31  }
0x1d: {  	s29 =	sshrl.u32 s1, $0x1;
	s19 =	sadd.s32 s5, s18;
	[dreg:$0x11] =	wrdreg s12  }
0x1e: {  	s9 =	simm.s32 $0x2;
	s24 =	sadd.s32 $0x18000, s10;
	[dreg:$0x15] =	wrdreg s19  }
0x1f: {  	s15 =	sshll.u32 s14, $0x5;
	s25 =	sadd.s32 $0x150, s11;
	[dreg:$0x19] =	wrdreg s24  }
0x20: {  	s7 =	sshrl.u32 s14, $0x3;
	s26 =	sadd.s32 $0x1A000, s10;
	[dreg:$0x1a] =	wrdreg s25  }
0x21: {  	s21 =	sshll.u32 s4, $0x5;
	s30 =	sadd.s32 $0x170, s11;
	[dreg:$0x1b] =	wrdreg s26  }
0x22: {  	s22 =	sshrl.u32 s16, $0x3;
	s6 =	sadd.s32 s5, s15;
	[dreg:$0x1e] =	wrdreg s30  }
0x23: {  	s4 =	sshrl.u32 s4, $0x3;
	s17 =	sadd.s32 s3, s7;
	[dreg:$0x13] =	wrdreg s6  }
0x24: {  	s1 =	ssub.s32 s1, s29;
	s5 =	sadd.s32 s5, s21;
	[dreg:$0x14] =	wrdreg s17  }
0x25: {  	v2 =	vlaneseq.u32;
	s23 =	sadd.s32 s3, s22;
	s3 =	sadd.s32 s3, s4;
	[dreg:$0x17] =	wrdreg s5  }
0x26: {  	vm0 =	vmmov $0xffff;
	v1 =	vshrl.u32 v2, $0x3;
	s16 =	smax.u32 s1, $0x1;
	s26 =	simm.s32 $0x100;
	[dreg:$0x18] =	wrdreg s23  }
0x27: {  	v0 =	vand.u32 $0x7, v2;
	v2 =	vor.u32 $0x8, v2;
	v1 =	vmul.u32 $0x8, v1;
	s15 =	simm.s32 $0x1;
	[dreg:$0x1c] =	wrdreg s3;
	s5 =	sadd.s32 $0x5E00, s0  }
.LBB2_1:
0x28: {  	s19 =	sld [smem:$0x7FC];
	_ =	sdelay $0x1  }
0x29: {  	[smem:$0x7FB] =	sst s16;
	s0 =	simm.s32 $0x80;
	s1 =	simm.s32 $0x400  }
0x2a: {  	[tilespmem:s2], [sflag:$0x2] =	stream.strided.gather [hbm4b:s19+s0], $0x100, s1, s0, $0x38;
	[tilespmem:$0x10100] =	vst v63  }
0x2b: {  	_ =	swait.ge [sflag:s9], $0x100  }
0x2c: {  	[sflag:s9] =	ssyncset.done $0x0  }
0x2d: {  	[sflag:s9] =	ssyncadd.s32 $0xFFFFFF00  }
0x2e: {  	v3 =	vld [tilespmem:$0x0];
	_ =	sdelay $0x4  }
0x2f: {  	v4 =	vshll.u32 v3, $0x1  }
0x30: {  	v3 =	vand.u32 $0x7, v3;
	v4 =	vand.u32 $0xFFFFFFF0, v4  }
0x31: {  	v3 =	vor.u32 v3, v4  }
0x32: {  	v4 =	vperm.xlane v3, v0;
	_ =	sdelay $0x1  }
0x33: {  	v3 =	vperm.xlane v3, v2;
	v4 =	vadd.s32 v1, v4;
	_ =	sdelay $0x1  }
0x34: {  	v3 =	vadd.s32 v1, v3;
	_ =	sdelay $0x2  }
0x35: {  	[tilespmem:s26], [sflag:$0x1] =	stream.indirect_vreg.gather [hbm4b:s5+s2], $0x80, v4, vm0, $0xb8;
	[tilespmem:$0x10100] =	vst v63  }
0x36: {  	s20 =	simm.s32 $0x900  }
0x37: {  	[tilespmem:s20], [sflag:$0x1] =	stream.indirect_vreg.gather [hbm4b:s5+s2], $0x80, v3, vm0, $0xb8;
	[tilespmem:$0x10100] =	vst v63  }
0x38: {  	v3 =	vld [tilespmem:$0x10];
	_ =	sdelay $0x4  }
0x39: {  	v33 =	vshll.u32 v3, $0x1  }
0x3a: {  	v3 =	vand.u32 $0x7, v3;
	v4 =	vand.u32 $0xFFFFFFF0, v33  }
0x3b: {  	v3 =	vor.u32 v3, v4  }
0x3c: {  	v4 =	vperm.xlane v3, v0;
	_ =	sdelay $0x1  }
0x3d: {  	v3 =	vperm.xlane v3, v2;
	v4 =	vadd.s32 v1, v4;
	_ =	sdelay $0x1  }
0x3e: {  	v3 =	vadd.s32 v1, v3;
	_ =	sdelay $0x1  }
0x3f: {  	s21 =	simm.s32 $0x1100  }
0x40: {  	[tilespmem:s21], [sflag:$0x1] =	stream.indirect_vreg.gather [hbm4b:s5+s2], $0x80, v4, vm0, $0xb8;
	[tilespmem:$0x10100] =	vst v63  }
0x41: {  	s22 =	simm.s32 $0x1900  }
0x42: {  	[tilespmem:s22], [sflag:$0x1] =	stream.indirect_vreg.gather [hbm4b:s5+s2], $0x80, v3, vm0, $0xb8;
	[tilespmem:$0x10100] =	vst v63  }
0x43: {  	v3 =	vld [tilespmem:$0x20];
	_ =	sdelay $0x4  }
0x44: {  	v34 =	vshll.u32 v3, $0x1  }
0x45: {  	v3 =	vand.u32 $0x7, v3;
	v4 =	vand.u32 $0xFFFFFFF0, v34  }
0x46: {  	v3 =	vor.u32 v3, v4  }
0x47: {  	v4 =	vperm.xlane v3, v0;
	_ =	sdelay $0x1  }
0x48: {  	v3 =	vperm.xlane v3, v2;
	v4 =	vadd.s32 v1, v4;
	_ =	sdelay $0x1  }
0x49: {  	v3 =	vadd.s32 v1, v3;
	_ =	sdelay $0x1  }
0x4a: {  	s23 =	simm.s32 $0x2100  }
0x4b: {  	[tilespmem:s23], [sflag:$0x1] =	stream.indirect_vreg.gather [hbm4b:s5+s2], $0x80, v4, vm0, $0xb8;
	[tilespmem:$0x10100] =	vst v63  }
0x4c: {  	s24 =	simm.s32 $0x2900  }
0x4d: {  	[tilespmem:s24], [sflag:$0x1] =	stream.indirect_vreg.gather [hbm4b:s5+s2], $0x80, v3, vm0, $0xb8;
	[tilespmem:$0x10100] =	vst v63  }
0x4e: {  	v3 =	vld [tilespmem:$0x30];
	_ =	sdelay $0x4  }
0x4f: {  	v35 =	vshll.u32 v3, $0x1  }
0x50: {  	v3 =	vand.u32 $0x7, v3;
	v4 =	vand.u32 $0xFFFFFFF0, v35  }
0x51: {  	v3 =	vor.u32 v3, v4  }
0x52: {  	v4 =	vperm.xlane v3, v0;
	_ =	sdelay $0x1  }
0x53: {  	v3 =	vperm.xlane v3, v2;
	v4 =	vadd.s32 v1, v4;
	_ =	sdelay $0x1  }
0x54: {  	v3 =	vadd.s32 v1, v3;
	_ =	sdelay $0x1  }
0x55: {  	s25 =	simm.s32 $0x3100  }
0x56: {  	[tilespmem:s25], [sflag:$0x1] =	stream.indirect_vreg.gather [hbm4b:s5+s2], $0x80, v4, vm0, $0xb8;
	[tilespmem:$0x10100] =	vst v63  }
0x57: {  	s28 =	simm.s32 $0x3900  }
0x58: {  	[tilespmem:s28], [sflag:$0x1] =	stream.indirect_vreg.gather [hbm4b:s5+s2], $0x80, v3, vm0, $0xb8;
	[tilespmem:$0x10100] =	vst v63  }
0x59: {  	v3 =	vld [tilespmem:$0x40];
	_ =	sdelay $0x4  }
0x5a: {  	v36 =	vshll.u32 v3, $0x1  }
0x5b: {  	v3 =	vand.u32 $0x7, v3;
	v4 =	vand.u32 $0xFFFFFFF0, v36  }
0x5c: {  	v3 =	vor.u32 v3, v4  }
0x5d: {  	v4 =	vperm.xlane v3, v0;
	_ =	sdelay $0x1  }
0x5e: {  	v3 =	vperm.xlane v3, v2;
	v4 =	vadd.s32 v1, v4;
	_ =	sdelay $0x1  }
0x5f: {  	v3 =	vadd.s32 v1, v3;
	_ =	sdelay $0x1  }
0x60: {  	s29 =	simm.s32 $0x4100  }
0x61: {  	[tilespmem:s29], [sflag:$0x1] =	stream.indirect_vreg.gather [hbm4b:s5+s2], $0x80, v4, vm0, $0xb8;
	[tilespmem:$0x10100] =	vst v63  }
0x62: {  	s30 =	simm.s32 $0x4900  }
0x63: {  	[tilespmem:s30], [sflag:$0x1] =	stream.indirect_vreg.gather [hbm4b:s5+s2], $0x80, v3, vm0, $0xb8;
	[tilespmem:$0x10100] =	vst v63  }
0x64: {  	v3 =	vld [tilespmem:$0x50];
	_ =	sdelay $0x4  }
0x65: {  	v37 =	vshll.u32 v3, $0x1  }
0x66: {  	v3 =	vand.u32 $0x7, v3;
	v4 =	vand.u32 $0xFFFFFFF0, v37  }
0x67: {  	v3 =	vor.u32 v3, v4  }
0x68: {  	v4 =	vperm.xlane v3, v0;
	_ =	sdelay $0x1  }
0x69: {  	v3 =	vperm.xlane v3, v2;
	v4 =	vadd.s32 v1, v4;
	_ =	sdelay $0x1  }
0x6a: {  	v3 =	vadd.s32 v1, v3;
	_ =	sdelay $0x1  }
0x6b: {  	s31 =	simm.s32 $0x5100  }
0x6c: {  	[tilespmem:s31], [sflag:$0x1] =	stream.indirect_vreg.gather [hbm4b:s5+s2], $0x80, v4, vm0, $0xb8;
	[tilespmem:$0x10100] =	vst v63  }
0x6d: {  	s11 =	simm.s32 $0x5900  }
0x6e: {  	[tilespmem:s11], [sflag:$0x1] =	stream.indirect_vreg.gather [hbm4b:s5+s2], $0x80, v3, vm0, $0xb8;
	[tilespmem:$0x10100] =	vst v63  }
0x6f: {  	v3 =	vld [tilespmem:$0x60];
	_ =	sdelay $0x4  }
0x70: {  	v38 =	vshll.u32 v3, $0x1  }
0x71: {  	v3 =	vand.u32 $0x7, v3;
	v4 =	vand.u32 $0xFFFFFFF0, v38  }
0x72: {  	v3 =	vor.u32 v3, v4  }
0x73: {  	v4 =	vperm.xlane v3, v0;
	_ =	sdelay $0x1  }
0x74: {  	v3 =	vperm.xlane v3, v2;
	v4 =	vadd.s32 v1, v4;
	_ =	sdelay $0x1  }
0x75: {  	v3 =	vadd.s32 v1, v3;
	_ =	sdelay $0x1  }
0x76: {  	s12 =	simm.s32 $0x6100  }
0x77: {  	[tilespmem:s12], [sflag:$0x1] =	stream.indirect_vreg.gather [hbm4b:s5+s2], $0x80, v4, vm0, $0xb8;
	[tilespmem:$0x10100] =	vst v63  }
0x78: {  	s13 =	simm.s32 $0x6900  }
0x79: {  	[tilespmem:s13], [sflag:$0x1] =	stream.indirect_vreg.gather [hbm4b:s5+s2], $0x80, v3, vm0, $0xb8;
	[tilespmem:$0x10100] =	vst v63  }
0x7a: {  	v3 =	vld [tilespmem:$0x70];
	_ =	sdelay $0x4  }
0x7b: {  	v39 =	vshll.u32 v3, $0x1  }
0x7c: {  	v3 =	vand.u32 $0x7, v3;
	v4 =	vand.u32 $0xFFFFFFF0, v39  }
0x7d: {  	v3 =	vor.u32 v3, v4  }
0x7e: {  	v4 =	vperm.xlane v3, v0;
	_ =	sdelay $0x1  }
0x7f: {  	v3 =	vperm.xlane v3, v2;
	v4 =	vadd.s32 v1, v4;
	_ =	sdelay $0x1  }
0x80: {  	v3 =	vadd.s32 v1, v3;
	_ =	sdelay $0x1  }
0x81: {  	s14 =	simm.s32 $0x7100  }
0x82: {  	[tilespmem:s14], [sflag:$0x1] =	stream.indirect_vreg.gather [hbm4b:s5+s2], $0x80, v4, vm0, $0xb8;
	[tilespmem:$0x10100] =	vst v63  }
0x83: {  	s16 =	simm.s32 $0x7900  }
0x84: {  	[tilespmem:s16], [sflag:$0x1] =	stream.indirect_vreg.gather [hbm4b:s5+s2], $0x80, v3, vm0, $0xb8;
	[tilespmem:$0x10100] =	vst v63  }
0x85: {  	v3 =	vld [tilespmem:$0x80];
	_ =	sdelay $0x4  }
0x86: {  	v40 =	vshll.u32 v3, $0x1  }
0x87: {  	v3 =	vand.u32 $0x7, v3;
	v4 =	vand.u32 $0xFFFFFFF0, v40  }
0x88: {  	v3 =	vor.u32 v3, v4  }
0x89: {  	v4 =	vperm.xlane v3, v0;
	_ =	sdelay $0x1  }
0x8a: {  	v3 =	vperm.xlane v3, v2;
	v4 =	vadd.s32 v1, v4;
	_ =	sdelay $0x1  }
0x8b: {  	v3 =	vadd.s32 v1, v3;
	_ =	sdelay $0x1  }
0x8c: {  	s17 =	simm.s32 $0x8100  }
0x8d: {  	[tilespmem:s17], [sflag:$0x1] =	stream.indirect_vreg.gather [hbm4b:s5+s2], $0x80, v4, vm0, $0xb8;
	[tilespmem:$0x10100] =	vst v63  }
0x8e: {  	s18 =	simm.s32 $0x8900  }
0x8f: {  	[tilespmem:s18], [sflag:$0x1] =	stream.indirect_vreg.gather [hbm4b:s5+s2], $0x80, v3, vm0, $0xb8;
	[tilespmem:$0x10100] =	vst v63  }
0x90: {  	v3 =	vld [tilespmem:$0x90];
	_ =	sdelay $0x4  }
0x91: {  	v41 =	vshll.u32 v3, $0x1  }
0x92: {  	v3 =	vand.u32 $0x7, v3;
	v4 =	vand.u32 $0xFFFFFFF0, v41  }
0x93: {  	v3 =	vor.u32 v3, v4  }
0x94: {  	v4 =	vperm.xlane v3, v0;
	_ =	sdelay $0x1  }
0x95: {  	v3 =	vperm.xlane v3, v2;
	v4 =	vadd.s32 v1, v4;
	_ =	sdelay $0x1  }
0x96: {  	v3 =	vadd.s32 v1, v3;
	_ =	sdelay $0x1  }
0x97: {  	s19 =	simm.s32 $0x9100  }
0x98: {  	[tilespmem:s19], [sflag:$0x1] =	stream.indirect_vreg.gather [hbm4b:s5+s2], $0x80, v4, vm0, $0xb8;
	[tilespmem:$0x10100] =	vst v63  }
0x99: {  	s20 =	simm.s32 $0x9900  }
0x9a: {  	[tilespmem:s20], [sflag:$0x1] =	stream.indirect_vreg.gather [hbm4b:s5+s2], $0x80, v3, vm0, $0xb8;
	[tilespmem:$0x10100] =	vst v63  }
0x9b: {  	v3 =	vld [tilespmem:$0xA0];
	_ =	sdelay $0x4  }
0x9c: {  	v42 =	vshll.u32 v3, $0x1  }
0x9d: {  	v3 =	vand.u32 $0x7, v3;
	v4 =	vand.u32 $0xFFFFFFF0, v42  }
0x9e: {  	v3 =	vor.u32 v3, v4  }
0x9f: {  	v4 =	vperm.xlane v3, v0;
	_ =	sdelay $0x1  }
0xa0: {  	v3 =	vperm.xlane v3, v2;
	v4 =	vadd.s32 v1, v4;
	_ =	sdelay $0x1  }
0xa1: {  	v3 =	vadd.s32 v1, v3;
	_ =	sdelay $0x1  }
0xa2: {  	s21 =	simm.s32 $0xA100  }
0xa3: {  	[tilespmem:s21], [sflag:$0x1] =	stream.indirect_vreg.gather [hbm4b:s5+s2], $0x80, v4, vm0, $0xb8;
	[tilespmem:$0x10100] =	vst v63  }
0xa4: {  	s22 =	simm.s32 $0xA900  }
0xa5: {  	[tilespmem:s22], [sflag:$0x1] =	stream.indirect_vreg.gather [hbm4b:s5+s2], $0x80, v3, vm0, $0xb8;
	[tilespmem:$0x10100] =	vst v63  }
0xa6: {  	v3 =	vld [tilespmem:$0xB0];
	_ =	sdelay $0x4  }
0xa7: {  	v43 =	vshll.u32 v3, $0x1  }
0xa8: {  	v3 =	vand.u32 $0x7, v3;
	v4 =	vand.u32 $0xFFFFFFF0, v43  }
0xa9: {  	v3 =	vor.u32 v3, v4  }
0xaa: {  	v4 =	vperm.xlane v3, v0;
	_ =	sdelay $0x1  }
0xab: {  	v3 =	vperm.xlane v3, v2;
	v4 =	vadd.s32 v1, v4;
	_ =	sdelay $0x1  }
0xac: {  	v3 =	vadd.s32 v1, v3;
	_ =	sdelay $0x1  }
0xad: {  	s23 =	simm.s32 $0xB100  }
0xae: {  	[tilespmem:s23], [sflag:$0x1] =	stream.indirect_vreg.gather [hbm4b:s5+s2], $0x80, v4, vm0, $0xb8;
	[tilespmem:$0x10100] =	vst v63  }
0xaf: {  	s24 =	simm.s32 $0xB900  }
0xb0: {  	[tilespmem:s24], [sflag:$0x1] =	stream.indirect_vreg.gather [hbm4b:s5+s2], $0x80, v3, vm0, $0xb8;
	[tilespmem:$0x10100] =	vst v63  }
0xb1: {  	v3 =	vld [tilespmem:$0xC0];
	_ =	sdelay $0x4  }
0xb2: {  	v44 =	vshll.u32 v3, $0x1  }
0xb3: {  	v3 =	vand.u32 $0x7, v3;
	v4 =	vand.u32 $0xFFFFFFF0, v44  }
0xb4: {  	v3 =	vor.u32 v3, v4  }
0xb5: {  	v4 =	vperm.xlane v3, v0;
	_ =	sdelay $0x1  }
0xb6: {  	v3 =	vperm.xlane v3, v2;
	v4 =	vadd.s32 v1, v4;
	_ =	sdelay $0x1  }
0xb7: {  	v3 =	vadd.s32 v1, v3;
	_ =	sdelay $0x1  }
0xb8: {  	s25 =	simm.s32 $0xC100  }
0xb9: {  	[tilespmem:s25], [sflag:$0x1] =	stream.indirect_vreg.gather [hbm4b:s5+s2], $0x80, v4, vm0, $0xb8;
	[tilespmem:$0x10100] =	vst v63  }
0xba: {  	s28 =	simm.s32 $0xC900  }
0xbb: {  	[tilespmem:s28], [sflag:$0x1] =	stream.indirect_vreg.gather [hbm4b:s5+s2], $0x80, v3, vm0, $0xb8;
	[tilespmem:$0x10100] =	vst v63  }
0xbc: {  	v3 =	vld [tilespmem:$0xD0];
	_ =	sdelay $0x4  }
0xbd: {  	v45 =	vshll.u32 v3, $0x1  }
0xbe: {  	v3 =	vand.u32 $0x7, v3;
	v4 =	vand.u32 $0xFFFFFFF0, v45  }
0xbf: {  	v3 =	vor.u32 v3, v4  }
0xc0: {  	v4 =	vperm.xlane v3, v0;
	_ =	sdelay $0x1  }
0xc1: {  	v3 =	vperm.xlane v3, v2;
	v4 =	vadd.s32 v1, v4;
	_ =	sdelay $0x1  }
0xc2: {  	v3 =	vadd.s32 v1, v3;
	_ =	sdelay $0x1  }
0xc3: {  	s29 =	simm.s32 $0xD100  }
0xc4: {  	[tilespmem:s29], [sflag:$0x1] =	stream.indirect_vreg.gather [hbm4b:s5+s2], $0x80, v4, vm0, $0xb8;
	[tilespmem:$0x10100] =	vst v63  }
0xc5: {  	s30 =	simm.s32 $0xD900  }
0xc6: {  	[tilespmem:s30], [sflag:$0x1] =	stream.indirect_vreg.gather [hbm4b:s5+s2], $0x80, v3, vm0, $0xb8;
	[tilespmem:$0x10100] =	vst v63  }
0xc7: {  	v3 =	vld [tilespmem:$0xE0];
	_ =	sdelay $0x4  }
0xc8: {  	v46 =	vshll.u32 v3, $0x1  }
0xc9: {  	v3 =	vand.u32 $0x7, v3;
	v4 =	vand.u32 $0xFFFFFFF0, v46  }
0xca: {  	v3 =	vor.u32 v3, v4  }
0xcb: {  	v4 =	vperm.xlane v3, v0;
	_ =	sdelay $0x1  }
0xcc: {  	v3 =	vperm.xlane v3, v2;
	v4 =	vadd.s32 v1, v4;
	_ =	sdelay $0x1  }
0xcd: {  	v3 =	vadd.s32 v1, v3;
	_ =	sdelay $0x1  }
0xce: {  	s31 =	simm.s32 $0xE100  }
0xcf: {  	[tilespmem:s31], [sflag:$0x1] =	stream.indirect_vreg.gather [hbm4b:s5+s2], $0x80, v4, vm0, $0xb8;
	[tilespmem:$0x10100] =	vst v63  }
0xd0: {  	s0 =	simm.s32 $0xE900  }
0xd1: {  	[tilespmem:s0], [sflag:$0x1] =	stream.indirect_vreg.gather [hbm4b:s5+s2], $0x80, v3, vm0, $0xb8;
	[tilespmem:$0x10100] =	vst v63  }
0xd2: {  	v3 =	vld [tilespmem:$0xF0];
	_ =	sdelay $0x4  }
0xd3: {  	v47 =	vshll.u32 v3, $0x1  }
0xd4: {  	v3 =	vand.u32 $0x7, v3;
	v4 =	vand.u32 $0xFFFFFFF0, v47  }
0xd5: {  	v3 =	vor.u32 v3, v4  }
0xd6: {  	v4 =	vperm.xlane v3, v0;
	_ =	sdelay $0x1  }
0xd7: {  	v3 =	vperm.xlane v3, v2;
	v4 =	vadd.s32 v1, v4;
	_ =	sdelay $0x1  }
0xd8: {  	v3 =	vadd.s32 v1, v3;
	_ =	sdelay $0x1  }
0xd9: {  	s11 =	simm.s32 $0xF100  }
0xda: {  	[tilespmem:s11], [sflag:$0x1] =	stream.indirect_vreg.gather [hbm4b:s5+s2], $0x80, v4, vm0, $0xb8;
	[tilespmem:$0x10100] =	vst v63  }
0xdb: {  	s12 =	simm.s32 $0xF900  }
0xdc: {  	[tilespmem:s12], [sflag:$0x1] =	stream.indirect_vreg.gather [hbm4b:s5+s2], $0x80, v3, vm0, $0xb8;
	[tilespmem:$0x10100] =	vst v63  }
0xdd: {  	_ =	swait.ge [sflag:s15], $0x10000  }
0xde: {  	s13 =	sld [smem:$0x7FD]  }
0xdf: {  	[sflag:s15] =	ssyncset.done $0x0  }
0xe0: {  	[sflag:s15] =	ssyncadd.s32 $0xFFFF0000  }
0xe1: {  	[hbm4b:s13+s2] =	stream.linear.scatter [tilespmem:s26], [sflag:$0x2], $0x10000, $0x38;
	[tilespmem:$0x10100] =	vst v63  }
0xe2: {  	_ =	swait.ge [sflag:s9], $0x10000  }
0xe3: {  	s10 =	simm.s32 $0x400;
	[sflag:s9] =	ssyncset.done $0x0  }
0xe4: {  	s8 =	simm.s32 $0x80;
	s25 =	rddreg [dreg:$0x2];
	[sflag:s9] =	ssyncadd.s32 $0xFFFF0000  }
0xe5: {  	[tilespmem:s2], [sflag:$0x2] =	stream.strided.gather [hbm4b:s25+s8], $0x100, s10, s8, $0x38;
	[tilespmem:$0x10100] =	vst v63  }
0xe6: {  	_ =	swait.ge [sflag:s9], $0x100  }
0xe7: {  	[sflag:s9] =	ssyncset.done $0x0  }
0xe8: {  	[sflag:s9] =	ssyncadd.s32 $0xFFFFFF00  }
0xe9: {  	v3 =	vld [tilespmem:$0x0];
	_ =	sdelay $0x4  }
0xea: {  	v48 =	vshll.u32 v3, $0x1  }
0xeb: {  	v3 =	vand.u32 $0x7, v3;
	v4 =	vand.u32 $0xFFFFFFF0, v48  }
0xec: {  	v3 =	vor.u32 v3, v4  }
0xed: {  	v4 =	vperm.xlane v3, v0;
	_ =	sdelay $0x1  }
0xee: {  	v3 =	vperm.xlane v3, v2;
	v4 =	vadd.s32 v1, v4;
	_ =	sdelay $0x1  }
0xef: {  	v3 =	vadd.s32 v1, v3;
	_ =	sdelay $0x2  }
0xf0: {  	[tilespmem:s26], [sflag:$0x1] =	stream.indirect_vreg.gather [hbm4b:s5+s2], $0x80, v4, vm0, $0xb8;
	[tilespmem:$0x10100] =	vst v63  }
0xf1: {  	s6 =	simm.s32 $0x900  }
0xf2: {  	[tilespmem:s6], [sflag:$0x1] =	stream.indirect_vreg.gather [hbm4b:s5+s2], $0x80, v3, vm0, $0xb8;
	[tilespmem:$0x10100] =	vst v63  }
0xf3: {  	v3 =	vld [tilespmem:$0x10];
	_ =	sdelay $0x4  }
0xf4: {  	v49 =	vshll.u32 v3, $0x1  }
0xf5: {  	v3 =	vand.u32 $0x7, v3;
	v4 =	vand.u32 $0xFFFFFFF0, v49  }
0xf6: {  	v3 =	vor.u32 v3, v4  }
0xf7: {  	v4 =	vperm.xlane v3, v0;
	_ =	sdelay $0x1  }
0xf8: {  	v3 =	vperm.xlane v3, v2;
	v4 =	vadd.s32 v1, v4;
	_ =	sdelay $0x1  }
0xf9: {  	v3 =	vadd.s32 v1, v3;
	_ =	sdelay $0x1  }
0xfa: {  	s1 =	simm.s32 $0x1100  }
0xfb: {  	[tilespmem:s1], [sflag:$0x1] =	stream.indirect_vreg.gather [hbm4b:s5+s2], $0x80, v4, vm0, $0xb8;
	[tilespmem:$0x10100] =	vst v63  }
0xfc: {  	s10 =	simm.s32 $0x1900  }
0xfd: {  	[tilespmem:s10], [sflag:$0x1] =	stream.indirect_vreg.gather [hbm4b:s5+s2], $0x80, v3, vm0, $0xb8;
	[tilespmem:$0x10100] =	vst v63  }
0xfe: {  	v3 =	vld [tilespmem:$0x20];
	_ =	sdelay $0x4  }
0xff: {  	v50 =	vshll.u32 v3, $0x1  }
0x100: {  	v3 =	vand.u32 $0x7, v3;
	v4 =	vand.u32 $0xFFFFFFF0, v50  }
0x101: {  	v3 =	vor.u32 v3, v4  }
0x102: {  	v4 =	vperm.xlane v3, v0;
	_ =	sdelay $0x1  }
0x103: {  	v3 =	vperm.xlane v3, v2;
	v4 =	vadd.s32 v1, v4;
	_ =	sdelay $0x1  }
0x104: {  	v3 =	vadd.s32 v1, v3;
	_ =	sdelay $0x1  }
0x105: {  	s3 =	simm.s32 $0x2100  }
0x106: {  	[tilespmem:s3], [sflag:$0x1] =	stream.indirect_vreg.gather [hbm4b:s5+s2], $0x80, v4, vm0, $0xb8;
	[tilespmem:$0x10100] =	vst v63  }
0x107: {  	s25 =	simm.s32 $0x2900  }
0x108: {  	[tilespmem:s25], [sflag:$0x1] =	stream.indirect_vreg.gather [hbm4b:s5+s2], $0x80, v3, vm0, $0xb8;
	[tilespmem:$0x10100] =	vst v63  }
0x109: {  	v3 =	vld [tilespmem:$0x30];
	_ =	sdelay $0x4  }
0x10a: {  	v51 =	vshll.u32 v3, $0x1  }
0x10b: {  	v3 =	vand.u32 $0x7, v3;
	v4 =	vand.u32 $0xFFFFFFF0, v51  }
0x10c: {  	v3 =	vor.u32 v3, v4  }
0x10d: {  	v4 =	vperm.xlane v3, v0;
	_ =	sdelay $0x1  }
0x10e: {  	v3 =	vperm.xlane v3, v2;
	v4 =	vadd.s32 v1, v4;
	_ =	sdelay $0x1  }
0x10f: {  	v3 =	vadd.s32 v1, v3;
	_ =	sdelay $0x1  }
0x110: {  	s4 =	simm.s32 $0x3100  }
0x111: {  	[tilespmem:s4], [sflag:$0x1] =	stream.indirect_vreg.gather [hbm4b:s5+s2], $0x80, v4, vm0, $0xb8;
	[tilespmem:$0x10100] =	vst v63  }
0x112: {  	s7 =	simm.s32 $0x3900  }
0x113: {  	[tilespmem:s7], [sflag:$0x1] =	stream.indirect_vreg.gather [hbm4b:s5+s2], $0x80, v3, vm0, $0xb8;
	[tilespmem:$0x10100] =	vst v63  }
0x114: {  	v3 =	vld [tilespmem:$0x40];
	_ =	sdelay $0x4  }
0x115: {  	v52 =	vshll.u32 v3, $0x1  }
0x116: {  	v3 =	vand.u32 $0x7, v3;
	v4 =	vand.u32 $0xFFFFFFF0, v52  }
0x117: {  	v3 =	vor.u32 v3, v4  }
0x118: {  	v4 =	vperm.xlane v3, v0;
	_ =	sdelay $0x1  }
0x119: {  	v3 =	vperm.xlane v3, v2;
	v4 =	vadd.s32 v1, v4;
	_ =	sdelay $0x1  }
0x11a: {  	v3 =	vadd.s32 v1, v3;
	_ =	sdelay $0x1  }
0x11b: {  	s7 =	simm.s32 $0x4100  }
0x11c: {  	[tilespmem:s7], [sflag:$0x1] =	stream.indirect_vreg.gather [hbm4b:s5+s2], $0x80, v4, vm0, $0xb8;
	[tilespmem:$0x10100] =	vst v63  }
0x11d: {  	s8 =	simm.s32 $0x4900  }
0x11e: {  	[tilespmem:s8], [sflag:$0x1] =	stream.indirect_vreg.gather [hbm4b:s5+s2], $0x80, v3, vm0, $0xb8;
	[tilespmem:$0x10100] =	vst v63  }
0x11f: {  	v3 =	vld [tilespmem:$0x50];
	_ =	sdelay $0x4  }
0x120: {  	v53 =	vshll.u32 v3, $0x1  }
0x121: {  	v3 =	vand.u32 $0x7, v3;
	v4 =	vand.u32 $0xFFFFFFF0, v53  }
0x122: {  	v3 =	vor.u32 v3, v4  }
0x123: {  	v4 =	vperm.xlane v3, v0;
	_ =	sdelay $0x1  }
0x124: {  	v3 =	vperm.xlane v3, v2;
	v4 =	vadd.s32 v1, v4;
	_ =	sdelay $0x1  }
0x125: {  	v3 =	vadd.s32 v1, v3;
	_ =	sdelay $0x1  }
0x126: {  	s11 =	simm.s32 $0x5100  }
0x127: {  	[tilespmem:s11], [sflag:$0x1] =	stream.indirect_vreg.gather [hbm4b:s5+s2], $0x80, v4, vm0, $0xb8;
	[tilespmem:$0x10100] =	vst v63  }
0x128: {  	s12 =	simm.s32 $0x5900  }
0x129: {  	[tilespmem:s12], [sflag:$0x1] =	stream.indirect_vreg.gather [hbm4b:s5+s2], $0x80, v3, vm0, $0xb8;
	[tilespmem:$0x10100] =	vst v63  }
0x12a: {  	v3 =	vld [tilespmem:$0x60];
	_ =	sdelay $0x4  }
0x12b: {  	v54 =	vshll.u32 v3, $0x1  }
0x12c: {  	v3 =	vand.u32 $0x7, v3;
	v4 =	vand.u32 $0xFFFFFFF0, v54  }
0x12d: {  	v3 =	vor.u32 v3, v4  }
0x12e: {  	v4 =	vperm.xlane v3, v0;
	_ =	sdelay $0x1  }
0x12f: {  	v3 =	vperm.xlane v3, v2;
	v4 =	vadd.s32 v1, v4;
	_ =	sdelay $0x1  }
0x130: {  	v3 =	vadd.s32 v1, v3;
	_ =	sdelay $0x1  }
0x131: {  	s13 =	simm.s32 $0x6100  }
0x132: {  	[tilespmem:s13], [sflag:$0x1] =	stream.indirect_vreg.gather [hbm4b:s5+s2], $0x80, v4, vm0, $0xb8;
	[tilespmem:$0x10100] =	vst v63  }
0x133: {  	s3 =	simm.s32 $0x6900  }
0x134: {  	[tilespmem:s3], [sflag:$0x1] =	stream.indirect_vreg.gather [hbm4b:s5+s2], $0x80, v3, vm0, $0xb8;
	[tilespmem:$0x10100] =	vst v63  }
0x135: {  	v3 =	vld [tilespmem:$0x70];
	_ =	sdelay $0x4  }
0x136: {  	v55 =	vshll.u32 v3, $0x1  }
0x137: {  	v3 =	vand.u32 $0x7, v3;
	v4 =	vand.u32 $0xFFFFFFF0, v55  }
0x138: {  	v3 =	vor.u32 v3, v4  }
0x139: {  	v4 =	vperm.xlane v3, v0;
	_ =	sdelay $0x1  }
0x13a: {  	v3 =	vperm.xlane v3, v2;
	v4 =	vadd.s32 v1, v4;
	_ =	sdelay $0x1  }
0x13b: {  	v3 =	vadd.s32 v1, v3;
	_ =	sdelay $0x1  }
0x13c: {  	s0 =	simm.s32 $0x7100  }
0x13d: {  	[tilespmem:s0], [sflag:$0x1] =	stream.indirect_vreg.gather [hbm4b:s5+s2], $0x80, v4, vm0, $0xb8;
	[tilespmem:$0x10100] =	vst v63  }
0x13e: {  	s4 =	simm.s32 $0x7900  }
0x13f: {  	[tilespmem:s4], [sflag:$0x1] =	stream.indirect_vreg.gather [hbm4b:s5+s2], $0x80, v3, vm0, $0xb8;
	[tilespmem:$0x10100] =	vst v63  }
0x140: {  	v3 =	vld [tilespmem:$0x80];
	_ =	sdelay $0x4  }
0x141: {  	v56 =	vshll.u32 v3, $0x1  }
0x142: {  	v3 =	vand.u32 $0x7, v3;
	v4 =	vand.u32 $0xFFFFFFF0, v56  }
0x143: {  	v3 =	vor.u32 v3, v4  }
0x144: {  	v4 =	vperm.xlane v3, v0;
	_ =	sdelay $0x1  }
0x145: {  	v3 =	vperm.xlane v3, v2;
	v4 =	vadd.s32 v1, v4;
	_ =	sdelay $0x1  }
0x146: {  	v3 =	vadd.s32 v1, v3;
	_ =	sdelay $0x1  }
0x147: {  	s1 =	simm.s32 $0x8100  }
0x148: {  	[tilespmem:s1], [sflag:$0x1] =	stream.indirect_vreg.gather [hbm4b:s5+s2], $0x80, v4, vm0, $0xb8;
	[tilespmem:$0x10100] =	vst v63  }
0x149: {  	s6 =	simm.s32 $0x8900  }
0x14a: {  	[tilespmem:s6], [sflag:$0x1] =	stream.indirect_vreg.gather [hbm4b:s5+s2], $0x80, v3, vm0, $0xb8;
	[tilespmem:$0x10100] =	vst v63  }
0x14b: {  	v3 =	vld [tilespmem:$0x90];
	_ =	sdelay $0x4  }
0x14c: {  	v57 =	vshll.u32 v3, $0x1  }
0x14d: {  	v3 =	vand.u32 $0x7, v3;
	v4 =	vand.u32 $0xFFFFFFF0, v57  }
0x14e: {  	v3 =	vor.u32 v3, v4  }
0x14f: {  	v4 =	vperm.xlane v3, v0;
	_ =	sdelay $0x1  }
0x150: {  	v3 =	vperm.xlane v3, v2;
	v4 =	vadd.s32 v1, v4;
	_ =	sdelay $0x1  }
0x151: {  	v3 =	vadd.s32 v1, v3;
	_ =	sdelay $0x1  }
0x152: {  	s19 =	simm.s32 $0x9100  }
0x153: {  	[tilespmem:s19], [sflag:$0x1] =	stream.indirect_vreg.gather [hbm4b:s5+s2], $0x80, v4, vm0, $0xb8;
	[tilespmem:$0x10100] =	vst v63  }
0x154: {  	s19 =	simm.s32 $0x9900  }
0x155: {  	[tilespmem:s19], [sflag:$0x1] =	stream.indirect_vreg.gather [hbm4b:s5+s2], $0x80, v3, vm0, $0xb8;
	[tilespmem:$0x10100] =	vst v63  }
0x156: {  	v3 =	vld [tilespmem:$0xA0];
	_ =	sdelay $0x4  }
0x157: {  	v58 =	vshll.u32 v3, $0x1  }
0x158: {  	v3 =	vand.u32 $0x7, v3;
	v4 =	vand.u32 $0xFFFFFFF0, v58  }
0x159: {  	v3 =	vor.u32 v3, v4  }
0x15a: {  	v4 =	vperm.xlane v3, v0;
	_ =	sdelay $0x1  }
0x15b: {  	v3 =	vperm.xlane v3, v2;
	v4 =	vadd.s32 v1, v4;
	_ =	sdelay $0x1  }
0x15c: {  	v3 =	vadd.s32 v1, v3;
	_ =	sdelay $0x1  }
0x15d: {  	s21 =	simm.s32 $0xA100  }
0x15e: {  	[tilespmem:s21], [sflag:$0x1] =	stream.indirect_vreg.gather [hbm4b:s5+s2], $0x80, v4, vm0, $0xb8;
	[tilespmem:$0x10100] =	vst v63  }
0x15f: {  	s21 =	simm.s32 $0xA900  }
0x160: {  	[tilespmem:s21], [sflag:$0x1] =	stream.indirect_vreg.gather [hbm4b:s5+s2], $0x80, v3, vm0, $0xb8;
	[tilespmem:$0x10100] =	vst v63  }
0x161: {  	v3 =	vld [tilespmem:$0xB0];
	_ =	sdelay $0x4  }
0x162: {  	v59 =	vshll.u32 v3, $0x1  }
0x163: {  	v3 =	vand.u32 $0x7, v3;
	v4 =	vand.u32 $0xFFFFFFF0, v59  }
0x164: {  	v3 =	vor.u32 v3, v4  }
0x165: {  	v4 =	vperm.xlane v3, v0;
	_ =	sdelay $0x1  }
0x166: {  	v3 =	vperm.xlane v3, v2;
	v4 =	vadd.s32 v1, v4;
	_ =	sdelay $0x1  }
0x167: {  	v3 =	vadd.s32 v1, v3;
	_ =	sdelay $0x1  }
0x168: {  	s23 =	simm.s32 $0xB100  }
0x169: {  	[tilespmem:s23], [sflag:$0x1] =	stream.indirect_vreg.gather [hbm4b:s5+s2], $0x80, v4, vm0, $0xb8;
	[tilespmem:$0x10100] =	vst v63  }
0x16a: {  	s22 =	simm.s32 $0xB900  }
0x16b: {  	[tilespmem:s22], [sflag:$0x1] =	stream.indirect_vreg.gather [hbm4b:s5+s2], $0x80, v3, vm0, $0xb8;
	[tilespmem:$0x10100] =	vst v63  }
0x16c: {  	v3 =	vld [tilespmem:$0xC0];
	_ =	sdelay $0x4  }
0x16d: {  	v60 =	vshll.u32 v3, $0x1  }
0x16e: {  	v3 =	vand.u32 $0x7, v3;
	v4 =	vand.u32 $0xFFFFFFF0, v60  }
0x16f: {  	v3 =	vor.u32 v3, v4  }
0x170: {  	v4 =	vperm.xlane v3, v0;
	_ =	sdelay $0x1  }
0x171: {  	v3 =	vperm.xlane v3, v2;
	v4 =	vadd.s32 v1, v4;
	_ =	sdelay $0x1  }
0x172: {  	v3 =	vadd.s32 v1, v3;
	_ =	sdelay $0x1  }
0x173: {  	s24 =	simm.s32 $0xC100  }
0x174: {  	[tilespmem:s24], [sflag:$0x1] =	stream.indirect_vreg.gather [hbm4b:s5+s2], $0x80, v4, vm0, $0xb8;
	[tilespmem:$0x10100] =	vst v63  }
0x175: {  	s17 =	simm.s32 $0xC900  }
0x176: {  	[tilespmem:s17], [sflag:$0x1] =	stream.indirect_vreg.gather [hbm4b:s5+s2], $0x80, v3, vm0, $0xb8;
	[tilespmem:$0x10100] =	vst v63  }
0x177: {  	v3 =	vld [tilespmem:$0xD0];
	_ =	sdelay $0x4  }
0x178: {  	v61 =	vshll.u32 v3, $0x1  }
0x179: {  	v3 =	vand.u32 $0x7, v3;
	v4 =	vand.u32 $0xFFFFFFF0, v61  }
0x17a: {  	v3 =	vor.u32 v3, v4  }
0x17b: {  	v4 =	vperm.xlane v3, v0;
	_ =	sdelay $0x1  }
0x17c: {  	v3 =	vperm.xlane v3, v2;
	v4 =	vadd.s32 v1, v4;
	_ =	sdelay $0x1  }
0x17d: {  	v3 =	vadd.s32 v1, v3;
	_ =	sdelay $0x1  }
0x17e: {  	s28 =	simm.s32 $0xD100  }
0x17f: {  	[tilespmem:s28], [sflag:$0x1] =	stream.indirect_vreg.gather [hbm4b:s5+s2], $0x80, v4, vm0, $0xb8;
	[tilespmem:$0x10100] =	vst v63  }
0x180: {  	s18 =	simm.s32 $0xD900  }
0x181: {  	[tilespmem:s18], [sflag:$0x1] =	stream.indirect_vreg.gather [hbm4b:s5+s2], $0x80, v3, vm0, $0xb8;
	[tilespmem:$0x10100] =	vst v63  }
0x182: {  	v3 =	vld [tilespmem:$0xE0];
	_ =	sdelay $0x4  }
0x183: {  	v62 =	vshll.u32 v3, $0x1  }
0x184: {  	v3 =	vand.u32 $0x7, v3;
	v4 =	vand.u32 $0xFFFFFFF0, v62  }
0x185: {  	v3 =	vor.u32 v3, v4  }
0x186: {  	v4 =	vperm.xlane v3, v0;
	_ =	sdelay $0x1  }
0x187: {  	v3 =	vperm.xlane v3, v2;
	v4 =	vadd.s32 v1, v4;
	_ =	sdelay $0x1  }
0x188: {  	v3 =	vadd.s32 v1, v3;
	_ =	sdelay $0x1  }
0x189: {  	s29 =	simm.s32 $0xE100  }
0x18a: {  	[tilespmem:s29], [sflag:$0x1] =	stream.indirect_vreg.gather [hbm4b:s5+s2], $0x80, v4, vm0, $0xb8;
	[tilespmem:$0x10100] =	vst v63  }
0x18b: {  	s20 =	simm.s32 $0xE900  }
0x18c: {  	[tilespmem:s20], [sflag:$0x1] =	stream.indirect_vreg.gather [hbm4b:s5+s2], $0x80, v3, vm0, $0xb8;
	[tilespmem:$0x10100] =	vst v63  }
0x18d: {  	v3 =	vld [tilespmem:$0xF0];
	_ =	sdelay $0x4  }
0x18e: {  	v63 =	vshll.u32 v3, $0x1  }
0x18f: {  	v3 =	vand.u32 $0x7, v3;
	v4 =	vand.u32 $0xFFFFFFF0, v63  }
0x190: {  	v3 =	vor.u32 v3, v4  }
0x191: {  	v4 =	vperm.xlane v3, v0;
	_ =	sdelay $0x1  }
0x192: {  	v3 =	vperm.xlane v3, v2;
	v4 =	vadd.s32 v1, v4;
	_ =	sdelay $0x1  }
0x193: {  	v3 =	vadd.s32 v1, v3;
	_ =	sdelay $0x1  }
0x194: {  	s30 =	simm.s32 $0xF100  }
0x195: {  	[tilespmem:s30], [sflag:$0x1] =	stream.indirect_vreg.gather [hbm4b:s5+s2], $0x80, v4, vm0, $0xb8;
	[tilespmem:$0x10100] =	vst v63  }
0x196: {  	s14 =	simm.s32 $0xF900  }
0x197: {  	[tilespmem:s14], [sflag:$0x1] =	stream.indirect_vreg.gather [hbm4b:s5+s2], $0x80, v3, vm0, $0xb8;
	[tilespmem:$0x10100] =	vst v63  }
0x198: {  	_ =	swait.ge [sflag:s15], $0x10000  }
0x199: {  	[sflag:s15] =	ssyncset.done $0x0  }
0x19a: {  	s29 =	rddreg [dreg:$0x3];
	[sflag:s15] =	ssyncadd.s32 $0xFFFF0000  }
0x19b: {  	[hbm4b:s29+s2] =	stream.linear.scatter [tilespmem:s26], [sflag:$0x2], $0x10000, $0x38;
	[tilespmem:$0x10100] =	vst v63  }
0x19c: {  	_ =	swait.ge [sflag:s9], $0x10000  }
0x19d: {  	s30 =	simm.s32 $0x80;
	[sflag:s9] =	ssyncset.done $0x0  }
0x19e: {  	s29 =	simm.s32 $0x400;
	s16 =	rddreg [dreg:$0x4];
	[sflag:s9] =	ssyncadd.s32 $0xFFFF0000  }
0x19f: {  	[tilespmem:s2], [sflag:$0x2] =	stream.strided.gather [hbm4b:s16+s30], $0x100, s29, s30, $0x38;
	[tilespmem:$0x10100] =	vst v63  }
0x1a0: {  	_ =	swait.ge [sflag:s9], $0x100  }
0x1a1: {  	[sflag:s9] =	ssyncset.done $0x0  }
0x1a2: {  	[sflag:s9] =	ssyncadd.s32 $0xFFFFFF00  }
0x1a3: {  	v3 =	vld [tilespmem:$0x0];
	_ =	sdelay $0x4  }
0x1a4: {  	v8 =	vshll.u32 v3, $0x1  }
0x1a5: {  	v3 =	vand.u32 $0x7, v3;
	v4 =	vand.u32 $0xFFFFFFF0, v8  }
0x1a6: {  	v3 =	vor.u32 v3, v4  }
0x1a7: {  	v4 =	vperm.xlane v3, v0;
	_ =	sdelay $0x1  }
0x1a8: {  	v3 =	vperm.xlane v3, v2;
	v4 =	vadd.s32 v1, v4;
	_ =	sdelay $0x1  }
0x1a9: {  	v3 =	vadd.s32 v1, v3;
	_ =	sdelay $0x2  }
0x1aa: {  	[tilespmem:s26], [sflag:$0x1] =	stream.indirect_vreg.gather [hbm4b:s5+s2], $0x80, v4, vm0, $0xb8;
	[tilespmem:$0x10100] =	vst v63  }
0x1ab: {  	s30 =	simm.s32 $0x900  }
0x1ac: {  	[tilespmem:s30], [sflag:$0x1] =	stream.indirect_vreg.gather [hbm4b:s5+s2], $0x80, v3, vm0, $0xb8;
	[tilespmem:$0x10100] =	vst v63  }
0x1ad: {  	v3 =	vld [tilespmem:$0x10];
	_ =	sdelay $0x4  }
0x1ae: {  	v9 =	vshll.u32 v3, $0x1  }
0x1af: {  	v3 =	vand.u32 $0x7, v3;
	v4 =	vand.u32 $0xFFFFFFF0, v9  }
0x1b0: {  	v3 =	vor.u32 v3, v4  }
0x1b1: {  	v4 =	vperm.xlane v3, v0;
	_ =	sdelay $0x1  }
0x1b2: {  	v3 =	vperm.xlane v3, v2;
	v4 =	vadd.s32 v1, v4;
	_ =	sdelay $0x1  }
0x1b3: {  	v3 =	vadd.s32 v1, v3;
	_ =	sdelay $0x1  }
0x1b4: {  	s29 =	simm.s32 $0x1100  }
0x1b5: {  	[tilespmem:s29], [sflag:$0x1] =	stream.indirect_vreg.gather [hbm4b:s5+s2], $0x80, v4, vm0, $0xb8;
	[tilespmem:$0x10100] =	vst v63  }
0x1b6: {  	_ = 	snop  }
0x1b7: {  	[tilespmem:s10], [sflag:$0x1] =	stream.indirect_vreg.gather [hbm4b:s5+s2], $0x80, v3, vm0, $0xb8;
	[tilespmem:$0x10100] =	vst v63  }
0x1b8: {  	v3 =	vld [tilespmem:$0x20];
	_ =	sdelay $0x4  }
0x1b9: {  	v10 =	vshll.u32 v3, $0x1  }
0x1ba: {  	v3 =	vand.u32 $0x7, v3;
	v4 =	vand.u32 $0xFFFFFFF0, v10  }
0x1bb: {  	v3 =	vor.u32 v3, v4  }
0x1bc: {  	v4 =	vperm.xlane v3, v0;
	_ =	sdelay $0x1  }
0x1bd: {  	v3 =	vperm.xlane v3, v2;
	v4 =	vadd.s32 v1, v4;
	_ =	sdelay $0x1  }
0x1be: {  	v3 =	vadd.s32 v1, v3;
	_ =	sdelay $0x1  }
0x1bf: {  	s30 =	simm.s32 $0x2100  }
0x1c0: {  	[tilespmem:s30], [sflag:$0x1] =	stream.indirect_vreg.gather [hbm4b:s5+s2], $0x80, v4, vm0, $0xb8;
	[tilespmem:$0x10100] =	vst v63  }
0x1c1: {  	_ = 	snop  }
0x1c2: {  	[tilespmem:s25], [sflag:$0x1] =	stream.indirect_vreg.gather [hbm4b:s5+s2], $0x80, v3, vm0, $0xb8;
	[tilespmem:$0x10100] =	vst v63  }
0x1c3: {  	v3 =	vld [tilespmem:$0x30];
	_ =	sdelay $0x4  }
0x1c4: {  	v11 =	vshll.u32 v3, $0x1  }
0x1c5: {  	v3 =	vand.u32 $0x7, v3;
	v4 =	vand.u32 $0xFFFFFFF0, v11  }
0x1c6: {  	v3 =	vor.u32 v3, v4  }
0x1c7: {  	v4 =	vperm.xlane v3, v0;
	_ =	sdelay $0x1  }
0x1c8: {  	v3 =	vperm.xlane v3, v2;
	v4 =	vadd.s32 v1, v4;
	_ =	sdelay $0x1  }
0x1c9: {  	v3 =	vadd.s32 v1, v3;
	_ =	sdelay $0x1  }
0x1ca: {  	s29 =	simm.s32 $0x3100  }
0x1cb: {  	[tilespmem:s29], [sflag:$0x1] =	stream.indirect_vreg.gather [hbm4b:s5+s2], $0x80, v4, vm0, $0xb8;
	[tilespmem:$0x10100] =	vst v63  }
0x1cc: {  	s30 =	simm.s32 $0x3900  }
0x1cd: {  	[tilespmem:s30], [sflag:$0x1] =	stream.indirect_vreg.gather [hbm4b:s5+s2], $0x80, v3, vm0, $0xb8;
	[tilespmem:$0x10100] =	vst v63  }
0x1ce: {  	v3 =	vld [tilespmem:$0x40];
	_ =	sdelay $0x4  }
0x1cf: {  	v12 =	vshll.u32 v3, $0x1  }
0x1d0: {  	v3 =	vand.u32 $0x7, v3;
	v4 =	vand.u32 $0xFFFFFFF0, v12  }
0x1d1: {  	v3 =	vor.u32 v3, v4  }
0x1d2: {  	v4 =	vperm.xlane v3, v0;
	_ =	sdelay $0x1  }
0x1d3: {  	v3 =	vperm.xlane v3, v2;
	v4 =	vadd.s32 v1, v4;
	_ =	sdelay $0x1  }
0x1d4: {  	v3 =	vadd.s32 v1, v3;
	_ =	sdelay $0x2  }
0x1d5: {  	[tilespmem:s7], [sflag:$0x1] =	stream.indirect_vreg.gather [hbm4b:s5+s2], $0x80, v4, vm0, $0xb8;
	[tilespmem:$0x10100] =	vst v63  }
0x1d6: {  	_ = 	snop  }
0x1d7: {  	[tilespmem:s8], [sflag:$0x1] =	stream.indirect_vreg.gather [hbm4b:s5+s2], $0x80, v3, vm0, $0xb8;
	[tilespmem:$0x10100] =	vst v63  }
0x1d8: {  	v3 =	vld [tilespmem:$0x50];
	_ =	sdelay $0x4  }
0x1d9: {  	v13 =	vshll.u32 v3, $0x1  }
0x1da: {  	v3 =	vand.u32 $0x7, v3;
	v4 =	vand.u32 $0xFFFFFFF0, v13  }
0x1db: {  	v3 =	vor.u32 v3, v4  }
0x1dc: {  	v4 =	vperm.xlane v3, v0;
	_ =	sdelay $0x1  }
0x1dd: {  	v3 =	vperm.xlane v3, v2;
	v4 =	vadd.s32 v1, v4;
	_ =	sdelay $0x1  }
0x1de: {  	v3 =	vadd.s32 v1, v3;
	_ =	sdelay $0x2  }
0x1df: {  	[tilespmem:s11], [sflag:$0x1] =	stream.indirect_vreg.gather [hbm4b:s5+s2], $0x80, v4, vm0, $0xb8;
	[tilespmem:$0x10100] =	vst v63  }
0x1e0: {  	_ = 	snop  }
0x1e1: {  	[tilespmem:s12], [sflag:$0x1] =	stream.indirect_vreg.gather [hbm4b:s5+s2], $0x80, v3, vm0, $0xb8;
	[tilespmem:$0x10100] =	vst v63  }
0x1e2: {  	v3 =	vld [tilespmem:$0x60];
	_ =	sdelay $0x4  }
0x1e3: {  	v14 =	vshll.u32 v3, $0x1  }
0x1e4: {  	v3 =	vand.u32 $0x7, v3;
	v4 =	vand.u32 $0xFFFFFFF0, v14  }
0x1e5: {  	v3 =	vor.u32 v3, v4  }
0x1e6: {  	v4 =	vperm.xlane v3, v0;
	_ =	sdelay $0x1  }
0x1e7: {  	v3 =	vperm.xlane v3, v2;
	v4 =	vadd.s32 v1, v4;
	_ =	sdelay $0x1  }
0x1e8: {  	v3 =	vadd.s32 v1, v3;
	_ =	sdelay $0x2  }
0x1e9: {  	[tilespmem:s13], [sflag:$0x1] =	stream.indirect_vreg.gather [hbm4b:s5+s2], $0x80, v4, vm0, $0xb8;
	[tilespmem:$0x10100] =	vst v63  }
0x1ea: {  	_ = 	snop  }
0x1eb: {  	[tilespmem:s3], [sflag:$0x1] =	stream.indirect_vreg.gather [hbm4b:s5+s2], $0x80, v3, vm0, $0xb8;
	[tilespmem:$0x10100] =	vst v63  }
0x1ec: {  	v3 =	vld [tilespmem:$0x70];
	_ =	sdelay $0x4  }
0x1ed: {  	v15 =	vshll.u32 v3, $0x1  }
0x1ee: {  	v3 =	vand.u32 $0x7, v3;
	v4 =	vand.u32 $0xFFFFFFF0, v15  }
0x1ef: {  	v3 =	vor.u32 v3, v4  }
0x1f0: {  	v4 =	vperm.xlane v3, v0;
	_ =	sdelay $0x1  }
0x1f1: {  	v3 =	vperm.xlane v3, v2;
	v4 =	vadd.s32 v1, v4;
	_ =	sdelay $0x1  }
0x1f2: {  	v3 =	vadd.s32 v1, v3;
	_ =	sdelay $0x2  }
0x1f3: {  	[tilespmem:s0], [sflag:$0x1] =	stream.indirect_vreg.gather [hbm4b:s5+s2], $0x80, v4, vm0, $0xb8;
	[tilespmem:$0x10100] =	vst v63  }
0x1f4: {  	_ = 	snop  }
0x1f5: {  	[tilespmem:s4], [sflag:$0x1] =	stream.indirect_vreg.gather [hbm4b:s5+s2], $0x80, v3, vm0, $0xb8;
	[tilespmem:$0x10100] =	vst v63  }
0x1f6: {  	v3 =	vld [tilespmem:$0x80];
	_ =	sdelay $0x4  }
0x1f7: {  	v16 =	vshll.u32 v3, $0x1  }
0x1f8: {  	v3 =	vand.u32 $0x7, v3;
	v4 =	vand.u32 $0xFFFFFFF0, v16  }
0x1f9: {  	v3 =	vor.u32 v3, v4  }
0x1fa: {  	v4 =	vperm.xlane v3, v0;
	_ =	sdelay $0x1  }
0x1fb: {  	v3 =	vperm.xlane v3, v2;
	v4 =	vadd.s32 v1, v4;
	_ =	sdelay $0x1  }
0x1fc: {  	v3 =	vadd.s32 v1, v3;
	_ =	sdelay $0x2  }
0x1fd: {  	[tilespmem:s1], [sflag:$0x1] =	stream.indirect_vreg.gather [hbm4b:s5+s2], $0x80, v4, vm0, $0xb8;
	[tilespmem:$0x10100] =	vst v63  }
0x1fe: {  	_ = 	snop  }
0x1ff: {  	[tilespmem:s6], [sflag:$0x1] =	stream.indirect_vreg.gather [hbm4b:s5+s2], $0x80, v3, vm0, $0xb8;
	[tilespmem:$0x10100] =	vst v63  }
0x200: {  	v3 =	vld [tilespmem:$0x90];
	_ =	sdelay $0x4  }
0x201: {  	v17 =	vshll.u32 v3, $0x1  }
0x202: {  	v3 =	vand.u32 $0x7, v3;
	v4 =	vand.u32 $0xFFFFFFF0, v17  }
0x203: {  	v3 =	vor.u32 v3, v4  }
0x204: {  	v4 =	vperm.xlane v3, v0;
	_ =	sdelay $0x1  }
0x205: {  	v3 =	vperm.xlane v3, v2;
	v4 =	vadd.s32 v1, v4;
	_ =	sdelay $0x1  }
0x206: {  	v3 =	vadd.s32 v1, v3;
	_ =	sdelay $0x1  }
0x207: {  	s31 =	simm.s32 $0x9100  }
0x208: {  	[tilespmem:s31], [sflag:$0x1] =	stream.indirect_vreg.gather [hbm4b:s5+s2], $0x80, v4, vm0, $0xb8;
	[tilespmem:$0x10100] =	vst v63  }
0x209: {  	_ = 	snop  }
0x20a: {  	[tilespmem:s19], [sflag:$0x1] =	stream.indirect_vreg.gather [hbm4b:s5+s2], $0x80, v3, vm0, $0xb8;
	[tilespmem:$0x10100] =	vst v63  }
0x20b: {  	v3 =	vld [tilespmem:$0xA0];
	_ =	sdelay $0x4  }
0x20c: {  	v18 =	vshll.u32 v3, $0x1  }
0x20d: {  	v3 =	vand.u32 $0x7, v3;
	v4 =	vand.u32 $0xFFFFFFF0, v18  }
0x20e: {  	v3 =	vor.u32 v3, v4  }
0x20f: {  	v4 =	vperm.xlane v3, v0;
	_ =	sdelay $0x1  }
0x210: {  	v3 =	vperm.xlane v3, v2;
	v4 =	vadd.s32 v1, v4;
	_ =	sdelay $0x1  }
0x211: {  	v3 =	vadd.s32 v1, v3;
	_ =	sdelay $0x1  }
0x212: {  	s16 =	simm.s32 $0xA100  }
0x213: {  	[tilespmem:s16], [sflag:$0x1] =	stream.indirect_vreg.gather [hbm4b:s5+s2], $0x80, v4, vm0, $0xb8;
	[tilespmem:$0x10100] =	vst v63  }
0x214: {  	_ = 	snop  }
0x215: {  	[tilespmem:s21], [sflag:$0x1] =	stream.indirect_vreg.gather [hbm4b:s5+s2], $0x80, v3, vm0, $0xb8;
	[tilespmem:$0x10100] =	vst v63  }
0x216: {  	v3 =	vld [tilespmem:$0xB0];
	_ =	sdelay $0x4  }
0x217: {  	v19 =	vshll.u32 v3, $0x1  }
0x218: {  	v3 =	vand.u32 $0x7, v3;
	v4 =	vand.u32 $0xFFFFFFF0, v19  }
0x219: {  	v3 =	vor.u32 v3, v4  }
0x21a: {  	v4 =	vperm.xlane v3, v0;
	_ =	sdelay $0x1  }
0x21b: {  	v3 =	vperm.xlane v3, v2;
	v4 =	vadd.s32 v1, v4;
	_ =	sdelay $0x1  }
0x21c: {  	v3 =	vadd.s32 v1, v3;
	_ =	sdelay $0x1  }
0x21d: {  	s19 =	simm.s32 $0xB100  }
0x21e: {  	[tilespmem:s19], [sflag:$0x1] =	stream.indirect_vreg.gather [hbm4b:s5+s2], $0x80, v4, vm0, $0xb8;
	[tilespmem:$0x10100] =	vst v63  }
0x21f: {  	s21 =	simm.s32 $0xB900  }
0x220: {  	[tilespmem:s21], [sflag:$0x1] =	stream.indirect_vreg.gather [hbm4b:s5+s2], $0x80, v3, vm0, $0xb8;
	[tilespmem:$0x10100] =	vst v63  }
0x221: {  	v3 =	vld [tilespmem:$0xC0];
	_ =	sdelay $0x4  }
0x222: {  	v20 =	vshll.u32 v3, $0x1  }
0x223: {  	v3 =	vand.u32 $0x7, v3;
	v4 =	vand.u32 $0xFFFFFFF0, v20  }
0x224: {  	v3 =	vor.u32 v3, v4  }
0x225: {  	v4 =	vperm.xlane v3, v0;
	_ =	sdelay $0x1  }
0x226: {  	v3 =	vperm.xlane v3, v2;
	v4 =	vadd.s32 v1, v4;
	_ =	sdelay $0x1  }
0x227: {  	v3 =	vadd.s32 v1, v3;
	_ =	sdelay $0x1  }
0x228: {  	s22 =	simm.s32 $0xC100  }
0x229: {  	[tilespmem:s22], [sflag:$0x1] =	stream.indirect_vreg.gather [hbm4b:s5+s2], $0x80, v4, vm0, $0xb8;
	[tilespmem:$0x10100] =	vst v63  }
0x22a: {  	s23 =	simm.s32 $0xC900  }
0x22b: {  	[tilespmem:s23], [sflag:$0x1] =	stream.indirect_vreg.gather [hbm4b:s5+s2], $0x80, v3, vm0, $0xb8;
	[tilespmem:$0x10100] =	vst v63  }
0x22c: {  	v3 =	vld [tilespmem:$0xD0];
	_ =	sdelay $0x4  }
0x22d: {  	v21 =	vshll.u32 v3, $0x1  }
0x22e: {  	v3 =	vand.u32 $0x7, v3;
	v4 =	vand.u32 $0xFFFFFFF0, v21  }
0x22f: {  	v3 =	vor.u32 v3, v4  }
0x230: {  	v4 =	vperm.xlane v3, v0;
	_ =	sdelay $0x1  }
0x231: {  	v3 =	vperm.xlane v3, v2;
	v4 =	vadd.s32 v1, v4;
	_ =	sdelay $0x1  }
0x232: {  	v3 =	vadd.s32 v1, v3;
	_ =	sdelay $0x1  }
0x233: {  	s17 =	simm.s32 $0xD100  }
0x234: {  	[tilespmem:s17], [sflag:$0x1] =	stream.indirect_vreg.gather [hbm4b:s5+s2], $0x80, v4, vm0, $0xb8;
	[tilespmem:$0x10100] =	vst v63  }
0x235: {  	s24 =	simm.s32 $0xD900  }
0x236: {  	[tilespmem:s24], [sflag:$0x1] =	stream.indirect_vreg.gather [hbm4b:s5+s2], $0x80, v3, vm0, $0xb8;
	[tilespmem:$0x10100] =	vst v63  }
0x237: {  	v3 =	vld [tilespmem:$0xE0];
	_ =	sdelay $0x4  }
0x238: {  	v22 =	vshll.u32 v3, $0x1  }
0x239: {  	v3 =	vand.u32 $0x7, v3;
	v4 =	vand.u32 $0xFFFFFFF0, v22  }
0x23a: {  	v3 =	vor.u32 v3, v4  }
0x23b: {  	v4 =	vperm.xlane v3, v0;
	_ =	sdelay $0x1  }
0x23c: {  	v3 =	vperm.xlane v3, v2;
	v4 =	vadd.s32 v1, v4;
	_ =	sdelay $0x1  }
0x23d: {  	v3 =	vadd.s32 v1, v3;
	_ =	sdelay $0x1  }
0x23e: {  	s28 =	simm.s32 $0xE100  }
0x23f: {  	[tilespmem:s28], [sflag:$0x1] =	stream.indirect_vreg.gather [hbm4b:s5+s2], $0x80, v4, vm0, $0xb8;
	[tilespmem:$0x10100] =	vst v63  }
0x240: {  	s20 =	simm.s32 $0xE900  }
0x241: {  	[tilespmem:s20], [sflag:$0x1] =	stream.indirect_vreg.gather [hbm4b:s5+s2], $0x80, v3, vm0, $0xb8;
	[tilespmem:$0x10100] =	vst v63  }
0x242: {  	v3 =	vld [tilespmem:$0xF0];
	_ =	sdelay $0x4  }
0x243: {  	v23 =	vshll.u32 v3, $0x1  }
0x244: {  	v3 =	vand.u32 $0x7, v3;
	v4 =	vand.u32 $0xFFFFFFF0, v23  }
0x245: {  	v3 =	vor.u32 v3, v4  }
0x246: {  	v4 =	vperm.xlane v3, v0;
	_ =	sdelay $0x1  }
0x247: {  	v3 =	vperm.xlane v3, v2;
	v4 =	vadd.s32 v1, v4;
	_ =	sdelay $0x1  }
0x248: {  	v3 =	vadd.s32 v1, v3;
	_ =	sdelay $0x1  }
0x249: {  	s18 =	simm.s32 $0xF100  }
0x24a: {  	[tilespmem:s18], [sflag:$0x1] =	stream.indirect_vreg.gather [hbm4b:s5+s2], $0x80, v4, vm0, $0xb8;
	[tilespmem:$0x10100] =	vst v63  }
0x24b: {  	s14 =	simm.s32 $0xF900  }
0x24c: {  	[tilespmem:s14], [sflag:$0x1] =	stream.indirect_vreg.gather [hbm4b:s5+s2], $0x80, v3, vm0, $0xb8;
	[tilespmem:$0x10100] =	vst v63  }
0x24d: {  	_ =	swait.ge [sflag:s15], $0x10000  }
0x24e: {  	[sflag:s15] =	ssyncset.done $0x0  }
0x24f: {  	s24 =	rddreg [dreg:$0x5];
	[sflag:s15] =	ssyncadd.s32 $0xFFFF0000  }
0x250: {  	[hbm4b:s24+s2] =	stream.linear.scatter [tilespmem:s26], [sflag:$0x2], $0x10000, $0x38;
	[tilespmem:$0x10100] =	vst v63  }
0x251: {  	_ =	swait.ge [sflag:s9], $0x10000  }
0x252: {  	s28 =	simm.s32 $0x400;
	[sflag:s9] =	ssyncset.done $0x0  }
0x253: {  	s24 =	simm.s32 $0x80;
	s16 =	rddreg [dreg:$0x6];
	[sflag:s9] =	ssyncadd.s32 $0xFFFF0000  }
0x254: {  	[tilespmem:s2], [sflag:$0x2] =	stream.strided.gather [hbm4b:s16+s24], $0x100, s28, s24, $0x38;
	[tilespmem:$0x10100] =	vst v63  }
0x255: {  	_ =	swait.ge [sflag:s9], $0x100  }
0x256: {  	[sflag:s9] =	ssyncset.done $0x0  }
0x257: {  	[sflag:s9] =	ssyncadd.s32 $0xFFFFFF00  }
0x258: {  	v3 =	vld [tilespmem:$0x0];
	_ =	sdelay $0x4  }
0x259: {  	v24 =	vshll.u32 v3, $0x1  }
0x25a: {  	v3 =	vand.u32 $0x7, v3;
	v4 =	vand.u32 $0xFFFFFFF0, v24  }
0x25b: {  	v3 =	vor.u32 v3, v4  }
0x25c: {  	v4 =	vperm.xlane v3, v0;
	_ =	sdelay $0x1  }
0x25d: {  	v3 =	vperm.xlane v3, v2;
	v4 =	vadd.s32 v1, v4;
	_ =	sdelay $0x1  }
0x25e: {  	v3 =	vadd.s32 v1, v3;
	_ =	sdelay $0x2  }
0x25f: {  	[tilespmem:s26], [sflag:$0x1] =	stream.indirect_vreg.gather [hbm4b:s5+s2], $0x80, v4, vm0, $0xb8;
	[tilespmem:$0x10100] =	vst v63  }
0x260: {  	s28 =	simm.s32 $0x900  }
0x261: {  	[tilespmem:s28], [sflag:$0x1] =	stream.indirect_vreg.gather [hbm4b:s5+s2], $0x80, v3, vm0, $0xb8;
	[tilespmem:$0x10100] =	vst v63  }
0x262: {  	v3 =	vld [tilespmem:$0x10];
	_ =	sdelay $0x4  }
0x263: {  	v25 =	vshll.u32 v3, $0x1  }
0x264: {  	v3 =	vand.u32 $0x7, v3;
	v4 =	vand.u32 $0xFFFFFFF0, v25  }
0x265: {  	v3 =	vor.u32 v3, v4  }
0x266: {  	v4 =	vperm.xlane v3, v0;
	_ =	sdelay $0x1  }
0x267: {  	v3 =	vperm.xlane v3, v2;
	v4 =	vadd.s32 v1, v4;
	_ =	sdelay $0x1  }
0x268: {  	v3 =	vadd.s32 v1, v3;
	_ =	sdelay $0x1  }
0x269: {  	s28 =	simm.s32 $0x1100  }
0x26a: {  	[tilespmem:s28], [sflag:$0x1] =	stream.indirect_vreg.gather [hbm4b:s5+s2], $0x80, v4, vm0, $0xb8;
	[tilespmem:$0x10100] =	vst v63  }
0x26b: {  	s10 =	simm.s32 $0x1900  }
0x26c: {  	[tilespmem:s10], [sflag:$0x1] =	stream.indirect_vreg.gather [hbm4b:s5+s2], $0x80, v3, vm0, $0xb8;
	[tilespmem:$0x10100] =	vst v63  }
0x26d: {  	v3 =	vld [tilespmem:$0x20];
	_ =	sdelay $0x4  }
0x26e: {  	v26 =	vshll.u32 v3, $0x1  }
0x26f: {  	v3 =	vand.u32 $0x7, v3;
	v4 =	vand.u32 $0xFFFFFFF0, v26  }
0x270: {  	v3 =	vor.u32 v3, v4  }
0x271: {  	v4 =	vperm.xlane v3, v0;
	_ =	sdelay $0x1  }
0x272: {  	v3 =	vperm.xlane v3, v2;
	v4 =	vadd.s32 v1, v4;
	_ =	sdelay $0x1  }
0x273: {  	v3 =	vadd.s32 v1, v3;
	_ =	sdelay $0x1  }
0x274: {  	s28 =	simm.s32 $0x2100  }
0x275: {  	[tilespmem:s28], [sflag:$0x1] =	stream.indirect_vreg.gather [hbm4b:s5+s2], $0x80, v4, vm0, $0xb8;
	[tilespmem:$0x10100] =	vst v63  }
0x276: {  	s25 =	simm.s32 $0x2900  }
0x277: {  	[tilespmem:s25], [sflag:$0x1] =	stream.indirect_vreg.gather [hbm4b:s5+s2], $0x80, v3, vm0, $0xb8;
	[tilespmem:$0x10100] =	vst v63  }
0x278: {  	v3 =	vld [tilespmem:$0x30];
	_ =	sdelay $0x4  }
0x279: {  	v27 =	vshll.u32 v3, $0x1  }
0x27a: {  	v3 =	vand.u32 $0x7, v3;
	v4 =	vand.u32 $0xFFFFFFF0, v27  }
0x27b: {  	v3 =	vor.u32 v3, v4  }
0x27c: {  	v4 =	vperm.xlane v3, v0;
	_ =	sdelay $0x1  }
0x27d: {  	v3 =	vperm.xlane v3, v2;
	v4 =	vadd.s32 v1, v4;
	_ =	sdelay $0x1  }
0x27e: {  	v3 =	vadd.s32 v1, v3;
	_ =	sdelay $0x1  }
0x27f: {  	s28 =	simm.s32 $0x3100  }
0x280: {  	[tilespmem:s28], [sflag:$0x1] =	stream.indirect_vreg.gather [hbm4b:s5+s2], $0x80, v4, vm0, $0xb8;
	[tilespmem:$0x10100] =	vst v63  }
0x281: {  	s28 =	simm.s32 $0x3900  }
0x282: {  	[tilespmem:s28], [sflag:$0x1] =	stream.indirect_vreg.gather [hbm4b:s5+s2], $0x80, v3, vm0, $0xb8;
	[tilespmem:$0x10100] =	vst v63  }
0x283: {  	v3 =	vld [tilespmem:$0x40];
	_ =	sdelay $0x4  }
0x284: {  	v28 =	vshll.u32 v3, $0x1  }
0x285: {  	v3 =	vand.u32 $0x7, v3;
	v4 =	vand.u32 $0xFFFFFFF0, v28  }
0x286: {  	v3 =	vor.u32 v3, v4  }
0x287: {  	v4 =	vperm.xlane v3, v0;
	_ =	sdelay $0x1  }
0x288: {  	v3 =	vperm.xlane v3, v2;
	v4 =	vadd.s32 v1, v4;
	_ =	sdelay $0x1  }
0x289: {  	v3 =	vadd.s32 v1, v3;
	_ =	sdelay $0x1  }
0x28a: {  	s7 =	simm.s32 $0x4100  }
0x28b: {  	[tilespmem:s7], [sflag:$0x1] =	stream.indirect_vreg.gather [hbm4b:s5+s2], $0x80, v4, vm0, $0xb8;
	[tilespmem:$0x10100] =	vst v63  }
0x28c: {  	s29 =	simm.s32 $0x4900  }
0x28d: {  	[tilespmem:s29], [sflag:$0x1] =	stream.indirect_vreg.gather [hbm4b:s5+s2], $0x80, v3, vm0, $0xb8;
	[tilespmem:$0x10100] =	vst v63  }
0x28e: {  	v3 =	vld [tilespmem:$0x50];
	_ =	sdelay $0x4  }
0x28f: {  	v29 =	vshll.u32 v3, $0x1  }
0x290: {  	v3 =	vand.u32 $0x7, v3;
	v4 =	vand.u32 $0xFFFFFFF0, v29  }
0x291: {  	v3 =	vor.u32 v3, v4  }
0x292: {  	v4 =	vperm.xlane v3, v0;
	_ =	sdelay $0x1  }
0x293: {  	v3 =	vperm.xlane v3, v2;
	v4 =	vadd.s32 v1, v4;
	_ =	sdelay $0x1  }
0x294: {  	v3 =	vadd.s32 v1, v3;
	_ =	sdelay $0x1  }
0x295: {  	s30 =	simm.s32 $0x5100  }
0x296: {  	[tilespmem:s30], [sflag:$0x1] =	stream.indirect_vreg.gather [hbm4b:s5+s2], $0x80, v4, vm0, $0xb8;
	[tilespmem:$0x10100] =	vst v63  }
0x297: {  	s12 =	simm.s32 $0x5900  }
0x298: {  	[tilespmem:s12], [sflag:$0x1] =	stream.indirect_vreg.gather [hbm4b:s5+s2], $0x80, v3, vm0, $0xb8;
	[tilespmem:$0x10100] =	vst v63  }
0x299: {  	v3 =	vld [tilespmem:$0x60];
	_ =	sdelay $0x4  }
0x29a: {  	v30 =	vshll.u32 v3, $0x1  }
0x29b: {  	v3 =	vand.u32 $0x7, v3;
	v4 =	vand.u32 $0xFFFFFFF0, v30  }
0x29c: {  	v3 =	vor.u32 v3, v4  }
0x29d: {  	v4 =	vperm.xlane v3, v0;
	_ =	sdelay $0x1  }
0x29e: {  	v3 =	vperm.xlane v3, v2;
	v4 =	vadd.s32 v1, v4;
	_ =	sdelay $0x1  }
0x29f: {  	v3 =	vadd.s32 v1, v3;
	_ =	sdelay $0x1  }
0x2a0: {  	s13 =	simm.s32 $0x6100  }
0x2a1: {  	[tilespmem:s13], [sflag:$0x1] =	stream.indirect_vreg.gather [hbm4b:s5+s2], $0x80, v4, vm0, $0xb8;
	[tilespmem:$0x10100] =	vst v63  }
0x2a2: {  	s3 =	simm.s32 $0x6900  }
0x2a3: {  	[tilespmem:s3], [sflag:$0x1] =	stream.indirect_vreg.gather [hbm4b:s5+s2], $0x80, v3, vm0, $0xb8;
	[tilespmem:$0x10100] =	vst v63  }
0x2a4: {  	v3 =	vld [tilespmem:$0x70];
	_ =	sdelay $0x4  }
0x2a5: {  	v31 =	vshll.u32 v3, $0x1  }
0x2a6: {  	v3 =	vand.u32 $0x7, v3;
	v4 =	vand.u32 $0xFFFFFFF0, v31  }
0x2a7: {  	v3 =	vor.u32 v3, v4  }
0x2a8: {  	v4 =	vperm.xlane v3, v0;
	_ =	sdelay $0x1  }
0x2a9: {  	v3 =	vperm.xlane v3, v2;
	v4 =	vadd.s32 v1, v4;
	_ =	sdelay $0x1  }
0x2aa: {  	v3 =	vadd.s32 v1, v3;
	_ =	sdelay $0x1  }
0x2ab: {  	s11 =	simm.s32 $0x7100  }
0x2ac: {  	[tilespmem:s11], [sflag:$0x1] =	stream.indirect_vreg.gather [hbm4b:s5+s2], $0x80, v4, vm0, $0xb8;
	[tilespmem:$0x10100] =	vst v63  }
0x2ad: {  	s0 =	simm.s32 $0x7900  }
0x2ae: {  	[tilespmem:s0], [sflag:$0x1] =	stream.indirect_vreg.gather [hbm4b:s5+s2], $0x80, v3, vm0, $0xb8;
	[tilespmem:$0x10100] =	vst v63  }
0x2af: {  	v3 =	vld [tilespmem:$0x80];
	_ =	sdelay $0x4  }
0x2b0: {  	v32 =	vshll.u32 v3, $0x1  }
0x2b1: {  	v3 =	vand.u32 $0x7, v3;
	v4 =	vand.u32 $0xFFFFFFF0, v32  }
0x2b2: {  	v3 =	vor.u32 v3, v4  }
0x2b3: {  	v4 =	vperm.xlane v3, v0;
	_ =	sdelay $0x1  }
0x2b4: {  	v3 =	vperm.xlane v3, v2;
	v4 =	vadd.s32 v1, v4;
	_ =	sdelay $0x1  }
0x2b5: {  	v3 =	vadd.s32 v1, v3;
	_ =	sdelay $0x1  }
0x2b6: {  	s1 =	simm.s32 $0x8100  }
0x2b7: {  	[tilespmem:s1], [sflag:$0x1] =	stream.indirect_vreg.gather [hbm4b:s5+s2], $0x80, v4, vm0, $0xb8;
	[tilespmem:$0x10100] =	vst v63  }
0x2b8: {  	s4 =	simm.s32 $0x8900  }
0x2b9: {  	[tilespmem:s4], [sflag:$0x1] =	stream.indirect_vreg.gather [hbm4b:s5+s2], $0x80, v3, vm0, $0xb8;
	[tilespmem:$0x10100] =	vst v63  }
0x2ba: {  	v3 =	vld [tilespmem:$0x90];
	_ =	sdelay $0x4  }
0x2bb: {  	v33 =	vshll.u32 v3, $0x1  }
0x2bc: {  	v3 =	vand.u32 $0x7, v3;
	v4 =	vand.u32 $0xFFFFFFF0, v33  }
0x2bd: {  	v3 =	vor.u32 v3, v4  }
0x2be: {  	v4 =	vperm.xlane v3, v0;
	_ =	sdelay $0x1  }
0x2bf: {  	v3 =	vperm.xlane v3, v2;
	v4 =	vadd.s32 v1, v4;
	_ =	sdelay $0x1  }
0x2c0: {  	v3 =	vadd.s32 v1, v3;
	_ =	sdelay $0x1  }
0x2c1: {  	s16 =	simm.s32 $0x9100  }
0x2c2: {  	[tilespmem:s16], [sflag:$0x1] =	stream.indirect_vreg.gather [hbm4b:s5+s2], $0x80, v4, vm0, $0xb8;
	[tilespmem:$0x10100] =	vst v63  }
0x2c3: {  	s6 =	simm.s32 $0x9900  }
0x2c4: {  	[tilespmem:s6], [sflag:$0x1] =	stream.indirect_vreg.gather [hbm4b:s5+s2], $0x80, v3, vm0, $0xb8;
	[tilespmem:$0x10100] =	vst v63  }
0x2c5: {  	v3 =	vld [tilespmem:$0xA0];
	_ =	sdelay $0x4  }
0x2c6: {  	v34 =	vshll.u32 v3, $0x1  }
0x2c7: {  	v3 =	vand.u32 $0x7, v3;
	v4 =	vand.u32 $0xFFFFFFF0, v34  }
0x2c8: {  	v3 =	vor.u32 v3, v4  }
0x2c9: {  	v4 =	vperm.xlane v3, v0;
	_ =	sdelay $0x1  }
0x2ca: {  	v3 =	vperm.xlane v3, v2;
	v4 =	vadd.s32 v1, v4;
	_ =	sdelay $0x1  }
0x2cb: {  	v3 =	vadd.s32 v1, v3;
	_ =	sdelay $0x1  }
0x2cc: {  	s31 =	simm.s32 $0xA100  }
0x2cd: {  	[tilespmem:s31], [sflag:$0x1] =	stream.indirect_vreg.gather [hbm4b:s5+s2], $0x80, v4, vm0, $0xb8;
	[tilespmem:$0x10100] =	vst v63  }
0x2ce: {  	s8 =	simm.s32 $0xA900  }
0x2cf: {  	[tilespmem:s8], [sflag:$0x1] =	stream.indirect_vreg.gather [hbm4b:s5+s2], $0x80, v3, vm0, $0xb8;
	[tilespmem:$0x10100] =	vst v63  }
0x2d0: {  	v3 =	vld [tilespmem:$0xB0];
	_ =	sdelay $0x4  }
0x2d1: {  	v35 =	vshll.u32 v3, $0x1  }
0x2d2: {  	v3 =	vand.u32 $0x7, v3;
	v4 =	vand.u32 $0xFFFFFFF0, v35  }
0x2d3: {  	v3 =	vor.u32 v3, v4  }
0x2d4: {  	v4 =	vperm.xlane v3, v0;
	_ =	sdelay $0x1  }
0x2d5: {  	v3 =	vperm.xlane v3, v2;
	v4 =	vadd.s32 v1, v4;
	_ =	sdelay $0x1  }
0x2d6: {  	v3 =	vadd.s32 v1, v3;
	_ =	sdelay $0x1  }
0x2d7: {  	s12 =	simm.s32 $0xB100  }
0x2d8: {  	[tilespmem:s12], [sflag:$0x1] =	stream.indirect_vreg.gather [hbm4b:s5+s2], $0x80, v4, vm0, $0xb8;
	[tilespmem:$0x10100] =	vst v63  }
0x2d9: {  	s16 =	simm.s32 $0xB900  }
0x2da: {  	[tilespmem:s16], [sflag:$0x1] =	stream.indirect_vreg.gather [hbm4b:s5+s2], $0x80, v3, vm0, $0xb8;
	[tilespmem:$0x10100] =	vst v63  }
0x2db: {  	v3 =	vld [tilespmem:$0xC0];
	_ =	sdelay $0x4  }
0x2dc: {  	v36 =	vshll.u32 v3, $0x1  }
0x2dd: {  	v3 =	vand.u32 $0x7, v3;
	v4 =	vand.u32 $0xFFFFFFF0, v36  }
0x2de: {  	v3 =	vor.u32 v3, v4  }
0x2df: {  	v4 =	vperm.xlane v3, v0;
	_ =	sdelay $0x1  }
0x2e0: {  	v3 =	vperm.xlane v3, v2;
	v4 =	vadd.s32 v1, v4;
	_ =	sdelay $0x1  }
0x2e1: {  	v3 =	vadd.s32 v1, v3;
	_ =	sdelay $0x1  }
0x2e2: {  	s19 =	simm.s32 $0xC100  }
0x2e3: {  	[tilespmem:s19], [sflag:$0x1] =	stream.indirect_vreg.gather [hbm4b:s5+s2], $0x80, v4, vm0, $0xb8;
	[tilespmem:$0x10100] =	vst v63  }
0x2e4: {  	s22 =	simm.s32 $0xC900  }
0x2e5: {  	[tilespmem:s22], [sflag:$0x1] =	stream.indirect_vreg.gather [hbm4b:s5+s2], $0x80, v3, vm0, $0xb8;
	[tilespmem:$0x10100] =	vst v63  }
0x2e6: {  	v3 =	vld [tilespmem:$0xD0];
	_ =	sdelay $0x4  }
0x2e7: {  	v37 =	vshll.u32 v3, $0x1  }
0x2e8: {  	v3 =	vand.u32 $0x7, v3;
	v4 =	vand.u32 $0xFFFFFFF0, v37  }
0x2e9: {  	v3 =	vor.u32 v3, v4  }
0x2ea: {  	v4 =	vperm.xlane v3, v0;
	_ =	sdelay $0x1  }
0x2eb: {  	v3 =	vperm.xlane v3, v2;
	v4 =	vadd.s32 v1, v4;
	_ =	sdelay $0x1  }
0x2ec: {  	v3 =	vadd.s32 v1, v3;
	_ =	sdelay $0x1  }
0x2ed: {  	s17 =	simm.s32 $0xD100  }
0x2ee: {  	[tilespmem:s17], [sflag:$0x1] =	stream.indirect_vreg.gather [hbm4b:s5+s2], $0x80, v4, vm0, $0xb8;
	[tilespmem:$0x10100] =	vst v63  }
0x2ef: {  	s23 =	simm.s32 $0xD900  }
0x2f0: {  	[tilespmem:s23], [sflag:$0x1] =	stream.indirect_vreg.gather [hbm4b:s5+s2], $0x80, v3, vm0, $0xb8;
	[tilespmem:$0x10100] =	vst v63  }
0x2f1: {  	v3 =	vld [tilespmem:$0xE0];
	_ =	sdelay $0x4  }
0x2f2: {  	v38 =	vshll.u32 v3, $0x1  }
0x2f3: {  	v3 =	vand.u32 $0x7, v3;
	v4 =	vand.u32 $0xFFFFFFF0, v38  }
0x2f4: {  	v3 =	vor.u32 v3, v4  }
0x2f5: {  	v4 =	vperm.xlane v3, v0;
	_ =	sdelay $0x1  }
0x2f6: {  	v3 =	vperm.xlane v3, v2;
	v4 =	vadd.s32 v1, v4;
	_ =	sdelay $0x1  }
0x2f7: {  	v3 =	vadd.s32 v1, v3;
	_ =	sdelay $0x1  }
0x2f8: {  	s21 =	simm.s32 $0xE100  }
0x2f9: {  	[tilespmem:s21], [sflag:$0x1] =	stream.indirect_vreg.gather [hbm4b:s5+s2], $0x80, v4, vm0, $0xb8;
	[tilespmem:$0x10100] =	vst v63  }
0x2fa: {  	s20 =	simm.s32 $0xE900  }
0x2fb: {  	[tilespmem:s20], [sflag:$0x1] =	stream.indirect_vreg.gather [hbm4b:s5+s2], $0x80, v3, vm0, $0xb8;
	[tilespmem:$0x10100] =	vst v63  }
0x2fc: {  	v3 =	vld [tilespmem:$0xF0];
	_ =	sdelay $0x4  }
0x2fd: {  	v39 =	vshll.u32 v3, $0x1  }
0x2fe: {  	v3 =	vand.u32 $0x7, v3;
	v4 =	vand.u32 $0xFFFFFFF0, v39  }
0x2ff: {  	v3 =	vor.u32 v3, v4  }
0x300: {  	v4 =	vperm.xlane v3, v0;
	_ =	sdelay $0x1  }
0x301: {  	v3 =	vperm.xlane v3, v2;
	v4 =	vadd.s32 v1, v4;
	_ =	sdelay $0x1  }
0x302: {  	v3 =	vadd.s32 v1, v3;
	_ =	sdelay $0x1  }
0x303: {  	s18 =	simm.s32 $0xF100  }
0x304: {  	[tilespmem:s18], [sflag:$0x1] =	stream.indirect_vreg.gather [hbm4b:s5+s2], $0x80, v4, vm0, $0xb8;
	[tilespmem:$0x10100] =	vst v63  }
0x305: {  	s14 =	simm.s32 $0xF900  }
0x306: {  	[tilespmem:s14], [sflag:$0x1] =	stream.indirect_vreg.gather [hbm4b:s5+s2], $0x80, v3, vm0, $0xb8;
	[tilespmem:$0x10100] =	vst v63  }
0x307: {  	_ =	swait.ge [sflag:s15], $0x10000  }
0x308: {  	[sflag:s15] =	ssyncset.done $0x0  }
0x309: {  	s23 =	rddreg [dreg:$0x7];
	[sflag:s15] =	ssyncadd.s32 $0xFFFF0000  }
0x30a: {  	[hbm4b:s23+s2] =	stream.linear.scatter [tilespmem:s26], [sflag:$0x2], $0x10000, $0x38;
	[tilespmem:$0x10100] =	vst v63  }
0x30b: {  	_ =	swait.ge [sflag:s9], $0x10000  }
0x30c: {  	s24 =	simm.s32 $0x80;
	[sflag:s9] =	ssyncset.done $0x0  }
0x30d: {  	s23 =	simm.s32 $0x400;
	s21 =	rddreg [dreg:$0x8];
	[sflag:s9] =	ssyncadd.s32 $0xFFFF0000  }
0x30e: {  	[tilespmem:s2], [sflag:$0x2] =	stream.strided.gather [hbm4b:s21+s24], $0x100, s23, s24, $0x38;
	[tilespmem:$0x10100] =	vst v63  }
0x30f: {  	_ =	swait.ge [sflag:s9], $0x100  }
0x310: {  	[sflag:s9] =	ssyncset.done $0x0  }
0x311: {  	[sflag:s9] =	ssyncadd.s32 $0xFFFFFF00  }
0x312: {  	v3 =	vld [tilespmem:$0x0];
	_ =	sdelay $0x4  }
0x313: {  	v40 =	vshll.u32 v3, $0x1  }
0x314: {  	v3 =	vand.u32 $0x7, v3;
	v4 =	vand.u32 $0xFFFFFFF0, v40  }
0x315: {  	v3 =	vor.u32 v3, v4  }
0x316: {  	v4 =	vperm.xlane v3, v0;
	_ =	sdelay $0x1  }
0x317: {  	v3 =	vperm.xlane v3, v2;
	v4 =	vadd.s32 v1, v4;
	_ =	sdelay $0x1  }
0x318: {  	v3 =	vadd.s32 v1, v3;
	_ =	sdelay $0x2  }
0x319: {  	[tilespmem:s26], [sflag:$0x1] =	stream.indirect_vreg.gather [hbm4b:s5+s2], $0x80, v4, vm0, $0xb8;
	[tilespmem:$0x10100] =	vst v63  }
0x31a: {  	s23 =	simm.s32 $0x900  }
0x31b: {  	[tilespmem:s23], [sflag:$0x1] =	stream.indirect_vreg.gather [hbm4b:s5+s2], $0x80, v3, vm0, $0xb8;
	[tilespmem:$0x10100] =	vst v63  }
0x31c: {  	v3 =	vld [tilespmem:$0x10];
	_ =	sdelay $0x4  }
0x31d: {  	v41 =	vshll.u32 v3, $0x1  }
0x31e: {  	v3 =	vand.u32 $0x7, v3;
	v4 =	vand.u32 $0xFFFFFFF0, v41  }
0x31f: {  	v3 =	vor.u32 v3, v4  }
0x320: {  	v4 =	vperm.xlane v3, v0;
	_ =	sdelay $0x1  }
0x321: {  	v3 =	vperm.xlane v3, v2;
	v4 =	vadd.s32 v1, v4;
	_ =	sdelay $0x1  }
0x322: {  	v3 =	vadd.s32 v1, v3;
	_ =	sdelay $0x1  }
0x323: {  	s24 =	simm.s32 $0x1100  }
0x324: {  	[tilespmem:s24], [sflag:$0x1] =	stream.indirect_vreg.gather [hbm4b:s5+s2], $0x80, v4, vm0, $0xb8;
	[tilespmem:$0x10100] =	vst v63  }
0x325: {  	s10 =	simm.s32 $0x1900  }
0x326: {  	[tilespmem:s10], [sflag:$0x1] =	stream.indirect_vreg.gather [hbm4b:s5+s2], $0x80, v3, vm0, $0xb8;
	[tilespmem:$0x10100] =	vst v63  }
0x327: {  	v3 =	vld [tilespmem:$0x20];
	_ =	sdelay $0x4  }
0x328: {  	v42 =	vshll.u32 v3, $0x1  }
0x329: {  	v3 =	vand.u32 $0x7, v3;
	v4 =	vand.u32 $0xFFFFFFF0, v42  }
0x32a: {  	v3 =	vor.u32 v3, v4  }
0x32b: {  	v4 =	vperm.xlane v3, v0;
	_ =	sdelay $0x1  }
0x32c: {  	v3 =	vperm.xlane v3, v2;
	v4 =	vadd.s32 v1, v4;
	_ =	sdelay $0x1  }
0x32d: {  	v3 =	vadd.s32 v1, v3;
	_ =	sdelay $0x1  }
0x32e: {  	s23 =	simm.s32 $0x2100  }
0x32f: {  	[tilespmem:s23], [sflag:$0x1] =	stream.indirect_vreg.gather [hbm4b:s5+s2], $0x80, v4, vm0, $0xb8;
	[tilespmem:$0x10100] =	vst v63  }
0x330: {  	s25 =	simm.s32 $0x2900  }
0x331: {  	[tilespmem:s25], [sflag:$0x1] =	stream.indirect_vreg.gather [hbm4b:s5+s2], $0x80, v3, vm0, $0xb8;
	[tilespmem:$0x10100] =	vst v63  }
0x332: {  	v3 =	vld [tilespmem:$0x30];
	_ =	sdelay $0x4  }
0x333: {  	v43 =	vshll.u32 v3, $0x1  }
0x334: {  	v3 =	vand.u32 $0x7, v3;
	v4 =	vand.u32 $0xFFFFFFF0, v43  }
0x335: {  	v3 =	vor.u32 v3, v4  }
0x336: {  	v4 =	vperm.xlane v3, v0;
	_ =	sdelay $0x1  }
0x337: {  	v3 =	vperm.xlane v3, v2;
	v4 =	vadd.s32 v1, v4;
	_ =	sdelay $0x1  }
0x338: {  	v3 =	vadd.s32 v1, v3;
	_ =	sdelay $0x1  }
0x339: {  	s16 =	simm.s32 $0x3100  }
0x33a: {  	[tilespmem:s16], [sflag:$0x1] =	stream.indirect_vreg.gather [hbm4b:s5+s2], $0x80, v4, vm0, $0xb8;
	[tilespmem:$0x10100] =	vst v63  }
0x33b: {  	s25 =	simm.s32 $0x3900  }
0x33c: {  	[tilespmem:s25], [sflag:$0x1] =	stream.indirect_vreg.gather [hbm4b:s5+s2], $0x80, v3, vm0, $0xb8;
	[tilespmem:$0x10100] =	vst v63  }
0x33d: {  	v3 =	vld [tilespmem:$0x40];
	_ =	sdelay $0x4  }
0x33e: {  	v44 =	vshll.u32 v3, $0x1  }
0x33f: {  	v3 =	vand.u32 $0x7, v3;
	v4 =	vand.u32 $0xFFFFFFF0, v44  }
0x340: {  	v3 =	vor.u32 v3, v4  }
0x341: {  	v4 =	vperm.xlane v3, v0;
	_ =	sdelay $0x1  }
0x342: {  	v3 =	vperm.xlane v3, v2;
	v4 =	vadd.s32 v1, v4;
	_ =	sdelay $0x1  }
0x343: {  	v3 =	vadd.s32 v1, v3;
	_ =	sdelay $0x1  }
0x344: {  	s7 =	simm.s32 $0x4100  }
0x345: {  	[tilespmem:s7], [sflag:$0x1] =	stream.indirect_vreg.gather [hbm4b:s5+s2], $0x80, v4, vm0, $0xb8;
	[tilespmem:$0x10100] =	vst v63  }
0x346: {  	s28 =	simm.s32 $0x4900  }
0x347: {  	[tilespmem:s28], [sflag:$0x1] =	stream.indirect_vreg.gather [hbm4b:s5+s2], $0x80, v3, vm0, $0xb8;
	[tilespmem:$0x10100] =	vst v63  }
0x348: {  	v3 =	vld [tilespmem:$0x50];
	_ =	sdelay $0x4  }
0x349: {  	v45 =	vshll.u32 v3, $0x1  }
0x34a: {  	v3 =	vand.u32 $0x7, v3;
	v4 =	vand.u32 $0xFFFFFFF0, v45  }
0x34b: {  	v3 =	vor.u32 v3, v4  }
0x34c: {  	v4 =	vperm.xlane v3, v0;
	_ =	sdelay $0x1  }
0x34d: {  	v3 =	vperm.xlane v3, v2;
	v4 =	vadd.s32 v1, v4;
	_ =	sdelay $0x1  }
0x34e: {  	v3 =	vadd.s32 v1, v3;
	_ =	sdelay $0x1  }
0x34f: {  	s28 =	simm.s32 $0x5100  }
0x350: {  	[tilespmem:s28], [sflag:$0x1] =	stream.indirect_vreg.gather [hbm4b:s5+s2], $0x80, v4, vm0, $0xb8;
	[tilespmem:$0x10100] =	vst v63  }
0x351: {  	s29 =	simm.s32 $0x5900  }
0x352: {  	[tilespmem:s29], [sflag:$0x1] =	stream.indirect_vreg.gather [hbm4b:s5+s2], $0x80, v3, vm0, $0xb8;
	[tilespmem:$0x10100] =	vst v63  }
0x353: {  	v3 =	vld [tilespmem:$0x60];
	_ =	sdelay $0x4  }
0x354: {  	v46 =	vshll.u32 v3, $0x1  }
0x355: {  	v3 =	vand.u32 $0x7, v3;
	v4 =	vand.u32 $0xFFFFFFF0, v46  }
0x356: {  	v3 =	vor.u32 v3, v4  }
0x357: {  	v4 =	vperm.xlane v3, v0;
	_ =	sdelay $0x1  }
0x358: {  	v3 =	vperm.xlane v3, v2;
	v4 =	vadd.s32 v1, v4;
	_ =	sdelay $0x1  }
0x359: {  	v3 =	vadd.s32 v1, v3;
	_ =	sdelay $0x1  }
0x35a: {  	s30 =	simm.s32 $0x6100  }
0x35b: {  	[tilespmem:s30], [sflag:$0x1] =	stream.indirect_vreg.gather [hbm4b:s5+s2], $0x80, v4, vm0, $0xb8;
	[tilespmem:$0x10100] =	vst v63  }
0x35c: {  	s3 =	simm.s32 $0x6900  }
0x35d: {  	[tilespmem:s3], [sflag:$0x1] =	stream.indirect_vreg.gather [hbm4b:s5+s2], $0x80, v3, vm0, $0xb8;
	[tilespmem:$0x10100] =	vst v63  }
0x35e: {  	v3 =	vld [tilespmem:$0x70];
	_ =	sdelay $0x4  }
0x35f: {  	v47 =	vshll.u32 v3, $0x1  }
0x360: {  	v3 =	vand.u32 $0x7, v3;
	v4 =	vand.u32 $0xFFFFFFF0, v47  }
0x361: {  	v3 =	vor.u32 v3, v4  }
0x362: {  	v4 =	vperm.xlane v3, v0;
	_ =	sdelay $0x1  }
0x363: {  	v3 =	vperm.xlane v3, v2;
	v4 =	vadd.s32 v1, v4;
	_ =	sdelay $0x1  }
0x364: {  	v3 =	vadd.s32 v1, v3;
	_ =	sdelay $0x1  }
0x365: {  	s13 =	simm.s32 $0x7100  }
0x366: {  	[tilespmem:s13], [sflag:$0x1] =	stream.indirect_vreg.gather [hbm4b:s5+s2], $0x80, v4, vm0, $0xb8;
	[tilespmem:$0x10100] =	vst v63  }
0x367: {  	s0 =	simm.s32 $0x7900  }
0x368: {  	[tilespmem:s0], [sflag:$0x1] =	stream.indirect_vreg.gather [hbm4b:s5+s2], $0x80, v3, vm0, $0xb8;
	[tilespmem:$0x10100] =	vst v63  }
0x369: {  	v3 =	vld [tilespmem:$0x80];
	_ =	sdelay $0x4  }
0x36a: {  	v48 =	vshll.u32 v3, $0x1  }
0x36b: {  	v3 =	vand.u32 $0x7, v3;
	v4 =	vand.u32 $0xFFFFFFF0, v48  }
0x36c: {  	v3 =	vor.u32 v3, v4  }
0x36d: {  	v4 =	vperm.xlane v3, v0;
	_ =	sdelay $0x1  }
0x36e: {  	v3 =	vperm.xlane v3, v2;
	v4 =	vadd.s32 v1, v4;
	_ =	sdelay $0x1  }
0x36f: {  	v3 =	vadd.s32 v1, v3;
	_ =	sdelay $0x1  }
0x370: {  	s1 =	simm.s32 $0x8100  }
0x371: {  	[tilespmem:s1], [sflag:$0x1] =	stream.indirect_vreg.gather [hbm4b:s5+s2], $0x80, v4, vm0, $0xb8;
	[tilespmem:$0x10100] =	vst v63  }
0x372: {  	s4 =	simm.s32 $0x8900  }
0x373: {  	[tilespmem:s4], [sflag:$0x1] =	stream.indirect_vreg.gather [hbm4b:s5+s2], $0x80, v3, vm0, $0xb8;
	[tilespmem:$0x10100] =	vst v63  }
0x374: {  	v3 =	vld [tilespmem:$0x90];
	_ =	sdelay $0x4  }
0x375: {  	v49 =	vshll.u32 v3, $0x1  }
0x376: {  	v3 =	vand.u32 $0x7, v3;
	v4 =	vand.u32 $0xFFFFFFF0, v49  }
0x377: {  	v3 =	vor.u32 v3, v4  }
0x378: {  	v4 =	vperm.xlane v3, v0;
	_ =	sdelay $0x1  }
0x379: {  	v3 =	vperm.xlane v3, v2;
	v4 =	vadd.s32 v1, v4;
	_ =	sdelay $0x1  }
0x37a: {  	v3 =	vadd.s32 v1, v3;
	_ =	sdelay $0x1  }
0x37b: {  	s30 =	simm.s32 $0x9100  }
0x37c: {  	[tilespmem:s30], [sflag:$0x1] =	stream.indirect_vreg.gather [hbm4b:s5+s2], $0x80, v4, vm0, $0xb8;
	[tilespmem:$0x10100] =	vst v63  }
0x37d: {  	s6 =	simm.s32 $0x9900  }
0x37e: {  	[tilespmem:s6], [sflag:$0x1] =	stream.indirect_vreg.gather [hbm4b:s5+s2], $0x80, v3, vm0, $0xb8;
	[tilespmem:$0x10100] =	vst v63  }
0x37f: {  	v3 =	vld [tilespmem:$0xA0];
	_ =	sdelay $0x4  }
0x380: {  	v50 =	vshll.u32 v3, $0x1  }
0x381: {  	v3 =	vand.u32 $0x7, v3;
	v4 =	vand.u32 $0xFFFFFFF0, v50  }
0x382: {  	v3 =	vor.u32 v3, v4  }
0x383: {  	v4 =	vperm.xlane v3, v0;
	_ =	sdelay $0x1  }
0x384: {  	v3 =	vperm.xlane v3, v2;
	v4 =	vadd.s32 v1, v4;
	_ =	sdelay $0x1  }
0x385: {  	v3 =	vadd.s32 v1, v3;
	_ =	sdelay $0x1  }
0x386: {  	s31 =	simm.s32 $0xA100  }
0x387: {  	[tilespmem:s31], [sflag:$0x1] =	stream.indirect_vreg.gather [hbm4b:s5+s2], $0x80, v4, vm0, $0xb8;
	[tilespmem:$0x10100] =	vst v63  }
0x388: {  	s8 =	simm.s32 $0xA900  }
0x389: {  	[tilespmem:s8], [sflag:$0x1] =	stream.indirect_vreg.gather [hbm4b:s5+s2], $0x80, v3, vm0, $0xb8;
	[tilespmem:$0x10100] =	vst v63  }
0x38a: {  	v3 =	vld [tilespmem:$0xB0];
	_ =	sdelay $0x4  }
0x38b: {  	v51 =	vshll.u32 v3, $0x1  }
0x38c: {  	v3 =	vand.u32 $0x7, v3;
	v4 =	vand.u32 $0xFFFFFFF0, v51  }
0x38d: {  	v3 =	vor.u32 v3, v4  }
0x38e: {  	v4 =	vperm.xlane v3, v0;
	_ =	sdelay $0x1  }
0x38f: {  	v3 =	vperm.xlane v3, v2;
	v4 =	vadd.s32 v1, v4;
	_ =	sdelay $0x1  }
0x390: {  	v3 =	vadd.s32 v1, v3;
	_ =	sdelay $0x1  }
0x391: {  	s13 =	simm.s32 $0xB100  }
0x392: {  	[tilespmem:s13], [sflag:$0x1] =	stream.indirect_vreg.gather [hbm4b:s5+s2], $0x80, v4, vm0, $0xb8;
	[tilespmem:$0x10100] =	vst v63  }
0x393: {  	s16 =	simm.s32 $0xB900  }
0x394: {  	[tilespmem:s16], [sflag:$0x1] =	stream.indirect_vreg.gather [hbm4b:s5+s2], $0x80, v3, vm0, $0xb8;
	[tilespmem:$0x10100] =	vst v63  }
0x395: {  	v3 =	vld [tilespmem:$0xC0];
	_ =	sdelay $0x4  }
0x396: {  	v52 =	vshll.u32 v3, $0x1  }
0x397: {  	v3 =	vand.u32 $0x7, v3;
	v4 =	vand.u32 $0xFFFFFFF0, v52  }
0x398: {  	v3 =	vor.u32 v3, v4  }
0x399: {  	v4 =	vperm.xlane v3, v0;
	_ =	sdelay $0x1  }
0x39a: {  	v3 =	vperm.xlane v3, v2;
	v4 =	vadd.s32 v1, v4;
	_ =	sdelay $0x1  }
0x39b: {  	v3 =	vadd.s32 v1, v3;
	_ =	sdelay $0x1  }
0x39c: {  	s11 =	simm.s32 $0xC100  }
0x39d: {  	[tilespmem:s11], [sflag:$0x1] =	stream.indirect_vreg.gather [hbm4b:s5+s2], $0x80, v4, vm0, $0xb8;
	[tilespmem:$0x10100] =	vst v63  }
0x39e: {  	s19 =	simm.s32 $0xC900  }
0x39f: {  	[tilespmem:s19], [sflag:$0x1] =	stream.indirect_vreg.gather [hbm4b:s5+s2], $0x80, v3, vm0, $0xb8;
	[tilespmem:$0x10100] =	vst v63  }
0x3a0: {  	v3 =	vld [tilespmem:$0xD0];
	_ =	sdelay $0x4  }
0x3a1: {  	v53 =	vshll.u32 v3, $0x1  }
0x3a2: {  	v3 =	vand.u32 $0x7, v3;
	v4 =	vand.u32 $0xFFFFFFF0, v53  }
0x3a3: {  	v3 =	vor.u32 v3, v4  }
0x3a4: {  	v4 =	vperm.xlane v3, v0;
	_ =	sdelay $0x1  }
0x3a5: {  	v3 =	vperm.xlane v3, v2;
	v4 =	vadd.s32 v1, v4;
	_ =	sdelay $0x1  }
0x3a6: {  	v3 =	vadd.s32 v1, v3;
	_ =	sdelay $0x1  }
0x3a7: {  	s12 =	simm.s32 $0xD100  }
0x3a8: {  	[tilespmem:s12], [sflag:$0x1] =	stream.indirect_vreg.gather [hbm4b:s5+s2], $0x80, v4, vm0, $0xb8;
	[tilespmem:$0x10100] =	vst v63  }
0x3a9: {  	s22 =	simm.s32 $0xD900  }
0x3aa: {  	[tilespmem:s22], [sflag:$0x1] =	stream.indirect_vreg.gather [hbm4b:s5+s2], $0x80, v3, vm0, $0xb8;
	[tilespmem:$0x10100] =	vst v63  }
0x3ab: {  	v3 =	vld [tilespmem:$0xE0];
	_ =	sdelay $0x4  }
0x3ac: {  	v54 =	vshll.u32 v3, $0x1  }
0x3ad: {  	v3 =	vand.u32 $0x7, v3;
	v4 =	vand.u32 $0xFFFFFFF0, v54  }
0x3ae: {  	v3 =	vor.u32 v3, v4  }
0x3af: {  	v4 =	vperm.xlane v3, v0;
	_ =	sdelay $0x1  }
0x3b0: {  	v3 =	vperm.xlane v3, v2;
	v4 =	vadd.s32 v1, v4;
	_ =	sdelay $0x1  }
0x3b1: {  	v3 =	vadd.s32 v1, v3;
	_ =	sdelay $0x1  }
0x3b2: {  	s17 =	simm.s32 $0xE100  }
0x3b3: {  	[tilespmem:s17], [sflag:$0x1] =	stream.indirect_vreg.gather [hbm4b:s5+s2], $0x80, v4, vm0, $0xb8;
	[tilespmem:$0x10100] =	vst v63  }
0x3b4: {  	s20 =	simm.s32 $0xE900  }
0x3b5: {  	[tilespmem:s20], [sflag:$0x1] =	stream.indirect_vreg.gather [hbm4b:s5+s2], $0x80, v3, vm0, $0xb8;
	[tilespmem:$0x10100] =	vst v63  }
0x3b6: {  	v3 =	vld [tilespmem:$0xF0];
	_ =	sdelay $0x4  }
0x3b7: {  	v55 =	vshll.u32 v3, $0x1  }
0x3b8: {  	v3 =	vand.u32 $0x7, v3;
	v4 =	vand.u32 $0xFFFFFFF0, v55  }
0x3b9: {  	v3 =	vor.u32 v3, v4  }
0x3ba: {  	v4 =	vperm.xlane v3, v0;
	_ =	sdelay $0x1  }
0x3bb: {  	v3 =	vperm.xlane v3, v2;
	v4 =	vadd.s32 v1, v4;
	_ =	sdelay $0x1  }
0x3bc: {  	v3 =	vadd.s32 v1, v3;
	_ =	sdelay $0x1  }
0x3bd: {  	s18 =	simm.s32 $0xF100  }
0x3be: {  	[tilespmem:s18], [sflag:$0x1] =	stream.indirect_vreg.gather [hbm4b:s5+s2], $0x80, v4, vm0, $0xb8;
	[tilespmem:$0x10100] =	vst v63  }
0x3bf: {  	s14 =	simm.s32 $0xF900  }
0x3c0: {  	[tilespmem:s14], [sflag:$0x1] =	stream.indirect_vreg.gather [hbm4b:s5+s2], $0x80, v3, vm0, $0xb8;
	[tilespmem:$0x10100] =	vst v63  }
0x3c1: {  	_ =	swait.ge [sflag:s15], $0x10000  }
0x3c2: {  	[sflag:s15] =	ssyncset.done $0x0  }
0x3c3: {  	s22 =	rddreg [dreg:$0x9];
	[sflag:s15] =	ssyncadd.s32 $0xFFFF0000  }
0x3c4: {  	[hbm4b:s22+s2] =	stream.linear.scatter [tilespmem:s26], [sflag:$0x2], $0x10000, $0x38;
	[tilespmem:$0x10100] =	vst v63  }
0x3c5: {  	_ =	swait.ge [sflag:s9], $0x10000  }
0x3c6: {  	s21 =	simm.s32 $0x400;
	[sflag:s9] =	ssyncset.done $0x0  }
0x3c7: {  	s22 =	simm.s32 $0x80;
	s18 =	rddreg [dreg:$0xa];
	[sflag:s9] =	ssyncadd.s32 $0xFFFF0000  }
0x3c8: {  	[tilespmem:s2], [sflag:$0x2] =	stream.strided.gather [hbm4b:s18+s22], $0x100, s21, s22, $0x38;
	[tilespmem:$0x10100] =	vst v63  }
0x3c9: {  	_ =	swait.ge [sflag:s9], $0x100  }
0x3ca: {  	[sflag:s9] =	ssyncset.done $0x0  }
0x3cb: {  	[sflag:s9] =	ssyncadd.s32 $0xFFFFFF00  }
0x3cc: {  	v3 =	vld [tilespmem:$0x0];
	_ =	sdelay $0x4  }
0x3cd: {  	v56 =	vshll.u32 v3, $0x1  }
0x3ce: {  	v3 =	vand.u32 $0x7, v3;
	v4 =	vand.u32 $0xFFFFFFF0, v56  }
0x3cf: {  	v3 =	vor.u32 v3, v4  }
0x3d0: {  	v4 =	vperm.xlane v3, v0;
	_ =	sdelay $0x1  }
0x3d1: {  	v3 =	vperm.xlane v3, v2;
	v4 =	vadd.s32 v1, v4;
	_ =	sdelay $0x1  }
0x3d2: {  	v3 =	vadd.s32 v1, v3;
	_ =	sdelay $0x2  }
0x3d3: {  	[tilespmem:s26], [sflag:$0x1] =	stream.indirect_vreg.gather [hbm4b:s5+s2], $0x80, v4, vm0, $0xb8;
	[tilespmem:$0x10100] =	vst v63  }
0x3d4: {  	s22 =	simm.s32 $0x900  }
0x3d5: {  	[tilespmem:s22], [sflag:$0x1] =	stream.indirect_vreg.gather [hbm4b:s5+s2], $0x80, v3, vm0, $0xb8;
	[tilespmem:$0x10100] =	vst v63  }
0x3d6: {  	v3 =	vld [tilespmem:$0x10];
	_ =	sdelay $0x4  }
0x3d7: {  	v57 =	vshll.u32 v3, $0x1  }
0x3d8: {  	v3 =	vand.u32 $0x7, v3;
	v4 =	vand.u32 $0xFFFFFFF0, v57  }
0x3d9: {  	v3 =	vor.u32 v3, v4  }
0x3da: {  	v4 =	vperm.xlane v3, v0;
	_ =	sdelay $0x1  }
0x3db: {  	v3 =	vperm.xlane v3, v2;
	v4 =	vadd.s32 v1, v4;
	_ =	sdelay $0x1  }
0x3dc: {  	v3 =	vadd.s32 v1, v3;
	_ =	sdelay $0x1  }
0x3dd: {  	s21 =	simm.s32 $0x1100  }
0x3de: {  	[tilespmem:s21], [sflag:$0x1] =	stream.indirect_vreg.gather [hbm4b:s5+s2], $0x80, v4, vm0, $0xb8;
	[tilespmem:$0x10100] =	vst v63  }
0x3df: {  	s24 =	simm.s32 $0x1900  }
0x3e0: {  	[tilespmem:s24], [sflag:$0x1] =	stream.indirect_vreg.gather [hbm4b:s5+s2], $0x80, v3, vm0, $0xb8;
	[tilespmem:$0x10100] =	vst v63  }
0x3e1: {  	v3 =	vld [tilespmem:$0x20];
	_ =	sdelay $0x4  }
0x3e2: {  	v58 =	vshll.u32 v3, $0x1  }
0x3e3: {  	v3 =	vand.u32 $0x7, v3;
	v4 =	vand.u32 $0xFFFFFFF0, v58  }
0x3e4: {  	v3 =	vor.u32 v3, v4  }
0x3e5: {  	v4 =	vperm.xlane v3, v0;
	_ =	sdelay $0x1  }
0x3e6: {  	v3 =	vperm.xlane v3, v2;
	v4 =	vadd.s32 v1, v4;
	_ =	sdelay $0x1  }
0x3e7: {  	v3 =	vadd.s32 v1, v3;
	_ =	sdelay $0x1  }
0x3e8: {  	s22 =	simm.s32 $0x2100  }
0x3e9: {  	[tilespmem:s22], [sflag:$0x1] =	stream.indirect_vreg.gather [hbm4b:s5+s2], $0x80, v4, vm0, $0xb8;
	[tilespmem:$0x10100] =	vst v63  }
0x3ea: {  	s23 =	simm.s32 $0x2900  }
0x3eb: {  	[tilespmem:s23], [sflag:$0x1] =	stream.indirect_vreg.gather [hbm4b:s5+s2], $0x80, v3, vm0, $0xb8;
	[tilespmem:$0x10100] =	vst v63  }
0x3ec: {  	v3 =	vld [tilespmem:$0x30];
	_ =	sdelay $0x4  }
0x3ed: {  	v59 =	vshll.u32 v3, $0x1  }
0x3ee: {  	v3 =	vand.u32 $0x7, v3;
	v4 =	vand.u32 $0xFFFFFFF0, v59  }
0x3ef: {  	v3 =	vor.u32 v3, v4  }
0x3f0: {  	v4 =	vperm.xlane v3, v0;
	_ =	sdelay $0x1  }
0x3f1: {  	v3 =	vperm.xlane v3, v2;
	v4 =	vadd.s32 v1, v4;
	_ =	sdelay $0x1  }
0x3f2: {  	v3 =	vadd.s32 v1, v3;
	_ =	sdelay $0x1  }
0x3f3: {  	s23 =	simm.s32 $0x3100  }
0x3f4: {  	[tilespmem:s23], [sflag:$0x1] =	stream.indirect_vreg.gather [hbm4b:s5+s2], $0x80, v4, vm0, $0xb8;
	[tilespmem:$0x10100] =	vst v63  }
0x3f5: {  	s21 =	simm.s32 $0x3900  }
0x3f6: {  	[tilespmem:s21], [sflag:$0x1] =	stream.indirect_vreg.gather [hbm4b:s5+s2], $0x80, v3, vm0, $0xb8;
	[tilespmem:$0x10100] =	vst v63  }
0x3f7: {  	v3 =	vld [tilespmem:$0x40];
	_ =	sdelay $0x4  }
0x3f8: {  	v60 =	vshll.u32 v3, $0x1  }
0x3f9: {  	v3 =	vand.u32 $0x7, v3;
	v4 =	vand.u32 $0xFFFFFFF0, v60  }
0x3fa: {  	v3 =	vor.u32 v3, v4  }
0x3fb: {  	v4 =	vperm.xlane v3, v0;
	_ =	sdelay $0x1  }
0x3fc: {  	v3 =	vperm.xlane v3, v2;
	v4 =	vadd.s32 v1, v4;
	_ =	sdelay $0x1  }
0x3fd: {  	v3 =	vadd.s32 v1, v3;
	_ =	sdelay $0x1  }
0x3fe: {  	s22 =	simm.s32 $0x4100  }
0x3ff: {  	[tilespmem:s22], [sflag:$0x1] =	stream.indirect_vreg.gather [hbm4b:s5+s2], $0x80, v4, vm0, $0xb8;
	[tilespmem:$0x10100] =	vst v63  }
0x400: {  	s23 =	simm.s32 $0x4900  }
0x401: {  	[tilespmem:s23], [sflag:$0x1] =	stream.indirect_vreg.gather [hbm4b:s5+s2], $0x80, v3, vm0, $0xb8;
	[tilespmem:$0x10100] =	vst v63  }
0x402: {  	v3 =	vld [tilespmem:$0x50];
	_ =	sdelay $0x4  }
0x403: {  	v61 =	vshll.u32 v3, $0x1  }
0x404: {  	v3 =	vand.u32 $0x7, v3;
	v4 =	vand.u32 $0xFFFFFFF0, v61  }
0x405: {  	v3 =	vor.u32 v3, v4  }
0x406: {  	v4 =	vperm.xlane v3, v0;
	_ =	sdelay $0x1  }
0x407: {  	v3 =	vperm.xlane v3, v2;
	v4 =	vadd.s32 v1, v4;
	_ =	sdelay $0x1  }
0x408: {  	v3 =	vadd.s32 v1, v3;
	_ =	sdelay $0x1  }
0x409: {  	s28 =	simm.s32 $0x5100  }
0x40a: {  	[tilespmem:s28], [sflag:$0x1] =	stream.indirect_vreg.gather [hbm4b:s5+s2], $0x80, v4, vm0, $0xb8;
	[tilespmem:$0x10100] =	vst v63  }
0x40b: {  	s7 =	simm.s32 $0x5900  }
0x40c: {  	[tilespmem:s7], [sflag:$0x1] =	stream.indirect_vreg.gather [hbm4b:s5+s2], $0x80, v3, vm0, $0xb8;
	[tilespmem:$0x10100] =	vst v63  }
0x40d: {  	v3 =	vld [tilespmem:$0x60];
	_ =	sdelay $0x4  }
0x40e: {  	v62 =	vshll.u32 v3, $0x1  }
0x40f: {  	v3 =	vand.u32 $0x7, v3;
	v4 =	vand.u32 $0xFFFFFFF0, v62  }
0x410: {  	v3 =	vor.u32 v3, v4  }
0x411: {  	v4 =	vperm.xlane v3, v0;
	_ =	sdelay $0x1  }
0x412: {  	v3 =	vperm.xlane v3, v2;
	v4 =	vadd.s32 v1, v4;
	_ =	sdelay $0x1  }
0x413: {  	v3 =	vadd.s32 v1, v3;
	_ =	sdelay $0x1  }
0x414: {  	s25 =	simm.s32 $0x6100  }
0x415: {  	[tilespmem:s25], [sflag:$0x1] =	stream.indirect_vreg.gather [hbm4b:s5+s2], $0x80, v4, vm0, $0xb8;
	[tilespmem:$0x10100] =	vst v63  }
0x416: {  	s3 =	simm.s32 $0x6900  }
0x417: {  	[tilespmem:s3], [sflag:$0x1] =	stream.indirect_vreg.gather [hbm4b:s5+s2], $0x80, v3, vm0, $0xb8;
	[tilespmem:$0x10100] =	vst v63  }
0x418: {  	v3 =	vld [tilespmem:$0x70];
	_ =	sdelay $0x4  }
0x419: {  	v63 =	vshll.u32 v3, $0x1  }
0x41a: {  	v3 =	vand.u32 $0x7, v3;
	v4 =	vand.u32 $0xFFFFFFF0, v63  }
0x41b: {  	v3 =	vor.u32 v3, v4  }
0x41c: {  	v4 =	vperm.xlane v3, v0;
	_ =	sdelay $0x1  }
0x41d: {  	v3 =	vperm.xlane v3, v2;
	v4 =	vadd.s32 v1, v4;
	_ =	sdelay $0x1  }
0x41e: {  	v3 =	vadd.s32 v1, v3;
	_ =	sdelay $0x1  }
0x41f: {  	s29 =	simm.s32 $0x7100  }
0x420: {  	[tilespmem:s29], [sflag:$0x1] =	stream.indirect_vreg.gather [hbm4b:s5+s2], $0x80, v4, vm0, $0xb8;
	[tilespmem:$0x10100] =	vst v63  }
0x421: {  	s0 =	simm.s32 $0x7900  }
0x422: {  	[tilespmem:s0], [sflag:$0x1] =	stream.indirect_vreg.gather [hbm4b:s5+s2], $0x80, v3, vm0, $0xb8;
	[tilespmem:$0x10100] =	vst v63  }
0x423: {  	v3 =	vld [tilespmem:$0x80];
	_ =	sdelay $0x4  }
0x424: {  	v8 =	vshll.u32 v3, $0x1  }
0x425: {  	v3 =	vand.u32 $0x7, v3;
	v4 =	vand.u32 $0xFFFFFFF0, v8  }
0x426: {  	v3 =	vor.u32 v3, v4  }
0x427: {  	v4 =	vperm.xlane v3, v0;
	_ =	sdelay $0x1  }
0x428: {  	v3 =	vperm.xlane v3, v2;
	v4 =	vadd.s32 v1, v4;
	_ =	sdelay $0x1  }
0x429: {  	v3 =	vadd.s32 v1, v3;
	_ =	sdelay $0x1  }
0x42a: {  	s1 =	simm.s32 $0x8100  }
0x42b: {  	[tilespmem:s1], [sflag:$0x1] =	stream.indirect_vreg.gather [hbm4b:s5+s2], $0x80, v4, vm0, $0xb8;
	[tilespmem:$0x10100] =	vst v63  }
0x42c: {  	s4 =	simm.s32 $0x8900  }
0x42d: {  	[tilespmem:s4], [sflag:$0x1] =	stream.indirect_vreg.gather [hbm4b:s5+s2], $0x80, v3, vm0, $0xb8;
	[tilespmem:$0x10100] =	vst v63  }
0x42e: {  	v3 =	vld [tilespmem:$0x90];
	_ =	sdelay $0x4  }
0x42f: {  	v9 =	vshll.u32 v3, $0x1  }
0x430: {  	v3 =	vand.u32 $0x7, v3;
	v4 =	vand.u32 $0xFFFFFFF0, v9  }
0x431: {  	v3 =	vor.u32 v3, v4  }
0x432: {  	v4 =	vperm.xlane v3, v0;
	_ =	sdelay $0x1  }
0x433: {  	v3 =	vperm.xlane v3, v2;
	v4 =	vadd.s32 v1, v4;
	_ =	sdelay $0x1  }
0x434: {  	v3 =	vadd.s32 v1, v3;
	_ =	sdelay $0x1  }
0x435: {  	s30 =	simm.s32 $0x9100  }
0x436: {  	[tilespmem:s30], [sflag:$0x1] =	stream.indirect_vreg.gather [hbm4b:s5+s2], $0x80, v4, vm0, $0xb8;
	[tilespmem:$0x10100] =	vst v63  }
0x437: {  	s6 =	simm.s32 $0x9900  }
0x438: {  	[tilespmem:s6], [sflag:$0x1] =	stream.indirect_vreg.gather [hbm4b:s5+s2], $0x80, v3, vm0, $0xb8;
	[tilespmem:$0x10100] =	vst v63  }
0x439: {  	v3 =	vld [tilespmem:$0xA0];
	_ =	sdelay $0x4  }
0x43a: {  	v10 =	vshll.u32 v3, $0x1  }
0x43b: {  	v3 =	vand.u32 $0x7, v3;
	v4 =	vand.u32 $0xFFFFFFF0, v10  }
0x43c: {  	v3 =	vor.u32 v3, v4  }
0x43d: {  	v4 =	vperm.xlane v3, v0;
	_ =	sdelay $0x1  }
0x43e: {  	v3 =	vperm.xlane v3, v2;
	v4 =	vadd.s32 v1, v4;
	_ =	sdelay $0x1  }
0x43f: {  	v3 =	vadd.s32 v1, v3;
	_ =	sdelay $0x1  }
0x440: {  	s31 =	simm.s32 $0xA100  }
0x441: {  	[tilespmem:s31], [sflag:$0x1] =	stream.indirect_vreg.gather [hbm4b:s5+s2], $0x80, v4, vm0, $0xb8;
	[tilespmem:$0x10100] =	vst v63  }
0x442: {  	s8 =	simm.s32 $0xA900  }
0x443: {  	[tilespmem:s8], [sflag:$0x1] =	stream.indirect_vreg.gather [hbm4b:s5+s2], $0x80, v3, vm0, $0xb8;
	[tilespmem:$0x10100] =	vst v63  }
0x444: {  	v3 =	vld [tilespmem:$0xB0];
	_ =	sdelay $0x4  }
0x445: {  	v11 =	vshll.u32 v3, $0x1  }
0x446: {  	v3 =	vand.u32 $0x7, v3;
	v4 =	vand.u32 $0xFFFFFFF0, v11  }
0x447: {  	v3 =	vor.u32 v3, v4  }
0x448: {  	v4 =	vperm.xlane v3, v0;
	_ =	sdelay $0x1  }
0x449: {  	v3 =	vperm.xlane v3, v2;
	v4 =	vadd.s32 v1, v4;
	_ =	sdelay $0x1  }
0x44a: {  	v3 =	vadd.s32 v1, v3;
	_ =	sdelay $0x1  }
0x44b: {  	s28 =	simm.s32 $0xB100  }
0x44c: {  	[tilespmem:s28], [sflag:$0x1] =	stream.indirect_vreg.gather [hbm4b:s5+s2], $0x80, v4, vm0, $0xb8;
	[tilespmem:$0x10100] =	vst v63  }
0x44d: {  	s28 =	simm.s32 $0xB900  }
0x44e: {  	[tilespmem:s28], [sflag:$0x1] =	stream.indirect_vreg.gather [hbm4b:s5+s2], $0x80, v3, vm0, $0xb8;
	[tilespmem:$0x10100] =	vst v63  }
0x44f: {  	v3 =	vld [tilespmem:$0xC0];
	_ =	sdelay $0x4  }
0x450: {  	v12 =	vshll.u32 v3, $0x1  }
0x451: {  	v3 =	vand.u32 $0x7, v3;
	v4 =	vand.u32 $0xFFFFFFF0, v12  }
0x452: {  	v3 =	vor.u32 v3, v4  }
0x453: {  	v4 =	vperm.xlane v3, v0;
	_ =	sdelay $0x1  }
0x454: {  	v3 =	vperm.xlane v3, v2;
	v4 =	vadd.s32 v1, v4;
	_ =	sdelay $0x1  }
0x455: {  	v3 =	vadd.s32 v1, v3;
	_ =	sdelay $0x1  }
0x456: {  	s10 =	simm.s32 $0xC100  }
0x457: {  	[tilespmem:s10], [sflag:$0x1] =	stream.indirect_vreg.gather [hbm4b:s5+s2], $0x80, v4, vm0, $0xb8;
	[tilespmem:$0x10100] =	vst v63  }
0x458: {  	s13 =	simm.s32 $0xC900  }
0x459: {  	[tilespmem:s13], [sflag:$0x1] =	stream.indirect_vreg.gather [hbm4b:s5+s2], $0x80, v3, vm0, $0xb8;
	[tilespmem:$0x10100] =	vst v63  }
0x45a: {  	v3 =	vld [tilespmem:$0xD0];
	_ =	sdelay $0x4  }
0x45b: {  	v13 =	vshll.u32 v3, $0x1  }
0x45c: {  	v3 =	vand.u32 $0x7, v3;
	v4 =	vand.u32 $0xFFFFFFF0, v13  }
0x45d: {  	v3 =	vor.u32 v3, v4  }
0x45e: {  	v4 =	vperm.xlane v3, v0;
	_ =	sdelay $0x1  }
0x45f: {  	v3 =	vperm.xlane v3, v2;
	v4 =	vadd.s32 v1, v4;
	_ =	sdelay $0x1  }
0x460: {  	v3 =	vadd.s32 v1, v3;
	_ =	sdelay $0x1  }
0x461: {  	s11 =	simm.s32 $0xD100  }
0x462: {  	[tilespmem:s11], [sflag:$0x1] =	stream.indirect_vreg.gather [hbm4b:s5+s2], $0x80, v4, vm0, $0xb8;
	[tilespmem:$0x10100] =	vst v63  }
0x463: {  	s19 =	simm.s32 $0xD900  }
0x464: {  	[tilespmem:s19], [sflag:$0x1] =	stream.indirect_vreg.gather [hbm4b:s5+s2], $0x80, v3, vm0, $0xb8;
	[tilespmem:$0x10100] =	vst v63  }
0x465: {  	v3 =	vld [tilespmem:$0xE0];
	_ =	sdelay $0x4  }
0x466: {  	v14 =	vshll.u32 v3, $0x1  }
0x467: {  	v3 =	vand.u32 $0x7, v3;
	v4 =	vand.u32 $0xFFFFFFF0, v14  }
0x468: {  	v3 =	vor.u32 v3, v4  }
0x469: {  	v4 =	vperm.xlane v3, v0;
	_ =	sdelay $0x1  }
0x46a: {  	v3 =	vperm.xlane v3, v2;
	v4 =	vadd.s32 v1, v4;
	_ =	sdelay $0x1  }
0x46b: {  	v3 =	vadd.s32 v1, v3;
	_ =	sdelay $0x1  }
0x46c: {  	s12 =	simm.s32 $0xE100  }
0x46d: {  	[tilespmem:s12], [sflag:$0x1] =	stream.indirect_vreg.gather [hbm4b:s5+s2], $0x80, v4, vm0, $0xb8;
	[tilespmem:$0x10100] =	vst v63  }
0x46e: {  	s20 =	simm.s32 $0xE900  }
0x46f: {  	[tilespmem:s20], [sflag:$0x1] =	stream.indirect_vreg.gather [hbm4b:s5+s2], $0x80, v3, vm0, $0xb8;
	[tilespmem:$0x10100] =	vst v63  }
0x470: {  	v3 =	vld [tilespmem:$0xF0];
	_ =	sdelay $0x4  }
0x471: {  	v15 =	vshll.u32 v3, $0x1  }
0x472: {  	v3 =	vand.u32 $0x7, v3;
	v4 =	vand.u32 $0xFFFFFFF0, v15  }
0x473: {  	v3 =	vor.u32 v3, v4  }
0x474: {  	v4 =	vperm.xlane v3, v0;
	_ =	sdelay $0x1  }
0x475: {  	v3 =	vperm.xlane v3, v2;
	v4 =	vadd.s32 v1, v4;
	_ =	sdelay $0x1  }
0x476: {  	v3 =	vadd.s32 v1, v3;
	_ =	sdelay $0x1  }
0x477: {  	s17 =	simm.s32 $0xF100  }
0x478: {  	[tilespmem:s17], [sflag:$0x1] =	stream.indirect_vreg.gather [hbm4b:s5+s2], $0x80, v4, vm0, $0xb8;
	[tilespmem:$0x10100] =	vst v63  }
0x479: {  	s14 =	simm.s32 $0xF900  }
0x47a: {  	[tilespmem:s14], [sflag:$0x1] =	stream.indirect_vreg.gather [hbm4b:s5+s2], $0x80, v3, vm0, $0xb8;
	[tilespmem:$0x10100] =	vst v63  }
0x47b: {  	_ =	swait.ge [sflag:s15], $0x10000  }
0x47c: {  	[sflag:s15] =	ssyncset.done $0x0  }
0x47d: {  	s17 =	rddreg [dreg:$0xb];
	[sflag:s15] =	ssyncadd.s32 $0xFFFF0000  }
0x47e: {  	[hbm4b:s17+s2] =	stream.linear.scatter [tilespmem:s26], [sflag:$0x2], $0x10000, $0x38;
	[tilespmem:$0x10100] =	vst v63  }
0x47f: {  	_ =	swait.ge [sflag:s9], $0x10000  }
0x480: {  	s18 =	simm.s32 $0x80;
	[sflag:s9] =	ssyncset.done $0x0  }
0x481: {  	s17 =	simm.s32 $0x400;
	s16 =	rddreg [dreg:$0xc];
	[sflag:s9] =	ssyncadd.s32 $0xFFFF0000  }
0x482: {  	[tilespmem:s2], [sflag:$0x2] =	stream.strided.gather [hbm4b:s16+s18], $0x100, s17, s18, $0x38;
	[tilespmem:$0x10100] =	vst v63  }
0x483: {  	_ =	swait.ge [sflag:s9], $0x100  }
0x484: {  	[sflag:s9] =	ssyncset.done $0x0  }
0x485: {  	[sflag:s9] =	ssyncadd.s32 $0xFFFFFF00  }
0x486: {  	v3 =	vld [tilespmem:$0x0];
	_ =	sdelay $0x4  }
0x487: {  	v16 =	vshll.u32 v3, $0x1  }
0x488: {  	v3 =	vand.u32 $0x7, v3;
	v4 =	vand.u32 $0xFFFFFFF0, v16  }
0x489: {  	v3 =	vor.u32 v3, v4  }
0x48a: {  	v4 =	vperm.xlane v3, v0;
	_ =	sdelay $0x1  }
0x48b: {  	v3 =	vperm.xlane v3, v2;
	v4 =	vadd.s32 v1, v4;
	_ =	sdelay $0x1  }
0x48c: {  	v3 =	vadd.s32 v1, v3;
	_ =	sdelay $0x2  }
0x48d: {  	[tilespmem:s26], [sflag:$0x1] =	stream.indirect_vreg.gather [hbm4b:s5+s2], $0x80, v4, vm0, $0xb8;
	[tilespmem:$0x10100] =	vst v63  }
0x48e: {  	s18 =	simm.s32 $0x900  }
0x48f: {  	[tilespmem:s18], [sflag:$0x1] =	stream.indirect_vreg.gather [hbm4b:s5+s2], $0x80, v3, vm0, $0xb8;
	[tilespmem:$0x10100] =	vst v63  }
0x490: {  	v3 =	vld [tilespmem:$0x10];
	_ =	sdelay $0x4  }
0x491: {  	v17 =	vshll.u32 v3, $0x1  }
0x492: {  	v3 =	vand.u32 $0x7, v3;
	v4 =	vand.u32 $0xFFFFFFF0, v17  }
0x493: {  	v3 =	vor.u32 v3, v4  }
0x494: {  	v4 =	vperm.xlane v3, v0;
	_ =	sdelay $0x1  }
0x495: {  	v3 =	vperm.xlane v3, v2;
	v4 =	vadd.s32 v1, v4;
	_ =	sdelay $0x1  }
0x496: {  	v3 =	vadd.s32 v1, v3;
	_ =	sdelay $0x1  }
0x497: {  	s18 =	simm.s32 $0x1100  }
0x498: {  	[tilespmem:s18], [sflag:$0x1] =	stream.indirect_vreg.gather [hbm4b:s5+s2], $0x80, v4, vm0, $0xb8;
	[tilespmem:$0x10100] =	vst v63  }
0x499: {  	s18 =	simm.s32 $0x1900  }
0x49a: {  	[tilespmem:s18], [sflag:$0x1] =	stream.indirect_vreg.gather [hbm4b:s5+s2], $0x80, v3, vm0, $0xb8;
	[tilespmem:$0x10100] =	vst v63  }
0x49b: {  	v3 =	vld [tilespmem:$0x20];
	_ =	sdelay $0x4  }
0x49c: {  	v18 =	vshll.u32 v3, $0x1  }
0x49d: {  	v3 =	vand.u32 $0x7, v3;
	v4 =	vand.u32 $0xFFFFFFF0, v18  }
0x49e: {  	v3 =	vor.u32 v3, v4  }
0x49f: {  	v4 =	vperm.xlane v3, v0;
	_ =	sdelay $0x1  }
0x4a0: {  	v3 =	vperm.xlane v3, v2;
	v4 =	vadd.s32 v1, v4;
	_ =	sdelay $0x1  }
0x4a1: {  	v3 =	vadd.s32 v1, v3;
	_ =	sdelay $0x1  }
0x4a2: {  	s16 =	simm.s32 $0x2100  }
0x4a3: {  	[tilespmem:s16], [sflag:$0x1] =	stream.indirect_vreg.gather [hbm4b:s5+s2], $0x80, v4, vm0, $0xb8;
	[tilespmem:$0x10100] =	vst v63  }
0x4a4: {  	s24 =	simm.s32 $0x2900  }
0x4a5: {  	[tilespmem:s24], [sflag:$0x1] =	stream.indirect_vreg.gather [hbm4b:s5+s2], $0x80, v3, vm0, $0xb8;
	[tilespmem:$0x10100] =	vst v63  }
0x4a6: {  	v3 =	vld [tilespmem:$0x30];
	_ =	sdelay $0x4  }
0x4a7: {  	v19 =	vshll.u32 v3, $0x1  }
0x4a8: {  	v3 =	vand.u32 $0x7, v3;
	v4 =	vand.u32 $0xFFFFFFF0, v19  }
0x4a9: {  	v3 =	vor.u32 v3, v4  }
0x4aa: {  	v4 =	vperm.xlane v3, v0;
	_ =	sdelay $0x1  }
0x4ab: {  	v3 =	vperm.xlane v3, v2;
	v4 =	vadd.s32 v1, v4;
	_ =	sdelay $0x1  }
0x4ac: {  	v3 =	vadd.s32 v1, v3;
	_ =	sdelay $0x1  }
0x4ad: {  	s16 =	simm.s32 $0x3100  }
0x4ae: {  	[tilespmem:s16], [sflag:$0x1] =	stream.indirect_vreg.gather [hbm4b:s5+s2], $0x80, v4, vm0, $0xb8;
	[tilespmem:$0x10100] =	vst v63  }
0x4af: {  	s16 =	simm.s32 $0x3900  }
0x4b0: {  	[tilespmem:s16], [sflag:$0x1] =	stream.indirect_vreg.gather [hbm4b:s5+s2], $0x80, v3, vm0, $0xb8;
	[tilespmem:$0x10100] =	vst v63  }
0x4b1: {  	v3 =	vld [tilespmem:$0x40];
	_ =	sdelay $0x4  }
0x4b2: {  	v20 =	vshll.u32 v3, $0x1  }
0x4b3: {  	v3 =	vand.u32 $0x7, v3;
	v4 =	vand.u32 $0xFFFFFFF0, v20  }
0x4b4: {  	v3 =	vor.u32 v3, v4  }
0x4b5: {  	v4 =	vperm.xlane v3, v0;
	_ =	sdelay $0x1  }
0x4b6: {  	v3 =	vperm.xlane v3, v2;
	v4 =	vadd.s32 v1, v4;
	_ =	sdelay $0x1  }
0x4b7: {  	v3 =	vadd.s32 v1, v3;
	_ =	sdelay $0x1  }
0x4b8: {  	s21 =	simm.s32 $0x4100  }
0x4b9: {  	[tilespmem:s21], [sflag:$0x1] =	stream.indirect_vreg.gather [hbm4b:s5+s2], $0x80, v4, vm0, $0xb8;
	[tilespmem:$0x10100] =	vst v63  }
0x4ba: {  	s23 =	simm.s32 $0x4900  }
0x4bb: {  	[tilespmem:s23], [sflag:$0x1] =	stream.indirect_vreg.gather [hbm4b:s5+s2], $0x80, v3, vm0, $0xb8;
	[tilespmem:$0x10100] =	vst v63  }
0x4bc: {  	v3 =	vld [tilespmem:$0x50];
	_ =	sdelay $0x4  }
0x4bd: {  	v21 =	vshll.u32 v3, $0x1  }
0x4be: {  	v3 =	vand.u32 $0x7, v3;
	v4 =	vand.u32 $0xFFFFFFF0, v21  }
0x4bf: {  	v3 =	vor.u32 v3, v4  }
0x4c0: {  	v4 =	vperm.xlane v3, v0;
	_ =	sdelay $0x1  }
0x4c1: {  	v3 =	vperm.xlane v3, v2;
	v4 =	vadd.s32 v1, v4;
	_ =	sdelay $0x1  }
0x4c2: {  	v3 =	vadd.s32 v1, v3;
	_ =	sdelay $0x1  }
0x4c3: {  	s22 =	simm.s32 $0x5100  }
0x4c4: {  	[tilespmem:s22], [sflag:$0x1] =	stream.indirect_vreg.gather [hbm4b:s5+s2], $0x80, v4, vm0, $0xb8;
	[tilespmem:$0x10100] =	vst v63  }
0x4c5: {  	s7 =	simm.s32 $0x5900  }
0x4c6: {  	[tilespmem:s7], [sflag:$0x1] =	stream.indirect_vreg.gather [hbm4b:s5+s2], $0x80, v3, vm0, $0xb8;
	[tilespmem:$0x10100] =	vst v63  }
0x4c7: {  	v3 =	vld [tilespmem:$0x60];
	_ =	sdelay $0x4  }
0x4c8: {  	v22 =	vshll.u32 v3, $0x1  }
0x4c9: {  	v3 =	vand.u32 $0x7, v3;
	v4 =	vand.u32 $0xFFFFFFF0, v22  }
0x4ca: {  	v3 =	vor.u32 v3, v4  }
0x4cb: {  	v4 =	vperm.xlane v3, v0;
	_ =	sdelay $0x1  }
0x4cc: {  	v3 =	vperm.xlane v3, v2;
	v4 =	vadd.s32 v1, v4;
	_ =	sdelay $0x1  }
0x4cd: {  	v3 =	vadd.s32 v1, v3;
	_ =	sdelay $0x1  }
0x4ce: {  	s25 =	simm.s32 $0x6100  }
0x4cf: {  	[tilespmem:s25], [sflag:$0x1] =	stream.indirect_vreg.gather [hbm4b:s5+s2], $0x80, v4, vm0, $0xb8;
	[tilespmem:$0x10100] =	vst v63  }
0x4d0: {  	s3 =	simm.s32 $0x6900  }
0x4d1: {  	[tilespmem:s3], [sflag:$0x1] =	stream.indirect_vreg.gather [hbm4b:s5+s2], $0x80, v3, vm0, $0xb8;
	[tilespmem:$0x10100] =	vst v63  }
0x4d2: {  	v3 =	vld [tilespmem:$0x70];
	_ =	sdelay $0x4  }
0x4d3: {  	v23 =	vshll.u32 v3, $0x1  }
0x4d4: {  	v3 =	vand.u32 $0x7, v3;
	v4 =	vand.u32 $0xFFFFFFF0, v23  }
0x4d5: {  	v3 =	vor.u32 v3, v4  }
0x4d6: {  	v4 =	vperm.xlane v3, v0;
	_ =	sdelay $0x1  }
0x4d7: {  	v3 =	vperm.xlane v3, v2;
	v4 =	vadd.s32 v1, v4;
	_ =	sdelay $0x1  }
0x4d8: {  	v3 =	vadd.s32 v1, v3;
	_ =	sdelay $0x1  }
0x4d9: {  	s29 =	simm.s32 $0x7100  }
0x4da: {  	[tilespmem:s29], [sflag:$0x1] =	stream.indirect_vreg.gather [hbm4b:s5+s2], $0x80, v4, vm0, $0xb8;
	[tilespmem:$0x10100] =	vst v63  }
0x4db: {  	s0 =	simm.s32 $0x7900  }
0x4dc: {  	[tilespmem:s0], [sflag:$0x1] =	stream.indirect_vreg.gather [hbm4b:s5+s2], $0x80, v3, vm0, $0xb8;
	[tilespmem:$0x10100] =	vst v63  }
0x4dd: {  	v3 =	vld [tilespmem:$0x80];
	_ =	sdelay $0x4  }
0x4de: {  	v24 =	vshll.u32 v3, $0x1  }
0x4df: {  	v3 =	vand.u32 $0x7, v3;
	v4 =	vand.u32 $0xFFFFFFF0, v24  }
0x4e0: {  	v3 =	vor.u32 v3, v4  }
0x4e1: {  	v4 =	vperm.xlane v3, v0;
	_ =	sdelay $0x1  }
0x4e2: {  	v3 =	vperm.xlane v3, v2;
	v4 =	vadd.s32 v1, v4;
	_ =	sdelay $0x1  }
0x4e3: {  	v3 =	vadd.s32 v1, v3;
	_ =	sdelay $0x1  }
0x4e4: {  	s1 =	simm.s32 $0x8100  }
0x4e5: {  	[tilespmem:s1], [sflag:$0x1] =	stream.indirect_vreg.gather [hbm4b:s5+s2], $0x80, v4, vm0, $0xb8;
	[tilespmem:$0x10100] =	vst v63  }
0x4e6: {  	s4 =	simm.s32 $0x8900  }
0x4e7: {  	[tilespmem:s4], [sflag:$0x1] =	stream.indirect_vreg.gather [hbm4b:s5+s2], $0x80, v3, vm0, $0xb8;
	[tilespmem:$0x10100] =	vst v63  }
0x4e8: {  	v3 =	vld [tilespmem:$0x90];
	_ =	sdelay $0x4  }
0x4e9: {  	v25 =	vshll.u32 v3, $0x1  }
0x4ea: {  	v3 =	vand.u32 $0x7, v3;
	v4 =	vand.u32 $0xFFFFFFF0, v25  }
0x4eb: {  	v3 =	vor.u32 v3, v4  }
0x4ec: {  	v4 =	vperm.xlane v3, v0;
	_ =	sdelay $0x1  }
0x4ed: {  	v3 =	vperm.xlane v3, v2;
	v4 =	vadd.s32 v1, v4;
	_ =	sdelay $0x1  }
0x4ee: {  	v3 =	vadd.s32 v1, v3;
	_ =	sdelay $0x1  }
0x4ef: {  	s30 =	simm.s32 $0x9100  }
0x4f0: {  	[tilespmem:s30], [sflag:$0x1] =	stream.indirect_vreg.gather [hbm4b:s5+s2], $0x80, v4, vm0, $0xb8;
	[tilespmem:$0x10100] =	vst v63  }
0x4f1: {  	s6 =	simm.s32 $0x9900  }
0x4f2: {  	[tilespmem:s6], [sflag:$0x1] =	stream.indirect_vreg.gather [hbm4b:s5+s2], $0x80, v3, vm0, $0xb8;
	[tilespmem:$0x10100] =	vst v63  }
0x4f3: {  	v3 =	vld [tilespmem:$0xA0];
	_ =	sdelay $0x4  }
0x4f4: {  	v26 =	vshll.u32 v3, $0x1  }
0x4f5: {  	v3 =	vand.u32 $0x7, v3;
	v4 =	vand.u32 $0xFFFFFFF0, v26  }
0x4f6: {  	v3 =	vor.u32 v3, v4  }
0x4f7: {  	v4 =	vperm.xlane v3, v0;
	_ =	sdelay $0x1  }
0x4f8: {  	v3 =	vperm.xlane v3, v2;
	v4 =	vadd.s32 v1, v4;
	_ =	sdelay $0x1  }
0x4f9: {  	v3 =	vadd.s32 v1, v3;
	_ =	sdelay $0x1  }
0x4fa: {  	s31 =	simm.s32 $0xA100  }
0x4fb: {  	[tilespmem:s31], [sflag:$0x1] =	stream.indirect_vreg.gather [hbm4b:s5+s2], $0x80, v4, vm0, $0xb8;
	[tilespmem:$0x10100] =	vst v63  }
0x4fc: {  	s8 =	simm.s32 $0xA900  }
0x4fd: {  	[tilespmem:s8], [sflag:$0x1] =	stream.indirect_vreg.gather [hbm4b:s5+s2], $0x80, v3, vm0, $0xb8;
	[tilespmem:$0x10100] =	vst v63  }
0x4fe: {  	v3 =	vld [tilespmem:$0xB0];
	_ =	sdelay $0x4  }
0x4ff: {  	v27 =	vshll.u32 v3, $0x1  }
0x500: {  	v3 =	vand.u32 $0x7, v3;
	v4 =	vand.u32 $0xFFFFFFF0, v27  }
0x501: {  	v3 =	vor.u32 v3, v4  }
0x502: {  	v4 =	vperm.xlane v3, v0;
	_ =	sdelay $0x1  }
0x503: {  	v3 =	vperm.xlane v3, v2;
	v4 =	vadd.s32 v1, v4;
	_ =	sdelay $0x1  }
0x504: {  	v3 =	vadd.s32 v1, v3;
	_ =	sdelay $0x1  }
0x505: {  	s16 =	simm.s32 $0xB100  }
0x506: {  	[tilespmem:s16], [sflag:$0x1] =	stream.indirect_vreg.gather [hbm4b:s5+s2], $0x80, v4, vm0, $0xb8;
	[tilespmem:$0x10100] =	vst v63  }
0x507: {  	s16 =	simm.s32 $0xB900  }
0x508: {  	[tilespmem:s16], [sflag:$0x1] =	stream.indirect_vreg.gather [hbm4b:s5+s2], $0x80, v3, vm0, $0xb8;
	[tilespmem:$0x10100] =	vst v63  }
0x509: {  	v3 =	vld [tilespmem:$0xC0];
	_ =	sdelay $0x4  }
0x50a: {  	v28 =	vshll.u32 v3, $0x1  }
0x50b: {  	v3 =	vand.u32 $0x7, v3;
	v4 =	vand.u32 $0xFFFFFFF0, v28  }
0x50c: {  	v3 =	vor.u32 v3, v4  }
0x50d: {  	v4 =	vperm.xlane v3, v0;
	_ =	sdelay $0x1  }
0x50e: {  	v3 =	vperm.xlane v3, v2;
	v4 =	vadd.s32 v1, v4;
	_ =	sdelay $0x1  }
0x50f: {  	v3 =	vadd.s32 v1, v3;
	_ =	sdelay $0x1  }
0x510: {  	s10 =	simm.s32 $0xC100  }
0x511: {  	[tilespmem:s10], [sflag:$0x1] =	stream.indirect_vreg.gather [hbm4b:s5+s2], $0x80, v4, vm0, $0xb8;
	[tilespmem:$0x10100] =	vst v63  }
0x512: {  	s28 =	simm.s32 $0xC900  }
0x513: {  	[tilespmem:s28], [sflag:$0x1] =	stream.indirect_vreg.gather [hbm4b:s5+s2], $0x80, v3, vm0, $0xb8;
	[tilespmem:$0x10100] =	vst v63  }
0x514: {  	v3 =	vld [tilespmem:$0xD0];
	_ =	sdelay $0x4  }
0x515: {  	v29 =	vshll.u32 v3, $0x1  }
0x516: {  	v3 =	vand.u32 $0x7, v3;
	v4 =	vand.u32 $0xFFFFFFF0, v29  }
0x517: {  	v3 =	vor.u32 v3, v4  }
0x518: {  	v4 =	vperm.xlane v3, v0;
	_ =	sdelay $0x1  }
0x519: {  	v3 =	vperm.xlane v3, v2;
	v4 =	vadd.s32 v1, v4;
	_ =	sdelay $0x1  }
0x51a: {  	v3 =	vadd.s32 v1, v3;
	_ =	sdelay $0x1  }
0x51b: {  	s11 =	simm.s32 $0xD100  }
0x51c: {  	[tilespmem:s11], [sflag:$0x1] =	stream.indirect_vreg.gather [hbm4b:s5+s2], $0x80, v4, vm0, $0xb8;
	[tilespmem:$0x10100] =	vst v63  }
0x51d: {  	s19 =	simm.s32 $0xD900  }
0x51e: {  	[tilespmem:s19], [sflag:$0x1] =	stream.indirect_vreg.gather [hbm4b:s5+s2], $0x80, v3, vm0, $0xb8;
	[tilespmem:$0x10100] =	vst v63  }
0x51f: {  	v3 =	vld [tilespmem:$0xE0];
	_ =	sdelay $0x4  }
0x520: {  	v30 =	vshll.u32 v3, $0x1  }
0x521: {  	v3 =	vand.u32 $0x7, v3;
	v4 =	vand.u32 $0xFFFFFFF0, v30  }
0x522: {  	v3 =	vor.u32 v3, v4  }
0x523: {  	v4 =	vperm.xlane v3, v0;
	_ =	sdelay $0x1  }
0x524: {  	v3 =	vperm.xlane v3, v2;
	v4 =	vadd.s32 v1, v4;
	_ =	sdelay $0x1  }
0x525: {  	v3 =	vadd.s32 v1, v3;
	_ =	sdelay $0x1  }
0x526: {  	s12 =	simm.s32 $0xE100  }
0x527: {  	[tilespmem:s12], [sflag:$0x1] =	stream.indirect_vreg.gather [hbm4b:s5+s2], $0x80, v4, vm0, $0xb8;
	[tilespmem:$0x10100] =	vst v63  }
0x528: {  	s20 =	simm.s32 $0xE900  }
0x529: {  	[tilespmem:s20], [sflag:$0x1] =	stream.indirect_vreg.gather [hbm4b:s5+s2], $0x80, v3, vm0, $0xb8;
	[tilespmem:$0x10100] =	vst v63  }
0x52a: {  	v3 =	vld [tilespmem:$0xF0];
	_ =	sdelay $0x4  }
0x52b: {  	v31 =	vshll.u32 v3, $0x1  }
0x52c: {  	v3 =	vand.u32 $0x7, v3;
	v4 =	vand.u32 $0xFFFFFFF0, v31  }
0x52d: {  	v3 =	vor.u32 v3, v4  }
0x52e: {  	v4 =	vperm.xlane v3, v0;
	_ =	sdelay $0x1  }
0x52f: {  	v3 =	vperm.xlane v3, v2;
	v4 =	vadd.s32 v1, v4;
	_ =	sdelay $0x1  }
0x530: {  	v3 =	vadd.s32 v1, v3;
	_ =	sdelay $0x1  }
0x531: {  	s13 =	simm.s32 $0xF100  }
0x532: {  	[tilespmem:s13], [sflag:$0x1] =	stream.indirect_vreg.gather [hbm4b:s5+s2], $0x80, v4, vm0, $0xb8;
	[tilespmem:$0x10100] =	vst v63  }
0x533: {  	s14 =	simm.s32 $0xF900  }
0x534: {  	[tilespmem:s14], [sflag:$0x1] =	stream.indirect_vreg.gather [hbm4b:s5+s2], $0x80, v3, vm0, $0xb8;
	[tilespmem:$0x10100] =	vst v63  }
0x535: {  	_ =	swait.ge [sflag:s15], $0x10000  }
0x536: {  	[sflag:s15] =	ssyncset.done $0x0  }
0x537: {  	s0 =	rddreg [dreg:$0xd];
	[sflag:s15] =	ssyncadd.s32 $0xFFFF0000  }
0x538: {  	[hbm4b:s0+s2] =	stream.linear.scatter [tilespmem:s26], [sflag:$0x2], $0x10000, $0x38;
	[tilespmem:$0x10100] =	vst v63  }
0x539: {  	_ =	swait.ge [sflag:s9], $0x10000  }
0x53a: {  	s17 =	simm.s32 $0x400;
	[sflag:s9] =	ssyncset.done $0x0  }
0x53b: {  	s0 =	simm.s32 $0x80;
	s16 =	rddreg [dreg:$0xe];
	[sflag:s9] =	ssyncadd.s32 $0xFFFF0000  }
0x53c: {  	[tilespmem:s2], [sflag:$0x2] =	stream.strided.gather [hbm4b:s16+s0], $0x100, s17, s0, $0x38;
	[tilespmem:$0x10100] =	vst v63  }
0x53d: {  	_ =	swait.ge [sflag:s9], $0x100  }
0x53e: {  	[sflag:s9] =	ssyncset.done $0x0  }
0x53f: {  	[sflag:s9] =	ssyncadd.s32 $0xFFFFFF00  }
0x540: {  	v3 =	vld [tilespmem:$0x0];
	_ =	sdelay $0x4  }
0x541: {  	v32 =	vshll.u32 v3, $0x1  }
0x542: {  	v3 =	vand.u32 $0x7, v3;
	v4 =	vand.u32 $0xFFFFFFF0, v32  }
0x543: {  	v3 =	vor.u32 v3, v4  }
0x544: {  	v4 =	vperm.xlane v3, v0;
	_ =	sdelay $0x1  }
0x545: {  	v3 =	vperm.xlane v3, v2;
	v4 =	vadd.s32 v1, v4;
	_ =	sdelay $0x1  }
0x546: {  	v3 =	vadd.s32 v1, v3;
	_ =	sdelay $0x2  }
0x547: {  	[tilespmem:s26], [sflag:$0x1] =	stream.indirect_vreg.gather [hbm4b:s5+s2], $0x80, v4, vm0, $0xb8;
	[tilespmem:$0x10100] =	vst v63  }
0x548: {  	s16 =	simm.s32 $0x900  }
0x549: {  	[tilespmem:s16], [sflag:$0x1] =	stream.indirect_vreg.gather [hbm4b:s5+s2], $0x80, v3, vm0, $0xb8;
	[tilespmem:$0x10100] =	vst v63  }
0x54a: {  	v3 =	vld [tilespmem:$0x10];
	_ =	sdelay $0x4  }
0x54b: {  	v33 =	vshll.u32 v3, $0x1  }
0x54c: {  	v3 =	vand.u32 $0x7, v3;
	v4 =	vand.u32 $0xFFFFFFF0, v33  }
0x54d: {  	v3 =	vor.u32 v3, v4  }
0x54e: {  	v4 =	vperm.xlane v3, v0;
	_ =	sdelay $0x1  }
0x54f: {  	v3 =	vperm.xlane v3, v2;
	v4 =	vadd.s32 v1, v4;
	_ =	sdelay $0x1  }
0x550: {  	v3 =	vadd.s32 v1, v3;
	_ =	sdelay $0x1  }
0x551: {  	s16 =	simm.s32 $0x1100  }
0x552: {  	[tilespmem:s16], [sflag:$0x1] =	stream.indirect_vreg.gather [hbm4b:s5+s2], $0x80, v4, vm0, $0xb8;
	[tilespmem:$0x10100] =	vst v63  }
0x553: {  	s18 =	simm.s32 $0x1900  }
0x554: {  	[tilespmem:s18], [sflag:$0x1] =	stream.indirect_vreg.gather [hbm4b:s5+s2], $0x80, v3, vm0, $0xb8;
	[tilespmem:$0x10100] =	vst v63  }
0x555: {  	v3 =	vld [tilespmem:$0x20];
	_ =	sdelay $0x4  }
0x556: {  	v34 =	vshll.u32 v3, $0x1  }
0x557: {  	v3 =	vand.u32 $0x7, v3;
	v4 =	vand.u32 $0xFFFFFFF0, v34  }
0x558: {  	v3 =	vor.u32 v3, v4  }
0x559: {  	v4 =	vperm.xlane v3, v0;
	_ =	sdelay $0x1  }
0x55a: {  	v3 =	vperm.xlane v3, v2;
	v4 =	vadd.s32 v1, v4;
	_ =	sdelay $0x1  }
0x55b: {  	v3 =	vadd.s32 v1, v3;
	_ =	sdelay $0x1  }
0x55c: {  	s16 =	simm.s32 $0x2100  }
0x55d: {  	[tilespmem:s16], [sflag:$0x1] =	stream.indirect_vreg.gather [hbm4b:s5+s2], $0x80, v4, vm0, $0xb8;
	[tilespmem:$0x10100] =	vst v63  }
0x55e: {  	s24 =	simm.s32 $0x2900  }
0x55f: {  	[tilespmem:s24], [sflag:$0x1] =	stream.indirect_vreg.gather [hbm4b:s5+s2], $0x80, v3, vm0, $0xb8;
	[tilespmem:$0x10100] =	vst v63  }
0x560: {  	v3 =	vld [tilespmem:$0x30];
	_ =	sdelay $0x4  }
0x561: {  	v35 =	vshll.u32 v3, $0x1  }
0x562: {  	v3 =	vand.u32 $0x7, v3;
	v4 =	vand.u32 $0xFFFFFFF0, v35  }
0x563: {  	v3 =	vor.u32 v3, v4  }
0x564: {  	v4 =	vperm.xlane v3, v0;
	_ =	sdelay $0x1  }
0x565: {  	v3 =	vperm.xlane v3, v2;
	v4 =	vadd.s32 v1, v4;
	_ =	sdelay $0x1  }
0x566: {  	v3 =	vadd.s32 v1, v3;
	_ =	sdelay $0x1  }
0x567: {  	s16 =	simm.s32 $0x3100  }
0x568: {  	[tilespmem:s16], [sflag:$0x1] =	stream.indirect_vreg.gather [hbm4b:s5+s2], $0x80, v4, vm0, $0xb8;
	[tilespmem:$0x10100] =	vst v63  }
0x569: {  	s16 =	simm.s32 $0x3900  }
0x56a: {  	[tilespmem:s16], [sflag:$0x1] =	stream.indirect_vreg.gather [hbm4b:s5+s2], $0x80, v3, vm0, $0xb8;
	[tilespmem:$0x10100] =	vst v63  }
0x56b: {  	v3 =	vld [tilespmem:$0x40];
	_ =	sdelay $0x4  }
0x56c: {  	v36 =	vshll.u32 v3, $0x1  }
0x56d: {  	v3 =	vand.u32 $0x7, v3;
	v4 =	vand.u32 $0xFFFFFFF0, v36  }
0x56e: {  	v3 =	vor.u32 v3, v4  }
0x56f: {  	v4 =	vperm.xlane v3, v0;
	_ =	sdelay $0x1  }
0x570: {  	v3 =	vperm.xlane v3, v2;
	v4 =	vadd.s32 v1, v4;
	_ =	sdelay $0x1  }
0x571: {  	v3 =	vadd.s32 v1, v3;
	_ =	sdelay $0x1  }
0x572: {  	s21 =	simm.s32 $0x4100  }
0x573: {  	[tilespmem:s21], [sflag:$0x1] =	stream.indirect_vreg.gather [hbm4b:s5+s2], $0x80, v4, vm0, $0xb8;
	[tilespmem:$0x10100] =	vst v63  }
0x574: {  	s23 =	simm.s32 $0x4900  }
0x575: {  	[tilespmem:s23], [sflag:$0x1] =	stream.indirect_vreg.gather [hbm4b:s5+s2], $0x80, v3, vm0, $0xb8;
	[tilespmem:$0x10100] =	vst v63  }
0x576: {  	v3 =	vld [tilespmem:$0x50];
	_ =	sdelay $0x4  }
0x577: {  	v37 =	vshll.u32 v3, $0x1  }
0x578: {  	v3 =	vand.u32 $0x7, v3;
	v4 =	vand.u32 $0xFFFFFFF0, v37  }
0x579: {  	v3 =	vor.u32 v3, v4  }
0x57a: {  	v4 =	vperm.xlane v3, v0;
	_ =	sdelay $0x1  }
0x57b: {  	v3 =	vperm.xlane v3, v2;
	v4 =	vadd.s32 v1, v4;
	_ =	sdelay $0x1  }
0x57c: {  	v3 =	vadd.s32 v1, v3;
	_ =	sdelay $0x1  }
0x57d: {  	s22 =	simm.s32 $0x5100  }
0x57e: {  	[tilespmem:s22], [sflag:$0x1] =	stream.indirect_vreg.gather [hbm4b:s5+s2], $0x80, v4, vm0, $0xb8;
	[tilespmem:$0x10100] =	vst v63  }
0x57f: {  	s7 =	simm.s32 $0x5900  }
0x580: {  	[tilespmem:s7], [sflag:$0x1] =	stream.indirect_vreg.gather [hbm4b:s5+s2], $0x80, v3, vm0, $0xb8;
	[tilespmem:$0x10100] =	vst v63  }
0x581: {  	v3 =	vld [tilespmem:$0x60];
	_ =	sdelay $0x4  }
0x582: {  	v38 =	vshll.u32 v3, $0x1  }
0x583: {  	v3 =	vand.u32 $0x7, v3;
	v4 =	vand.u32 $0xFFFFFFF0, v38  }
0x584: {  	v3 =	vor.u32 v3, v4  }
0x585: {  	v4 =	vperm.xlane v3, v0;
	_ =	sdelay $0x1  }
0x586: {  	v3 =	vperm.xlane v3, v2;
	v4 =	vadd.s32 v1, v4;
	_ =	sdelay $0x1  }
0x587: {  	v3 =	vadd.s32 v1, v3;
	_ =	sdelay $0x1  }
0x588: {  	s25 =	simm.s32 $0x6100  }
0x589: {  	[tilespmem:s25], [sflag:$0x1] =	stream.indirect_vreg.gather [hbm4b:s5+s2], $0x80, v4, vm0, $0xb8;
	[tilespmem:$0x10100] =	vst v63  }
0x58a: {  	s3 =	simm.s32 $0x6900  }
0x58b: {  	[tilespmem:s3], [sflag:$0x1] =	stream.indirect_vreg.gather [hbm4b:s5+s2], $0x80, v3, vm0, $0xb8;
	[tilespmem:$0x10100] =	vst v63  }
0x58c: {  	v3 =	vld [tilespmem:$0x70];
	_ =	sdelay $0x4  }
0x58d: {  	v39 =	vshll.u32 v3, $0x1  }
0x58e: {  	v3 =	vand.u32 $0x7, v3;
	v4 =	vand.u32 $0xFFFFFFF0, v39  }
0x58f: {  	v3 =	vor.u32 v3, v4  }
0x590: {  	v4 =	vperm.xlane v3, v0;
	_ =	sdelay $0x1  }
0x591: {  	v3 =	vperm.xlane v3, v2;
	v4 =	vadd.s32 v1, v4;
	_ =	sdelay $0x1  }
0x592: {  	v3 =	vadd.s32 v1, v3;
	_ =	sdelay $0x1  }
0x593: {  	s29 =	simm.s32 $0x7100  }
0x594: {  	[tilespmem:s29], [sflag:$0x1] =	stream.indirect_vreg.gather [hbm4b:s5+s2], $0x80, v4, vm0, $0xb8;
	[tilespmem:$0x10100] =	vst v63  }
0x595: {  	s16 =	simm.s32 $0x7900  }
0x596: {  	[tilespmem:s16], [sflag:$0x1] =	stream.indirect_vreg.gather [hbm4b:s5+s2], $0x80, v3, vm0, $0xb8;
	[tilespmem:$0x10100] =	vst v63  }
0x597: {  	v3 =	vld [tilespmem:$0x80];
	_ =	sdelay $0x4  }
0x598: {  	v40 =	vshll.u32 v3, $0x1  }
0x599: {  	v3 =	vand.u32 $0x7, v3;
	v4 =	vand.u32 $0xFFFFFFF0, v40  }
0x59a: {  	v3 =	vor.u32 v3, v4  }
0x59b: {  	v4 =	vperm.xlane v3, v0;
	_ =	sdelay $0x1  }
0x59c: {  	v3 =	vperm.xlane v3, v2;
	v4 =	vadd.s32 v1, v4;
	_ =	sdelay $0x1  }
0x59d: {  	v3 =	vadd.s32 v1, v3;
	_ =	sdelay $0x1  }
0x59e: {  	s1 =	simm.s32 $0x8100  }
0x59f: {  	[tilespmem:s1], [sflag:$0x1] =	stream.indirect_vreg.gather [hbm4b:s5+s2], $0x80, v4, vm0, $0xb8;
	[tilespmem:$0x10100] =	vst v63  }
0x5a0: {  	s4 =	simm.s32 $0x8900  }
0x5a1: {  	[tilespmem:s4], [sflag:$0x1] =	stream.indirect_vreg.gather [hbm4b:s5+s2], $0x80, v3, vm0, $0xb8;
	[tilespmem:$0x10100] =	vst v63  }
0x5a2: {  	v3 =	vld [tilespmem:$0x90];
	_ =	sdelay $0x4  }
0x5a3: {  	v41 =	vshll.u32 v3, $0x1  }
0x5a4: {  	v3 =	vand.u32 $0x7, v3;
	v4 =	vand.u32 $0xFFFFFFF0, v41  }
0x5a5: {  	v3 =	vor.u32 v3, v4  }
0x5a6: {  	v4 =	vperm.xlane v3, v0;
	_ =	sdelay $0x1  }
0x5a7: {  	v3 =	vperm.xlane v3, v2;
	v4 =	vadd.s32 v1, v4;
	_ =	sdelay $0x1  }
0x5a8: {  	v3 =	vadd.s32 v1, v3;
	_ =	sdelay $0x1  }
0x5a9: {  	s30 =	simm.s32 $0x9100  }
0x5aa: {  	[tilespmem:s30], [sflag:$0x1] =	stream.indirect_vreg.gather [hbm4b:s5+s2], $0x80, v4, vm0, $0xb8;
	[tilespmem:$0x10100] =	vst v63  }
0x5ab: {  	s6 =	simm.s32 $0x9900  }
0x5ac: {  	[tilespmem:s6], [sflag:$0x1] =	stream.indirect_vreg.gather [hbm4b:s5+s2], $0x80, v3, vm0, $0xb8;
	[tilespmem:$0x10100] =	vst v63  }
0x5ad: {  	v3 =	vld [tilespmem:$0xA0];
	_ =	sdelay $0x4  }
0x5ae: {  	v42 =	vshll.u32 v3, $0x1  }
0x5af: {  	v3 =	vand.u32 $0x7, v3;
	v4 =	vand.u32 $0xFFFFFFF0, v42  }
0x5b0: {  	v3 =	vor.u32 v3, v4  }
0x5b1: {  	v4 =	vperm.xlane v3, v0;
	_ =	sdelay $0x1  }
0x5b2: {  	v3 =	vperm.xlane v3, v2;
	v4 =	vadd.s32 v1, v4;
	_ =	sdelay $0x1  }
0x5b3: {  	v3 =	vadd.s32 v1, v3;
	_ =	sdelay $0x1  }
0x5b4: {  	s31 =	simm.s32 $0xA100  }
0x5b5: {  	[tilespmem:s31], [sflag:$0x1] =	stream.indirect_vreg.gather [hbm4b:s5+s2], $0x80, v4, vm0, $0xb8;
	[tilespmem:$0x10100] =	vst v63  }
0x5b6: {  	s8 =	simm.s32 $0xA900  }
0x5b7: {  	[tilespmem:s8], [sflag:$0x1] =	stream.indirect_vreg.gather [hbm4b:s5+s2], $0x80, v3, vm0, $0xb8;
	[tilespmem:$0x10100] =	vst v63  }
0x5b8: {  	v3 =	vld [tilespmem:$0xB0];
	_ =	sdelay $0x4  }
0x5b9: {  	v43 =	vshll.u32 v3, $0x1  }
0x5ba: {  	v3 =	vand.u32 $0x7, v3;
	v4 =	vand.u32 $0xFFFFFFF0, v43  }
0x5bb: {  	v3 =	vor.u32 v3, v4  }
0x5bc: {  	v4 =	vperm.xlane v3, v0;
	_ =	sdelay $0x1  }
0x5bd: {  	v3 =	vperm.xlane v3, v2;
	v4 =	vadd.s32 v1, v4;
	_ =	sdelay $0x1  }
0x5be: {  	v3 =	vadd.s32 v1, v3;
	_ =	sdelay $0x1  }
0x5bf: {  	s16 =	simm.s32 $0xB100  }
0x5c0: {  	[tilespmem:s16], [sflag:$0x1] =	stream.indirect_vreg.gather [hbm4b:s5+s2], $0x80, v4, vm0, $0xb8;
	[tilespmem:$0x10100] =	vst v63  }
0x5c1: {  	s16 =	simm.s32 $0xB900  }
0x5c2: {  	[tilespmem:s16], [sflag:$0x1] =	stream.indirect_vreg.gather [hbm4b:s5+s2], $0x80, v3, vm0, $0xb8;
	[tilespmem:$0x10100] =	vst v63  }
0x5c3: {  	v3 =	vld [tilespmem:$0xC0];
	_ =	sdelay $0x4  }
0x5c4: {  	v44 =	vshll.u32 v3, $0x1  }
0x5c5: {  	v3 =	vand.u32 $0x7, v3;
	v4 =	vand.u32 $0xFFFFFFF0, v44  }
0x5c6: {  	v3 =	vor.u32 v3, v4  }
0x5c7: {  	v4 =	vperm.xlane v3, v0;
	_ =	sdelay $0x1  }
0x5c8: {  	v3 =	vperm.xlane v3, v2;
	v4 =	vadd.s32 v1, v4;
	_ =	sdelay $0x1  }
0x5c9: {  	v3 =	vadd.s32 v1, v3;
	_ =	sdelay $0x1  }
0x5ca: {  	s10 =	simm.s32 $0xC100  }
0x5cb: {  	[tilespmem:s10], [sflag:$0x1] =	stream.indirect_vreg.gather [hbm4b:s5+s2], $0x80, v4, vm0, $0xb8;
	[tilespmem:$0x10100] =	vst v63  }
0x5cc: {  	s28 =	simm.s32 $0xC900  }
0x5cd: {  	[tilespmem:s28], [sflag:$0x1] =	stream.indirect_vreg.gather [hbm4b:s5+s2], $0x80, v3, vm0, $0xb8;
	[tilespmem:$0x10100] =	vst v63  }
0x5ce: {  	v3 =	vld [tilespmem:$0xD0];
	_ =	sdelay $0x4  }
0x5cf: {  	v45 =	vshll.u32 v3, $0x1  }
0x5d0: {  	v3 =	vand.u32 $0x7, v3;
	v4 =	vand.u32 $0xFFFFFFF0, v45  }
0x5d1: {  	v3 =	vor.u32 v3, v4  }
0x5d2: {  	v4 =	vperm.xlane v3, v0;
	_ =	sdelay $0x1  }
0x5d3: {  	v3 =	vperm.xlane v3, v2;
	v4 =	vadd.s32 v1, v4;
	_ =	sdelay $0x1  }
0x5d4: {  	v3 =	vadd.s32 v1, v3;
	_ =	sdelay $0x1  }
0x5d5: {  	s11 =	simm.s32 $0xD100  }
0x5d6: {  	[tilespmem:s11], [sflag:$0x1] =	stream.indirect_vreg.gather [hbm4b:s5+s2], $0x80, v4, vm0, $0xb8;
	[tilespmem:$0x10100] =	vst v63  }
0x5d7: {  	s19 =	simm.s32 $0xD900  }
0x5d8: {  	[tilespmem:s19], [sflag:$0x1] =	stream.indirect_vreg.gather [hbm4b:s5+s2], $0x80, v3, vm0, $0xb8;
	[tilespmem:$0x10100] =	vst v63  }
0x5d9: {  	v3 =	vld [tilespmem:$0xE0];
	_ =	sdelay $0x4  }
0x5da: {  	v46 =	vshll.u32 v3, $0x1  }
0x5db: {  	v3 =	vand.u32 $0x7, v3;
	v4 =	vand.u32 $0xFFFFFFF0, v46  }
0x5dc: {  	v3 =	vor.u32 v3, v4  }
0x5dd: {  	v4 =	vperm.xlane v3, v0;
	_ =	sdelay $0x1  }
0x5de: {  	v3 =	vperm.xlane v3, v2;
	v4 =	vadd.s32 v1, v4;
	_ =	sdelay $0x1  }
0x5df: {  	v3 =	vadd.s32 v1, v3;
	_ =	sdelay $0x1  }
0x5e0: {  	s12 =	simm.s32 $0xE100  }
0x5e1: {  	[tilespmem:s12], [sflag:$0x1] =	stream.indirect_vreg.gather [hbm4b:s5+s2], $0x80, v4, vm0, $0xb8;
	[tilespmem:$0x10100] =	vst v63  }
0x5e2: {  	s20 =	simm.s32 $0xE900  }
0x5e3: {  	[tilespmem:s20], [sflag:$0x1] =	stream.indirect_vreg.gather [hbm4b:s5+s2], $0x80, v3, vm0, $0xb8;
	[tilespmem:$0x10100] =	vst v63  }
0x5e4: {  	v3 =	vld [tilespmem:$0xF0];
	_ =	sdelay $0x4  }
0x5e5: {  	v47 =	vshll.u32 v3, $0x1  }
0x5e6: {  	v3 =	vand.u32 $0x7, v3;
	v4 =	vand.u32 $0xFFFFFFF0, v47  }
0x5e7: {  	v3 =	vor.u32 v3, v4  }
0x5e8: {  	v4 =	vperm.xlane v3, v0;
	_ =	sdelay $0x1  }
0x5e9: {  	v3 =	vperm.xlane v3, v2;
	v4 =	vadd.s32 v1, v4;
	_ =	sdelay $0x1  }
0x5ea: {  	v3 =	vadd.s32 v1, v3;
	_ =	sdelay $0x1  }
0x5eb: {  	s13 =	simm.s32 $0xF100  }
0x5ec: {  	[tilespmem:s13], [sflag:$0x1] =	stream.indirect_vreg.gather [hbm4b:s5+s2], $0x80, v4, vm0, $0xb8;
	[tilespmem:$0x10100] =	vst v63  }
0x5ed: {  	s14 =	simm.s32 $0xF900  }
0x5ee: {  	[tilespmem:s14], [sflag:$0x1] =	stream.indirect_vreg.gather [hbm4b:s5+s2], $0x80, v3, vm0, $0xb8;
	[tilespmem:$0x10100] =	vst v63  }
0x5ef: {  	_ =	swait.ge [sflag:s15], $0x10000  }
0x5f0: {  	[sflag:s15] =	ssyncset.done $0x0  }
0x5f1: {  	s0 =	rddreg [dreg:$0xf];
	[sflag:s15] =	ssyncadd.s32 $0xFFFF0000  }
0x5f2: {  	[hbm4b:s0+s2] =	stream.linear.scatter [tilespmem:s26], [sflag:$0x2], $0x10000, $0x38;
	[tilespmem:$0x10100] =	vst v63  }
0x5f3: {  	_ =	swait.ge [sflag:s9], $0x10000  }
0x5f4: {  	s17 =	simm.s32 $0x80;
	[sflag:s9] =	ssyncset.done $0x0  }
0x5f5: {  	s0 =	simm.s32 $0x400;
	s16 =	rddreg [dreg:$0x10];
	[sflag:s9] =	ssyncadd.s32 $0xFFFF0000  }
0x5f6: {  	[tilespmem:s2], [sflag:$0x2] =	stream.strided.gather [hbm4b:s16+s17], $0x100, s0, s17, $0x38;
	[tilespmem:$0x10100] =	vst v63  }
0x5f7: {  	_ =	swait.ge [sflag:s9], $0x100  }
0x5f8: {  	[sflag:s9] =	ssyncset.done $0x0  }
0x5f9: {  	[sflag:s9] =	ssyncadd.s32 $0xFFFFFF00  }
0x5fa: {  	v3 =	vld [tilespmem:$0x0];
	_ =	sdelay $0x4  }
0x5fb: {  	v48 =	vshll.u32 v3, $0x1  }
0x5fc: {  	v3 =	vand.u32 $0x7, v3;
	v4 =	vand.u32 $0xFFFFFFF0, v48  }
0x5fd: {  	v3 =	vor.u32 v3, v4  }
0x5fe: {  	v4 =	vperm.xlane v3, v0;
	_ =	sdelay $0x1  }
0x5ff: {  	v3 =	vperm.xlane v3, v2;
	v4 =	vadd.s32 v1, v4;
	_ =	sdelay $0x1  }
0x600: {  	v3 =	vadd.s32 v1, v3;
	_ =	sdelay $0x2  }
0x601: {  	[tilespmem:s26], [sflag:$0x1] =	stream.indirect_vreg.gather [hbm4b:s5+s2], $0x80, v4, vm0, $0xb8;
	[tilespmem:$0x10100] =	vst v63  }
0x602: {  	s16 =	simm.s32 $0x900  }
0x603: {  	[tilespmem:s16], [sflag:$0x1] =	stream.indirect_vreg.gather [hbm4b:s5+s2], $0x80, v3, vm0, $0xb8;
	[tilespmem:$0x10100] =	vst v63  }
0x604: {  	v3 =	vld [tilespmem:$0x10];
	_ =	sdelay $0x4  }
0x605: {  	v49 =	vshll.u32 v3, $0x1  }
0x606: {  	v3 =	vand.u32 $0x7, v3;
	v4 =	vand.u32 $0xFFFFFFF0, v49  }
0x607: {  	v3 =	vor.u32 v3, v4  }
0x608: {  	v4 =	vperm.xlane v3, v0;
	_ =	sdelay $0x1  }
0x609: {  	v3 =	vperm.xlane v3, v2;
	v4 =	vadd.s32 v1, v4;
	_ =	sdelay $0x1  }
0x60a: {  	v3 =	vadd.s32 v1, v3;
	_ =	sdelay $0x1  }
0x60b: {  	s16 =	simm.s32 $0x1100  }
0x60c: {  	[tilespmem:s16], [sflag:$0x1] =	stream.indirect_vreg.gather [hbm4b:s5+s2], $0x80, v4, vm0, $0xb8;
	[tilespmem:$0x10100] =	vst v63  }
0x60d: {  	s18 =	simm.s32 $0x1900  }
0x60e: {  	[tilespmem:s18], [sflag:$0x1] =	stream.indirect_vreg.gather [hbm4b:s5+s2], $0x80, v3, vm0, $0xb8;
	[tilespmem:$0x10100] =	vst v63  }
0x60f: {  	v3 =	vld [tilespmem:$0x20];
	_ =	sdelay $0x4  }
0x610: {  	v50 =	vshll.u32 v3, $0x1  }
0x611: {  	v3 =	vand.u32 $0x7, v3;
	v4 =	vand.u32 $0xFFFFFFF0, v50  }
0x612: {  	v3 =	vor.u32 v3, v4  }
0x613: {  	v4 =	vperm.xlane v3, v0;
	_ =	sdelay $0x1  }
0x614: {  	v3 =	vperm.xlane v3, v2;
	v4 =	vadd.s32 v1, v4;
	_ =	sdelay $0x1  }
0x615: {  	v3 =	vadd.s32 v1, v3;
	_ =	sdelay $0x1  }
0x616: {  	s16 =	simm.s32 $0x2100  }
0x617: {  	[tilespmem:s16], [sflag:$0x1] =	stream.indirect_vreg.gather [hbm4b:s5+s2], $0x80, v4, vm0, $0xb8;
	[tilespmem:$0x10100] =	vst v63  }
0x618: {  	s24 =	simm.s32 $0x2900  }
0x619: {  	[tilespmem:s24], [sflag:$0x1] =	stream.indirect_vreg.gather [hbm4b:s5+s2], $0x80, v3, vm0, $0xb8;
	[tilespmem:$0x10100] =	vst v63  }
0x61a: {  	v3 =	vld [tilespmem:$0x30];
	_ =	sdelay $0x4  }
0x61b: {  	v51 =	vshll.u32 v3, $0x1  }
0x61c: {  	v3 =	vand.u32 $0x7, v3;
	v4 =	vand.u32 $0xFFFFFFF0, v51  }
0x61d: {  	v3 =	vor.u32 v3, v4  }
0x61e: {  	v4 =	vperm.xlane v3, v0;
	_ =	sdelay $0x1  }
0x61f: {  	v3 =	vperm.xlane v3, v2;
	v4 =	vadd.s32 v1, v4;
	_ =	sdelay $0x1  }
0x620: {  	v3 =	vadd.s32 v1, v3;
	_ =	sdelay $0x1  }
0x621: {  	s16 =	simm.s32 $0x3100  }
0x622: {  	[tilespmem:s16], [sflag:$0x1] =	stream.indirect_vreg.gather [hbm4b:s5+s2], $0x80, v4, vm0, $0xb8;
	[tilespmem:$0x10100] =	vst v63  }
0x623: {  	s16 =	simm.s32 $0x3900  }
0x624: {  	[tilespmem:s16], [sflag:$0x1] =	stream.indirect_vreg.gather [hbm4b:s5+s2], $0x80, v3, vm0, $0xb8;
	[tilespmem:$0x10100] =	vst v63  }
0x625: {  	v3 =	vld [tilespmem:$0x40];
	_ =	sdelay $0x4  }
0x626: {  	v52 =	vshll.u32 v3, $0x1  }
0x627: {  	v3 =	vand.u32 $0x7, v3;
	v4 =	vand.u32 $0xFFFFFFF0, v52  }
0x628: {  	v3 =	vor.u32 v3, v4  }
0x629: {  	v4 =	vperm.xlane v3, v0;
	_ =	sdelay $0x1  }
0x62a: {  	v3 =	vperm.xlane v3, v2;
	v4 =	vadd.s32 v1, v4;
	_ =	sdelay $0x1  }
0x62b: {  	v3 =	vadd.s32 v1, v3;
	_ =	sdelay $0x1  }
0x62c: {  	s21 =	simm.s32 $0x4100  }
0x62d: {  	[tilespmem:s21], [sflag:$0x1] =	stream.indirect_vreg.gather [hbm4b:s5+s2], $0x80, v4, vm0, $0xb8;
	[tilespmem:$0x10100] =	vst v63  }
0x62e: {  	s23 =	simm.s32 $0x4900  }
0x62f: {  	[tilespmem:s23], [sflag:$0x1] =	stream.indirect_vreg.gather [hbm4b:s5+s2], $0x80, v3, vm0, $0xb8;
	[tilespmem:$0x10100] =	vst v63  }
0x630: {  	v3 =	vld [tilespmem:$0x50];
	_ =	sdelay $0x4  }
0x631: {  	v53 =	vshll.u32 v3, $0x1  }
0x632: {  	v3 =	vand.u32 $0x7, v3;
	v4 =	vand.u32 $0xFFFFFFF0, v53  }
0x633: {  	v3 =	vor.u32 v3, v4  }
0x634: {  	v4 =	vperm.xlane v3, v0;
	_ =	sdelay $0x1  }
0x635: {  	v3 =	vperm.xlane v3, v2;
	v4 =	vadd.s32 v1, v4;
	_ =	sdelay $0x1  }
0x636: {  	v3 =	vadd.s32 v1, v3;
	_ =	sdelay $0x1  }
0x637: {  	s22 =	simm.s32 $0x5100  }
0x638: {  	[tilespmem:s22], [sflag:$0x1] =	stream.indirect_vreg.gather [hbm4b:s5+s2], $0x80, v4, vm0, $0xb8;
	[tilespmem:$0x10100] =	vst v63  }
0x639: {  	s7 =	simm.s32 $0x5900  }
0x63a: {  	[tilespmem:s7], [sflag:$0x1] =	stream.indirect_vreg.gather [hbm4b:s5+s2], $0x80, v3, vm0, $0xb8;
	[tilespmem:$0x10100] =	vst v63  }
0x63b: {  	v3 =	vld [tilespmem:$0x60];
	_ =	sdelay $0x4  }
0x63c: {  	v54 =	vshll.u32 v3, $0x1  }
0x63d: {  	v3 =	vand.u32 $0x7, v3;
	v4 =	vand.u32 $0xFFFFFFF0, v54  }
0x63e: {  	v3 =	vor.u32 v3, v4  }
0x63f: {  	v4 =	vperm.xlane v3, v0;
	_ =	sdelay $0x1  }
0x640: {  	v3 =	vperm.xlane v3, v2;
	v4 =	vadd.s32 v1, v4;
	_ =	sdelay $0x1  }
0x641: {  	v3 =	vadd.s32 v1, v3;
	_ =	sdelay $0x1  }
0x642: {  	s25 =	simm.s32 $0x6100  }
0x643: {  	[tilespmem:s25], [sflag:$0x1] =	stream.indirect_vreg.gather [hbm4b:s5+s2], $0x80, v4, vm0, $0xb8;
	[tilespmem:$0x10100] =	vst v63  }
0x644: {  	s3 =	simm.s32 $0x6900  }
0x645: {  	[tilespmem:s3], [sflag:$0x1] =	stream.indirect_vreg.gather [hbm4b:s5+s2], $0x80, v3, vm0, $0xb8;
	[tilespmem:$0x10100] =	vst v63  }
0x646: {  	v3 =	vld [tilespmem:$0x70];
	_ =	sdelay $0x4  }
0x647: {  	v55 =	vshll.u32 v3, $0x1  }
0x648: {  	v3 =	vand.u32 $0x7, v3;
	v4 =	vand.u32 $0xFFFFFFF0, v55  }
0x649: {  	v3 =	vor.u32 v3, v4  }
0x64a: {  	v4 =	vperm.xlane v3, v0;
	_ =	sdelay $0x1  }
0x64b: {  	v3 =	vperm.xlane v3, v2;
	v4 =	vadd.s32 v1, v4;
	_ =	sdelay $0x1  }
0x64c: {  	v3 =	vadd.s32 v1, v3;
	_ =	sdelay $0x1  }
0x64d: {  	s29 =	simm.s32 $0x7100  }
0x64e: {  	[tilespmem:s29], [sflag:$0x1] =	stream.indirect_vreg.gather [hbm4b:s5+s2], $0x80, v4, vm0, $0xb8;
	[tilespmem:$0x10100] =	vst v63  }
0x64f: {  	s16 =	simm.s32 $0x7900  }
0x650: {  	[tilespmem:s16], [sflag:$0x1] =	stream.indirect_vreg.gather [hbm4b:s5+s2], $0x80, v3, vm0, $0xb8;
	[tilespmem:$0x10100] =	vst v63  }
0x651: {  	v3 =	vld [tilespmem:$0x80];
	_ =	sdelay $0x4  }
0x652: {  	v56 =	vshll.u32 v3, $0x1  }
0x653: {  	v3 =	vand.u32 $0x7, v3;
	v4 =	vand.u32 $0xFFFFFFF0, v56  }
0x654: {  	v3 =	vor.u32 v3, v4  }
0x655: {  	v4 =	vperm.xlane v3, v0;
	_ =	sdelay $0x1  }
0x656: {  	v3 =	vperm.xlane v3, v2;
	v4 =	vadd.s32 v1, v4;
	_ =	sdelay $0x1  }
0x657: {  	v3 =	vadd.s32 v1, v3;
	_ =	sdelay $0x1  }
0x658: {  	s1 =	simm.s32 $0x8100  }
0x659: {  	[tilespmem:s1], [sflag:$0x1] =	stream.indirect_vreg.gather [hbm4b:s5+s2], $0x80, v4, vm0, $0xb8;
	[tilespmem:$0x10100] =	vst v63  }
0x65a: {  	s4 =	simm.s32 $0x8900  }
0x65b: {  	[tilespmem:s4], [sflag:$0x1] =	stream.indirect_vreg.gather [hbm4b:s5+s2], $0x80, v3, vm0, $0xb8;
	[tilespmem:$0x10100] =	vst v63  }
0x65c: {  	v3 =	vld [tilespmem:$0x90];
	_ =	sdelay $0x4  }
0x65d: {  	v57 =	vshll.u32 v3, $0x1  }
0x65e: {  	v3 =	vand.u32 $0x7, v3;
	v4 =	vand.u32 $0xFFFFFFF0, v57  }
0x65f: {  	v3 =	vor.u32 v3, v4  }
0x660: {  	v4 =	vperm.xlane v3, v0;
	_ =	sdelay $0x1  }
0x661: {  	v3 =	vperm.xlane v3, v2;
	v4 =	vadd.s32 v1, v4;
	_ =	sdelay $0x1  }
0x662: {  	v3 =	vadd.s32 v1, v3;
	_ =	sdelay $0x1  }
0x663: {  	s30 =	simm.s32 $0x9100  }
0x664: {  	[tilespmem:s30], [sflag:$0x1] =	stream.indirect_vreg.gather [hbm4b:s5+s2], $0x80, v4, vm0, $0xb8;
	[tilespmem:$0x10100] =	vst v63  }
0x665: {  	s6 =	simm.s32 $0x9900  }
0x666: {  	[tilespmem:s6], [sflag:$0x1] =	stream.indirect_vreg.gather [hbm4b:s5+s2], $0x80, v3, vm0, $0xb8;
	[tilespmem:$0x10100] =	vst v63  }
0x667: {  	v3 =	vld [tilespmem:$0xA0];
	_ =	sdelay $0x4  }
0x668: {  	v58 =	vshll.u32 v3, $0x1  }
0x669: {  	v3 =	vand.u32 $0x7, v3;
	v4 =	vand.u32 $0xFFFFFFF0, v58  }
0x66a: {  	v3 =	vor.u32 v3, v4  }
0x66b: {  	v4 =	vperm.xlane v3, v0;
	_ =	sdelay $0x1  }
0x66c: {  	v3 =	vperm.xlane v3, v2;
	v4 =	vadd.s32 v1, v4;
	_ =	sdelay $0x1  }
0x66d: {  	v3 =	vadd.s32 v1, v3;
	_ =	sdelay $0x1  }
0x66e: {  	s31 =	simm.s32 $0xA100  }
0x66f: {  	[tilespmem:s31], [sflag:$0x1] =	stream.indirect_vreg.gather [hbm4b:s5+s2], $0x80, v4, vm0, $0xb8;
	[tilespmem:$0x10100] =	vst v63  }
0x670: {  	s8 =	simm.s32 $0xA900  }
0x671: {  	[tilespmem:s8], [sflag:$0x1] =	stream.indirect_vreg.gather [hbm4b:s5+s2], $0x80, v3, vm0, $0xb8;
	[tilespmem:$0x10100] =	vst v63  }
0x672: {  	v3 =	vld [tilespmem:$0xB0];
	_ =	sdelay $0x4  }
0x673: {  	v59 =	vshll.u32 v3, $0x1  }
0x674: {  	v3 =	vand.u32 $0x7, v3;
	v4 =	vand.u32 $0xFFFFFFF0, v59  }
0x675: {  	v3 =	vor.u32 v3, v4  }
0x676: {  	v4 =	vperm.xlane v3, v0;
	_ =	sdelay $0x1  }
0x677: {  	v3 =	vperm.xlane v3, v2;
	v4 =	vadd.s32 v1, v4;
	_ =	sdelay $0x1  }
0x678: {  	v3 =	vadd.s32 v1, v3;
	_ =	sdelay $0x1  }
0x679: {  	s16 =	simm.s32 $0xB100  }
0x67a: {  	[tilespmem:s16], [sflag:$0x1] =	stream.indirect_vreg.gather [hbm4b:s5+s2], $0x80, v4, vm0, $0xb8;
	[tilespmem:$0x10100] =	vst v63  }
0x67b: {  	s16 =	simm.s32 $0xB900  }
0x67c: {  	[tilespmem:s16], [sflag:$0x1] =	stream.indirect_vreg.gather [hbm4b:s5+s2], $0x80, v3, vm0, $0xb8;
	[tilespmem:$0x10100] =	vst v63  }
0x67d: {  	v3 =	vld [tilespmem:$0xC0];
	_ =	sdelay $0x4  }
0x67e: {  	v60 =	vshll.u32 v3, $0x1  }
0x67f: {  	v3 =	vand.u32 $0x7, v3;
	v4 =	vand.u32 $0xFFFFFFF0, v60  }
0x680: {  	v3 =	vor.u32 v3, v4  }
0x681: {  	v4 =	vperm.xlane v3, v0;
	_ =	sdelay $0x1  }
0x682: {  	v3 =	vperm.xlane v3, v2;
	v4 =	vadd.s32 v1, v4;
	_ =	sdelay $0x1  }
0x683: {  	v3 =	vadd.s32 v1, v3;
	_ =	sdelay $0x1  }
0x684: {  	s10 =	simm.s32 $0xC100  }
0x685: {  	[tilespmem:s10], [sflag:$0x1] =	stream.indirect_vreg.gather [hbm4b:s5+s2], $0x80, v4, vm0, $0xb8;
	[tilespmem:$0x10100] =	vst v63  }
0x686: {  	s28 =	simm.s32 $0xC900  }
0x687: {  	[tilespmem:s28], [sflag:$0x1] =	stream.indirect_vreg.gather [hbm4b:s5+s2], $0x80, v3, vm0, $0xb8;
	[tilespmem:$0x10100] =	vst v63  }
0x688: {  	v3 =	vld [tilespmem:$0xD0];
	_ =	sdelay $0x4  }
0x689: {  	v61 =	vshll.u32 v3, $0x1  }
0x68a: {  	v3 =	vand.u32 $0x7, v3;
	v4 =	vand.u32 $0xFFFFFFF0, v61  }
0x68b: {  	v3 =	vor.u32 v3, v4  }
0x68c: {  	v4 =	vperm.xlane v3, v0;
	_ =	sdelay $0x1  }
0x68d: {  	v3 =	vperm.xlane v3, v2;
	v4 =	vadd.s32 v1, v4;
	_ =	sdelay $0x1  }
0x68e: {  	v3 =	vadd.s32 v1, v3;
	_ =	sdelay $0x1  }
0x68f: {  	s11 =	simm.s32 $0xD100  }
0x690: {  	[tilespmem:s11], [sflag:$0x1] =	stream.indirect_vreg.gather [hbm4b:s5+s2], $0x80, v4, vm0, $0xb8;
	[tilespmem:$0x10100] =	vst v63  }
0x691: {  	s19 =	simm.s32 $0xD900  }
0x692: {  	[tilespmem:s19], [sflag:$0x1] =	stream.indirect_vreg.gather [hbm4b:s5+s2], $0x80, v3, vm0, $0xb8;
	[tilespmem:$0x10100] =	vst v63  }
0x693: {  	v3 =	vld [tilespmem:$0xE0];
	_ =	sdelay $0x4  }
0x694: {  	v62 =	vshll.u32 v3, $0x1  }
0x695: {  	v3 =	vand.u32 $0x7, v3;
	v4 =	vand.u32 $0xFFFFFFF0, v62  }
0x696: {  	v3 =	vor.u32 v3, v4  }
0x697: {  	v4 =	vperm.xlane v3, v0;
	_ =	sdelay $0x1  }
0x698: {  	v3 =	vperm.xlane v3, v2;
	v4 =	vadd.s32 v1, v4;
	_ =	sdelay $0x1  }
0x699: {  	v3 =	vadd.s32 v1, v3;
	_ =	sdelay $0x1  }
0x69a: {  	s12 =	simm.s32 $0xE100  }
0x69b: {  	[tilespmem:s12], [sflag:$0x1] =	stream.indirect_vreg.gather [hbm4b:s5+s2], $0x80, v4, vm0, $0xb8;
	[tilespmem:$0x10100] =	vst v63  }
0x69c: {  	s20 =	simm.s32 $0xE900  }
0x69d: {  	[tilespmem:s20], [sflag:$0x1] =	stream.indirect_vreg.gather [hbm4b:s5+s2], $0x80, v3, vm0, $0xb8;
	[tilespmem:$0x10100] =	vst v63  }
0x69e: {  	v3 =	vld [tilespmem:$0xF0];
	_ =	sdelay $0x4  }
0x69f: {  	v63 =	vshll.u32 v3, $0x1  }
0x6a0: {  	v3 =	vand.u32 $0x7, v3;
	v4 =	vand.u32 $0xFFFFFFF0, v63  }
0x6a1: {  	v3 =	vor.u32 v3, v4  }
0x6a2: {  	v4 =	vperm.xlane v3, v0;
	_ =	sdelay $0x1  }
0x6a3: {  	v3 =	vperm.xlane v3, v2;
	v4 =	vadd.s32 v1, v4;
	_ =	sdelay $0x1  }
0x6a4: {  	v3 =	vadd.s32 v1, v3;
	_ =	sdelay $0x1  }
0x6a5: {  	s13 =	simm.s32 $0xF100  }
0x6a6: {  	[tilespmem:s13], [sflag:$0x1] =	stream.indirect_vreg.gather [hbm4b:s5+s2], $0x80, v4, vm0, $0xb8;
	[tilespmem:$0x10100] =	vst v63  }
0x6a7: {  	s14 =	simm.s32 $0xF900  }
0x6a8: {  	[tilespmem:s14], [sflag:$0x1] =	stream.indirect_vreg.gather [hbm4b:s5+s2], $0x80, v3, vm0, $0xb8;
	[tilespmem:$0x10100] =	vst v63  }
0x6a9: {  	_ =	swait.ge [sflag:s15], $0x10000  }
0x6aa: {  	[sflag:s15] =	ssyncset.done $0x0  }
0x6ab: {  	s0 =	rddreg [dreg:$0x11];
	[sflag:s15] =	ssyncadd.s32 $0xFFFF0000  }
0x6ac: {  	[hbm4b:s0+s2] =	stream.linear.scatter [tilespmem:s26], [sflag:$0x2], $0x10000, $0x38;
	[tilespmem:$0x10100] =	vst v63  }
0x6ad: {  	_ =	swait.ge [sflag:s9], $0x10000  }
0x6ae: {  	s17 =	simm.s32 $0x400;
	[sflag:s9] =	ssyncset.done $0x0  }
0x6af: {  	s0 =	simm.s32 $0x80;
	s16 =	rddreg [dreg:$0x12];
	[sflag:s9] =	ssyncadd.s32 $0xFFFF0000  }
0x6b0: {  	[tilespmem:s2], [sflag:$0x2] =	stream.strided.gather [hbm4b:s16+s0], $0x100, s17, s0, $0x38;
	[tilespmem:$0x10100] =	vst v63  }
0x6b1: {  	_ =	swait.ge [sflag:s9], $0x100  }
0x6b2: {  	[sflag:s9] =	ssyncset.done $0x0  }
0x6b3: {  	[sflag:s9] =	ssyncadd.s32 $0xFFFFFF00  }
0x6b4: {  	v3 =	vld [tilespmem:$0x0];
	_ =	sdelay $0x4  }
0x6b5: {  	v8 =	vshll.u32 v3, $0x1  }
0x6b6: {  	v3 =	vand.u32 $0x7, v3;
	v4 =	vand.u32 $0xFFFFFFF0, v8  }
0x6b7: {  	v3 =	vor.u32 v3, v4  }
0x6b8: {  	v4 =	vperm.xlane v3, v0;
	_ =	sdelay $0x1  }
0x6b9: {  	v3 =	vperm.xlane v3, v2;
	v4 =	vadd.s32 v1, v4;
	_ =	sdelay $0x1  }
0x6ba: {  	v3 =	vadd.s32 v1, v3;
	_ =	sdelay $0x2  }
0x6bb: {  	[tilespmem:s26], [sflag:$0x1] =	stream.indirect_vreg.gather [hbm4b:s5+s2], $0x80, v4, vm0, $0xb8;
	[tilespmem:$0x10100] =	vst v63  }
0x6bc: {  	s16 =	simm.s32 $0x900  }
0x6bd: {  	[tilespmem:s16], [sflag:$0x1] =	stream.indirect_vreg.gather [hbm4b:s5+s2], $0x80, v3, vm0, $0xb8;
	[tilespmem:$0x10100] =	vst v63  }
0x6be: {  	v3 =	vld [tilespmem:$0x10];
	_ =	sdelay $0x4  }
0x6bf: {  	v9 =	vshll.u32 v3, $0x1  }
0x6c0: {  	v3 =	vand.u32 $0x7, v3;
	v4 =	vand.u32 $0xFFFFFFF0, v9  }
0x6c1: {  	v3 =	vor.u32 v3, v4  }
0x6c2: {  	v4 =	vperm.xlane v3, v0;
	_ =	sdelay $0x1  }
0x6c3: {  	v3 =	vperm.xlane v3, v2;
	v4 =	vadd.s32 v1, v4;
	_ =	sdelay $0x1  }
0x6c4: {  	v3 =	vadd.s32 v1, v3;
	_ =	sdelay $0x1  }
0x6c5: {  	s16 =	simm.s32 $0x1100  }
0x6c6: {  	[tilespmem:s16], [sflag:$0x1] =	stream.indirect_vreg.gather [hbm4b:s5+s2], $0x80, v4, vm0, $0xb8;
	[tilespmem:$0x10100] =	vst v63  }
0x6c7: {  	s18 =	simm.s32 $0x1900  }
0x6c8: {  	[tilespmem:s18], [sflag:$0x1] =	stream.indirect_vreg.gather [hbm4b:s5+s2], $0x80, v3, vm0, $0xb8;
	[tilespmem:$0x10100] =	vst v63  }
0x6c9: {  	v3 =	vld [tilespmem:$0x20];
	_ =	sdelay $0x4  }
0x6ca: {  	v10 =	vshll.u32 v3, $0x1  }
0x6cb: {  	v3 =	vand.u32 $0x7, v3;
	v4 =	vand.u32 $0xFFFFFFF0, v10  }
0x6cc: {  	v3 =	vor.u32 v3, v4  }
0x6cd: {  	v4 =	vperm.xlane v3, v0;
	_ =	sdelay $0x1  }
0x6ce: {  	v3 =	vperm.xlane v3, v2;
	v4 =	vadd.s32 v1, v4;
	_ =	sdelay $0x1  }
0x6cf: {  	v3 =	vadd.s32 v1, v3;
	_ =	sdelay $0x1  }
0x6d0: {  	s16 =	simm.s32 $0x2100  }
0x6d1: {  	[tilespmem:s16], [sflag:$0x1] =	stream.indirect_vreg.gather [hbm4b:s5+s2], $0x80, v4, vm0, $0xb8;
	[tilespmem:$0x10100] =	vst v63  }
0x6d2: {  	s24 =	simm.s32 $0x2900  }
0x6d3: {  	[tilespmem:s24], [sflag:$0x1] =	stream.indirect_vreg.gather [hbm4b:s5+s2], $0x80, v3, vm0, $0xb8;
	[tilespmem:$0x10100] =	vst v63  }
0x6d4: {  	v3 =	vld [tilespmem:$0x30];
	_ =	sdelay $0x4  }
0x6d5: {  	v11 =	vshll.u32 v3, $0x1  }
0x6d6: {  	v3 =	vand.u32 $0x7, v3;
	v4 =	vand.u32 $0xFFFFFFF0, v11  }
0x6d7: {  	v3 =	vor.u32 v3, v4  }
0x6d8: {  	v4 =	vperm.xlane v3, v0;
	_ =	sdelay $0x1  }
0x6d9: {  	v3 =	vperm.xlane v3, v2;
	v4 =	vadd.s32 v1, v4;
	_ =	sdelay $0x1  }
0x6da: {  	v3 =	vadd.s32 v1, v3;
	_ =	sdelay $0x1  }
0x6db: {  	s16 =	simm.s32 $0x3100  }
0x6dc: {  	[tilespmem:s16], [sflag:$0x1] =	stream.indirect_vreg.gather [hbm4b:s5+s2], $0x80, v4, vm0, $0xb8;
	[tilespmem:$0x10100] =	vst v63  }
0x6dd: {  	s16 =	simm.s32 $0x3900  }
0x6de: {  	[tilespmem:s16], [sflag:$0x1] =	stream.indirect_vreg.gather [hbm4b:s5+s2], $0x80, v3, vm0, $0xb8;
	[tilespmem:$0x10100] =	vst v63  }
0x6df: {  	v3 =	vld [tilespmem:$0x40];
	_ =	sdelay $0x4  }
0x6e0: {  	v12 =	vshll.u32 v3, $0x1  }
0x6e1: {  	v3 =	vand.u32 $0x7, v3;
	v4 =	vand.u32 $0xFFFFFFF0, v12  }
0x6e2: {  	v3 =	vor.u32 v3, v4  }
0x6e3: {  	v4 =	vperm.xlane v3, v0;
	_ =	sdelay $0x1  }
0x6e4: {  	v3 =	vperm.xlane v3, v2;
	v4 =	vadd.s32 v1, v4;
	_ =	sdelay $0x1  }
0x6e5: {  	v3 =	vadd.s32 v1, v3;
	_ =	sdelay $0x1  }
0x6e6: {  	s21 =	simm.s32 $0x4100  }
0x6e7: {  	[tilespmem:s21], [sflag:$0x1] =	stream.indirect_vreg.gather [hbm4b:s5+s2], $0x80, v4, vm0, $0xb8;
	[tilespmem:$0x10100] =	vst v63  }
0x6e8: {  	s23 =	simm.s32 $0x4900  }
0x6e9: {  	[tilespmem:s23], [sflag:$0x1] =	stream.indirect_vreg.gather [hbm4b:s5+s2], $0x80, v3, vm0, $0xb8;
	[tilespmem:$0x10100] =	vst v63  }
0x6ea: {  	v3 =	vld [tilespmem:$0x50];
	_ =	sdelay $0x4  }
0x6eb: {  	v13 =	vshll.u32 v3, $0x1  }
0x6ec: {  	v3 =	vand.u32 $0x7, v3;
	v4 =	vand.u32 $0xFFFFFFF0, v13  }
0x6ed: {  	v3 =	vor.u32 v3, v4  }
0x6ee: {  	v4 =	vperm.xlane v3, v0;
	_ =	sdelay $0x1  }
0x6ef: {  	v3 =	vperm.xlane v3, v2;
	v4 =	vadd.s32 v1, v4;
	_ =	sdelay $0x1  }
0x6f0: {  	v3 =	vadd.s32 v1, v3;
	_ =	sdelay $0x1  }
0x6f1: {  	s22 =	simm.s32 $0x5100  }
0x6f2: {  	[tilespmem:s22], [sflag:$0x1] =	stream.indirect_vreg.gather [hbm4b:s5+s2], $0x80, v4, vm0, $0xb8;
	[tilespmem:$0x10100] =	vst v63  }
0x6f3: {  	s7 =	simm.s32 $0x5900  }
0x6f4: {  	[tilespmem:s7], [sflag:$0x1] =	stream.indirect_vreg.gather [hbm4b:s5+s2], $0x80, v3, vm0, $0xb8;
	[tilespmem:$0x10100] =	vst v63  }
0x6f5: {  	v3 =	vld [tilespmem:$0x60];
	_ =	sdelay $0x4  }
0x6f6: {  	v14 =	vshll.u32 v3, $0x1  }
0x6f7: {  	v3 =	vand.u32 $0x7, v3;
	v4 =	vand.u32 $0xFFFFFFF0, v14  }
0x6f8: {  	v3 =	vor.u32 v3, v4  }
0x6f9: {  	v4 =	vperm.xlane v3, v0;
	_ =	sdelay $0x1  }
0x6fa: {  	v3 =	vperm.xlane v3, v2;
	v4 =	vadd.s32 v1, v4;
	_ =	sdelay $0x1  }
0x6fb: {  	v3 =	vadd.s32 v1, v3;
	_ =	sdelay $0x1  }
0x6fc: {  	s25 =	simm.s32 $0x6100  }
0x6fd: {  	[tilespmem:s25], [sflag:$0x1] =	stream.indirect_vreg.gather [hbm4b:s5+s2], $0x80, v4, vm0, $0xb8;
	[tilespmem:$0x10100] =	vst v63  }
0x6fe: {  	s3 =	simm.s32 $0x6900  }
0x6ff: {  	[tilespmem:s3], [sflag:$0x1] =	stream.indirect_vreg.gather [hbm4b:s5+s2], $0x80, v3, vm0, $0xb8;
	[tilespmem:$0x10100] =	vst v63  }
0x700: {  	v3 =	vld [tilespmem:$0x70];
	_ =	sdelay $0x4  }
0x701: {  	v15 =	vshll.u32 v3, $0x1  }
0x702: {  	v3 =	vand.u32 $0x7, v3;
	v4 =	vand.u32 $0xFFFFFFF0, v15  }
0x703: {  	v3 =	vor.u32 v3, v4  }
0x704: {  	v4 =	vperm.xlane v3, v0;
	_ =	sdelay $0x1  }
0x705: {  	v3 =	vperm.xlane v3, v2;
	v4 =	vadd.s32 v1, v4;
	_ =	sdelay $0x1  }
0x706: {  	v3 =	vadd.s32 v1, v3;
	_ =	sdelay $0x1  }
0x707: {  	s29 =	simm.s32 $0x7100  }
0x708: {  	[tilespmem:s29], [sflag:$0x1] =	stream.indirect_vreg.gather [hbm4b:s5+s2], $0x80, v4, vm0, $0xb8;
	[tilespmem:$0x10100] =	vst v63  }
0x709: {  	s16 =	simm.s32 $0x7900  }
0x70a: {  	[tilespmem:s16], [sflag:$0x1] =	stream.indirect_vreg.gather [hbm4b:s5+s2], $0x80, v3, vm0, $0xb8;
	[tilespmem:$0x10100] =	vst v63  }
0x70b: {  	v3 =	vld [tilespmem:$0x80];
	_ =	sdelay $0x4  }
0x70c: {  	v16 =	vshll.u32 v3, $0x1  }
0x70d: {  	v3 =	vand.u32 $0x7, v3;
	v4 =	vand.u32 $0xFFFFFFF0, v16  }
0x70e: {  	v3 =	vor.u32 v3, v4  }
0x70f: {  	v4 =	vperm.xlane v3, v0;
	_ =	sdelay $0x1  }
0x710: {  	v3 =	vperm.xlane v3, v2;
	v4 =	vadd.s32 v1, v4;
	_ =	sdelay $0x1  }
0x711: {  	v3 =	vadd.s32 v1, v3;
	_ =	sdelay $0x1  }
0x712: {  	s1 =	simm.s32 $0x8100  }
0x713: {  	[tilespmem:s1], [sflag:$0x1] =	stream.indirect_vreg.gather [hbm4b:s5+s2], $0x80, v4, vm0, $0xb8;
	[tilespmem:$0x10100] =	vst v63  }
0x714: {  	s4 =	simm.s32 $0x8900  }
0x715: {  	[tilespmem:s4], [sflag:$0x1] =	stream.indirect_vreg.gather [hbm4b:s5+s2], $0x80, v3, vm0, $0xb8;
	[tilespmem:$0x10100] =	vst v63  }
0x716: {  	v3 =	vld [tilespmem:$0x90];
	_ =	sdelay $0x4  }
0x717: {  	v17 =	vshll.u32 v3, $0x1  }
0x718: {  	v3 =	vand.u32 $0x7, v3;
	v4 =	vand.u32 $0xFFFFFFF0, v17  }
0x719: {  	v3 =	vor.u32 v3, v4  }
0x71a: {  	v4 =	vperm.xlane v3, v0;
	_ =	sdelay $0x1  }
0x71b: {  	v3 =	vperm.xlane v3, v2;
	v4 =	vadd.s32 v1, v4;
	_ =	sdelay $0x1  }
0x71c: {  	v3 =	vadd.s32 v1, v3;
	_ =	sdelay $0x1  }
0x71d: {  	s30 =	simm.s32 $0x9100  }
0x71e: {  	[tilespmem:s30], [sflag:$0x1] =	stream.indirect_vreg.gather [hbm4b:s5+s2], $0x80, v4, vm0, $0xb8;
	[tilespmem:$0x10100] =	vst v63  }
0x71f: {  	s6 =	simm.s32 $0x9900  }
0x720: {  	[tilespmem:s6], [sflag:$0x1] =	stream.indirect_vreg.gather [hbm4b:s5+s2], $0x80, v3, vm0, $0xb8;
	[tilespmem:$0x10100] =	vst v63  }
0x721: {  	v3 =	vld [tilespmem:$0xA0];
	_ =	sdelay $0x4  }
0x722: {  	v18 =	vshll.u32 v3, $0x1  }
0x723: {  	v3 =	vand.u32 $0x7, v3;
	v4 =	vand.u32 $0xFFFFFFF0, v18  }
0x724: {  	v3 =	vor.u32 v3, v4  }
0x725: {  	v4 =	vperm.xlane v3, v0;
	_ =	sdelay $0x1  }
0x726: {  	v3 =	vperm.xlane v3, v2;
	v4 =	vadd.s32 v1, v4;
	_ =	sdelay $0x1  }
0x727: {  	v3 =	vadd.s32 v1, v3;
	_ =	sdelay $0x1  }
0x728: {  	s31 =	simm.s32 $0xA100  }
0x729: {  	[tilespmem:s31], [sflag:$0x1] =	stream.indirect_vreg.gather [hbm4b:s5+s2], $0x80, v4, vm0, $0xb8;
	[tilespmem:$0x10100] =	vst v63  }
0x72a: {  	s8 =	simm.s32 $0xA900  }
0x72b: {  	[tilespmem:s8], [sflag:$0x1] =	stream.indirect_vreg.gather [hbm4b:s5+s2], $0x80, v3, vm0, $0xb8;
	[tilespmem:$0x10100] =	vst v63  }
0x72c: {  	v3 =	vld [tilespmem:$0xB0];
	_ =	sdelay $0x4  }
0x72d: {  	v19 =	vshll.u32 v3, $0x1  }
0x72e: {  	v3 =	vand.u32 $0x7, v3;
	v4 =	vand.u32 $0xFFFFFFF0, v19  }
0x72f: {  	v3 =	vor.u32 v3, v4  }
0x730: {  	v4 =	vperm.xlane v3, v0;
	_ =	sdelay $0x1  }
0x731: {  	v3 =	vperm.xlane v3, v2;
	v4 =	vadd.s32 v1, v4;
	_ =	sdelay $0x1  }
0x732: {  	v3 =	vadd.s32 v1, v3;
	_ =	sdelay $0x1  }
0x733: {  	s16 =	simm.s32 $0xB100  }
0x734: {  	[tilespmem:s16], [sflag:$0x1] =	stream.indirect_vreg.gather [hbm4b:s5+s2], $0x80, v4, vm0, $0xb8;
	[tilespmem:$0x10100] =	vst v63  }
0x735: {  	s16 =	simm.s32 $0xB900  }
0x736: {  	[tilespmem:s16], [sflag:$0x1] =	stream.indirect_vreg.gather [hbm4b:s5+s2], $0x80, v3, vm0, $0xb8;
	[tilespmem:$0x10100] =	vst v63  }
0x737: {  	v3 =	vld [tilespmem:$0xC0];
	_ =	sdelay $0x4  }
0x738: {  	v20 =	vshll.u32 v3, $0x1  }
0x739: {  	v3 =	vand.u32 $0x7, v3;
	v4 =	vand.u32 $0xFFFFFFF0, v20  }
0x73a: {  	v3 =	vor.u32 v3, v4  }
0x73b: {  	v4 =	vperm.xlane v3, v0;
	_ =	sdelay $0x1  }
0x73c: {  	v3 =	vperm.xlane v3, v2;
	v4 =	vadd.s32 v1, v4;
	_ =	sdelay $0x1  }
0x73d: {  	v3 =	vadd.s32 v1, v3;
	_ =	sdelay $0x1  }
0x73e: {  	s10 =	simm.s32 $0xC100  }
0x73f: {  	[tilespmem:s10], [sflag:$0x1] =	stream.indirect_vreg.gather [hbm4b:s5+s2], $0x80, v4, vm0, $0xb8;
	[tilespmem:$0x10100] =	vst v63  }
0x740: {  	s28 =	simm.s32 $0xC900  }
0x741: {  	[tilespmem:s28], [sflag:$0x1] =	stream.indirect_vreg.gather [hbm4b:s5+s2], $0x80, v3, vm0, $0xb8;
	[tilespmem:$0x10100] =	vst v63  }
0x742: {  	v3 =	vld [tilespmem:$0xD0];
	_ =	sdelay $0x4  }
0x743: {  	v21 =	vshll.u32 v3, $0x1  }
0x744: {  	v3 =	vand.u32 $0x7, v3;
	v4 =	vand.u32 $0xFFFFFFF0, v21  }
0x745: {  	v3 =	vor.u32 v3, v4  }
0x746: {  	v4 =	vperm.xlane v3, v0;
	_ =	sdelay $0x1  }
0x747: {  	v3 =	vperm.xlane v3, v2;
	v4 =	vadd.s32 v1, v4;
	_ =	sdelay $0x1  }
0x748: {  	v3 =	vadd.s32 v1, v3;
	_ =	sdelay $0x1  }
0x749: {  	s11 =	simm.s32 $0xD100  }
0x74a: {  	[tilespmem:s11], [sflag:$0x1] =	stream.indirect_vreg.gather [hbm4b:s5+s2], $0x80, v4, vm0, $0xb8;
	[tilespmem:$0x10100] =	vst v63  }
0x74b: {  	s19 =	simm.s32 $0xD900  }
0x74c: {  	[tilespmem:s19], [sflag:$0x1] =	stream.indirect_vreg.gather [hbm4b:s5+s2], $0x80, v3, vm0, $0xb8;
	[tilespmem:$0x10100] =	vst v63  }
0x74d: {  	v3 =	vld [tilespmem:$0xE0];
	_ =	sdelay $0x4  }
0x74e: {  	v22 =	vshll.u32 v3, $0x1  }
0x74f: {  	v3 =	vand.u32 $0x7, v3;
	v4 =	vand.u32 $0xFFFFFFF0, v22  }
0x750: {  	v3 =	vor.u32 v3, v4  }
0x751: {  	v4 =	vperm.xlane v3, v0;
	_ =	sdelay $0x1  }
0x752: {  	v3 =	vperm.xlane v3, v2;
	v4 =	vadd.s32 v1, v4;
	_ =	sdelay $0x1  }
0x753: {  	v3 =	vadd.s32 v1, v3;
	_ =	sdelay $0x1  }
0x754: {  	s12 =	simm.s32 $0xE100  }
0x755: {  	[tilespmem:s12], [sflag:$0x1] =	stream.indirect_vreg.gather [hbm4b:s5+s2], $0x80, v4, vm0, $0xb8;
	[tilespmem:$0x10100] =	vst v63  }
0x756: {  	s20 =	simm.s32 $0xE900  }
0x757: {  	[tilespmem:s20], [sflag:$0x1] =	stream.indirect_vreg.gather [hbm4b:s5+s2], $0x80, v3, vm0, $0xb8;
	[tilespmem:$0x10100] =	vst v63  }
0x758: {  	v3 =	vld [tilespmem:$0xF0];
	_ =	sdelay $0x4  }
0x759: {  	v23 =	vshll.u32 v3, $0x1  }
0x75a: {  	v3 =	vand.u32 $0x7, v3;
	v4 =	vand.u32 $0xFFFFFFF0, v23  }
0x75b: {  	v3 =	vor.u32 v3, v4  }
0x75c: {  	v4 =	vperm.xlane v3, v0;
	_ =	sdelay $0x1  }
0x75d: {  	v3 =	vperm.xlane v3, v2;
	v4 =	vadd.s32 v1, v4;
	_ =	sdelay $0x1  }
0x75e: {  	v3 =	vadd.s32 v1, v3;
	_ =	sdelay $0x1  }
0x75f: {  	s13 =	simm.s32 $0xF100  }
0x760: {  	[tilespmem:s13], [sflag:$0x1] =	stream.indirect_vreg.gather [hbm4b:s5+s2], $0x80, v4, vm0, $0xb8;
	[tilespmem:$0x10100] =	vst v63  }
0x761: {  	s14 =	simm.s32 $0xF900  }
0x762: {  	[tilespmem:s14], [sflag:$0x1] =	stream.indirect_vreg.gather [hbm4b:s5+s2], $0x80, v3, vm0, $0xb8;
	[tilespmem:$0x10100] =	vst v63  }
0x763: {  	_ =	swait.ge [sflag:s15], $0x10000  }
0x764: {  	[sflag:s15] =	ssyncset.done $0x0  }
0x765: {  	s0 =	rddreg [dreg:$0x13];
	[sflag:s15] =	ssyncadd.s32 $0xFFFF0000  }
0x766: {  	[hbm4b:s0+s2] =	stream.linear.scatter [tilespmem:s26], [sflag:$0x2], $0x10000, $0x38;
	[tilespmem:$0x10100] =	vst v63  }
0x767: {  	_ =	swait.ge [sflag:s9], $0x10000  }
0x768: {  	s17 =	simm.s32 $0x80;
	[sflag:s9] =	ssyncset.done $0x0  }
0x769: {  	s0 =	simm.s32 $0x400;
	s16 =	rddreg [dreg:$0x14];
	[sflag:s9] =	ssyncadd.s32 $0xFFFF0000  }
0x76a: {  	[tilespmem:s2], [sflag:$0x2] =	stream.strided.gather [hbm4b:s16+s17], $0x100, s0, s17, $0x38;
	[tilespmem:$0x10100] =	vst v63  }
0x76b: {  	_ =	swait.ge [sflag:s9], $0x100  }
0x76c: {  	[sflag:s9] =	ssyncset.done $0x0  }
0x76d: {  	[sflag:s9] =	ssyncadd.s32 $0xFFFFFF00  }
0x76e: {  	v3 =	vld [tilespmem:$0x0];
	_ =	sdelay $0x4  }
0x76f: {  	v24 =	vshll.u32 v3, $0x1  }
0x770: {  	v3 =	vand.u32 $0x7, v3;
	v4 =	vand.u32 $0xFFFFFFF0, v24  }
0x771: {  	v3 =	vor.u32 v3, v4  }
0x772: {  	v4 =	vperm.xlane v3, v0;
	_ =	sdelay $0x1  }
0x773: {  	v3 =	vperm.xlane v3, v2;
	v4 =	vadd.s32 v1, v4;
	_ =	sdelay $0x1  }
0x774: {  	v3 =	vadd.s32 v1, v3;
	_ =	sdelay $0x2  }
0x775: {  	[tilespmem:s26], [sflag:$0x1] =	stream.indirect_vreg.gather [hbm4b:s5+s2], $0x80, v4, vm0, $0xb8;
	[tilespmem:$0x10100] =	vst v63  }
0x776: {  	s16 =	simm.s32 $0x900  }
0x777: {  	[tilespmem:s16], [sflag:$0x1] =	stream.indirect_vreg.gather [hbm4b:s5+s2], $0x80, v3, vm0, $0xb8;
	[tilespmem:$0x10100] =	vst v63  }
0x778: {  	v3 =	vld [tilespmem:$0x10];
	_ =	sdelay $0x4  }
0x779: {  	v25 =	vshll.u32 v3, $0x1  }
0x77a: {  	v3 =	vand.u32 $0x7, v3;
	v4 =	vand.u32 $0xFFFFFFF0, v25  }
0x77b: {  	v3 =	vor.u32 v3, v4  }
0x77c: {  	v4 =	vperm.xlane v3, v0;
	_ =	sdelay $0x1  }
0x77d: {  	v3 =	vperm.xlane v3, v2;
	v4 =	vadd.s32 v1, v4;
	_ =	sdelay $0x1  }
0x77e: {  	v3 =	vadd.s32 v1, v3;
	_ =	sdelay $0x1  }
0x77f: {  	s16 =	simm.s32 $0x1100  }
0x780: {  	[tilespmem:s16], [sflag:$0x1] =	stream.indirect_vreg.gather [hbm4b:s5+s2], $0x80, v4, vm0, $0xb8;
	[tilespmem:$0x10100] =	vst v63  }
0x781: {  	s18 =	simm.s32 $0x1900  }
0x782: {  	[tilespmem:s18], [sflag:$0x1] =	stream.indirect_vreg.gather [hbm4b:s5+s2], $0x80, v3, vm0, $0xb8;
	[tilespmem:$0x10100] =	vst v63  }
0x783: {  	v3 =	vld [tilespmem:$0x20];
	_ =	sdelay $0x4  }
0x784: {  	v26 =	vshll.u32 v3, $0x1  }
0x785: {  	v3 =	vand.u32 $0x7, v3;
	v4 =	vand.u32 $0xFFFFFFF0, v26  }
0x786: {  	v3 =	vor.u32 v3, v4  }
0x787: {  	v4 =	vperm.xlane v3, v0;
	_ =	sdelay $0x1  }
0x788: {  	v3 =	vperm.xlane v3, v2;
	v4 =	vadd.s32 v1, v4;
	_ =	sdelay $0x1  }
0x789: {  	v3 =	vadd.s32 v1, v3;
	_ =	sdelay $0x1  }
0x78a: {  	s16 =	simm.s32 $0x2100  }
0x78b: {  	[tilespmem:s16], [sflag:$0x1] =	stream.indirect_vreg.gather [hbm4b:s5+s2], $0x80, v4, vm0, $0xb8;
	[tilespmem:$0x10100] =	vst v63  }
0x78c: {  	s24 =	simm.s32 $0x2900  }
0x78d: {  	[tilespmem:s24], [sflag:$0x1] =	stream.indirect_vreg.gather [hbm4b:s5+s2], $0x80, v3, vm0, $0xb8;
	[tilespmem:$0x10100] =	vst v63  }
0x78e: {  	v3 =	vld [tilespmem:$0x30];
	_ =	sdelay $0x4  }
0x78f: {  	v27 =	vshll.u32 v3, $0x1  }
0x790: {  	v3 =	vand.u32 $0x7, v3;
	v4 =	vand.u32 $0xFFFFFFF0, v27  }
0x791: {  	v3 =	vor.u32 v3, v4  }
0x792: {  	v4 =	vperm.xlane v3, v0;
	_ =	sdelay $0x1  }
0x793: {  	v3 =	vperm.xlane v3, v2;
	v4 =	vadd.s32 v1, v4;
	_ =	sdelay $0x1  }
0x794: {  	v3 =	vadd.s32 v1, v3;
	_ =	sdelay $0x1  }
0x795: {  	s16 =	simm.s32 $0x3100  }
0x796: {  	[tilespmem:s16], [sflag:$0x1] =	stream.indirect_vreg.gather [hbm4b:s5+s2], $0x80, v4, vm0, $0xb8;
	[tilespmem:$0x10100] =	vst v63  }
0x797: {  	s16 =	simm.s32 $0x3900  }
0x798: {  	[tilespmem:s16], [sflag:$0x1] =	stream.indirect_vreg.gather [hbm4b:s5+s2], $0x80, v3, vm0, $0xb8;
	[tilespmem:$0x10100] =	vst v63  }
0x799: {  	v3 =	vld [tilespmem:$0x40];
	_ =	sdelay $0x4  }
0x79a: {  	v28 =	vshll.u32 v3, $0x1  }
0x79b: {  	v3 =	vand.u32 $0x7, v3;
	v4 =	vand.u32 $0xFFFFFFF0, v28  }
0x79c: {  	v3 =	vor.u32 v3, v4  }
0x79d: {  	v4 =	vperm.xlane v3, v0;
	_ =	sdelay $0x1  }
0x79e: {  	v3 =	vperm.xlane v3, v2;
	v4 =	vadd.s32 v1, v4;
	_ =	sdelay $0x1  }
0x79f: {  	v3 =	vadd.s32 v1, v3;
	_ =	sdelay $0x1  }
0x7a0: {  	s21 =	simm.s32 $0x4100  }
0x7a1: {  	[tilespmem:s21], [sflag:$0x1] =	stream.indirect_vreg.gather [hbm4b:s5+s2], $0x80, v4, vm0, $0xb8;
	[tilespmem:$0x10100] =	vst v63  }
0x7a2: {  	s23 =	simm.s32 $0x4900  }
0x7a3: {  	[tilespmem:s23], [sflag:$0x1] =	stream.indirect_vreg.gather [hbm4b:s5+s2], $0x80, v3, vm0, $0xb8;
	[tilespmem:$0x10100] =	vst v63  }
0x7a4: {  	v3 =	vld [tilespmem:$0x50];
	_ =	sdelay $0x4  }
0x7a5: {  	v29 =	vshll.u32 v3, $0x1  }
0x7a6: {  	v3 =	vand.u32 $0x7, v3;
	v4 =	vand.u32 $0xFFFFFFF0, v29  }
0x7a7: {  	v3 =	vor.u32 v3, v4  }
0x7a8: {  	v4 =	vperm.xlane v3, v0;
	_ =	sdelay $0x1  }
0x7a9: {  	v3 =	vperm.xlane v3, v2;
	v4 =	vadd.s32 v1, v4;
	_ =	sdelay $0x1  }
0x7aa: {  	v3 =	vadd.s32 v1, v3;
	_ =	sdelay $0x1  }
0x7ab: {  	s22 =	simm.s32 $0x5100  }
0x7ac: {  	[tilespmem:s22], [sflag:$0x1] =	stream.indirect_vreg.gather [hbm4b:s5+s2], $0x80, v4, vm0, $0xb8;
	[tilespmem:$0x10100] =	vst v63  }
0x7ad: {  	s7 =	simm.s32 $0x5900  }
0x7ae: {  	[tilespmem:s7], [sflag:$0x1] =	stream.indirect_vreg.gather [hbm4b:s5+s2], $0x80, v3, vm0, $0xb8;
	[tilespmem:$0x10100] =	vst v63  }
0x7af: {  	v3 =	vld [tilespmem:$0x60];
	_ =	sdelay $0x4  }
0x7b0: {  	v30 =	vshll.u32 v3, $0x1  }
0x7b1: {  	v3 =	vand.u32 $0x7, v3;
	v4 =	vand.u32 $0xFFFFFFF0, v30  }
0x7b2: {  	v3 =	vor.u32 v3, v4  }
0x7b3: {  	v4 =	vperm.xlane v3, v0;
	_ =	sdelay $0x1  }
0x7b4: {  	v3 =	vperm.xlane v3, v2;
	v4 =	vadd.s32 v1, v4;
	_ =	sdelay $0x1  }
0x7b5: {  	v3 =	vadd.s32 v1, v3;
	_ =	sdelay $0x1  }
0x7b6: {  	s25 =	simm.s32 $0x6100  }
0x7b7: {  	[tilespmem:s25], [sflag:$0x1] =	stream.indirect_vreg.gather [hbm4b:s5+s2], $0x80, v4, vm0, $0xb8;
	[tilespmem:$0x10100] =	vst v63  }
0x7b8: {  	s3 =	simm.s32 $0x6900  }
0x7b9: {  	[tilespmem:s3], [sflag:$0x1] =	stream.indirect_vreg.gather [hbm4b:s5+s2], $0x80, v3, vm0, $0xb8;
	[tilespmem:$0x10100] =	vst v63  }
0x7ba: {  	v3 =	vld [tilespmem:$0x70];
	_ =	sdelay $0x4  }
0x7bb: {  	v31 =	vshll.u32 v3, $0x1  }
0x7bc: {  	v3 =	vand.u32 $0x7, v3;
	v4 =	vand.u32 $0xFFFFFFF0, v31  }
0x7bd: {  	v3 =	vor.u32 v3, v4  }
0x7be: {  	v4 =	vperm.xlane v3, v0;
	_ =	sdelay $0x1  }
0x7bf: {  	v3 =	vperm.xlane v3, v2;
	v4 =	vadd.s32 v1, v4;
	_ =	sdelay $0x1  }
0x7c0: {  	v3 =	vadd.s32 v1, v3;
	_ =	sdelay $0x1  }
0x7c1: {  	s29 =	simm.s32 $0x7100  }
0x7c2: {  	[tilespmem:s29], [sflag:$0x1] =	stream.indirect_vreg.gather [hbm4b:s5+s2], $0x80, v4, vm0, $0xb8;
	[tilespmem:$0x10100] =	vst v63  }
0x7c3: {  	s16 =	simm.s32 $0x7900  }
0x7c4: {  	[tilespmem:s16], [sflag:$0x1] =	stream.indirect_vreg.gather [hbm4b:s5+s2], $0x80, v3, vm0, $0xb8;
	[tilespmem:$0x10100] =	vst v63  }
0x7c5: {  	v3 =	vld [tilespmem:$0x80];
	_ =	sdelay $0x4  }
0x7c6: {  	v32 =	vshll.u32 v3, $0x1  }
0x7c7: {  	v3 =	vand.u32 $0x7, v3;
	v4 =	vand.u32 $0xFFFFFFF0, v32  }
0x7c8: {  	v3 =	vor.u32 v3, v4  }
0x7c9: {  	v4 =	vperm.xlane v3, v0;
	_ =	sdelay $0x1  }
0x7ca: {  	v3 =	vperm.xlane v3, v2;
	v4 =	vadd.s32 v1, v4;
	_ =	sdelay $0x1  }
0x7cb: {  	v3 =	vadd.s32 v1, v3;
	_ =	sdelay $0x1  }
0x7cc: {  	s1 =	simm.s32 $0x8100  }
0x7cd: {  	[tilespmem:s1], [sflag:$0x1] =	stream.indirect_vreg.gather [hbm4b:s5+s2], $0x80, v4, vm0, $0xb8;
	[tilespmem:$0x10100] =	vst v63  }
0x7ce: {  	s4 =	simm.s32 $0x8900  }
0x7cf: {  	[tilespmem:s4], [sflag:$0x1] =	stream.indirect_vreg.gather [hbm4b:s5+s2], $0x80, v3, vm0, $0xb8;
	[tilespmem:$0x10100] =	vst v63  }
0x7d0: {  	v3 =	vld [tilespmem:$0x90];
	_ =	sdelay $0x4  }
0x7d1: {  	v33 =	vshll.u32 v3, $0x1  }
0x7d2: {  	v3 =	vand.u32 $0x7, v3;
	v4 =	vand.u32 $0xFFFFFFF0, v33  }
0x7d3: {  	v3 =	vor.u32 v3, v4  }
0x7d4: {  	v4 =	vperm.xlane v3, v0;
	_ =	sdelay $0x1  }
0x7d5: {  	v3 =	vperm.xlane v3, v2;
	v4 =	vadd.s32 v1, v4;
	_ =	sdelay $0x1  }
0x7d6: {  	v3 =	vadd.s32 v1, v3;
	_ =	sdelay $0x1  }
0x7d7: {  	s30 =	simm.s32 $0x9100  }
0x7d8: {  	[tilespmem:s30], [sflag:$0x1] =	stream.indirect_vreg.gather [hbm4b:s5+s2], $0x80, v4, vm0, $0xb8;
	[tilespmem:$0x10100] =	vst v63  }
0x7d9: {  	s6 =	simm.s32 $0x9900  }
0x7da: {  	[tilespmem:s6], [sflag:$0x1] =	stream.indirect_vreg.gather [hbm4b:s5+s2], $0x80, v3, vm0, $0xb8;
	[tilespmem:$0x10100] =	vst v63  }
0x7db: {  	v3 =	vld [tilespmem:$0xA0];
	_ =	sdelay $0x4  }
0x7dc: {  	v34 =	vshll.u32 v3, $0x1  }
0x7dd: {  	v3 =	vand.u32 $0x7, v3;
	v4 =	vand.u32 $0xFFFFFFF0, v34  }
0x7de: {  	v3 =	vor.u32 v3, v4  }
0x7df: {  	v4 =	vperm.xlane v3, v0;
	_ =	sdelay $0x1  }
0x7e0: {  	v3 =	vperm.xlane v3, v2;
	v4 =	vadd.s32 v1, v4;
	_ =	sdelay $0x1  }
0x7e1: {  	v3 =	vadd.s32 v1, v3;
	_ =	sdelay $0x1  }
0x7e2: {  	s31 =	simm.s32 $0xA100  }
0x7e3: {  	[tilespmem:s31], [sflag:$0x1] =	stream.indirect_vreg.gather [hbm4b:s5+s2], $0x80, v4, vm0, $0xb8;
	[tilespmem:$0x10100] =	vst v63  }
0x7e4: {  	s8 =	simm.s32 $0xA900  }
0x7e5: {  	[tilespmem:s8], [sflag:$0x1] =	stream.indirect_vreg.gather [hbm4b:s5+s2], $0x80, v3, vm0, $0xb8;
	[tilespmem:$0x10100] =	vst v63  }
0x7e6: {  	v3 =	vld [tilespmem:$0xB0];
	_ =	sdelay $0x4  }
0x7e7: {  	v35 =	vshll.u32 v3, $0x1  }
0x7e8: {  	v3 =	vand.u32 $0x7, v3;
	v4 =	vand.u32 $0xFFFFFFF0, v35  }
0x7e9: {  	v3 =	vor.u32 v3, v4  }
0x7ea: {  	v4 =	vperm.xlane v3, v0;
	_ =	sdelay $0x1  }
0x7eb: {  	v3 =	vperm.xlane v3, v2;
	v4 =	vadd.s32 v1, v4;
	_ =	sdelay $0x1  }
0x7ec: {  	v3 =	vadd.s32 v1, v3;
	_ =	sdelay $0x1  }
0x7ed: {  	s16 =	simm.s32 $0xB100  }
0x7ee: {  	[tilespmem:s16], [sflag:$0x1] =	stream.indirect_vreg.gather [hbm4b:s5+s2], $0x80, v4, vm0, $0xb8;
	[tilespmem:$0x10100] =	vst v63  }
0x7ef: {  	s16 =	simm.s32 $0xB900  }
0x7f0: {  	[tilespmem:s16], [sflag:$0x1] =	stream.indirect_vreg.gather [hbm4b:s5+s2], $0x80, v3, vm0, $0xb8;
	[tilespmem:$0x10100] =	vst v63  }
0x7f1: {  	v3 =	vld [tilespmem:$0xC0];
	_ =	sdelay $0x4  }
0x7f2: {  	v36 =	vshll.u32 v3, $0x1  }
0x7f3: {  	v3 =	vand.u32 $0x7, v3;
	v4 =	vand.u32 $0xFFFFFFF0, v36  }
0x7f4: {  	v3 =	vor.u32 v3, v4  }
0x7f5: {  	v4 =	vperm.xlane v3, v0;
	_ =	sdelay $0x1  }
0x7f6: {  	v3 =	vperm.xlane v3, v2;
	v4 =	vadd.s32 v1, v4;
	_ =	sdelay $0x1  }
0x7f7: {  	v3 =	vadd.s32 v1, v3;
	_ =	sdelay $0x1  }
0x7f8: {  	s10 =	simm.s32 $0xC100  }
0x7f9: {  	[tilespmem:s10], [sflag:$0x1] =	stream.indirect_vreg.gather [hbm4b:s5+s2], $0x80, v4, vm0, $0xb8;
	[tilespmem:$0x10100] =	vst v63  }
0x7fa: {  	s28 =	simm.s32 $0xC900  }
0x7fb: {  	[tilespmem:s28], [sflag:$0x1] =	stream.indirect_vreg.gather [hbm4b:s5+s2], $0x80, v3, vm0, $0xb8;
	[tilespmem:$0x10100] =	vst v63  }
0x7fc: {  	v3 =	vld [tilespmem:$0xD0];
	_ =	sdelay $0x4  }
0x7fd: {  	v37 =	vshll.u32 v3, $0x1  }
0x7fe: {  	v3 =	vand.u32 $0x7, v3;
	v4 =	vand.u32 $0xFFFFFFF0, v37  }
0x7ff: {  	v3 =	vor.u32 v3, v4  }
0x800: {  	v4 =	vperm.xlane v3, v0;
	_ =	sdelay $0x1  }
0x801: {  	v3 =	vperm.xlane v3, v2;
	v4 =	vadd.s32 v1, v4;
	_ =	sdelay $0x1  }
0x802: {  	v3 =	vadd.s32 v1, v3;
	_ =	sdelay $0x1  }
0x803: {  	s11 =	simm.s32 $0xD100  }
0x804: {  	[tilespmem:s11], [sflag:$0x1] =	stream.indirect_vreg.gather [hbm4b:s5+s2], $0x80, v4, vm0, $0xb8;
	[tilespmem:$0x10100] =	vst v63  }
0x805: {  	s19 =	simm.s32 $0xD900  }
0x806: {  	[tilespmem:s19], [sflag:$0x1] =	stream.indirect_vreg.gather [hbm4b:s5+s2], $0x80, v3, vm0, $0xb8;
	[tilespmem:$0x10100] =	vst v63  }
0x807: {  	v3 =	vld [tilespmem:$0xE0];
	_ =	sdelay $0x4  }
0x808: {  	v38 =	vshll.u32 v3, $0x1  }
0x809: {  	v3 =	vand.u32 $0x7, v3;
	v4 =	vand.u32 $0xFFFFFFF0, v38  }
0x80a: {  	v3 =	vor.u32 v3, v4  }
0x80b: {  	v4 =	vperm.xlane v3, v0;
	_ =	sdelay $0x1  }
0x80c: {  	v3 =	vperm.xlane v3, v2;
	v4 =	vadd.s32 v1, v4;
	_ =	sdelay $0x1  }
0x80d: {  	v3 =	vadd.s32 v1, v3;
	_ =	sdelay $0x1  }
0x80e: {  	s12 =	simm.s32 $0xE100  }
0x80f: {  	[tilespmem:s12], [sflag:$0x1] =	stream.indirect_vreg.gather [hbm4b:s5+s2], $0x80, v4, vm0, $0xb8;
	[tilespmem:$0x10100] =	vst v63  }
0x810: {  	s20 =	simm.s32 $0xE900  }
0x811: {  	[tilespmem:s20], [sflag:$0x1] =	stream.indirect_vreg.gather [hbm4b:s5+s2], $0x80, v3, vm0, $0xb8;
	[tilespmem:$0x10100] =	vst v63  }
0x812: {  	v3 =	vld [tilespmem:$0xF0];
	_ =	sdelay $0x4  }
0x813: {  	v39 =	vshll.u32 v3, $0x1  }
0x814: {  	v3 =	vand.u32 $0x7, v3;
	v4 =	vand.u32 $0xFFFFFFF0, v39  }
0x815: {  	v3 =	vor.u32 v3, v4  }
0x816: {  	v4 =	vperm.xlane v3, v0;
	_ =	sdelay $0x1  }
0x817: {  	v3 =	vperm.xlane v3, v2;
	v4 =	vadd.s32 v1, v4;
	_ =	sdelay $0x1  }
0x818: {  	v3 =	vadd.s32 v1, v3;
	_ =	sdelay $0x1  }
0x819: {  	s13 =	simm.s32 $0xF100  }
0x81a: {  	[tilespmem:s13], [sflag:$0x1] =	stream.indirect_vreg.gather [hbm4b:s5+s2], $0x80, v4, vm0, $0xb8;
	[tilespmem:$0x10100] =	vst v63  }
0x81b: {  	s14 =	simm.s32 $0xF900  }
0x81c: {  	[tilespmem:s14], [sflag:$0x1] =	stream.indirect_vreg.gather [hbm4b:s5+s2], $0x80, v3, vm0, $0xb8;
	[tilespmem:$0x10100] =	vst v63  }
0x81d: {  	_ =	swait.ge [sflag:s15], $0x10000  }
0x81e: {  	[sflag:s15] =	ssyncset.done $0x0  }
0x81f: {  	s0 =	rddreg [dreg:$0x15];
	[sflag:s15] =	ssyncadd.s32 $0xFFFF0000  }
0x820: {  	[hbm4b:s0+s2] =	stream.linear.scatter [tilespmem:s26], [sflag:$0x2], $0x10000, $0x38;
	[tilespmem:$0x10100] =	vst v63  }
0x821: {  	_ =	swait.ge [sflag:s9], $0x10000  }
0x822: {  	s17 =	simm.s32 $0x400;
	[sflag:s9] =	ssyncset.done $0x0  }
0x823: {  	s0 =	simm.s32 $0x80;
	s16 =	rddreg [dreg:$0x16];
	[sflag:s9] =	ssyncadd.s32 $0xFFFF0000  }
0x824: {  	[tilespmem:s2], [sflag:$0x2] =	stream.strided.gather [hbm4b:s16+s0], $0x100, s17, s0, $0x38;
	[tilespmem:$0x10100] =	vst v63  }
0x825: {  	_ =	swait.ge [sflag:s9], $0x100  }
0x826: {  	[sflag:s9] =	ssyncset.done $0x0  }
0x827: {  	[sflag:s9] =	ssyncadd.s32 $0xFFFFFF00  }
0x828: {  	v3 =	vld [tilespmem:$0x0];
	_ =	sdelay $0x4  }
0x829: {  	v40 =	vshll.u32 v3, $0x1  }
0x82a: {  	v3 =	vand.u32 $0x7, v3;
	v4 =	vand.u32 $0xFFFFFFF0, v40  }
0x82b: {  	v3 =	vor.u32 v3, v4  }
0x82c: {  	v4 =	vperm.xlane v3, v0;
	_ =	sdelay $0x1  }
0x82d: {  	v3 =	vperm.xlane v3, v2;
	v4 =	vadd.s32 v1, v4;
	_ =	sdelay $0x1  }
0x82e: {  	v3 =	vadd.s32 v1, v3;
	_ =	sdelay $0x2  }
0x82f: {  	[tilespmem:s26], [sflag:$0x1] =	stream.indirect_vreg.gather [hbm4b:s5+s2], $0x80, v4, vm0, $0xb8;
	[tilespmem:$0x10100] =	vst v63  }
0x830: {  	s16 =	simm.s32 $0x900  }
0x831: {  	[tilespmem:s16], [sflag:$0x1] =	stream.indirect_vreg.gather [hbm4b:s5+s2], $0x80, v3, vm0, $0xb8;
	[tilespmem:$0x10100] =	vst v63  }
0x832: {  	v3 =	vld [tilespmem:$0x10];
	_ =	sdelay $0x4  }
0x833: {  	v41 =	vshll.u32 v3, $0x1  }
0x834: {  	v3 =	vand.u32 $0x7, v3;
	v4 =	vand.u32 $0xFFFFFFF0, v41  }
0x835: {  	v3 =	vor.u32 v3, v4  }
0x836: {  	v4 =	vperm.xlane v3, v0;
	_ =	sdelay $0x1  }
0x837: {  	v3 =	vperm.xlane v3, v2;
	v4 =	vadd.s32 v1, v4;
	_ =	sdelay $0x1  }
0x838: {  	v3 =	vadd.s32 v1, v3;
	_ =	sdelay $0x1  }
0x839: {  	s16 =	simm.s32 $0x1100  }
0x83a: {  	[tilespmem:s16], [sflag:$0x1] =	stream.indirect_vreg.gather [hbm4b:s5+s2], $0x80, v4, vm0, $0xb8;
	[tilespmem:$0x10100] =	vst v63  }
0x83b: {  	s18 =	simm.s32 $0x1900  }
0x83c: {  	[tilespmem:s18], [sflag:$0x1] =	stream.indirect_vreg.gather [hbm4b:s5+s2], $0x80, v3, vm0, $0xb8;
	[tilespmem:$0x10100] =	vst v63  }
0x83d: {  	v3 =	vld [tilespmem:$0x20];
	_ =	sdelay $0x4  }
0x83e: {  	v42 =	vshll.u32 v3, $0x1  }
0x83f: {  	v3 =	vand.u32 $0x7, v3;
	v4 =	vand.u32 $0xFFFFFFF0, v42  }
0x840: {  	v3 =	vor.u32 v3, v4  }
0x841: {  	v4 =	vperm.xlane v3, v0;
	_ =	sdelay $0x1  }
0x842: {  	v3 =	vperm.xlane v3, v2;
	v4 =	vadd.s32 v1, v4;
	_ =	sdelay $0x1  }
0x843: {  	v3 =	vadd.s32 v1, v3;
	_ =	sdelay $0x1  }
0x844: {  	s16 =	simm.s32 $0x2100  }
0x845: {  	[tilespmem:s16], [sflag:$0x1] =	stream.indirect_vreg.gather [hbm4b:s5+s2], $0x80, v4, vm0, $0xb8;
	[tilespmem:$0x10100] =	vst v63  }
0x846: {  	s24 =	simm.s32 $0x2900  }
0x847: {  	[tilespmem:s24], [sflag:$0x1] =	stream.indirect_vreg.gather [hbm4b:s5+s2], $0x80, v3, vm0, $0xb8;
	[tilespmem:$0x10100] =	vst v63  }
0x848: {  	v3 =	vld [tilespmem:$0x30];
	_ =	sdelay $0x4  }
0x849: {  	v43 =	vshll.u32 v3, $0x1  }
0x84a: {  	v3 =	vand.u32 $0x7, v3;
	v4 =	vand.u32 $0xFFFFFFF0, v43  }
0x84b: {  	v3 =	vor.u32 v3, v4  }
0x84c: {  	v4 =	vperm.xlane v3, v0;
	_ =	sdelay $0x1  }
0x84d: {  	v3 =	vperm.xlane v3, v2;
	v4 =	vadd.s32 v1, v4;
	_ =	sdelay $0x1  }
0x84e: {  	v3 =	vadd.s32 v1, v3;
	_ =	sdelay $0x1  }
0x84f: {  	s16 =	simm.s32 $0x3100  }
0x850: {  	[tilespmem:s16], [sflag:$0x1] =	stream.indirect_vreg.gather [hbm4b:s5+s2], $0x80, v4, vm0, $0xb8;
	[tilespmem:$0x10100] =	vst v63  }
0x851: {  	s16 =	simm.s32 $0x3900  }
0x852: {  	[tilespmem:s16], [sflag:$0x1] =	stream.indirect_vreg.gather [hbm4b:s5+s2], $0x80, v3, vm0, $0xb8;
	[tilespmem:$0x10100] =	vst v63  }
0x853: {  	v3 =	vld [tilespmem:$0x40];
	_ =	sdelay $0x4  }
0x854: {  	v44 =	vshll.u32 v3, $0x1  }
0x855: {  	v3 =	vand.u32 $0x7, v3;
	v4 =	vand.u32 $0xFFFFFFF0, v44  }
0x856: {  	v3 =	vor.u32 v3, v4  }
0x857: {  	v4 =	vperm.xlane v3, v0;
	_ =	sdelay $0x1  }
0x858: {  	v3 =	vperm.xlane v3, v2;
	v4 =	vadd.s32 v1, v4;
	_ =	sdelay $0x1  }
0x859: {  	v3 =	vadd.s32 v1, v3;
	_ =	sdelay $0x1  }
0x85a: {  	s21 =	simm.s32 $0x4100  }
0x85b: {  	[tilespmem:s21], [sflag:$0x1] =	stream.indirect_vreg.gather [hbm4b:s5+s2], $0x80, v4, vm0, $0xb8;
	[tilespmem:$0x10100] =	vst v63  }
0x85c: {  	s23 =	simm.s32 $0x4900  }
0x85d: {  	[tilespmem:s23], [sflag:$0x1] =	stream.indirect_vreg.gather [hbm4b:s5+s2], $0x80, v3, vm0, $0xb8;
	[tilespmem:$0x10100] =	vst v63  }
0x85e: {  	v3 =	vld [tilespmem:$0x50];
	_ =	sdelay $0x4  }
0x85f: {  	v45 =	vshll.u32 v3, $0x1  }
0x860: {  	v3 =	vand.u32 $0x7, v3;
	v4 =	vand.u32 $0xFFFFFFF0, v45  }
0x861: {  	v3 =	vor.u32 v3, v4  }
0x862: {  	v4 =	vperm.xlane v3, v0;
	_ =	sdelay $0x1  }
0x863: {  	v3 =	vperm.xlane v3, v2;
	v4 =	vadd.s32 v1, v4;
	_ =	sdelay $0x1  }
0x864: {  	v3 =	vadd.s32 v1, v3;
	_ =	sdelay $0x1  }
0x865: {  	s22 =	simm.s32 $0x5100  }
0x866: {  	[tilespmem:s22], [sflag:$0x1] =	stream.indirect_vreg.gather [hbm4b:s5+s2], $0x80, v4, vm0, $0xb8;
	[tilespmem:$0x10100] =	vst v63  }
0x867: {  	s7 =	simm.s32 $0x5900  }
0x868: {  	[tilespmem:s7], [sflag:$0x1] =	stream.indirect_vreg.gather [hbm4b:s5+s2], $0x80, v3, vm0, $0xb8;
	[tilespmem:$0x10100] =	vst v63  }
0x869: {  	v3 =	vld [tilespmem:$0x60];
	_ =	sdelay $0x4  }
0x86a: {  	v46 =	vshll.u32 v3, $0x1  }
0x86b: {  	v3 =	vand.u32 $0x7, v3;
	v4 =	vand.u32 $0xFFFFFFF0, v46  }
0x86c: {  	v3 =	vor.u32 v3, v4  }
0x86d: {  	v4 =	vperm.xlane v3, v0;
	_ =	sdelay $0x1  }
0x86e: {  	v3 =	vperm.xlane v3, v2;
	v4 =	vadd.s32 v1, v4;
	_ =	sdelay $0x1  }
0x86f: {  	v3 =	vadd.s32 v1, v3;
	_ =	sdelay $0x1  }
0x870: {  	s25 =	simm.s32 $0x6100  }
0x871: {  	[tilespmem:s25], [sflag:$0x1] =	stream.indirect_vreg.gather [hbm4b:s5+s2], $0x80, v4, vm0, $0xb8;
	[tilespmem:$0x10100] =	vst v63  }
0x872: {  	s3 =	simm.s32 $0x6900  }
0x873: {  	[tilespmem:s3], [sflag:$0x1] =	stream.indirect_vreg.gather [hbm4b:s5+s2], $0x80, v3, vm0, $0xb8;
	[tilespmem:$0x10100] =	vst v63  }
0x874: {  	v3 =	vld [tilespmem:$0x70];
	_ =	sdelay $0x4  }
0x875: {  	v47 =	vshll.u32 v3, $0x1  }
0x876: {  	v3 =	vand.u32 $0x7, v3;
	v4 =	vand.u32 $0xFFFFFFF0, v47  }
0x877: {  	v3 =	vor.u32 v3, v4  }
0x878: {  	v4 =	vperm.xlane v3, v0;
	_ =	sdelay $0x1  }
0x879: {  	v3 =	vperm.xlane v3, v2;
	v4 =	vadd.s32 v1, v4;
	_ =	sdelay $0x1  }
0x87a: {  	v3 =	vadd.s32 v1, v3;
	_ =	sdelay $0x1  }
0x87b: {  	s29 =	simm.s32 $0x7100  }
0x87c: {  	[tilespmem:s29], [sflag:$0x1] =	stream.indirect_vreg.gather [hbm4b:s5+s2], $0x80, v4, vm0, $0xb8;
	[tilespmem:$0x10100] =	vst v63  }
0x87d: {  	s16 =	simm.s32 $0x7900  }
0x87e: {  	[tilespmem:s16], [sflag:$0x1] =	stream.indirect_vreg.gather [hbm4b:s5+s2], $0x80, v3, vm0, $0xb8;
	[tilespmem:$0x10100] =	vst v63  }
0x87f: {  	v3 =	vld [tilespmem:$0x80];
	_ =	sdelay $0x4  }
0x880: {  	v48 =	vshll.u32 v3, $0x1  }
0x881: {  	v3 =	vand.u32 $0x7, v3;
	v4 =	vand.u32 $0xFFFFFFF0, v48  }
0x882: {  	v3 =	vor.u32 v3, v4  }
0x883: {  	v4 =	vperm.xlane v3, v0;
	_ =	sdelay $0x1  }
0x884: {  	v3 =	vperm.xlane v3, v2;
	v4 =	vadd.s32 v1, v4;
	_ =	sdelay $0x1  }
0x885: {  	v3 =	vadd.s32 v1, v3;
	_ =	sdelay $0x1  }
0x886: {  	s1 =	simm.s32 $0x8100  }
0x887: {  	[tilespmem:s1], [sflag:$0x1] =	stream.indirect_vreg.gather [hbm4b:s5+s2], $0x80, v4, vm0, $0xb8;
	[tilespmem:$0x10100] =	vst v63  }
0x888: {  	s4 =	simm.s32 $0x8900  }
0x889: {  	[tilespmem:s4], [sflag:$0x1] =	stream.indirect_vreg.gather [hbm4b:s5+s2], $0x80, v3, vm0, $0xb8;
	[tilespmem:$0x10100] =	vst v63  }
0x88a: {  	v3 =	vld [tilespmem:$0x90];
	_ =	sdelay $0x4  }
0x88b: {  	v49 =	vshll.u32 v3, $0x1  }
0x88c: {  	v3 =	vand.u32 $0x7, v3;
	v4 =	vand.u32 $0xFFFFFFF0, v49  }
0x88d: {  	v3 =	vor.u32 v3, v4  }
0x88e: {  	v4 =	vperm.xlane v3, v0;
	_ =	sdelay $0x1  }
0x88f: {  	v3 =	vperm.xlane v3, v2;
	v4 =	vadd.s32 v1, v4;
	_ =	sdelay $0x1  }
0x890: {  	v3 =	vadd.s32 v1, v3;
	_ =	sdelay $0x1  }
0x891: {  	s30 =	simm.s32 $0x9100  }
0x892: {  	[tilespmem:s30], [sflag:$0x1] =	stream.indirect_vreg.gather [hbm4b:s5+s2], $0x80, v4, vm0, $0xb8;
	[tilespmem:$0x10100] =	vst v63  }
0x893: {  	s6 =	simm.s32 $0x9900  }
0x894: {  	[tilespmem:s6], [sflag:$0x1] =	stream.indirect_vreg.gather [hbm4b:s5+s2], $0x80, v3, vm0, $0xb8;
	[tilespmem:$0x10100] =	vst v63  }
0x895: {  	v3 =	vld [tilespmem:$0xA0];
	_ =	sdelay $0x4  }
0x896: {  	v50 =	vshll.u32 v3, $0x1  }
0x897: {  	v3 =	vand.u32 $0x7, v3;
	v4 =	vand.u32 $0xFFFFFFF0, v50  }
0x898: {  	v3 =	vor.u32 v3, v4  }
0x899: {  	v4 =	vperm.xlane v3, v0;
	_ =	sdelay $0x1  }
0x89a: {  	v3 =	vperm.xlane v3, v2;
	v4 =	vadd.s32 v1, v4;
	_ =	sdelay $0x1  }
0x89b: {  	v3 =	vadd.s32 v1, v3;
	_ =	sdelay $0x1  }
0x89c: {  	s31 =	simm.s32 $0xA100  }
0x89d: {  	[tilespmem:s31], [sflag:$0x1] =	stream.indirect_vreg.gather [hbm4b:s5+s2], $0x80, v4, vm0, $0xb8;
	[tilespmem:$0x10100] =	vst v63  }
0x89e: {  	s8 =	simm.s32 $0xA900  }
0x89f: {  	[tilespmem:s8], [sflag:$0x1] =	stream.indirect_vreg.gather [hbm4b:s5+s2], $0x80, v3, vm0, $0xb8;
	[tilespmem:$0x10100] =	vst v63  }
0x8a0: {  	v3 =	vld [tilespmem:$0xB0];
	_ =	sdelay $0x4  }
0x8a1: {  	v51 =	vshll.u32 v3, $0x1  }
0x8a2: {  	v3 =	vand.u32 $0x7, v3;
	v4 =	vand.u32 $0xFFFFFFF0, v51  }
0x8a3: {  	v3 =	vor.u32 v3, v4  }
0x8a4: {  	v4 =	vperm.xlane v3, v0;
	_ =	sdelay $0x1  }
0x8a5: {  	v3 =	vperm.xlane v3, v2;
	v4 =	vadd.s32 v1, v4;
	_ =	sdelay $0x1  }
0x8a6: {  	v3 =	vadd.s32 v1, v3;
	_ =	sdelay $0x1  }
0x8a7: {  	s16 =	simm.s32 $0xB100  }
0x8a8: {  	[tilespmem:s16], [sflag:$0x1] =	stream.indirect_vreg.gather [hbm4b:s5+s2], $0x80, v4, vm0, $0xb8;
	[tilespmem:$0x10100] =	vst v63  }
0x8a9: {  	s16 =	simm.s32 $0xB900  }
0x8aa: {  	[tilespmem:s16], [sflag:$0x1] =	stream.indirect_vreg.gather [hbm4b:s5+s2], $0x80, v3, vm0, $0xb8;
	[tilespmem:$0x10100] =	vst v63  }
0x8ab: {  	v3 =	vld [tilespmem:$0xC0];
	_ =	sdelay $0x4  }
0x8ac: {  	v52 =	vshll.u32 v3, $0x1  }
0x8ad: {  	v3 =	vand.u32 $0x7, v3;
	v4 =	vand.u32 $0xFFFFFFF0, v52  }
0x8ae: {  	v3 =	vor.u32 v3, v4  }
0x8af: {  	v4 =	vperm.xlane v3, v0;
	_ =	sdelay $0x1  }
0x8b0: {  	v3 =	vperm.xlane v3, v2;
	v4 =	vadd.s32 v1, v4;
	_ =	sdelay $0x1  }
0x8b1: {  	v3 =	vadd.s32 v1, v3;
	_ =	sdelay $0x1  }
0x8b2: {  	s10 =	simm.s32 $0xC100  }
0x8b3: {  	[tilespmem:s10], [sflag:$0x1] =	stream.indirect_vreg.gather [hbm4b:s5+s2], $0x80, v4, vm0, $0xb8;
	[tilespmem:$0x10100] =	vst v63  }
0x8b4: {  	s28 =	simm.s32 $0xC900  }
0x8b5: {  	[tilespmem:s28], [sflag:$0x1] =	stream.indirect_vreg.gather [hbm4b:s5+s2], $0x80, v3, vm0, $0xb8;
	[tilespmem:$0x10100] =	vst v63  }
0x8b6: {  	v3 =	vld [tilespmem:$0xD0];
	_ =	sdelay $0x4  }
0x8b7: {  	v53 =	vshll.u32 v3, $0x1  }
0x8b8: {  	v3 =	vand.u32 $0x7, v3;
	v4 =	vand.u32 $0xFFFFFFF0, v53  }
0x8b9: {  	v3 =	vor.u32 v3, v4  }
0x8ba: {  	v4 =	vperm.xlane v3, v0;
	_ =	sdelay $0x1  }
0x8bb: {  	v3 =	vperm.xlane v3, v2;
	v4 =	vadd.s32 v1, v4;
	_ =	sdelay $0x1  }
0x8bc: {  	v3 =	vadd.s32 v1, v3;
	_ =	sdelay $0x1  }
0x8bd: {  	s11 =	simm.s32 $0xD100  }
0x8be: {  	[tilespmem:s11], [sflag:$0x1] =	stream.indirect_vreg.gather [hbm4b:s5+s2], $0x80, v4, vm0, $0xb8;
	[tilespmem:$0x10100] =	vst v63  }
0x8bf: {  	s19 =	simm.s32 $0xD900  }
0x8c0: {  	[tilespmem:s19], [sflag:$0x1] =	stream.indirect_vreg.gather [hbm4b:s5+s2], $0x80, v3, vm0, $0xb8;
	[tilespmem:$0x10100] =	vst v63  }
0x8c1: {  	v3 =	vld [tilespmem:$0xE0];
	_ =	sdelay $0x4  }
0x8c2: {  	v54 =	vshll.u32 v3, $0x1  }
0x8c3: {  	v3 =	vand.u32 $0x7, v3;
	v4 =	vand.u32 $0xFFFFFFF0, v54  }
0x8c4: {  	v3 =	vor.u32 v3, v4  }
0x8c5: {  	v4 =	vperm.xlane v3, v0;
	_ =	sdelay $0x1  }
0x8c6: {  	v3 =	vperm.xlane v3, v2;
	v4 =	vadd.s32 v1, v4;
	_ =	sdelay $0x1  }
0x8c7: {  	v3 =	vadd.s32 v1, v3;
	_ =	sdelay $0x1  }
0x8c8: {  	s12 =	simm.s32 $0xE100  }
0x8c9: {  	[tilespmem:s12], [sflag:$0x1] =	stream.indirect_vreg.gather [hbm4b:s5+s2], $0x80, v4, vm0, $0xb8;
	[tilespmem:$0x10100] =	vst v63  }
0x8ca: {  	s20 =	simm.s32 $0xE900  }
0x8cb: {  	[tilespmem:s20], [sflag:$0x1] =	stream.indirect_vreg.gather [hbm4b:s5+s2], $0x80, v3, vm0, $0xb8;
	[tilespmem:$0x10100] =	vst v63  }
0x8cc: {  	v3 =	vld [tilespmem:$0xF0];
	_ =	sdelay $0x4  }
0x8cd: {  	v55 =	vshll.u32 v3, $0x1  }
0x8ce: {  	v3 =	vand.u32 $0x7, v3;
	v4 =	vand.u32 $0xFFFFFFF0, v55  }
0x8cf: {  	v3 =	vor.u32 v3, v4  }
0x8d0: {  	v4 =	vperm.xlane v3, v0;
	_ =	sdelay $0x1  }
0x8d1: {  	v3 =	vperm.xlane v3, v2;
	v4 =	vadd.s32 v1, v4;
	_ =	sdelay $0x1  }
0x8d2: {  	v3 =	vadd.s32 v1, v3;
	_ =	sdelay $0x1  }
0x8d3: {  	s13 =	simm.s32 $0xF100  }
0x8d4: {  	[tilespmem:s13], [sflag:$0x1] =	stream.indirect_vreg.gather [hbm4b:s5+s2], $0x80, v4, vm0, $0xb8;
	[tilespmem:$0x10100] =	vst v63  }
0x8d5: {  	s14 =	simm.s32 $0xF900  }
0x8d6: {  	[tilespmem:s14], [sflag:$0x1] =	stream.indirect_vreg.gather [hbm4b:s5+s2], $0x80, v3, vm0, $0xb8;
	[tilespmem:$0x10100] =	vst v63  }
0x8d7: {  	_ =	swait.ge [sflag:s15], $0x10000  }
0x8d8: {  	[sflag:s15] =	ssyncset.done $0x0  }
0x8d9: {  	s0 =	rddreg [dreg:$0x17];
	[sflag:s15] =	ssyncadd.s32 $0xFFFF0000  }
0x8da: {  	[hbm4b:s0+s2] =	stream.linear.scatter [tilespmem:s26], [sflag:$0x2], $0x10000, $0x38;
	[tilespmem:$0x10100] =	vst v63  }
0x8db: {  	_ =	swait.ge [sflag:s9], $0x10000  }
0x8dc: {  	s17 =	simm.s32 $0x80;
	[sflag:s9] =	ssyncset.done $0x0  }
0x8dd: {  	s0 =	simm.s32 $0x400;
	s16 =	rddreg [dreg:$0x18];
	[sflag:s9] =	ssyncadd.s32 $0xFFFF0000  }
0x8de: {  	[tilespmem:s2], [sflag:$0x2] =	stream.strided.gather [hbm4b:s16+s17], $0x100, s0, s17, $0x38;
	[tilespmem:$0x10100] =	vst v63  }
0x8df: {  	_ =	swait.ge [sflag:s9], $0x100  }
0x8e0: {  	[sflag:s9] =	ssyncset.done $0x0  }
0x8e1: {  	[sflag:s9] =	ssyncadd.s32 $0xFFFFFF00  }
0x8e2: {  	v3 =	vld [tilespmem:$0x0];
	_ =	sdelay $0x4  }
0x8e3: {  	v56 =	vshll.u32 v3, $0x1  }
0x8e4: {  	v3 =	vand.u32 $0x7, v3;
	v4 =	vand.u32 $0xFFFFFFF0, v56  }
0x8e5: {  	v3 =	vor.u32 v3, v4  }
0x8e6: {  	v4 =	vperm.xlane v3, v0;
	_ =	sdelay $0x1  }
0x8e7: {  	v3 =	vperm.xlane v3, v2;
	v4 =	vadd.s32 v1, v4;
	_ =	sdelay $0x1  }
0x8e8: {  	v3 =	vadd.s32 v1, v3;
	_ =	sdelay $0x2  }
0x8e9: {  	[tilespmem:s26], [sflag:$0x1] =	stream.indirect_vreg.gather [hbm4b:s5+s2], $0x80, v4, vm0, $0xb8;
	[tilespmem:$0x10100] =	vst v63  }
0x8ea: {  	s16 =	simm.s32 $0x900  }
0x8eb: {  	[tilespmem:s16], [sflag:$0x1] =	stream.indirect_vreg.gather [hbm4b:s5+s2], $0x80, v3, vm0, $0xb8;
	[tilespmem:$0x10100] =	vst v63  }
0x8ec: {  	v3 =	vld [tilespmem:$0x10];
	_ =	sdelay $0x4  }
0x8ed: {  	v57 =	vshll.u32 v3, $0x1  }
0x8ee: {  	v3 =	vand.u32 $0x7, v3;
	v4 =	vand.u32 $0xFFFFFFF0, v57  }
0x8ef: {  	v3 =	vor.u32 v3, v4  }
0x8f0: {  	v4 =	vperm.xlane v3, v0;
	_ =	sdelay $0x1  }
0x8f1: {  	v3 =	vperm.xlane v3, v2;
	v4 =	vadd.s32 v1, v4;
	_ =	sdelay $0x1  }
0x8f2: {  	v3 =	vadd.s32 v1, v3;
	_ =	sdelay $0x1  }
0x8f3: {  	s16 =	simm.s32 $0x1100  }
0x8f4: {  	[tilespmem:s16], [sflag:$0x1] =	stream.indirect_vreg.gather [hbm4b:s5+s2], $0x80, v4, vm0, $0xb8;
	[tilespmem:$0x10100] =	vst v63  }
0x8f5: {  	s18 =	simm.s32 $0x1900  }
0x8f6: {  	[tilespmem:s18], [sflag:$0x1] =	stream.indirect_vreg.gather [hbm4b:s5+s2], $0x80, v3, vm0, $0xb8;
	[tilespmem:$0x10100] =	vst v63  }
0x8f7: {  	v3 =	vld [tilespmem:$0x20];
	_ =	sdelay $0x4  }
0x8f8: {  	v58 =	vshll.u32 v3, $0x1  }
0x8f9: {  	v3 =	vand.u32 $0x7, v3;
	v4 =	vand.u32 $0xFFFFFFF0, v58  }
0x8fa: {  	v3 =	vor.u32 v3, v4  }
0x8fb: {  	v4 =	vperm.xlane v3, v0;
	_ =	sdelay $0x1  }
0x8fc: {  	v3 =	vperm.xlane v3, v2;
	v4 =	vadd.s32 v1, v4;
	_ =	sdelay $0x1  }
0x8fd: {  	v3 =	vadd.s32 v1, v3;
	_ =	sdelay $0x1  }
0x8fe: {  	s16 =	simm.s32 $0x2100  }
0x8ff: {  	[tilespmem:s16], [sflag:$0x1] =	stream.indirect_vreg.gather [hbm4b:s5+s2], $0x80, v4, vm0, $0xb8;
	[tilespmem:$0x10100] =	vst v63  }
0x900: {  	s24 =	simm.s32 $0x2900  }
0x901: {  	[tilespmem:s24], [sflag:$0x1] =	stream.indirect_vreg.gather [hbm4b:s5+s2], $0x80, v3, vm0, $0xb8;
	[tilespmem:$0x10100] =	vst v63  }
0x902: {  	v3 =	vld [tilespmem:$0x30];
	_ =	sdelay $0x4  }
0x903: {  	v59 =	vshll.u32 v3, $0x1  }
0x904: {  	v3 =	vand.u32 $0x7, v3;
	v4 =	vand.u32 $0xFFFFFFF0, v59  }
0x905: {  	v3 =	vor.u32 v3, v4  }
0x906: {  	v4 =	vperm.xlane v3, v0;
	_ =	sdelay $0x1  }
0x907: {  	v3 =	vperm.xlane v3, v2;
	v4 =	vadd.s32 v1, v4;
	_ =	sdelay $0x1  }
0x908: {  	v3 =	vadd.s32 v1, v3;
	_ =	sdelay $0x1  }
0x909: {  	s16 =	simm.s32 $0x3100  }
0x90a: {  	[tilespmem:s16], [sflag:$0x1] =	stream.indirect_vreg.gather [hbm4b:s5+s2], $0x80, v4, vm0, $0xb8;
	[tilespmem:$0x10100] =	vst v63  }
0x90b: {  	s16 =	simm.s32 $0x3900  }
0x90c: {  	[tilespmem:s16], [sflag:$0x1] =	stream.indirect_vreg.gather [hbm4b:s5+s2], $0x80, v3, vm0, $0xb8;
	[tilespmem:$0x10100] =	vst v63  }
0x90d: {  	v3 =	vld [tilespmem:$0x40];
	_ =	sdelay $0x4  }
0x90e: {  	v60 =	vshll.u32 v3, $0x1  }
0x90f: {  	v3 =	vand.u32 $0x7, v3;
	v4 =	vand.u32 $0xFFFFFFF0, v60  }
0x910: {  	v3 =	vor.u32 v3, v4  }
0x911: {  	v4 =	vperm.xlane v3, v0;
	_ =	sdelay $0x1  }
0x912: {  	v3 =	vperm.xlane v3, v2;
	v4 =	vadd.s32 v1, v4;
	_ =	sdelay $0x1  }
0x913: {  	v3 =	vadd.s32 v1, v3;
	_ =	sdelay $0x1  }
0x914: {  	s21 =	simm.s32 $0x4100  }
0x915: {  	[tilespmem:s21], [sflag:$0x1] =	stream.indirect_vreg.gather [hbm4b:s5+s2], $0x80, v4, vm0, $0xb8;
	[tilespmem:$0x10100] =	vst v63  }
0x916: {  	s23 =	simm.s32 $0x4900  }
0x917: {  	[tilespmem:s23], [sflag:$0x1] =	stream.indirect_vreg.gather [hbm4b:s5+s2], $0x80, v3, vm0, $0xb8;
	[tilespmem:$0x10100] =	vst v63  }
0x918: {  	v3 =	vld [tilespmem:$0x50];
	_ =	sdelay $0x4  }
0x919: {  	v61 =	vshll.u32 v3, $0x1  }
0x91a: {  	v3 =	vand.u32 $0x7, v3;
	v4 =	vand.u32 $0xFFFFFFF0, v61  }
0x91b: {  	v3 =	vor.u32 v3, v4  }
0x91c: {  	v4 =	vperm.xlane v3, v0;
	_ =	sdelay $0x1  }
0x91d: {  	v3 =	vperm.xlane v3, v2;
	v4 =	vadd.s32 v1, v4;
	_ =	sdelay $0x1  }
0x91e: {  	v3 =	vadd.s32 v1, v3;
	_ =	sdelay $0x1  }
0x91f: {  	s22 =	simm.s32 $0x5100  }
0x920: {  	[tilespmem:s22], [sflag:$0x1] =	stream.indirect_vreg.gather [hbm4b:s5+s2], $0x80, v4, vm0, $0xb8;
	[tilespmem:$0x10100] =	vst v63  }
0x921: {  	s7 =	simm.s32 $0x5900  }
0x922: {  	[tilespmem:s7], [sflag:$0x1] =	stream.indirect_vreg.gather [hbm4b:s5+s2], $0x80, v3, vm0, $0xb8;
	[tilespmem:$0x10100] =	vst v63  }
0x923: {  	v3 =	vld [tilespmem:$0x60];
	_ =	sdelay $0x4  }
0x924: {  	v62 =	vshll.u32 v3, $0x1  }
0x925: {  	v3 =	vand.u32 $0x7, v3;
	v4 =	vand.u32 $0xFFFFFFF0, v62  }
0x926: {  	v3 =	vor.u32 v3, v4  }
0x927: {  	v4 =	vperm.xlane v3, v0;
	_ =	sdelay $0x1  }
0x928: {  	v3 =	vperm.xlane v3, v2;
	v4 =	vadd.s32 v1, v4;
	_ =	sdelay $0x1  }
0x929: {  	v3 =	vadd.s32 v1, v3;
	_ =	sdelay $0x1  }
0x92a: {  	s25 =	simm.s32 $0x6100  }
0x92b: {  	[tilespmem:s25], [sflag:$0x1] =	stream.indirect_vreg.gather [hbm4b:s5+s2], $0x80, v4, vm0, $0xb8;
	[tilespmem:$0x10100] =	vst v63  }
0x92c: {  	s3 =	simm.s32 $0x6900  }
0x92d: {  	[tilespmem:s3], [sflag:$0x1] =	stream.indirect_vreg.gather [hbm4b:s5+s2], $0x80, v3, vm0, $0xb8;
	[tilespmem:$0x10100] =	vst v63  }
0x92e: {  	v3 =	vld [tilespmem:$0x70];
	_ =	sdelay $0x4  }
0x92f: {  	v63 =	vshll.u32 v3, $0x1  }
0x930: {  	v3 =	vand.u32 $0x7, v3;
	v4 =	vand.u32 $0xFFFFFFF0, v63  }
0x931: {  	v3 =	vor.u32 v3, v4  }
0x932: {  	v4 =	vperm.xlane v3, v0;
	_ =	sdelay $0x1  }
0x933: {  	v3 =	vperm.xlane v3, v2;
	v4 =	vadd.s32 v1, v4;
	_ =	sdelay $0x1  }
0x934: {  	v3 =	vadd.s32 v1, v3;
	_ =	sdelay $0x1  }
0x935: {  	s29 =	simm.s32 $0x7100  }
0x936: {  	[tilespmem:s29], [sflag:$0x1] =	stream.indirect_vreg.gather [hbm4b:s5+s2], $0x80, v4, vm0, $0xb8;
	[tilespmem:$0x10100] =	vst v63  }
0x937: {  	s16 =	simm.s32 $0x7900  }
0x938: {  	[tilespmem:s16], [sflag:$0x1] =	stream.indirect_vreg.gather [hbm4b:s5+s2], $0x80, v3, vm0, $0xb8;
	[tilespmem:$0x10100] =	vst v63  }
0x939: {  	v3 =	vld [tilespmem:$0x80];
	_ =	sdelay $0x4  }
0x93a: {  	v8 =	vshll.u32 v3, $0x1  }
0x93b: {  	v3 =	vand.u32 $0x7, v3;
	v4 =	vand.u32 $0xFFFFFFF0, v8  }
0x93c: {  	v3 =	vor.u32 v3, v4  }
0x93d: {  	v4 =	vperm.xlane v3, v0;
	_ =	sdelay $0x1  }
0x93e: {  	v3 =	vperm.xlane v3, v2;
	v4 =	vadd.s32 v1, v4;
	_ =	sdelay $0x1  }
0x93f: {  	v3 =	vadd.s32 v1, v3;
	_ =	sdelay $0x1  }
0x940: {  	s1 =	simm.s32 $0x8100  }
0x941: {  	[tilespmem:s1], [sflag:$0x1] =	stream.indirect_vreg.gather [hbm4b:s5+s2], $0x80, v4, vm0, $0xb8;
	[tilespmem:$0x10100] =	vst v63  }
0x942: {  	s4 =	simm.s32 $0x8900  }
0x943: {  	[tilespmem:s4], [sflag:$0x1] =	stream.indirect_vreg.gather [hbm4b:s5+s2], $0x80, v3, vm0, $0xb8;
	[tilespmem:$0x10100] =	vst v63  }
0x944: {  	v3 =	vld [tilespmem:$0x90];
	_ =	sdelay $0x4  }
0x945: {  	v9 =	vshll.u32 v3, $0x1  }
0x946: {  	v3 =	vand.u32 $0x7, v3;
	v4 =	vand.u32 $0xFFFFFFF0, v9  }
0x947: {  	v3 =	vor.u32 v3, v4  }
0x948: {  	v4 =	vperm.xlane v3, v0;
	_ =	sdelay $0x1  }
0x949: {  	v3 =	vperm.xlane v3, v2;
	v4 =	vadd.s32 v1, v4;
	_ =	sdelay $0x1  }
0x94a: {  	v3 =	vadd.s32 v1, v3;
	_ =	sdelay $0x1  }
0x94b: {  	s30 =	simm.s32 $0x9100  }
0x94c: {  	[tilespmem:s30], [sflag:$0x1] =	stream.indirect_vreg.gather [hbm4b:s5+s2], $0x80, v4, vm0, $0xb8;
	[tilespmem:$0x10100] =	vst v63  }
0x94d: {  	s6 =	simm.s32 $0x9900  }
0x94e: {  	[tilespmem:s6], [sflag:$0x1] =	stream.indirect_vreg.gather [hbm4b:s5+s2], $0x80, v3, vm0, $0xb8;
	[tilespmem:$0x10100] =	vst v63  }
0x94f: {  	v3 =	vld [tilespmem:$0xA0];
	_ =	sdelay $0x4  }
0x950: {  	v10 =	vshll.u32 v3, $0x1  }
0x951: {  	v3 =	vand.u32 $0x7, v3;
	v4 =	vand.u32 $0xFFFFFFF0, v10  }
0x952: {  	v3 =	vor.u32 v3, v4  }
0x953: {  	v4 =	vperm.xlane v3, v0;
	_ =	sdelay $0x1  }
0x954: {  	v3 =	vperm.xlane v3, v2;
	v4 =	vadd.s32 v1, v4;
	_ =	sdelay $0x1  }
0x955: {  	v3 =	vadd.s32 v1, v3;
	_ =	sdelay $0x1  }
0x956: {  	s31 =	simm.s32 $0xA100  }
0x957: {  	[tilespmem:s31], [sflag:$0x1] =	stream.indirect_vreg.gather [hbm4b:s5+s2], $0x80, v4, vm0, $0xb8;
	[tilespmem:$0x10100] =	vst v63  }
0x958: {  	s8 =	simm.s32 $0xA900  }
0x959: {  	[tilespmem:s8], [sflag:$0x1] =	stream.indirect_vreg.gather [hbm4b:s5+s2], $0x80, v3, vm0, $0xb8;
	[tilespmem:$0x10100] =	vst v63  }
0x95a: {  	v3 =	vld [tilespmem:$0xB0];
	_ =	sdelay $0x4  }
0x95b: {  	v11 =	vshll.u32 v3, $0x1  }
0x95c: {  	v3 =	vand.u32 $0x7, v3;
	v4 =	vand.u32 $0xFFFFFFF0, v11  }
0x95d: {  	v3 =	vor.u32 v3, v4  }
0x95e: {  	v4 =	vperm.xlane v3, v0;
	_ =	sdelay $0x1  }
0x95f: {  	v3 =	vperm.xlane v3, v2;
	v4 =	vadd.s32 v1, v4;
	_ =	sdelay $0x1  }
0x960: {  	v3 =	vadd.s32 v1, v3;
	_ =	sdelay $0x1  }
0x961: {  	s16 =	simm.s32 $0xB100  }
0x962: {  	[tilespmem:s16], [sflag:$0x1] =	stream.indirect_vreg.gather [hbm4b:s5+s2], $0x80, v4, vm0, $0xb8;
	[tilespmem:$0x10100] =	vst v63  }
0x963: {  	s16 =	simm.s32 $0xB900  }
0x964: {  	[tilespmem:s16], [sflag:$0x1] =	stream.indirect_vreg.gather [hbm4b:s5+s2], $0x80, v3, vm0, $0xb8;
	[tilespmem:$0x10100] =	vst v63  }
0x965: {  	v3 =	vld [tilespmem:$0xC0];
	_ =	sdelay $0x4  }
0x966: {  	v12 =	vshll.u32 v3, $0x1  }
0x967: {  	v3 =	vand.u32 $0x7, v3;
	v4 =	vand.u32 $0xFFFFFFF0, v12  }
0x968: {  	v3 =	vor.u32 v3, v4  }
0x969: {  	v4 =	vperm.xlane v3, v0;
	_ =	sdelay $0x1  }
0x96a: {  	v3 =	vperm.xlane v3, v2;
	v4 =	vadd.s32 v1, v4;
	_ =	sdelay $0x1  }
0x96b: {  	v3 =	vadd.s32 v1, v3;
	_ =	sdelay $0x1  }
0x96c: {  	s10 =	simm.s32 $0xC100  }
0x96d: {  	[tilespmem:s10], [sflag:$0x1] =	stream.indirect_vreg.gather [hbm4b:s5+s2], $0x80, v4, vm0, $0xb8;
	[tilespmem:$0x10100] =	vst v63  }
0x96e: {  	s28 =	simm.s32 $0xC900  }
0x96f: {  	[tilespmem:s28], [sflag:$0x1] =	stream.indirect_vreg.gather [hbm4b:s5+s2], $0x80, v3, vm0, $0xb8;
	[tilespmem:$0x10100] =	vst v63  }
0x970: {  	v3 =	vld [tilespmem:$0xD0];
	_ =	sdelay $0x4  }
0x971: {  	v13 =	vshll.u32 v3, $0x1  }
0x972: {  	v3 =	vand.u32 $0x7, v3;
	v4 =	vand.u32 $0xFFFFFFF0, v13  }
0x973: {  	v3 =	vor.u32 v3, v4  }
0x974: {  	v4 =	vperm.xlane v3, v0;
	_ =	sdelay $0x1  }
0x975: {  	v3 =	vperm.xlane v3, v2;
	v4 =	vadd.s32 v1, v4;
	_ =	sdelay $0x1  }
0x976: {  	v3 =	vadd.s32 v1, v3;
	_ =	sdelay $0x1  }
0x977: {  	s11 =	simm.s32 $0xD100  }
0x978: {  	[tilespmem:s11], [sflag:$0x1] =	stream.indirect_vreg.gather [hbm4b:s5+s2], $0x80, v4, vm0, $0xb8;
	[tilespmem:$0x10100] =	vst v63  }
0x979: {  	s19 =	simm.s32 $0xD900  }
0x97a: {  	[tilespmem:s19], [sflag:$0x1] =	stream.indirect_vreg.gather [hbm4b:s5+s2], $0x80, v3, vm0, $0xb8;
	[tilespmem:$0x10100] =	vst v63  }
0x97b: {  	v3 =	vld [tilespmem:$0xE0];
	_ =	sdelay $0x4  }
0x97c: {  	v14 =	vshll.u32 v3, $0x1  }
0x97d: {  	v3 =	vand.u32 $0x7, v3;
	v4 =	vand.u32 $0xFFFFFFF0, v14  }
0x97e: {  	v3 =	vor.u32 v3, v4  }
0x97f: {  	v4 =	vperm.xlane v3, v0;
	_ =	sdelay $0x1  }
0x980: {  	v3 =	vperm.xlane v3, v2;
	v4 =	vadd.s32 v1, v4;
	_ =	sdelay $0x1  }
0x981: {  	v3 =	vadd.s32 v1, v3;
	_ =	sdelay $0x1  }
0x982: {  	s12 =	simm.s32 $0xE100  }
0x983: {  	[tilespmem:s12], [sflag:$0x1] =	stream.indirect_vreg.gather [hbm4b:s5+s2], $0x80, v4, vm0, $0xb8;
	[tilespmem:$0x10100] =	vst v63  }
0x984: {  	s20 =	simm.s32 $0xE900  }
0x985: {  	[tilespmem:s20], [sflag:$0x1] =	stream.indirect_vreg.gather [hbm4b:s5+s2], $0x80, v3, vm0, $0xb8;
	[tilespmem:$0x10100] =	vst v63  }
0x986: {  	v3 =	vld [tilespmem:$0xF0];
	_ =	sdelay $0x4  }
0x987: {  	v15 =	vshll.u32 v3, $0x1  }
0x988: {  	v3 =	vand.u32 $0x7, v3;
	v4 =	vand.u32 $0xFFFFFFF0, v15  }
0x989: {  	v3 =	vor.u32 v3, v4  }
0x98a: {  	v4 =	vperm.xlane v3, v0;
	_ =	sdelay $0x1  }
0x98b: {  	v3 =	vperm.xlane v3, v2;
	v4 =	vadd.s32 v1, v4;
	_ =	sdelay $0x1  }
0x98c: {  	v3 =	vadd.s32 v1, v3;
	_ =	sdelay $0x1  }
0x98d: {  	s13 =	simm.s32 $0xF100  }
0x98e: {  	[tilespmem:s13], [sflag:$0x1] =	stream.indirect_vreg.gather [hbm4b:s5+s2], $0x80, v4, vm0, $0xb8;
	[tilespmem:$0x10100] =	vst v63  }
0x98f: {  	s14 =	simm.s32 $0xF900  }
0x990: {  	[tilespmem:s14], [sflag:$0x1] =	stream.indirect_vreg.gather [hbm4b:s5+s2], $0x80, v3, vm0, $0xb8;
	[tilespmem:$0x10100] =	vst v63  }
0x991: {  	_ =	swait.ge [sflag:s15], $0x10000  }
0x992: {  	[sflag:s15] =	ssyncset.done $0x0  }
0x993: {  	s0 =	rddreg [dreg:$0x19];
	[sflag:s15] =	ssyncadd.s32 $0xFFFF0000  }
0x994: {  	[hbm4b:s0+s2] =	stream.linear.scatter [tilespmem:s26], [sflag:$0x2], $0x10000, $0x38;
	[tilespmem:$0x10100] =	vst v63  }
0x995: {  	_ =	swait.ge [sflag:s9], $0x10000  }
0x996: {  	s17 =	simm.s32 $0x400;
	[sflag:s9] =	ssyncset.done $0x0  }
0x997: {  	s0 =	simm.s32 $0x80;
	s16 =	rddreg [dreg:$0x1a];
	[sflag:s9] =	ssyncadd.s32 $0xFFFF0000  }
0x998: {  	[tilespmem:s2], [sflag:$0x2] =	stream.strided.gather [hbm4b:s16+s0], $0x100, s17, s0, $0x38;
	[tilespmem:$0x10100] =	vst v63  }
0x999: {  	_ =	swait.ge [sflag:s9], $0x100  }
0x99a: {  	[sflag:s9] =	ssyncset.done $0x0  }
0x99b: {  	[sflag:s9] =	ssyncadd.s32 $0xFFFFFF00  }
0x99c: {  	v3 =	vld [tilespmem:$0x0];
	_ =	sdelay $0x4  }
0x99d: {  	v16 =	vshll.u32 v3, $0x1  }
0x99e: {  	v3 =	vand.u32 $0x7, v3;
	v4 =	vand.u32 $0xFFFFFFF0, v16  }
0x99f: {  	v3 =	vor.u32 v3, v4  }
0x9a0: {  	v4 =	vperm.xlane v3, v0;
	_ =	sdelay $0x1  }
0x9a1: {  	v3 =	vperm.xlane v3, v2;
	v4 =	vadd.s32 v1, v4;
	_ =	sdelay $0x1  }
0x9a2: {  	v3 =	vadd.s32 v1, v3;
	_ =	sdelay $0x2  }
0x9a3: {  	[tilespmem:s26], [sflag:$0x1] =	stream.indirect_vreg.gather [hbm4b:s5+s2], $0x80, v4, vm0, $0xb8;
	[tilespmem:$0x10100] =	vst v63  }
0x9a4: {  	s16 =	simm.s32 $0x900  }
0x9a5: {  	[tilespmem:s16], [sflag:$0x1] =	stream.indirect_vreg.gather [hbm4b:s5+s2], $0x80, v3, vm0, $0xb8;
	[tilespmem:$0x10100] =	vst v63  }
0x9a6: {  	v3 =	vld [tilespmem:$0x10];
	_ =	sdelay $0x4  }
0x9a7: {  	v17 =	vshll.u32 v3, $0x1  }
0x9a8: {  	v3 =	vand.u32 $0x7, v3;
	v4 =	vand.u32 $0xFFFFFFF0, v17  }
0x9a9: {  	v3 =	vor.u32 v3, v4  }
0x9aa: {  	v4 =	vperm.xlane v3, v0;
	_ =	sdelay $0x1  }
0x9ab: {  	v3 =	vperm.xlane v3, v2;
	v4 =	vadd.s32 v1, v4;
	_ =	sdelay $0x1  }
0x9ac: {  	v3 =	vadd.s32 v1, v3;
	_ =	sdelay $0x1  }
0x9ad: {  	s16 =	simm.s32 $0x1100  }
0x9ae: {  	[tilespmem:s16], [sflag:$0x1] =	stream.indirect_vreg.gather [hbm4b:s5+s2], $0x80, v4, vm0, $0xb8;
	[tilespmem:$0x10100] =	vst v63  }
0x9af: {  	s18 =	simm.s32 $0x1900  }
0x9b0: {  	[tilespmem:s18], [sflag:$0x1] =	stream.indirect_vreg.gather [hbm4b:s5+s2], $0x80, v3, vm0, $0xb8;
	[tilespmem:$0x10100] =	vst v63  }
0x9b1: {  	v3 =	vld [tilespmem:$0x20];
	_ =	sdelay $0x4  }
0x9b2: {  	v18 =	vshll.u32 v3, $0x1  }
0x9b3: {  	v3 =	vand.u32 $0x7, v3;
	v4 =	vand.u32 $0xFFFFFFF0, v18  }
0x9b4: {  	v3 =	vor.u32 v3, v4  }
0x9b5: {  	v4 =	vperm.xlane v3, v0;
	_ =	sdelay $0x1  }
0x9b6: {  	v3 =	vperm.xlane v3, v2;
	v4 =	vadd.s32 v1, v4;
	_ =	sdelay $0x1  }
0x9b7: {  	v3 =	vadd.s32 v1, v3;
	_ =	sdelay $0x1  }
0x9b8: {  	s16 =	simm.s32 $0x2100  }
0x9b9: {  	[tilespmem:s16], [sflag:$0x1] =	stream.indirect_vreg.gather [hbm4b:s5+s2], $0x80, v4, vm0, $0xb8;
	[tilespmem:$0x10100] =	vst v63  }
0x9ba: {  	s24 =	simm.s32 $0x2900  }
0x9bb: {  	[tilespmem:s24], [sflag:$0x1] =	stream.indirect_vreg.gather [hbm4b:s5+s2], $0x80, v3, vm0, $0xb8;
	[tilespmem:$0x10100] =	vst v63  }
0x9bc: {  	v3 =	vld [tilespmem:$0x30];
	_ =	sdelay $0x4  }
0x9bd: {  	v19 =	vshll.u32 v3, $0x1  }
0x9be: {  	v3 =	vand.u32 $0x7, v3;
	v4 =	vand.u32 $0xFFFFFFF0, v19  }
0x9bf: {  	v3 =	vor.u32 v3, v4  }
0x9c0: {  	v4 =	vperm.xlane v3, v0;
	_ =	sdelay $0x1  }
0x9c1: {  	v3 =	vperm.xlane v3, v2;
	v4 =	vadd.s32 v1, v4;
	_ =	sdelay $0x1  }
0x9c2: {  	v3 =	vadd.s32 v1, v3;
	_ =	sdelay $0x1  }
0x9c3: {  	s16 =	simm.s32 $0x3100  }
0x9c4: {  	[tilespmem:s16], [sflag:$0x1] =	stream.indirect_vreg.gather [hbm4b:s5+s2], $0x80, v4, vm0, $0xb8;
	[tilespmem:$0x10100] =	vst v63  }
0x9c5: {  	s16 =	simm.s32 $0x3900  }
0x9c6: {  	[tilespmem:s16], [sflag:$0x1] =	stream.indirect_vreg.gather [hbm4b:s5+s2], $0x80, v3, vm0, $0xb8;
	[tilespmem:$0x10100] =	vst v63  }
0x9c7: {  	v3 =	vld [tilespmem:$0x40];
	_ =	sdelay $0x4  }
0x9c8: {  	v20 =	vshll.u32 v3, $0x1  }
0x9c9: {  	v3 =	vand.u32 $0x7, v3;
	v4 =	vand.u32 $0xFFFFFFF0, v20  }
0x9ca: {  	v3 =	vor.u32 v3, v4  }
0x9cb: {  	v4 =	vperm.xlane v3, v0;
	_ =	sdelay $0x1  }
0x9cc: {  	v3 =	vperm.xlane v3, v2;
	v4 =	vadd.s32 v1, v4;
	_ =	sdelay $0x1  }
0x9cd: {  	v3 =	vadd.s32 v1, v3;
	_ =	sdelay $0x1  }
0x9ce: {  	s21 =	simm.s32 $0x4100  }
0x9cf: {  	[tilespmem:s21], [sflag:$0x1] =	stream.indirect_vreg.gather [hbm4b:s5+s2], $0x80, v4, vm0, $0xb8;
	[tilespmem:$0x10100] =	vst v63  }
0x9d0: {  	s23 =	simm.s32 $0x4900  }
0x9d1: {  	[tilespmem:s23], [sflag:$0x1] =	stream.indirect_vreg.gather [hbm4b:s5+s2], $0x80, v3, vm0, $0xb8;
	[tilespmem:$0x10100] =	vst v63  }
0x9d2: {  	v3 =	vld [tilespmem:$0x50];
	_ =	sdelay $0x4  }
0x9d3: {  	v21 =	vshll.u32 v3, $0x1  }
0x9d4: {  	v3 =	vand.u32 $0x7, v3;
	v4 =	vand.u32 $0xFFFFFFF0, v21  }
0x9d5: {  	v3 =	vor.u32 v3, v4  }
0x9d6: {  	v4 =	vperm.xlane v3, v0;
	_ =	sdelay $0x1  }
0x9d7: {  	v3 =	vperm.xlane v3, v2;
	v4 =	vadd.s32 v1, v4;
	_ =	sdelay $0x1  }
0x9d8: {  	v3 =	vadd.s32 v1, v3;
	_ =	sdelay $0x1  }
0x9d9: {  	s22 =	simm.s32 $0x5100  }
0x9da: {  	[tilespmem:s22], [sflag:$0x1] =	stream.indirect_vreg.gather [hbm4b:s5+s2], $0x80, v4, vm0, $0xb8;
	[tilespmem:$0x10100] =	vst v63  }
0x9db: {  	s7 =	simm.s32 $0x5900  }
0x9dc: {  	[tilespmem:s7], [sflag:$0x1] =	stream.indirect_vreg.gather [hbm4b:s5+s2], $0x80, v3, vm0, $0xb8;
	[tilespmem:$0x10100] =	vst v63  }
0x9dd: {  	v3 =	vld [tilespmem:$0x60];
	_ =	sdelay $0x4  }
0x9de: {  	v22 =	vshll.u32 v3, $0x1  }
0x9df: {  	v3 =	vand.u32 $0x7, v3;
	v4 =	vand.u32 $0xFFFFFFF0, v22  }
0x9e0: {  	v3 =	vor.u32 v3, v4  }
0x9e1: {  	v4 =	vperm.xlane v3, v0;
	_ =	sdelay $0x1  }
0x9e2: {  	v3 =	vperm.xlane v3, v2;
	v4 =	vadd.s32 v1, v4;
	_ =	sdelay $0x1  }
0x9e3: {  	v3 =	vadd.s32 v1, v3;
	_ =	sdelay $0x1  }
0x9e4: {  	s25 =	simm.s32 $0x6100  }
0x9e5: {  	[tilespmem:s25], [sflag:$0x1] =	stream.indirect_vreg.gather [hbm4b:s5+s2], $0x80, v4, vm0, $0xb8;
	[tilespmem:$0x10100] =	vst v63  }
0x9e6: {  	s3 =	simm.s32 $0x6900  }
0x9e7: {  	[tilespmem:s3], [sflag:$0x1] =	stream.indirect_vreg.gather [hbm4b:s5+s2], $0x80, v3, vm0, $0xb8;
	[tilespmem:$0x10100] =	vst v63  }
0x9e8: {  	v3 =	vld [tilespmem:$0x70];
	_ =	sdelay $0x4  }
0x9e9: {  	v23 =	vshll.u32 v3, $0x1  }
0x9ea: {  	v3 =	vand.u32 $0x7, v3;
	v4 =	vand.u32 $0xFFFFFFF0, v23  }
0x9eb: {  	v3 =	vor.u32 v3, v4  }
0x9ec: {  	v4 =	vperm.xlane v3, v0;
	_ =	sdelay $0x1  }
0x9ed: {  	v3 =	vperm.xlane v3, v2;
	v4 =	vadd.s32 v1, v4;
	_ =	sdelay $0x1  }
0x9ee: {  	v3 =	vadd.s32 v1, v3;
	_ =	sdelay $0x1  }
0x9ef: {  	s29 =	simm.s32 $0x7100  }
0x9f0: {  	[tilespmem:s29], [sflag:$0x1] =	stream.indirect_vreg.gather [hbm4b:s5+s2], $0x80, v4, vm0, $0xb8;
	[tilespmem:$0x10100] =	vst v63  }
0x9f1: {  	s16 =	simm.s32 $0x7900  }
0x9f2: {  	[tilespmem:s16], [sflag:$0x1] =	stream.indirect_vreg.gather [hbm4b:s5+s2], $0x80, v3, vm0, $0xb8;
	[tilespmem:$0x10100] =	vst v63  }
0x9f3: {  	v3 =	vld [tilespmem:$0x80];
	_ =	sdelay $0x4  }
0x9f4: {  	v24 =	vshll.u32 v3, $0x1  }
0x9f5: {  	v3 =	vand.u32 $0x7, v3;
	v4 =	vand.u32 $0xFFFFFFF0, v24  }
0x9f6: {  	v3 =	vor.u32 v3, v4  }
0x9f7: {  	v4 =	vperm.xlane v3, v0;
	_ =	sdelay $0x1  }
0x9f8: {  	v3 =	vperm.xlane v3, v2;
	v4 =	vadd.s32 v1, v4;
	_ =	sdelay $0x1  }
0x9f9: {  	v3 =	vadd.s32 v1, v3;
	_ =	sdelay $0x1  }
0x9fa: {  	s1 =	simm.s32 $0x8100  }
0x9fb: {  	[tilespmem:s1], [sflag:$0x1] =	stream.indirect_vreg.gather [hbm4b:s5+s2], $0x80, v4, vm0, $0xb8;
	[tilespmem:$0x10100] =	vst v63  }
0x9fc: {  	s4 =	simm.s32 $0x8900  }
0x9fd: {  	[tilespmem:s4], [sflag:$0x1] =	stream.indirect_vreg.gather [hbm4b:s5+s2], $0x80, v3, vm0, $0xb8;
	[tilespmem:$0x10100] =	vst v63  }
0x9fe: {  	v3 =	vld [tilespmem:$0x90];
	_ =	sdelay $0x4  }
0x9ff: {  	v25 =	vshll.u32 v3, $0x1  }
0xa00: {  	v3 =	vand.u32 $0x7, v3;
	v4 =	vand.u32 $0xFFFFFFF0, v25  }
0xa01: {  	v3 =	vor.u32 v3, v4  }
0xa02: {  	v4 =	vperm.xlane v3, v0;
	_ =	sdelay $0x1  }
0xa03: {  	v3 =	vperm.xlane v3, v2;
	v4 =	vadd.s32 v1, v4;
	_ =	sdelay $0x1  }
0xa04: {  	v3 =	vadd.s32 v1, v3;
	_ =	sdelay $0x1  }
0xa05: {  	s30 =	simm.s32 $0x9100  }
0xa06: {  	[tilespmem:s30], [sflag:$0x1] =	stream.indirect_vreg.gather [hbm4b:s5+s2], $0x80, v4, vm0, $0xb8;
	[tilespmem:$0x10100] =	vst v63  }
0xa07: {  	s6 =	simm.s32 $0x9900  }
0xa08: {  	[tilespmem:s6], [sflag:$0x1] =	stream.indirect_vreg.gather [hbm4b:s5+s2], $0x80, v3, vm0, $0xb8;
	[tilespmem:$0x10100] =	vst v63  }
0xa09: {  	v3 =	vld [tilespmem:$0xA0];
	_ =	sdelay $0x4  }
0xa0a: {  	v26 =	vshll.u32 v3, $0x1  }
0xa0b: {  	v3 =	vand.u32 $0x7, v3;
	v4 =	vand.u32 $0xFFFFFFF0, v26  }
0xa0c: {  	v3 =	vor.u32 v3, v4  }
0xa0d: {  	v4 =	vperm.xlane v3, v0;
	_ =	sdelay $0x1  }
0xa0e: {  	v3 =	vperm.xlane v3, v2;
	v4 =	vadd.s32 v1, v4;
	_ =	sdelay $0x1  }
0xa0f: {  	v3 =	vadd.s32 v1, v3;
	_ =	sdelay $0x1  }
0xa10: {  	s31 =	simm.s32 $0xA100  }
0xa11: {  	[tilespmem:s31], [sflag:$0x1] =	stream.indirect_vreg.gather [hbm4b:s5+s2], $0x80, v4, vm0, $0xb8;
	[tilespmem:$0x10100] =	vst v63  }
0xa12: {  	s8 =	simm.s32 $0xA900  }
0xa13: {  	[tilespmem:s8], [sflag:$0x1] =	stream.indirect_vreg.gather [hbm4b:s5+s2], $0x80, v3, vm0, $0xb8;
	[tilespmem:$0x10100] =	vst v63  }
0xa14: {  	v3 =	vld [tilespmem:$0xB0];
	_ =	sdelay $0x4  }
0xa15: {  	v27 =	vshll.u32 v3, $0x1  }
0xa16: {  	v3 =	vand.u32 $0x7, v3;
	v4 =	vand.u32 $0xFFFFFFF0, v27  }
0xa17: {  	v3 =	vor.u32 v3, v4  }
0xa18: {  	v4 =	vperm.xlane v3, v0;
	_ =	sdelay $0x1  }
0xa19: {  	v3 =	vperm.xlane v3, v2;
	v4 =	vadd.s32 v1, v4;
	_ =	sdelay $0x1  }
0xa1a: {  	v3 =	vadd.s32 v1, v3;
	_ =	sdelay $0x1  }
0xa1b: {  	s16 =	simm.s32 $0xB100  }
0xa1c: {  	[tilespmem:s16], [sflag:$0x1] =	stream.indirect_vreg.gather [hbm4b:s5+s2], $0x80, v4, vm0, $0xb8;
	[tilespmem:$0x10100] =	vst v63  }
0xa1d: {  	s16 =	simm.s32 $0xB900  }
0xa1e: {  	[tilespmem:s16], [sflag:$0x1] =	stream.indirect_vreg.gather [hbm4b:s5+s2], $0x80, v3, vm0, $0xb8;
	[tilespmem:$0x10100] =	vst v63  }
0xa1f: {  	v3 =	vld [tilespmem:$0xC0];
	_ =	sdelay $0x4  }
0xa20: {  	v28 =	vshll.u32 v3, $0x1  }
0xa21: {  	v3 =	vand.u32 $0x7, v3;
	v4 =	vand.u32 $0xFFFFFFF0, v28  }
0xa22: {  	v3 =	vor.u32 v3, v4  }
0xa23: {  	v4 =	vperm.xlane v3, v0;
	_ =	sdelay $0x1  }
0xa24: {  	v3 =	vperm.xlane v3, v2;
	v4 =	vadd.s32 v1, v4;
	_ =	sdelay $0x1  }
0xa25: {  	v3 =	vadd.s32 v1, v3;
	_ =	sdelay $0x1  }
0xa26: {  	s10 =	simm.s32 $0xC100  }
0xa27: {  	[tilespmem:s10], [sflag:$0x1] =	stream.indirect_vreg.gather [hbm4b:s5+s2], $0x80, v4, vm0, $0xb8;
	[tilespmem:$0x10100] =	vst v63  }
0xa28: {  	s28 =	simm.s32 $0xC900  }
0xa29: {  	[tilespmem:s28], [sflag:$0x1] =	stream.indirect_vreg.gather [hbm4b:s5+s2], $0x80, v3, vm0, $0xb8;
	[tilespmem:$0x10100] =	vst v63  }
0xa2a: {  	v3 =	vld [tilespmem:$0xD0];
	_ =	sdelay $0x4  }
0xa2b: {  	v29 =	vshll.u32 v3, $0x1  }
0xa2c: {  	v3 =	vand.u32 $0x7, v3;
	v4 =	vand.u32 $0xFFFFFFF0, v29  }
0xa2d: {  	v3 =	vor.u32 v3, v4  }
0xa2e: {  	v4 =	vperm.xlane v3, v0;
	_ =	sdelay $0x1  }
0xa2f: {  	v3 =	vperm.xlane v3, v2;
	v4 =	vadd.s32 v1, v4;
	_ =	sdelay $0x1  }
0xa30: {  	v3 =	vadd.s32 v1, v3;
	_ =	sdelay $0x1  }
0xa31: {  	s11 =	simm.s32 $0xD100  }
0xa32: {  	[tilespmem:s11], [sflag:$0x1] =	stream.indirect_vreg.gather [hbm4b:s5+s2], $0x80, v4, vm0, $0xb8;
	[tilespmem:$0x10100] =	vst v63  }
0xa33: {  	s19 =	simm.s32 $0xD900  }
0xa34: {  	[tilespmem:s19], [sflag:$0x1] =	stream.indirect_vreg.gather [hbm4b:s5+s2], $0x80, v3, vm0, $0xb8;
	[tilespmem:$0x10100] =	vst v63  }
0xa35: {  	v3 =	vld [tilespmem:$0xE0];
	_ =	sdelay $0x4  }
0xa36: {  	v30 =	vshll.u32 v3, $0x1  }
0xa37: {  	v3 =	vand.u32 $0x7, v3;
	v4 =	vand.u32 $0xFFFFFFF0, v30  }
0xa38: {  	v3 =	vor.u32 v3, v4  }
0xa39: {  	v4 =	vperm.xlane v3, v0;
	_ =	sdelay $0x1  }
0xa3a: {  	v3 =	vperm.xlane v3, v2;
	v4 =	vadd.s32 v1, v4;
	_ =	sdelay $0x1  }
0xa3b: {  	v3 =	vadd.s32 v1, v3;
	_ =	sdelay $0x1  }
0xa3c: {  	s12 =	simm.s32 $0xE100  }
0xa3d: {  	[tilespmem:s12], [sflag:$0x1] =	stream.indirect_vreg.gather [hbm4b:s5+s2], $0x80, v4, vm0, $0xb8;
	[tilespmem:$0x10100] =	vst v63  }
0xa3e: {  	s20 =	simm.s32 $0xE900  }
0xa3f: {  	[tilespmem:s20], [sflag:$0x1] =	stream.indirect_vreg.gather [hbm4b:s5+s2], $0x80, v3, vm0, $0xb8;
	[tilespmem:$0x10100] =	vst v63  }
0xa40: {  	v3 =	vld [tilespmem:$0xF0];
	_ =	sdelay $0x4  }
0xa41: {  	v31 =	vshll.u32 v3, $0x1  }
0xa42: {  	v3 =	vand.u32 $0x7, v3;
	v4 =	vand.u32 $0xFFFFFFF0, v31  }
0xa43: {  	v3 =	vor.u32 v3, v4  }
0xa44: {  	v4 =	vperm.xlane v3, v0;
	_ =	sdelay $0x1  }
0xa45: {  	v3 =	vperm.xlane v3, v2;
	v4 =	vadd.s32 v1, v4;
	_ =	sdelay $0x1  }
0xa46: {  	v3 =	vadd.s32 v1, v3;
	_ =	sdelay $0x1  }
0xa47: {  	s13 =	simm.s32 $0xF100  }
0xa48: {  	[tilespmem:s13], [sflag:$0x1] =	stream.indirect_vreg.gather [hbm4b:s5+s2], $0x80, v4, vm0, $0xb8;
	[tilespmem:$0x10100] =	vst v63  }
0xa49: {  	s14 =	simm.s32 $0xF900  }
0xa4a: {  	[tilespmem:s14], [sflag:$0x1] =	stream.indirect_vreg.gather [hbm4b:s5+s2], $0x80, v3, vm0, $0xb8;
	[tilespmem:$0x10100] =	vst v63  }
0xa4b: {  	_ =	swait.ge [sflag:s15], $0x10000  }
0xa4c: {  	[sflag:s15] =	ssyncset.done $0x0  }
0xa4d: {  	s20 =	rddreg [dreg:$0x1b];
	[sflag:s15] =	ssyncadd.s32 $0xFFFF0000  }
0xa4e: {  	[hbm4b:s20+s2] =	stream.linear.scatter [tilespmem:s26], [sflag:$0x2], $0x10000, $0x38;
	[tilespmem:$0x10100] =	vst v63  }
0xa4f: {  	_ =	swait.ge [sflag:s9], $0x10000  }
0xa50: {  	s17 =	simm.s32 $0x80;
	[sflag:s9] =	ssyncset.done $0x0  }
0xa51: {  	s20 =	simm.s32 $0x400;
	s14 =	rddreg [dreg:$0x1c];
	[sflag:s9] =	ssyncadd.s32 $0xFFFF0000  }
0xa52: {  	[tilespmem:s2], [sflag:$0x2] =	stream.strided.gather [hbm4b:s14+s17], $0x100, s20, s17, $0x38;
	[tilespmem:$0x10100] =	vst v63  }
0xa53: {  	_ =	swait.ge [sflag:s9], $0x100  }
0xa54: {  	[sflag:s9] =	ssyncset.done $0x0  }
0xa55: {  	[sflag:s9] =	ssyncadd.s32 $0xFFFFFF00  }
0xa56: {  	v3 =	vld [tilespmem:$0x0];
	_ =	sdelay $0x4  }
0xa57: {  	v32 =	vshll.u32 v3, $0x1  }
0xa58: {  	v3 =	vand.u32 $0x7, v3;
	v4 =	vand.u32 $0xFFFFFFF0, v32  }
0xa59: {  	v3 =	vor.u32 v3, v4  }
0xa5a: {  	v4 =	vperm.xlane v3, v0;
	_ =	sdelay $0x1  }
0xa5b: {  	v3 =	vperm.xlane v3, v2;
	v4 =	vadd.s32 v1, v4;
	_ =	sdelay $0x1  }
0xa5c: {  	v3 =	vadd.s32 v1, v3;
	_ =	sdelay $0x2  }
0xa5d: {  	[tilespmem:s26], [sflag:$0x1] =	stream.indirect_vreg.gather [hbm4b:s5+s2], $0x80, v4, vm0, $0xb8;
	[tilespmem:$0x10100] =	vst v63  }
0xa5e: {  	s20 =	simm.s32 $0x900  }
0xa5f: {  	[tilespmem:s20], [sflag:$0x1] =	stream.indirect_vreg.gather [hbm4b:s5+s2], $0x80, v3, vm0, $0xb8;
	[tilespmem:$0x10100] =	vst v63  }
0xa60: {  	v3 =	vld [tilespmem:$0x10];
	_ =	sdelay $0x4  }
0xa61: {  	v33 =	vshll.u32 v3, $0x1  }
0xa62: {  	v3 =	vand.u32 $0x7, v3;
	v4 =	vand.u32 $0xFFFFFFF0, v33  }
0xa63: {  	v3 =	vor.u32 v3, v4  }
0xa64: {  	v4 =	vperm.xlane v3, v0;
	_ =	sdelay $0x1  }
0xa65: {  	v3 =	vperm.xlane v3, v2;
	v4 =	vadd.s32 v1, v4;
	_ =	sdelay $0x1  }
0xa66: {  	v3 =	vadd.s32 v1, v3;
	_ =	sdelay $0x1  }
0xa67: {  	s17 =	simm.s32 $0x1100  }
0xa68: {  	[tilespmem:s17], [sflag:$0x1] =	stream.indirect_vreg.gather [hbm4b:s5+s2], $0x80, v4, vm0, $0xb8;
	[tilespmem:$0x10100] =	vst v63  }
0xa69: {  	s18 =	simm.s32 $0x1900  }
0xa6a: {  	[tilespmem:s18], [sflag:$0x1] =	stream.indirect_vreg.gather [hbm4b:s5+s2], $0x80, v3, vm0, $0xb8;
	[tilespmem:$0x10100] =	vst v63  }
0xa6b: {  	v3 =	vld [tilespmem:$0x20];
	_ =	sdelay $0x4  }
0xa6c: {  	v34 =	vshll.u32 v3, $0x1  }
0xa6d: {  	v3 =	vand.u32 $0x7, v3;
	v4 =	vand.u32 $0xFFFFFFF0, v34  }
0xa6e: {  	v3 =	vor.u32 v3, v4  }
0xa6f: {  	v4 =	vperm.xlane v3, v0;
	_ =	sdelay $0x1  }
0xa70: {  	v3 =	vperm.xlane v3, v2;
	v4 =	vadd.s32 v1, v4;
	_ =	sdelay $0x1  }
0xa71: {  	v3 =	vadd.s32 v1, v3;
	_ =	sdelay $0x1  }
0xa72: {  	s18 =	simm.s32 $0x2100  }
0xa73: {  	[tilespmem:s18], [sflag:$0x1] =	stream.indirect_vreg.gather [hbm4b:s5+s2], $0x80, v4, vm0, $0xb8;
	[tilespmem:$0x10100] =	vst v63  }
0xa74: {  	s24 =	simm.s32 $0x2900  }
0xa75: {  	[tilespmem:s24], [sflag:$0x1] =	stream.indirect_vreg.gather [hbm4b:s5+s2], $0x80, v3, vm0, $0xb8;
	[tilespmem:$0x10100] =	vst v63  }
0xa76: {  	v3 =	vld [tilespmem:$0x30];
	_ =	sdelay $0x4  }
0xa77: {  	v35 =	vshll.u32 v3, $0x1  }
0xa78: {  	v3 =	vand.u32 $0x7, v3;
	v4 =	vand.u32 $0xFFFFFFF0, v35  }
0xa79: {  	v3 =	vor.u32 v3, v4  }
0xa7a: {  	v4 =	vperm.xlane v3, v0;
	_ =	sdelay $0x1  }
0xa7b: {  	v3 =	vperm.xlane v3, v2;
	v4 =	vadd.s32 v1, v4;
	_ =	sdelay $0x1  }
0xa7c: {  	v3 =	vadd.s32 v1, v3;
	_ =	sdelay $0x1  }
0xa7d: {  	s17 =	simm.s32 $0x3100  }
0xa7e: {  	[tilespmem:s17], [sflag:$0x1] =	stream.indirect_vreg.gather [hbm4b:s5+s2], $0x80, v4, vm0, $0xb8;
	[tilespmem:$0x10100] =	vst v63  }
0xa7f: {  	s18 =	simm.s32 $0x3900  }
0xa80: {  	[tilespmem:s18], [sflag:$0x1] =	stream.indirect_vreg.gather [hbm4b:s5+s2], $0x80, v3, vm0, $0xb8;
	[tilespmem:$0x10100] =	vst v63  }
0xa81: {  	v3 =	vld [tilespmem:$0x40];
	_ =	sdelay $0x4  }
0xa82: {  	v36 =	vshll.u32 v3, $0x1  }
0xa83: {  	v3 =	vand.u32 $0x7, v3;
	v4 =	vand.u32 $0xFFFFFFF0, v36  }
0xa84: {  	v3 =	vor.u32 v3, v4  }
0xa85: {  	v4 =	vperm.xlane v3, v0;
	_ =	sdelay $0x1  }
0xa86: {  	v3 =	vperm.xlane v3, v2;
	v4 =	vadd.s32 v1, v4;
	_ =	sdelay $0x1  }
0xa87: {  	v3 =	vadd.s32 v1, v3;
	_ =	sdelay $0x1  }
0xa88: {  	s21 =	simm.s32 $0x4100  }
0xa89: {  	[tilespmem:s21], [sflag:$0x1] =	stream.indirect_vreg.gather [hbm4b:s5+s2], $0x80, v4, vm0, $0xb8;
	[tilespmem:$0x10100] =	vst v63  }
0xa8a: {  	s23 =	simm.s32 $0x4900  }
0xa8b: {  	[tilespmem:s23], [sflag:$0x1] =	stream.indirect_vreg.gather [hbm4b:s5+s2], $0x80, v3, vm0, $0xb8;
	[tilespmem:$0x10100] =	vst v63  }
0xa8c: {  	v3 =	vld [tilespmem:$0x50];
	_ =	sdelay $0x4  }
0xa8d: {  	v37 =	vshll.u32 v3, $0x1  }
0xa8e: {  	v3 =	vand.u32 $0x7, v3;
	v4 =	vand.u32 $0xFFFFFFF0, v37  }
0xa8f: {  	v3 =	vor.u32 v3, v4  }
0xa90: {  	v4 =	vperm.xlane v3, v0;
	_ =	sdelay $0x1  }
0xa91: {  	v3 =	vperm.xlane v3, v2;
	v4 =	vadd.s32 v1, v4;
	_ =	sdelay $0x1  }
0xa92: {  	v3 =	vadd.s32 v1, v3;
	_ =	sdelay $0x1  }
0xa93: {  	s22 =	simm.s32 $0x5100  }
0xa94: {  	[tilespmem:s22], [sflag:$0x1] =	stream.indirect_vreg.gather [hbm4b:s5+s2], $0x80, v4, vm0, $0xb8;
	[tilespmem:$0x10100] =	vst v63  }
0xa95: {  	s7 =	simm.s32 $0x5900  }
0xa96: {  	[tilespmem:s7], [sflag:$0x1] =	stream.indirect_vreg.gather [hbm4b:s5+s2], $0x80, v3, vm0, $0xb8;
	[tilespmem:$0x10100] =	vst v63  }
0xa97: {  	v3 =	vld [tilespmem:$0x60];
	_ =	sdelay $0x4  }
0xa98: {  	v38 =	vshll.u32 v3, $0x1  }
0xa99: {  	v3 =	vand.u32 $0x7, v3;
	v4 =	vand.u32 $0xFFFFFFF0, v38  }
0xa9a: {  	v3 =	vor.u32 v3, v4  }
0xa9b: {  	v4 =	vperm.xlane v3, v0;
	_ =	sdelay $0x1  }
0xa9c: {  	v3 =	vperm.xlane v3, v2;
	v4 =	vadd.s32 v1, v4;
	_ =	sdelay $0x1  }
0xa9d: {  	v3 =	vadd.s32 v1, v3;
	_ =	sdelay $0x1  }
0xa9e: {  	s25 =	simm.s32 $0x6100  }
0xa9f: {  	[tilespmem:s25], [sflag:$0x1] =	stream.indirect_vreg.gather [hbm4b:s5+s2], $0x80, v4, vm0, $0xb8;
	[tilespmem:$0x10100] =	vst v63  }
0xaa0: {  	s3 =	simm.s32 $0x6900  }
0xaa1: {  	[tilespmem:s3], [sflag:$0x1] =	stream.indirect_vreg.gather [hbm4b:s5+s2], $0x80, v3, vm0, $0xb8;
	[tilespmem:$0x10100] =	vst v63  }
0xaa2: {  	v3 =	vld [tilespmem:$0x70];
	_ =	sdelay $0x4  }
0xaa3: {  	v39 =	vshll.u32 v3, $0x1  }
0xaa4: {  	v3 =	vand.u32 $0x7, v3;
	v4 =	vand.u32 $0xFFFFFFF0, v39  }
0xaa5: {  	v3 =	vor.u32 v3, v4  }
0xaa6: {  	v4 =	vperm.xlane v3, v0;
	_ =	sdelay $0x1  }
0xaa7: {  	v3 =	vperm.xlane v3, v2;
	v4 =	vadd.s32 v1, v4;
	_ =	sdelay $0x1  }
0xaa8: {  	v3 =	vadd.s32 v1, v3;
	_ =	sdelay $0x1  }
0xaa9: {  	s29 =	simm.s32 $0x7100  }
0xaaa: {  	[tilespmem:s29], [sflag:$0x1] =	stream.indirect_vreg.gather [hbm4b:s5+s2], $0x80, v4, vm0, $0xb8;
	[tilespmem:$0x10100] =	vst v63  }
0xaab: {  	s0 =	simm.s32 $0x7900  }
0xaac: {  	[tilespmem:s0], [sflag:$0x1] =	stream.indirect_vreg.gather [hbm4b:s5+s2], $0x80, v3, vm0, $0xb8;
	[tilespmem:$0x10100] =	vst v63  }
0xaad: {  	v3 =	vld [tilespmem:$0x80];
	_ =	sdelay $0x4  }
0xaae: {  	v40 =	vshll.u32 v3, $0x1  }
0xaaf: {  	v3 =	vand.u32 $0x7, v3;
	v4 =	vand.u32 $0xFFFFFFF0, v40  }
0xab0: {  	v3 =	vor.u32 v3, v4  }
0xab1: {  	v4 =	vperm.xlane v3, v0;
	_ =	sdelay $0x1  }
0xab2: {  	v3 =	vperm.xlane v3, v2;
	v4 =	vadd.s32 v1, v4;
	_ =	sdelay $0x1  }
0xab3: {  	v3 =	vadd.s32 v1, v3;
	_ =	sdelay $0x1  }
0xab4: {  	s1 =	simm.s32 $0x8100  }
0xab5: {  	[tilespmem:s1], [sflag:$0x1] =	stream.indirect_vreg.gather [hbm4b:s5+s2], $0x80, v4, vm0, $0xb8;
	[tilespmem:$0x10100] =	vst v63  }
0xab6: {  	s4 =	simm.s32 $0x8900  }
0xab7: {  	[tilespmem:s4], [sflag:$0x1] =	stream.indirect_vreg.gather [hbm4b:s5+s2], $0x80, v3, vm0, $0xb8;
	[tilespmem:$0x10100] =	vst v63  }
0xab8: {  	v3 =	vld [tilespmem:$0x90];
	_ =	sdelay $0x4  }
0xab9: {  	v41 =	vshll.u32 v3, $0x1  }
0xaba: {  	v3 =	vand.u32 $0x7, v3;
	v4 =	vand.u32 $0xFFFFFFF0, v41  }
0xabb: {  	v3 =	vor.u32 v3, v4  }
0xabc: {  	v4 =	vperm.xlane v3, v0;
	_ =	sdelay $0x1  }
0xabd: {  	v3 =	vperm.xlane v3, v2;
	v4 =	vadd.s32 v1, v4;
	_ =	sdelay $0x1  }
0xabe: {  	v3 =	vadd.s32 v1, v3;
	_ =	sdelay $0x1  }
0xabf: {  	s30 =	simm.s32 $0x9100  }
0xac0: {  	[tilespmem:s30], [sflag:$0x1] =	stream.indirect_vreg.gather [hbm4b:s5+s2], $0x80, v4, vm0, $0xb8;
	[tilespmem:$0x10100] =	vst v63  }
0xac1: {  	s6 =	simm.s32 $0x9900  }
0xac2: {  	[tilespmem:s6], [sflag:$0x1] =	stream.indirect_vreg.gather [hbm4b:s5+s2], $0x80, v3, vm0, $0xb8;
	[tilespmem:$0x10100] =	vst v63  }
0xac3: {  	v3 =	vld [tilespmem:$0xA0];
	_ =	sdelay $0x4  }
0xac4: {  	v42 =	vshll.u32 v3, $0x1  }
0xac5: {  	v3 =	vand.u32 $0x7, v3;
	v4 =	vand.u32 $0xFFFFFFF0, v42  }
0xac6: {  	v3 =	vor.u32 v3, v4  }
0xac7: {  	v4 =	vperm.xlane v3, v0;
	_ =	sdelay $0x1  }
0xac8: {  	v3 =	vperm.xlane v3, v2;
	v4 =	vadd.s32 v1, v4;
	_ =	sdelay $0x1  }
0xac9: {  	v3 =	vadd.s32 v1, v3;
	_ =	sdelay $0x1  }
0xaca: {  	s31 =	simm.s32 $0xA100  }
0xacb: {  	[tilespmem:s31], [sflag:$0x1] =	stream.indirect_vreg.gather [hbm4b:s5+s2], $0x80, v4, vm0, $0xb8;
	[tilespmem:$0x10100] =	vst v63  }
0xacc: {  	s8 =	simm.s32 $0xA900  }
0xacd: {  	[tilespmem:s8], [sflag:$0x1] =	stream.indirect_vreg.gather [hbm4b:s5+s2], $0x80, v3, vm0, $0xb8;
	[tilespmem:$0x10100] =	vst v63  }
0xace: {  	v3 =	vld [tilespmem:$0xB0];
	_ =	sdelay $0x4  }
0xacf: {  	v43 =	vshll.u32 v3, $0x1  }
0xad0: {  	v3 =	vand.u32 $0x7, v3;
	v4 =	vand.u32 $0xFFFFFFF0, v43  }
0xad1: {  	v3 =	vor.u32 v3, v4  }
0xad2: {  	v4 =	vperm.xlane v3, v0;
	_ =	sdelay $0x1  }
0xad3: {  	v3 =	vperm.xlane v3, v2;
	v4 =	vadd.s32 v1, v4;
	_ =	sdelay $0x1  }
0xad4: {  	v3 =	vadd.s32 v1, v3;
	_ =	sdelay $0x1  }
0xad5: {  	s16 =	simm.s32 $0xB100  }
0xad6: {  	[tilespmem:s16], [sflag:$0x1] =	stream.indirect_vreg.gather [hbm4b:s5+s2], $0x80, v4, vm0, $0xb8;
	[tilespmem:$0x10100] =	vst v63  }
0xad7: {  	s17 =	simm.s32 $0xB900  }
0xad8: {  	[tilespmem:s17], [sflag:$0x1] =	stream.indirect_vreg.gather [hbm4b:s5+s2], $0x80, v3, vm0, $0xb8;
	[tilespmem:$0x10100] =	vst v63  }
0xad9: {  	v3 =	vld [tilespmem:$0xC0];
	_ =	sdelay $0x4  }
0xada: {  	v44 =	vshll.u32 v3, $0x1  }
0xadb: {  	v3 =	vand.u32 $0x7, v3;
	v4 =	vand.u32 $0xFFFFFFF0, v44  }
0xadc: {  	v3 =	vor.u32 v3, v4  }
0xadd: {  	v4 =	vperm.xlane v3, v0;
	_ =	sdelay $0x1  }
0xade: {  	v3 =	vperm.xlane v3, v2;
	v4 =	vadd.s32 v1, v4;
	_ =	sdelay $0x1  }
0xadf: {  	v3 =	vadd.s32 v1, v3;
	_ =	sdelay $0x1  }
0xae0: {  	s10 =	simm.s32 $0xC100  }
0xae1: {  	[tilespmem:s10], [sflag:$0x1] =	stream.indirect_vreg.gather [hbm4b:s5+s2], $0x80, v4, vm0, $0xb8;
	[tilespmem:$0x10100] =	vst v63  }
0xae2: {  	s28 =	simm.s32 $0xC900  }
0xae3: {  	[tilespmem:s28], [sflag:$0x1] =	stream.indirect_vreg.gather [hbm4b:s5+s2], $0x80, v3, vm0, $0xb8;
	[tilespmem:$0x10100] =	vst v63  }
0xae4: {  	v3 =	vld [tilespmem:$0xD0];
	_ =	sdelay $0x4  }
0xae5: {  	v45 =	vshll.u32 v3, $0x1  }
0xae6: {  	v3 =	vand.u32 $0x7, v3;
	v4 =	vand.u32 $0xFFFFFFF0, v45  }
0xae7: {  	v3 =	vor.u32 v3, v4  }
0xae8: {  	v4 =	vperm.xlane v3, v0;
	_ =	sdelay $0x1  }
0xae9: {  	v3 =	vperm.xlane v3, v2;
	v4 =	vadd.s32 v1, v4;
	_ =	sdelay $0x1  }
0xaea: {  	v3 =	vadd.s32 v1, v3;
	_ =	sdelay $0x1  }
0xaeb: {  	s11 =	simm.s32 $0xD100  }
0xaec: {  	[tilespmem:s11], [sflag:$0x1] =	stream.indirect_vreg.gather [hbm4b:s5+s2], $0x80, v4, vm0, $0xb8;
	[tilespmem:$0x10100] =	vst v63  }
0xaed: {  	s19 =	simm.s32 $0xD900  }
0xaee: {  	[tilespmem:s19], [sflag:$0x1] =	stream.indirect_vreg.gather [hbm4b:s5+s2], $0x80, v3, vm0, $0xb8;
	[tilespmem:$0x10100] =	vst v63  }
0xaef: {  	v3 =	vld [tilespmem:$0xE0];
	_ =	sdelay $0x4  }
0xaf0: {  	v46 =	vshll.u32 v3, $0x1  }
0xaf1: {  	v3 =	vand.u32 $0x7, v3;
	v4 =	vand.u32 $0xFFFFFFF0, v46  }
0xaf2: {  	v3 =	vor.u32 v3, v4  }
0xaf3: {  	v4 =	vperm.xlane v3, v0;
	_ =	sdelay $0x1  }
0xaf4: {  	v3 =	vperm.xlane v3, v2;
	v4 =	vadd.s32 v1, v4;
	_ =	sdelay $0x1  }
0xaf5: {  	v3 =	vadd.s32 v1, v3;
	_ =	sdelay $0x1  }
0xaf6: {  	s12 =	simm.s32 $0xE100  }
0xaf7: {  	[tilespmem:s12], [sflag:$0x1] =	stream.indirect_vreg.gather [hbm4b:s5+s2], $0x80, v4, vm0, $0xb8;
	[tilespmem:$0x10100] =	vst v63  }
0xaf8: {  	s0 =	simm.s32 $0xE900  }
0xaf9: {  	[tilespmem:s0], [sflag:$0x1] =	stream.indirect_vreg.gather [hbm4b:s5+s2], $0x80, v3, vm0, $0xb8;
	[tilespmem:$0x10100] =	vst v63  }
0xafa: {  	v3 =	vld [tilespmem:$0xF0];
	_ =	sdelay $0x4  }
0xafb: {  	v47 =	vshll.u32 v3, $0x1  }
0xafc: {  	v3 =	vand.u32 $0x7, v3;
	v4 =	vand.u32 $0xFFFFFFF0, v47  }
0xafd: {  	v3 =	vor.u32 v3, v4  }
0xafe: {  	v4 =	vperm.xlane v3, v0;
	_ =	sdelay $0x1  }
0xaff: {  	v3 =	vperm.xlane v3, v2;
	v4 =	vadd.s32 v1, v4;
	_ =	sdelay $0x1  }
0xb00: {  	v3 =	vadd.s32 v1, v3;
	_ =	sdelay $0x1  }
0xb01: {  	s13 =	simm.s32 $0xF100  }
0xb02: {  	[tilespmem:s13], [sflag:$0x1] =	stream.indirect_vreg.gather [hbm4b:s5+s2], $0x80, v4, vm0, $0xb8;
	[tilespmem:$0x10100] =	vst v63  }
0xb03: {  	s16 =	simm.s32 $0xF900  }
0xb04: {  	[tilespmem:s16], [sflag:$0x1] =	stream.indirect_vreg.gather [hbm4b:s5+s2], $0x80, v3, vm0, $0xb8;
	[tilespmem:$0x10100] =	vst v63  }
0xb05: {  	_ =	swait.ge [sflag:s15], $0x10000  }
0xb06: {  	[sflag:s15] =	ssyncset.done $0x0  }
0xb07: {  	s0 =	rddreg [dreg:$0x1d];
	[sflag:s15] =	ssyncadd.s32 $0xFFFF0000  }
0xb08: {  	[hbm4b:s0+s2] =	stream.linear.scatter [tilespmem:s26], [sflag:$0x2], $0x10000, $0x38;
	[tilespmem:$0x10100] =	vst v63  }
0xb09: {  	_ =	swait.ge [sflag:s9], $0x10000  }
0xb0a: {  	s14 =	simm.s32 $0x400;
	[sflag:s9] =	ssyncset.done $0x0  }
0xb0b: {  	s0 =	simm.s32 $0x80;
	s16 =	rddreg [dreg:$0x1e];
	[sflag:s9] =	ssyncadd.s32 $0xFFFF0000  }
0xb0c: {  	[tilespmem:s2], [sflag:$0x2] =	stream.strided.gather [hbm4b:s16+s0], $0x100, s14, s0, $0x38;
	[tilespmem:$0x10100] =	vst v63  }
0xb0d: {  	_ =	swait.ge [sflag:s9], $0x100  }
0xb0e: {  	[sflag:s9] =	ssyncset.done $0x0  }
0xb0f: {  	[sflag:s9] =	ssyncadd.s32 $0xFFFFFF00  }
0xb10: {  	v3 =	vld [tilespmem:$0x0];
	_ =	sdelay $0x4  }
0xb11: {  	v48 =	vshll.u32 v3, $0x1  }
0xb12: {  	v3 =	vand.u32 $0x7, v3;
	v4 =	vand.u32 $0xFFFFFFF0, v48  }
0xb13: {  	v3 =	vor.u32 v3, v4  }
0xb14: {  	v4 =	vperm.xlane v3, v0;
	_ =	sdelay $0x1  }
0xb15: {  	v3 =	vperm.xlane v3, v2;
	v4 =	vadd.s32 v1, v4;
	_ =	sdelay $0x1  }
0xb16: {  	v3 =	vadd.s32 v1, v3;
	_ =	sdelay $0x2  }
0xb17: {  	[tilespmem:s26], [sflag:$0x1] =	stream.indirect_vreg.gather [hbm4b:s5+s2], $0x80, v4, vm0, $0xb8;
	[tilespmem:$0x10100] =	vst v63  }
0xb18: {  	s14 =	simm.s32 $0x900  }
0xb19: {  	[tilespmem:s14], [sflag:$0x1] =	stream.indirect_vreg.gather [hbm4b:s5+s2], $0x80, v3, vm0, $0xb8;
	[tilespmem:$0x10100] =	vst v63  }
0xb1a: {  	v3 =	vld [tilespmem:$0x10];
	_ =	sdelay $0x4  }
0xb1b: {  	v49 =	vshll.u32 v3, $0x1  }
0xb1c: {  	v3 =	vand.u32 $0x7, v3;
	v4 =	vand.u32 $0xFFFFFFF0, v49  }
0xb1d: {  	v3 =	vor.u32 v3, v4  }
0xb1e: {  	v4 =	vperm.xlane v3, v0;
	_ =	sdelay $0x1  }
0xb1f: {  	v3 =	vperm.xlane v3, v2;
	v4 =	vadd.s32 v1, v4;
	_ =	sdelay $0x1  }
0xb20: {  	v3 =	vadd.s32 v1, v3;
	_ =	sdelay $0x1  }
0xb21: {  	s16 =	simm.s32 $0x1100  }
0xb22: {  	[tilespmem:s16], [sflag:$0x1] =	stream.indirect_vreg.gather [hbm4b:s5+s2], $0x80, v4, vm0, $0xb8;
	[tilespmem:$0x10100] =	vst v63  }
0xb23: {  	s20 =	simm.s32 $0x1900  }
0xb24: {  	[tilespmem:s20], [sflag:$0x1] =	stream.indirect_vreg.gather [hbm4b:s5+s2], $0x80, v3, vm0, $0xb8;
	[tilespmem:$0x10100] =	vst v63  }
0xb25: {  	v3 =	vld [tilespmem:$0x20];
	_ =	sdelay $0x4  }
0xb26: {  	v50 =	vshll.u32 v3, $0x1  }
0xb27: {  	v3 =	vand.u32 $0x7, v3;
	v4 =	vand.u32 $0xFFFFFFF0, v50  }
0xb28: {  	v3 =	vor.u32 v3, v4  }
0xb29: {  	v4 =	vperm.xlane v3, v0;
	_ =	sdelay $0x1  }
0xb2a: {  	v3 =	vperm.xlane v3, v2;
	v4 =	vadd.s32 v1, v4;
	_ =	sdelay $0x1  }
0xb2b: {  	v3 =	vadd.s32 v1, v3;
	_ =	sdelay $0x1  }
0xb2c: {  	s14 =	simm.s32 $0x2100  }
0xb2d: {  	[tilespmem:s14], [sflag:$0x1] =	stream.indirect_vreg.gather [hbm4b:s5+s2], $0x80, v4, vm0, $0xb8;
	[tilespmem:$0x10100] =	vst v63  }
0xb2e: {  	s24 =	simm.s32 $0x2900  }
0xb2f: {  	[tilespmem:s24], [sflag:$0x1] =	stream.indirect_vreg.gather [hbm4b:s5+s2], $0x80, v3, vm0, $0xb8;
	[tilespmem:$0x10100] =	vst v63  }
0xb30: {  	v3 =	vld [tilespmem:$0x30];
	_ =	sdelay $0x4  }
0xb31: {  	v51 =	vshll.u32 v3, $0x1  }
0xb32: {  	v3 =	vand.u32 $0x7, v3;
	v4 =	vand.u32 $0xFFFFFFF0, v51  }
0xb33: {  	v3 =	vor.u32 v3, v4  }
0xb34: {  	v4 =	vperm.xlane v3, v0;
	_ =	sdelay $0x1  }
0xb35: {  	v3 =	vperm.xlane v3, v2;
	v4 =	vadd.s32 v1, v4;
	_ =	sdelay $0x1  }
0xb36: {  	v3 =	vadd.s32 v1, v3;
	_ =	sdelay $0x1  }
0xb37: {  	s16 =	simm.s32 $0x3100  }
0xb38: {  	[tilespmem:s16], [sflag:$0x1] =	stream.indirect_vreg.gather [hbm4b:s5+s2], $0x80, v4, vm0, $0xb8;
	[tilespmem:$0x10100] =	vst v63  }
0xb39: {  	s20 =	simm.s32 $0x3900  }
0xb3a: {  	[tilespmem:s20], [sflag:$0x1] =	stream.indirect_vreg.gather [hbm4b:s5+s2], $0x80, v3, vm0, $0xb8;
	[tilespmem:$0x10100] =	vst v63  }
0xb3b: {  	v3 =	vld [tilespmem:$0x40];
	_ =	sdelay $0x4  }
0xb3c: {  	v52 =	vshll.u32 v3, $0x1  }
0xb3d: {  	v3 =	vand.u32 $0x7, v3;
	v4 =	vand.u32 $0xFFFFFFF0, v52  }
0xb3e: {  	v3 =	vor.u32 v3, v4  }
0xb3f: {  	v4 =	vperm.xlane v3, v0;
	_ =	sdelay $0x1  }
0xb40: {  	v3 =	vperm.xlane v3, v2;
	v4 =	vadd.s32 v1, v4;
	_ =	sdelay $0x1  }
0xb41: {  	v3 =	vadd.s32 v1, v3;
	_ =	sdelay $0x1  }
0xb42: {  	s21 =	simm.s32 $0x4100  }
0xb43: {  	[tilespmem:s21], [sflag:$0x1] =	stream.indirect_vreg.gather [hbm4b:s5+s2], $0x80, v4, vm0, $0xb8;
	[tilespmem:$0x10100] =	vst v63  }
0xb44: {  	s23 =	simm.s32 $0x4900  }
0xb45: {  	[tilespmem:s23], [sflag:$0x1] =	stream.indirect_vreg.gather [hbm4b:s5+s2], $0x80, v3, vm0, $0xb8;
	[tilespmem:$0x10100] =	vst v63  }
0xb46: {  	v3 =	vld [tilespmem:$0x50];
	_ =	sdelay $0x4  }
0xb47: {  	v53 =	vshll.u32 v3, $0x1  }
0xb48: {  	v3 =	vand.u32 $0x7, v3;
	v4 =	vand.u32 $0xFFFFFFF0, v53  }
0xb49: {  	v3 =	vor.u32 v3, v4  }
0xb4a: {  	v4 =	vperm.xlane v3, v0;
	_ =	sdelay $0x1  }
0xb4b: {  	v3 =	vperm.xlane v3, v2;
	v4 =	vadd.s32 v1, v4;
	_ =	sdelay $0x1  }
0xb4c: {  	v3 =	vadd.s32 v1, v3;
	_ =	sdelay $0x1  }
0xb4d: {  	s22 =	simm.s32 $0x5100  }
0xb4e: {  	[tilespmem:s22], [sflag:$0x1] =	stream.indirect_vreg.gather [hbm4b:s5+s2], $0x80, v4, vm0, $0xb8;
	[tilespmem:$0x10100] =	vst v63  }
0xb4f: {  	s18 =	simm.s32 $0x5900  }
0xb50: {  	[tilespmem:s18], [sflag:$0x1] =	stream.indirect_vreg.gather [hbm4b:s5+s2], $0x80, v3, vm0, $0xb8;
	[tilespmem:$0x10100] =	vst v63  }
0xb51: {  	v3 =	vld [tilespmem:$0x60];
	_ =	sdelay $0x4  }
0xb52: {  	v54 =	vshll.u32 v3, $0x1  }
0xb53: {  	v3 =	vand.u32 $0x7, v3;
	v4 =	vand.u32 $0xFFFFFFF0, v54  }
0xb54: {  	v3 =	vor.u32 v3, v4  }
0xb55: {  	v4 =	vperm.xlane v3, v0;
	_ =	sdelay $0x1  }
0xb56: {  	v3 =	vperm.xlane v3, v2;
	v4 =	vadd.s32 v1, v4;
	_ =	sdelay $0x1  }
0xb57: {  	v3 =	vadd.s32 v1, v3;
	_ =	sdelay $0x1  }
0xb58: {  	s25 =	simm.s32 $0x6100  }
0xb59: {  	[tilespmem:s25], [sflag:$0x1] =	stream.indirect_vreg.gather [hbm4b:s5+s2], $0x80, v4, vm0, $0xb8;
	[tilespmem:$0x10100] =	vst v63  }
0xb5a: {  	s7 =	simm.s32 $0x6900  }
0xb5b: {  	[tilespmem:s7], [sflag:$0x1] =	stream.indirect_vreg.gather [hbm4b:s5+s2], $0x80, v3, vm0, $0xb8;
	[tilespmem:$0x10100] =	vst v63  }
0xb5c: {  	v3 =	vld [tilespmem:$0x70];
	_ =	sdelay $0x4  }
0xb5d: {  	v55 =	vshll.u32 v3, $0x1  }
0xb5e: {  	v3 =	vand.u32 $0x7, v3;
	v4 =	vand.u32 $0xFFFFFFF0, v55  }
0xb5f: {  	v3 =	vor.u32 v3, v4  }
0xb60: {  	v4 =	vperm.xlane v3, v0;
	_ =	sdelay $0x1  }
0xb61: {  	v3 =	vperm.xlane v3, v2;
	v4 =	vadd.s32 v1, v4;
	_ =	sdelay $0x1  }
0xb62: {  	v3 =	vadd.s32 v1, v3;
	_ =	sdelay $0x1  }
0xb63: {  	s29 =	simm.s32 $0x7100  }
0xb64: {  	[tilespmem:s29], [sflag:$0x1] =	stream.indirect_vreg.gather [hbm4b:s5+s2], $0x80, v4, vm0, $0xb8;
	[tilespmem:$0x10100] =	vst v63  }
0xb65: {  	s3 =	simm.s32 $0x7900  }
0xb66: {  	[tilespmem:s3], [sflag:$0x1] =	stream.indirect_vreg.gather [hbm4b:s5+s2], $0x80, v3, vm0, $0xb8;
	[tilespmem:$0x10100] =	vst v63  }
0xb67: {  	v3 =	vld [tilespmem:$0x80];
	_ =	sdelay $0x4  }
0xb68: {  	v56 =	vshll.u32 v3, $0x1  }
0xb69: {  	v3 =	vand.u32 $0x7, v3;
	v4 =	vand.u32 $0xFFFFFFF0, v56  }
0xb6a: {  	v3 =	vor.u32 v3, v4  }
0xb6b: {  	v4 =	vperm.xlane v3, v0;
	_ =	sdelay $0x1  }
0xb6c: {  	v3 =	vperm.xlane v3, v2;
	v4 =	vadd.s32 v1, v4;
	_ =	sdelay $0x1  }
0xb6d: {  	v3 =	vadd.s32 v1, v3;
	_ =	sdelay $0x1  }
0xb6e: {  	s24 =	simm.s32 $0x8100  }
0xb6f: {  	[tilespmem:s24], [sflag:$0x1] =	stream.indirect_vreg.gather [hbm4b:s5+s2], $0x80, v4, vm0, $0xb8;
	[tilespmem:$0x10100] =	vst v63  }
0xb70: {  	s1 =	simm.s32 $0x8900  }
0xb71: {  	[tilespmem:s1], [sflag:$0x1] =	stream.indirect_vreg.gather [hbm4b:s5+s2], $0x80, v3, vm0, $0xb8;
	[tilespmem:$0x10100] =	vst v63  }
0xb72: {  	v3 =	vld [tilespmem:$0x90];
	_ =	sdelay $0x4  }
0xb73: {  	v57 =	vshll.u32 v3, $0x1  }
0xb74: {  	v3 =	vand.u32 $0x7, v3;
	v4 =	vand.u32 $0xFFFFFFF0, v57  }
0xb75: {  	v3 =	vor.u32 v3, v4  }
0xb76: {  	v4 =	vperm.xlane v3, v0;
	_ =	sdelay $0x1  }
0xb77: {  	v3 =	vperm.xlane v3, v2;
	v4 =	vadd.s32 v1, v4;
	_ =	sdelay $0x1  }
0xb78: {  	v3 =	vadd.s32 v1, v3;
	_ =	sdelay $0x1  }
0xb79: {  	s30 =	simm.s32 $0x9100  }
0xb7a: {  	[tilespmem:s30], [sflag:$0x1] =	stream.indirect_vreg.gather [hbm4b:s5+s2], $0x80, v4, vm0, $0xb8;
	[tilespmem:$0x10100] =	vst v63  }
0xb7b: {  	s4 =	simm.s32 $0x9900  }
0xb7c: {  	[tilespmem:s4], [sflag:$0x1] =	stream.indirect_vreg.gather [hbm4b:s5+s2], $0x80, v3, vm0, $0xb8;
	[tilespmem:$0x10100] =	vst v63  }
0xb7d: {  	v3 =	vld [tilespmem:$0xA0];
	_ =	sdelay $0x4  }
0xb7e: {  	v58 =	vshll.u32 v3, $0x1  }
0xb7f: {  	v3 =	vand.u32 $0x7, v3;
	v4 =	vand.u32 $0xFFFFFFF0, v58  }
0xb80: {  	v3 =	vor.u32 v3, v4  }
0xb81: {  	v4 =	vperm.xlane v3, v0;
	_ =	sdelay $0x1  }
0xb82: {  	v3 =	vperm.xlane v3, v2;
	v4 =	vadd.s32 v1, v4;
	_ =	sdelay $0x1  }
0xb83: {  	v3 =	vadd.s32 v1, v3;
	_ =	sdelay $0x1  }
0xb84: {  	s31 =	simm.s32 $0xA100  }
0xb85: {  	[tilespmem:s31], [sflag:$0x1] =	stream.indirect_vreg.gather [hbm4b:s5+s2], $0x80, v4, vm0, $0xb8;
	[tilespmem:$0x10100] =	vst v63  }
0xb86: {  	s6 =	simm.s32 $0xA900  }
0xb87: {  	[tilespmem:s6], [sflag:$0x1] =	stream.indirect_vreg.gather [hbm4b:s5+s2], $0x80, v3, vm0, $0xb8;
	[tilespmem:$0x10100] =	vst v63  }
0xb88: {  	v3 =	vld [tilespmem:$0xB0];
	_ =	sdelay $0x4  }
0xb89: {  	v59 =	vshll.u32 v3, $0x1  }
0xb8a: {  	v3 =	vand.u32 $0x7, v3;
	v4 =	vand.u32 $0xFFFFFFF0, v59  }
0xb8b: {  	v3 =	vor.u32 v3, v4  }
0xb8c: {  	v4 =	vperm.xlane v3, v0;
	_ =	sdelay $0x1  }
0xb8d: {  	v3 =	vperm.xlane v3, v2;
	v4 =	vadd.s32 v1, v4;
	_ =	sdelay $0x1  }
0xb8e: {  	v3 =	vadd.s32 v1, v3;
	_ =	sdelay $0x1  }
0xb8f: {  	s25 =	simm.s32 $0xB100  }
0xb90: {  	[tilespmem:s25], [sflag:$0x1] =	stream.indirect_vreg.gather [hbm4b:s5+s2], $0x80, v4, vm0, $0xb8;
	[tilespmem:$0x10100] =	vst v63  }
0xb91: {  	s29 =	simm.s32 $0xB900  }
0xb92: {  	[tilespmem:s29], [sflag:$0x1] =	stream.indirect_vreg.gather [hbm4b:s5+s2], $0x80, v3, vm0, $0xb8;
	[tilespmem:$0x10100] =	vst v63  }
0xb93: {  	v3 =	vld [tilespmem:$0xC0];
	_ =	sdelay $0x4  }
0xb94: {  	v60 =	vshll.u32 v3, $0x1  }
0xb95: {  	v3 =	vand.u32 $0x7, v3;
	v4 =	vand.u32 $0xFFFFFFF0, v60  }
0xb96: {  	v3 =	vor.u32 v3, v4  }
0xb97: {  	v4 =	vperm.xlane v3, v0;
	_ =	sdelay $0x1  }
0xb98: {  	v3 =	vperm.xlane v3, v2;
	v4 =	vadd.s32 v1, v4;
	_ =	sdelay $0x1  }
0xb99: {  	v3 =	vadd.s32 v1, v3;
	_ =	sdelay $0x1  }
0xb9a: {  	s8 =	simm.s32 $0xC100  }
0xb9b: {  	[tilespmem:s8], [sflag:$0x1] =	stream.indirect_vreg.gather [hbm4b:s5+s2], $0x80, v4, vm0, $0xb8;
	[tilespmem:$0x10100] =	vst v63  }
0xb9c: {  	s28 =	simm.s32 $0xC900  }
0xb9d: {  	[tilespmem:s28], [sflag:$0x1] =	stream.indirect_vreg.gather [hbm4b:s5+s2], $0x80, v3, vm0, $0xb8;
	[tilespmem:$0x10100] =	vst v63  }
0xb9e: {  	v3 =	vld [tilespmem:$0xD0];
	_ =	sdelay $0x4  }
0xb9f: {  	v61 =	vshll.u32 v3, $0x1  }
0xba0: {  	v3 =	vand.u32 $0x7, v3;
	v4 =	vand.u32 $0xFFFFFFF0, v61  }
0xba1: {  	v3 =	vor.u32 v3, v4  }
0xba2: {  	v4 =	vperm.xlane v3, v0;
	_ =	sdelay $0x1  }
0xba3: {  	v3 =	vperm.xlane v3, v2;
	v4 =	vadd.s32 v1, v4;
	_ =	sdelay $0x1  }
0xba4: {  	v3 =	vadd.s32 v1, v3;
	_ =	sdelay $0x1  }
0xba5: {  	s10 =	simm.s32 $0xD100  }
0xba6: {  	[tilespmem:s10], [sflag:$0x1] =	stream.indirect_vreg.gather [hbm4b:s5+s2], $0x80, v4, vm0, $0xb8;
	[tilespmem:$0x10100] =	vst v63  }
0xba7: {  	s17 =	simm.s32 $0xD900  }
0xba8: {  	[tilespmem:s17], [sflag:$0x1] =	stream.indirect_vreg.gather [hbm4b:s5+s2], $0x80, v3, vm0, $0xb8;
	[tilespmem:$0x10100] =	vst v63  }
0xba9: {  	v3 =	vld [tilespmem:$0xE0];
	_ =	sdelay $0x4  }
0xbaa: {  	v62 =	vshll.u32 v3, $0x1  }
0xbab: {  	v3 =	vand.u32 $0x7, v3;
	v4 =	vand.u32 $0xFFFFFFF0, v62  }
0xbac: {  	v3 =	vor.u32 v3, v4  }
0xbad: {  	v4 =	vperm.xlane v3, v0;
	_ =	sdelay $0x1  }
0xbae: {  	v3 =	vperm.xlane v3, v2;
	v4 =	vadd.s32 v1, v4;
	_ =	sdelay $0x1  }
0xbaf: {  	v3 =	vadd.s32 v1, v3;
	_ =	sdelay $0x1  }
0xbb0: {  	s11 =	simm.s32 $0xE100  }
0xbb1: {  	[tilespmem:s11], [sflag:$0x1] =	stream.indirect_vreg.gather [hbm4b:s5+s2], $0x80, v4, vm0, $0xb8;
	[tilespmem:$0x10100] =	vst v63  }
0xbb2: {  	s19 =	simm.s32 $0xE900  }
0xbb3: {  	[tilespmem:s19], [sflag:$0x1] =	stream.indirect_vreg.gather [hbm4b:s5+s2], $0x80, v3, vm0, $0xb8;
	[tilespmem:$0x10100] =	vst v63  }
0xbb4: {  	v3 =	vld [tilespmem:$0xF0];
	_ =	sdelay $0x4  }
0xbb5: {  	v63 =	vshll.u32 v3, $0x1  }
0xbb6: {  	v3 =	vand.u32 $0x7, v3;
	v4 =	vand.u32 $0xFFFFFFF0, v63  }
0xbb7: {  	v3 =	vor.u32 v3, v4  }
0xbb8: {  	v4 =	vperm.xlane v3, v0;
	_ =	sdelay $0x1  }
0xbb9: {  	v3 =	vperm.xlane v3, v2;
	v4 =	vadd.s32 v1, v4;
	_ =	sdelay $0x1  }
0xbba: {  	v3 =	vadd.s32 v1, v3;
	_ =	sdelay $0x1  }
0xbbb: {  	s12 =	simm.s32 $0xF100  }
0xbbc: {  	[tilespmem:s12], [sflag:$0x1] =	stream.indirect_vreg.gather [hbm4b:s5+s2], $0x80, v4, vm0, $0xb8;
	[tilespmem:$0x10100] =	vst v63  }
0xbbd: {  	s13 =	simm.s32 $0xF900  }
0xbbe: {  	[tilespmem:s13], [sflag:$0x1] =	stream.indirect_vreg.gather [hbm4b:s5+s2], $0x80, v3, vm0, $0xb8;
	[tilespmem:$0x10100] =	vst v63  }
0xbbf: {  	_ =	swait.ge [sflag:s15], $0x10000  }
0xbc0: {  	s31 =	sld [smem:$0x7FB];
	_ =	sdelay $0x2  }
0xbc1: {  	[sflag:s15] =	ssyncset.done $0x0;
	p0 =	sne.s32 s31, $0x1  }
.Ltmp0:
0xbc2: {  	s30 =	rddreg [dreg:$0x1f];
	[sflag:s15] =	ssyncadd.s32 $0xFFFF0000;
	(pc) =	sbr.rel @p0 .LBB2_1-.Ltmp0, $4  }
0xbc3: {  	[hbm4b:s30+s2] =	stream.linear.scatter [tilespmem:s26], [sflag:$0x2], $0x10000, $0x38;
	[tilespmem:$0x10100] =	vst v63  }
0xbc4: {  	_ =	swait.ge [sflag:s9], $0x10000  }
0xbc5: {  	[sflag:s9] =	ssyncset.done $0x0  }
0xbc6: {  	s16 =	sadd.s32 $0xFFFFFFFF, s31;
	[sflag:s9] =	ssyncadd.s32 $0xFFFF0000  }
0xbc7: {  	_ =	sfence.sel $0x180000  }
0xbc8: {  	[bflag:$0x0] =	sbarrier.arrive $0xFFFF  }
0xbc9: {  	_ =	strace $0x90000047  }
0xbca: {  	s0 =	stileid.u32;
	[bflag:$0x2] =	sbarrier.arrive $0xFFFF  }
0xbcb: {  	p0 =	sne.s32 s0, $0x0;
	s0 =	rddreg [dreg:$0x1]  }
0xbcc: {  	s0 =	sadd.s32 @!p0 $0x100000, s0  }
0xbcd: {  	[sflag:s0] =	ssyncadd.tile.s32 @!p0 $0x1;
	_ =	shalt  }
.Lfunc_end2:
_tile_overlayer_lowered:
.L_overlay_start_2:
0xbce: {  	(tag) =	ssettag $0x2  }
0xbcf: {  	s0 =	rddreg [dreg:$0x0];
	s2 =	stileid.u32  }
0xbd0: {  	s1 =	rddreg [dreg:$0x1];
	p0 =	sne.s32 s2, $0x0  }
0xbd1: {  	s3 =	rddreg [dreg:$0x2];
	[bflag:$0x3] =	sbarrier.arrive $0xFFFF;
	s2 =	simm.s32 @!p0 $0x1C02  }
0xbd2: {  	[timem:s3], [sflag:s2] =	dma.local @!p0 [hbm:s0], s1  }
0xbd3: {  	s0 =	simm.s32 @!p0 $0x2  }
0xbd4: {  	_ =	swait.ge @!p0 [sflag:s0], s1  }
0xbd5: {  	s1 =	ssub.s32 @!p0 $0x0, s1;
	[sflag:s0] =	ssyncset.done @!p0 $0x0  }
0xbd6: {  	[sflag:s0] =	ssyncadd.s32 @!p0 s1  }
0xbd7: {  	[bflag:$0x3] =	sbarrier.arrive $0xFFFF  }
0xbd8: {  	_ =	shalt  }

</sc_bundles>
